<compile_context>
chip_gen: v7x
topology: tpu7x:2x2x1
jax: 0.10.2.dev20260603
libtpu: 0.0.44.dev20260713+nightly
codegen_flags: <defaults>
</compile_context>

<pallas_src>
import functools

import jax
import jax.numpy as jnp
from jax import lax
from jax.experimental import pallas as pl
from jax.experimental.pallas import tpu as pltpu
from jax.experimental.pallas import tpu_sc as plsc

_EPSV = 1e-5
_G = 256
_C = 125
_NC = 2
_NS = 16
_RB = 1000



def _make_deg(N, E):
  nw = _NC * _NS
  nch = E // (nw * _C)
  rpt = 1000
  nio = N // rpt
  mesh = plsc.VectorSubcoreMesh(core_axis_name="c", subcore_axis_name="s")

  @functools.partial(
      pl.kernel, mesh=mesh,
      out_type=jax.ShapeDtypeStruct((_NC, N, 8), jnp.float32),
      scratch_types=[
          pltpu.VMEM((nch, _C), jnp.int32),
          pltpu.VMEM((_C, 8), jnp.float32),
          pltpu.VMEM_SHARED((N, 8), jnp.float32),
      ],
      compiler_params=pltpu.CompilerParams(use_tc_tiling_on_sc=False),
  )
  def k(dst_hbm, ones_hbm, zero_hbm, out_hbm, dstv, ones_v, acc):
    cid = lax.axis_index("c")
    sid = lax.axis_index("s")
    wid = cid * _NS + sid

    @pl.when((cid == 0) & (sid < nio))
    def _():
      pltpu.sync_copy(ones_hbm.at[pl.ds(sid * rpt, rpt)],
                      acc.at[pl.ds(sid * rpt, rpt)])

    @pl.when((cid == 1) & (sid < nio))
    def _():
      pltpu.sync_copy(zero_hbm.at[pl.ds(sid * rpt, rpt)],
                      acc.at[pl.ds(sid * rpt, rpt)])

    pltpu.sync_copy(dst_hbm.at[wid], dstv)
    pltpu.sync_copy(ones_hbm.at[pl.ds(0, _C)], ones_v)
    plsc.subcore_barrier()

    def body(ci, carry):
      pltpu.sync_copy(ones_v, acc.at[dstv.at[ci]], add=True)
      return carry

    lax.fori_loop(0, nch, body, 0, unroll=False)
    plsc.subcore_barrier()

    @pl.when(sid < nio)
    def _():
      pltpu.sync_copy(acc.at[pl.ds(sid * rpt, rpt)],
                      out_hbm.at[cid, pl.ds(sid * rpt, rpt)])

  return k


def _make_scatter(N, E, D):
  nw = _NC * _NS
  epw = E // nw
  nch = epw // _C
  rpt = 1000
  nio = N // rpt
  mesh = plsc.VectorSubcoreMesh(core_axis_name="c", subcore_axis_name="s")

  @functools.partial(
      pl.kernel, mesh=mesh,
      out_type=jax.ShapeDtypeStruct((_NC, N, D), jnp.float32),
      scratch_types=[
          pltpu.VMEM((2, _C), jnp.int32),
          pltpu.VMEM((nch, _C), jnp.int32),
          pltpu.VMEM((2, _C, D), jnp.float32),
          pltpu.VMEM_SHARED((N, D), jnp.float32),
          pltpu.SemaphoreType.DMA,
          pltpu.SemaphoreType.DMA,
          pltpu.SemaphoreType.DMA,
          pltpu.SemaphoreType.DMA,
      ],
  )
  def k(src_hbm, dst_hbm, hs_hbm, zero_hbm, out_hbm, srcb, dstv, rows, acc,
        g0, g1, s0, s1):
    cid = lax.axis_index("c")
    sid = lax.axis_index("s")
    wid = cid * _NS + sid
    gsem = (g0, g1)
    ssem = (s0, s1)

    @pl.when((cid == 0) & (sid < nio))
    def _():
      pltpu.sync_copy(hs_hbm.at[pl.ds(sid * rpt, rpt)],
                      acc.at[pl.ds(sid * rpt, rpt)])

    @pl.when((cid == 1) & (sid < nio))
    def _():
      pltpu.sync_copy(zero_hbm.at[pl.ds(sid * rpt, rpt)],
                      acc.at[pl.ds(sid * rpt, rpt)])

    pltpu.sync_copy(dst_hbm.at[wid], dstv)
    plsc.subcore_barrier()

    pltpu.sync_copy(src_hbm.at[wid, 0], srcb.at[0])
    pltpu.sync_copy(src_hbm.at[wid, 1], srcb.at[1])
    pltpu.async_copy(hs_hbm.at[srcb.at[0]], rows.at[0], g0)
    pltpu.async_copy(hs_hbm.at[srcb.at[1]], rows.at[1], g1)

    def body(cp, carry):
      for b in range(2):
        i = cp * 2 + b

        @pl.when(i < nch)
        def _():
          pltpu.make_async_copy(hs_hbm.at[srcb.at[b]], rows.at[b],
                                gsem[b]).wait()

          @pl.when(i + 2 < nch)
          def _():
            pltpu.async_copy(src_hbm.at[wid, i + 2], srcb.at[b], ssem[b])

          pltpu.sync_copy(rows.at[b], acc.at[dstv.at[i]], add=True)

          @pl.when(i + 2 < nch)
          def _():
            pltpu.make_async_copy(src_hbm.at[wid, i + 2], srcb.at[b],
                                  ssem[b]).wait()
            pltpu.async_copy(hs_hbm.at[srcb.at[b]], rows.at[b], gsem[b])
      return carry

    lax.fori_loop(0, (nch + 1) // 2, body, 0, unroll=False)

    plsc.subcore_barrier()

    @pl.when(sid < nio)
    def _():
      pltpu.sync_copy(acc.at[pl.ds(sid * rpt, rpt)],
                      out_hbm.at[cid, pl.ds(sid * rpt, rpt)])

  return k



def _deg8sum_body(p_ref, o_ref):
  o_ref[...] = p_ref[0] + p_ref[1]


def _deg8sum(p):
  _, n, d = p.shape
  return pl.pallas_call(
      _deg8sum_body,
      grid=(n // _RB,),
      in_specs=[pl.BlockSpec((2, _RB, d), lambda i: (0, i, 0))],
      out_specs=_row_spec(_RB, d),
      out_shape=jax.ShapeDtypeStruct((n, d), jnp.float32),
  )(p)


def _mm_body(x_ref, w_ref, deg_ref, o_ref):
  dinv = lax.rsqrt(deg_ref[...][:, 0:1])
  h = jnp.dot(x_ref[...], w_ref[...], preferred_element_type=jnp.float32)
  o_ref[...] = h * dinv


def _mm_bn_body(x_ref, w_ref, deg_ref, cs_ref, css_ref, g_ref, be_ref, o_ref,
                *, inv_n):
  m = cs_ref[...] * inv_n
  v = css_ref[...] * inv_n - m * m
  s = g_ref[...] * lax.rsqrt(v + _EPSV)
  t = be_ref[...] - m * s
  xb = x_ref[...] * s + t
  dinv = lax.rsqrt(deg_ref[...][:, 0:1])
  h = jnp.dot(xb, w_ref[...], preferred_element_type=jnp.float32)
  o_ref[...] = h * dinv


def _post_body(p_ref, deg_ref, b_ref, r_ref, cs_ref, css_ref):
  agg = p_ref[0] + p_ref[1]
  dinv = lax.rsqrt(deg_ref[...][:, 0:1])
  rr = jnp.maximum(agg * dinv + b_ref[...], 0.0)
  r_ref[...] = rr

  @pl.when(pl.program_id(0) == 0)
  def _():
    cs_ref[...] = jnp.zeros_like(cs_ref)
    css_ref[...] = jnp.zeros_like(css_ref)

  cs_ref[...] += jnp.sum(rr, axis=0, keepdims=True)
  css_ref[...] += jnp.sum(rr * rr, axis=0, keepdims=True)


def _post4_body(p_ref, deg_ref, b_ref, batch_ref, pooled_ref, cnt_ref, cs_ref,
                css_ref):
  agg = p_ref[0] + p_ref[1]
  dinv = lax.rsqrt(deg_ref[...][:, 0:1])
  rr = jnp.maximum(agg * dinv + b_ref[...], 0.0)
  bt = batch_ref[0]
  gi = lax.broadcasted_iota(jnp.int32, (_G, bt.shape[1]), 0)
  mt = (gi == bt).astype(jnp.float32)
  pp = jnp.dot(mt, rr, preferred_element_type=jnp.float32)
  cp = jnp.sum(mt, axis=1, keepdims=True)

  @pl.when(pl.program_id(0) == 0)
  def _():
    pooled_ref[...] = jnp.zeros_like(pooled_ref)
    cnt_ref[...] = jnp.zeros_like(cnt_ref)
    cs_ref[...] = jnp.zeros_like(cs_ref)
    css_ref[...] = jnp.zeros_like(css_ref)

  pooled_ref[...] += pp
  cnt_ref[...] += cp
  cs_ref[...] += jnp.sum(rr, axis=0, keepdims=True)
  css_ref[...] += jnp.sum(rr * rr, axis=0, keepdims=True)


def _head_body(pooled_ref, cnt_ref, cs_ref, css_ref, g4_ref, be4_ref,
               fw1_ref, fb1_ref, fg1_ref, fbe1_ref, fw2_ref, fb2_ref,
               fw3_ref, fb3_ref, o_ref, *, inv_n, g):
  m = cs_ref[...] * inv_n
  v = css_ref[...] * inv_n - m * m
  s = g4_ref[...] * lax.rsqrt(v + _EPSV)
  t = be4_ref[...] - m * s
  pooled = pooled_ref[...] * s + cnt_ref[...] * t
  z = jnp.dot(pooled, fw1_ref[...], preferred_element_type=jnp.float32)
  z = jnp.maximum(z + fb1_ref[...], 0.0)
  m1 = jnp.sum(z, axis=0, keepdims=True) * (1.0 / g)
  v1 = jnp.sum(z * z, axis=0, keepdims=True) * (1.0 / g) - m1 * m1
  z = (z - m1) * lax.rsqrt(v1 + _EPSV) * fg1_ref[...] + fbe1_ref[...]
  z = jnp.dot(z, fw2_ref[...], preferred_element_type=jnp.float32)
  z = jnp.maximum(z + fb2_ref[...], 0.0)
  o_ref[...] = (jnp.dot(z, fw3_ref[...], preferred_element_type=jnp.float32)
                + fb3_ref[...])


def _row_spec(rb, d):
  return pl.BlockSpec((rb, d), lambda i: (i, 0))


def _full_spec(shape):
  nd = len(shape)
  return pl.BlockSpec(shape, lambda *i: (0,) * nd)


def _mm(x, w, deg):
  n, d = x.shape
  return pl.pallas_call(
      _mm_body,
      grid=(n // _RB,),
      in_specs=[_row_spec(_RB, d), _full_spec(w.shape), _row_spec(_RB, 8)],
      out_specs=_row_spec(_RB, w.shape[1]),
      out_shape=jax.ShapeDtypeStruct((n, w.shape[1]), jnp.float32),
  )(x, w, deg)


def _mm_bn(x, w, deg, cs, css, gr, ber):
  n, d = x.shape
  return pl.pallas_call(
      functools.partial(_mm_bn_body, inv_n=1.0 / n),
      grid=(n // _RB,),
      in_specs=[_row_spec(_RB, d), _full_spec(w.shape), _row_spec(_RB, 8),
                _full_spec(cs.shape), _full_spec(css.shape),
                _full_spec(gr.shape), _full_spec(ber.shape)],
      out_specs=_row_spec(_RB, w.shape[1]),
      out_shape=jax.ShapeDtypeStruct((n, w.shape[1]), jnp.float32),
  )(x, w, deg, cs, css, gr, ber)


def _post(p, deg, br):
  _, n, d = p.shape
  return pl.pallas_call(
      _post_body,
      grid=(n // _RB,),
      in_specs=[pl.BlockSpec((2, _RB, d), lambda i: (0, i, 0)),
                _row_spec(_RB, 8), _full_spec(br.shape)],
      out_specs=[_row_spec(_RB, d), _full_spec((1, d)), _full_spec((1, d))],
      out_shape=[jax.ShapeDtypeStruct((n, d), jnp.float32),
                 jax.ShapeDtypeStruct((1, d), jnp.float32),
                 jax.ShapeDtypeStruct((1, d), jnp.float32)],
  )(p, deg, br)


def _post4(p, deg, br, batch3):
  _, n, d = p.shape
  return pl.pallas_call(
      _post4_body,
      grid=(n // _RB,),
      in_specs=[pl.BlockSpec((2, _RB, d), lambda i: (0, i, 0)),
                _row_spec(_RB, 8), _full_spec(br.shape),
                pl.BlockSpec((1, 1, _RB), lambda i: (i, 0, 0))],
      out_specs=[_full_spec((_G, d)), _full_spec((_G, 1)),
                 _full_spec((1, d)), _full_spec((1, d))],
      out_shape=[jax.ShapeDtypeStruct((_G, d), jnp.float32),
                 jax.ShapeDtypeStruct((_G, 1), jnp.float32),
                 jax.ShapeDtypeStruct((1, d), jnp.float32),
                 jax.ShapeDtypeStruct((1, d), jnp.float32)],
  )(p, deg, br, batch3)


def _head(pooled, cnt, cs, css, g4r, be4r, fw1, fb1r, fg1r, fbe1r, fw2, fb2r,
          fw3, fb3r, n_nodes):
  args = [pooled, cnt, cs, css, g4r, be4r, fw1, fb1r, fg1r, fbe1r, fw2, fb2r,
          fw3, fb3r]
  return pl.pallas_call(
      functools.partial(_head_body, inv_n=1.0 / n_nodes, g=float(_G)),
      in_specs=[_full_spec(a.shape) for a in args],
      out_specs=_full_spec((_G, 1)),
      out_shape=jax.ShapeDtypeStruct((_G, 1), jnp.float32),
  )(*args)



def kernel(x, edge_index, batch, W1, b1, g1, be1, W2, b2, g2, be2, W3, b3,
           g3, be3, W4, b4, g4, be4, fW1, fb1, fg1, fbe1, fW2, fb2, fW3, fb3):
  n, d = x.shape
  e = edge_index.shape[1]
  nw = _NC * _NS

  src = edge_index[0].reshape(nw, e // (nw * _C), _C)
  dst = edge_index[1].reshape(nw, e // (nw * _C), _C)
  zeros_nd = jnp.zeros((n, d), jnp.float32)
  ones8 = jnp.ones((n, 8), jnp.float32)
  zeros8 = jnp.zeros((n, 8), jnp.float32)
  batch3 = batch.reshape(n // _RB, 1, _RB)
  row = lambda a: a.reshape(1, -1)

  scat = _make_scatter(n, e, d)
  deg = _deg8sum(_make_deg(n, e)(dst, ones8, zeros8))

  hs = _mm(x, W1, deg)
  p = scat(src, dst, hs, zeros_nd)
  r, cs, css = _post(p, deg, row(b1))

  hs = _mm_bn(r, W2, deg, cs, css, row(g1), row(be1))
  p = scat(src, dst, hs, zeros_nd)
  r, cs, css = _post(p, deg, row(b2))

  hs = _mm_bn(r, W3, deg, cs, css, row(g2), row(be2))
  p = scat(src, dst, hs, zeros_nd)
  r, cs, css = _post(p, deg, row(b3))

  hs = _mm_bn(r, W4, deg, cs, css, row(g3), row(be3))
  p = scat(src, dst, hs, zeros_nd)
  pooled, cnt, cs, css = _post4(p, deg, row(b4), batch3)

  return _head(pooled, cnt, cs, css, row(g4), row(be4), fW1, row(fb1),
               row(fg1), row(fbe1), fW2, row(fb2), fW3, row(fb3), n)

# --- scband reference (transcript-rebuilt; emitter-appended) ---
"""Pipeline reference for scband-net-model-51084341019211 (READ-ONLY COPY).

The authoritative reference and input builder live on the scoring server;
editing this copy changes nothing except your own understanding.
"""

import jax, jax.numpy as jnp
import numpy as np

N = 10000
E = 320000
D = 128
G = 256
EPS = 1e-5


def setup_inputs(seed: int = 0) -> dict:
    key = jax.random.key(seed)
    ks = jax.random.split(key, 40)
    inp = {}
    inp['x'] = jax.random.normal(ks[0], (N, D), dtype=jnp.float32)
    inp['edge_index'] = jax.random.randint(ks[1], (2, E), 0, N, dtype=jnp.int32)
    inp['batch'] = jnp.sort(jax.random.randint(ks[2], (N,), 0, G, dtype=jnp.int32))
    dims = [(D, 128), (128, 128), (128, 128), (128, 128)]
    for i, (din, dout) in enumerate(dims, start=1):
        inp[f'W{i}'] = jax.random.normal(ks[2 + 4 * i], (din, dout), dtype=jnp.float32) * (1.0 / np.sqrt(din))
        inp[f'b{i}'] = jnp.zeros((dout,), dtype=jnp.float32)
        inp[f'g{i}'] = jnp.ones((dout,), dtype=jnp.float32)
        inp[f'be{i}'] = jnp.zeros((dout,), dtype=jnp.float32)
    inp['fW1'] = jax.random.normal(ks[30], (128, 128), dtype=jnp.float32) * (1.0 / np.sqrt(128))
    inp['fb1'] = jnp.zeros((128,), dtype=jnp.float32)
    inp['fg1'] = jnp.ones((128,), dtype=jnp.float32)
    inp['fbe1'] = jnp.zeros((128,), dtype=jnp.float32)
    inp['fW2'] = jax.random.normal(ks[31], (128, 64), dtype=jnp.float32) * (1.0 / np.sqrt(128))
    inp['fb2'] = jnp.zeros((64,), dtype=jnp.float32)
    inp['fW3'] = jax.random.normal(ks[32], (64, 1), dtype=jnp.float32) * (1.0 / np.sqrt(64))
    inp['fb3'] = jnp.zeros((1,), dtype=jnp.float32)
    return inp


def _gcn_conv(x, edge_index, W, b):
    # PyG GCNConv: add self-loops, symmetric normalization, scatter-add aggregation
    loop = jnp.arange(N, dtype=edge_index.dtype)
    src = jnp.concatenate([edge_index[0], loop])
    dst = jnp.concatenate([edge_index[1], loop])
    h = x @ W
    deg = jax.ops.segment_sum(jnp.ones_like(dst, dtype=h.dtype), dst, num_segments=N)
    dinv = jnp.where(deg > 0, 1.0 / jnp.sqrt(deg), 0.0)
    norm = dinv[src] * dinv[dst]
    msg = h[src] * norm[:, None]
    out = jax.ops.segment_sum(msg, dst, num_segments=N)
    return out + b


def _bn(x, g, b):
    # training-mode BatchNorm1d: batch statistics
    m = jnp.mean(x, axis=0)
    v = jnp.var(x, axis=0)
    return (x - m) / jnp.sqrt(v + EPS) * g + b


def reference(x, edge_index, batch, W1, b1, g1, be1, W2, b2, g2, be2, W3, b3, g3, be3, W4, b4, g4, be4, fW1, fb1, fg1, fbe1, fW2, fb2, fW3, fb3):
    h = jax.nn.relu(_gcn_conv(x, edge_index, W1, b1))
    h = _bn(h, g1, be1)
    h = jax.nn.relu(_gcn_conv(h, edge_index, W2, b2))
    h = _bn(h, g2, be2)
    h = jax.nn.relu(_gcn_conv(h, edge_index, W3, b3))
    h = _bn(h, g3, be3)
    h = jax.nn.relu(_gcn_conv(h, edge_index, W4, b4))
    h = _bn(h, g4, be4)
    pooled = jax.ops.segment_sum(h, batch, num_segments=G)  # global_add_pool
    # dropout treated as identity (deterministic reference)
    z = jax.nn.relu(pooled @ fW1 + fb1)
    z = _bn(z, fg1, fbe1)
    z = jax.nn.relu(z @ fW2 + fb2)
    z = z @ fW3 + fb3
    # original code calls F.linear(x, dim=1), which is invalid torch; treated as identity
    return z

if __name__ == "__main__":
    import jax
    _d = setup_inputs()
    print(jax.jit(kernel)(*tuple(_d.values())))

</pallas_src>

<mosaic_0001>
#map = affine_map<(d0, d1) -> (0, 0, 0)>
#map1 = affine_map<(d0, d1) -> (0, 0)>
module attributes {stable_mosaic.version = 14 : i64} {
  func.func @k(%arg0: i32, %arg1: i32, %arg2: memref<32x80x125xi32, #tpu.memory_space<hbm>>, %arg3: memref<32x80x125xi32, #tpu.memory_space<hbm>>, %arg4: memref<10000x128xf32, #tpu.memory_space<hbm>>, %arg5: memref<10000x128xf32, #tpu.memory_space<hbm>>, %arg6: memref<2x10000x128xf32, #tpu.memory_space<hbm>>, %arg7: memref<2x125xi32, #tpu.memory_space<vmem>>, %arg8: memref<80x125xi32, #tpu.memory_space<vmem>>, %arg9: memref<2x125x128xf32, #tpu.memory_space<vmem>>, %arg10: memref<10000x128xf32, #tpu.memory_space<vmem_shared>>, %arg11: memref<!tpu.dma_semaphore, #tpu.memory_space<semaphore_mem>>, %arg12: memref<!tpu.dma_semaphore, #tpu.memory_space<semaphore_mem>>, %arg13: memref<!tpu.dma_semaphore, #tpu.memory_space<semaphore_mem>>, %arg14: memref<!tpu.dma_semaphore, #tpu.memory_space<semaphore_mem>>) attributes {dimension_semantics = [#tpu.dimension_semantics<core_parallel>, #tpu.dimension_semantics<subcore_parallel>], iteration_bounds = array<i64: 2, 16>, scalar_prefetch = 0 : i64, scratch_operands = 8 : i64, tpu.core_type = #tpu.core_type<sc_vector_subcore>, window_params = [{transform_indices = #map}, {transform_indices = #map}, {transform_indices = #map1}, {transform_indices = #map1}, {transform_indices = #map}]} {
    %mul3A = arith.constant 16 : i32
    %mul3A_0 = arith.muli %arg0, %mul3A : i32
    %add3A = arith.addi %mul3A_0, %arg1 : i32
    %eq3A = arith.constant 0 : i32
    %eq3A_1 = arith.cmpi eq, %arg0, %eq3A : i32
    %lt3A = arith.constant 10 : i32
    %lt3A_2 = arith.cmpi slt, %arg1, %lt3A : i32
    %and3A = arith.andi %eq3A_1, %lt3A_2 : i1
    %convert_element_type3A = arith.extui %and3A : i1 to i32
    %cond3A = arith.constant 0 : i32
    %cond3A_3 = arith.cmpi ne, %convert_element_type3A, %cond3A : i32
    scf.if %cond3A_3 {
      %mul3A_49 = arith.constant 1000 : i32
      %mul3A_50 = arith.muli %arg1, %mul3A_49 : i32
      %mul3A_51 = arith.constant 1000 : i32
      %mul3A_52 = arith.muli %arg1, %mul3A_51 : i32
      "tpu.region"() ({
        %run_scoped3A_53 = tpu.sem_alloc : memref<!tpu.dma_semaphore, #tpu.memory_space<semaphore_mem>>
        %dma_start3A_54 = arith.constant 0 : i32
        %dma_start3A_55 = tpu.memref_slice %arg10[%mul3A_52, %dma_start3A_54] : memref<10000x128xf32, #tpu.memory_space<vmem_shared>> -> memref<1000x128xf32, #tpu.memory_space<vmem_shared>>
        %dma_start3A_56 = arith.constant 0 : i32
        %dma_start3A_57 = tpu.memref_slice %arg4[%mul3A_50, %dma_start3A_56] : memref<10000x128xf32, #tpu.memory_space<hbm>> -> memref<1000x128xf32, #tpu.memory_space<hbm>>
        tpu.enqueue_dma source(%dma_start3A_57 : memref<1000x128xf32, #tpu.memory_space<hbm>>) target(%dma_start3A_55 : memref<1000x128xf32, #tpu.memory_space<vmem_shared>>) target_semaphore(%run_scoped3A_53 : memref<!tpu.dma_semaphore, #tpu.memory_space<semaphore_mem>>)
        %dma_wait3A = arith.constant 0 : i32
        %dma_wait3A_58 = tpu.memref_slice %arg10[%mul3A_52, %dma_wait3A] : memref<10000x128xf32, #tpu.memory_space<vmem_shared>> -> memref<1000x128xf32, #tpu.memory_space<vmem_shared>>
        %dma_wait3A_59 = arith.constant 0 : i32
        %dma_wait3A_60 = tpu.memref_slice %arg4[%mul3A_50, %dma_wait3A_59] : memref<10000x128xf32, #tpu.memory_space<hbm>> -> memref<1000x128xf32, #tpu.memory_space<hbm>>
        tpu.wait_dma2 semaphore(%run_scoped3A_53 : memref<!tpu.dma_semaphore, #tpu.memory_space<semaphore_mem>>) src(%dma_wait3A_60 : memref<1000x128xf32, #tpu.memory_space<hbm>>) dst(%dma_wait3A_58 : memref<1000x128xf32, #tpu.memory_space<vmem_shared>>)
        tpu.yield
      }) : () -> ()
    } else {
    }
    %eq3A_4 = arith.constant 1 : i32
    %eq3A_5 = arith.cmpi eq, %arg0, %eq3A_4 : i32
    %lt3A_6 = arith.constant 10 : i32
    %lt3A_7 = arith.cmpi slt, %arg1, %lt3A_6 : i32
    %and3A_8 = arith.andi %eq3A_5, %lt3A_7 : i1
    %convert_element_type3A_9 = arith.extui %and3A_8 : i1 to i32
    %cond3A_10 = arith.constant 0 : i32
    %cond3A_11 = arith.cmpi ne, %convert_element_type3A_9, %cond3A_10 : i32
    scf.if %cond3A_11 {
      %mul3A_49 = arith.constant 1000 : i32
      %mul3A_50 = arith.muli %arg1, %mul3A_49 : i32
      %mul3A_51 = arith.constant 1000 : i32
      %mul3A_52 = arith.muli %arg1, %mul3A_51 : i32
      "tpu.region"() ({
        %run_scoped3A_53 = tpu.sem_alloc : memref<!tpu.dma_semaphore, #tpu.memory_space<semaphore_mem>>
        %dma_start3A_54 = arith.constant 0 : i32
        %dma_start3A_55 = tpu.memref_slice %arg10[%mul3A_52, %dma_start3A_54] : memref<10000x128xf32, #tpu.memory_space<vmem_shared>> -> memref<1000x128xf32, #tpu.memory_space<vmem_shared>>
        %dma_start3A_56 = arith.constant 0 : i32
        %dma_start3A_57 = tpu.memref_slice %arg5[%mul3A_50, %dma_start3A_56] : memref<10000x128xf32, #tpu.memory_space<hbm>> -> memref<1000x128xf32, #tpu.memory_space<hbm>>
        tpu.enqueue_dma source(%dma_start3A_57 : memref<1000x128xf32, #tpu.memory_space<hbm>>) target(%dma_start3A_55 : memref<1000x128xf32, #tpu.memory_space<vmem_shared>>) target_semaphore(%run_scoped3A_53 : memref<!tpu.dma_semaphore, #tpu.memory_space<semaphore_mem>>)
        %dma_wait3A = arith.constant 0 : i32
        %dma_wait3A_58 = tpu.memref_slice %arg10[%mul3A_52, %dma_wait3A] : memref<10000x128xf32, #tpu.memory_space<vmem_shared>> -> memref<1000x128xf32, #tpu.memory_space<vmem_shared>>
        %dma_wait3A_59 = arith.constant 0 : i32
        %dma_wait3A_60 = tpu.memref_slice %arg5[%mul3A_50, %dma_wait3A_59] : memref<10000x128xf32, #tpu.memory_space<hbm>> -> memref<1000x128xf32, #tpu.memory_space<hbm>>
        tpu.wait_dma2 semaphore(%run_scoped3A_53 : memref<!tpu.dma_semaphore, #tpu.memory_space<semaphore_mem>>) src(%dma_wait3A_60 : memref<1000x128xf32, #tpu.memory_space<hbm>>) dst(%dma_wait3A_58 : memref<1000x128xf32, #tpu.memory_space<vmem_shared>>)
        tpu.yield
      }) : () -> ()
    } else {
    }
    "tpu.region"() ({
      %run_scoped3A_49 = tpu.sem_alloc : memref<!tpu.dma_semaphore, #tpu.memory_space<semaphore_mem>>
      %dma_start3A_50 = arith.constant 0 : i32
      %dma_start3A_51 = arith.constant 0 : i32
      %dma_start3A_52 = tpu.memref_slice %arg3[%add3A, %dma_start3A_50, %dma_start3A_51] : memref<32x80x125xi32, #tpu.memory_space<hbm>> -> memref<1x80x125xi32, #tpu.memory_space<hbm>>
      %dma_start3A_53 = tpu.memref_squeeze %dma_start3A_52 : memref<1x80x125xi32, #tpu.memory_space<hbm>> -> memref<80x125xi32, #tpu.memory_space<hbm>>
      %dma_start3A_54 = arith.constant 0 : i32
      %dma_start3A_55 = arith.constant 0 : i32
      %dma_start3A_56 = tpu.memref_slice %arg3[%add3A, %dma_start3A_54, %dma_start3A_55] : memref<32x80x125xi32, #tpu.memory_space<hbm>> -> memref<1x80x125xi32, #tpu.memory_space<hbm>>
      %dma_start3A_57 = tpu.memref_squeeze %dma_start3A_56 : memref<1x80x125xi32, #tpu.memory_space<hbm>> -> memref<80x125xi32, #tpu.memory_space<hbm>>
      tpu.enqueue_dma source(%dma_start3A_57 : memref<80x125xi32, #tpu.memory_space<hbm>>) target(%arg8 : memref<80x125xi32, #tpu.memory_space<vmem>>) target_semaphore(%run_scoped3A_49 : memref<!tpu.dma_semaphore, #tpu.memory_space<semaphore_mem>>)
      %dma_wait3A = arith.constant 0 : i32
      %dma_wait3A_58 = arith.constant 0 : i32
      %dma_wait3A_59 = tpu.memref_slice %arg3[%add3A, %dma_wait3A, %dma_wait3A_58] : memref<32x80x125xi32, #tpu.memory_space<hbm>> -> memref<1x80x125xi32, #tpu.memory_space<hbm>>
      %dma_wait3A_60 = tpu.memref_squeeze %dma_wait3A_59 : memref<1x80x125xi32, #tpu.memory_space<hbm>> -> memref<80x125xi32, #tpu.memory_space<hbm>>
      %dma_wait3A_61 = arith.constant 0 : i32
      %dma_wait3A_62 = arith.constant 0 : i32
      %dma_wait3A_63 = tpu.memref_slice %arg3[%add3A, %dma_wait3A_61, %dma_wait3A_62] : memref<32x80x125xi32, #tpu.memory_space<hbm>> -> memref<1x80x125xi32, #tpu.memory_space<hbm>>
      %dma_wait3A_64 = tpu.memref_squeeze %dma_wait3A_63 : memref<1x80x125xi32, #tpu.memory_space<hbm>> -> memref<80x125xi32, #tpu.memory_space<hbm>>
      tpu.wait_dma2 semaphore(%run_scoped3A_49 : memref<!tpu.dma_semaphore, #tpu.memory_space<semaphore_mem>>) src(%dma_wait3A_64 : memref<80x125xi32, #tpu.memory_space<hbm>>) dst(%arg8 : memref<80x125xi32, #tpu.memory_space<vmem>>)
      tpu.yield
    }) : () -> ()
    %barrier3A = arith.constant 0 : index
    tpu.barrier barrier_id(%barrier3A)
    %run_scoped3A = arith.constant 0 : i32
    %run_scoped3A_12 = arith.constant 0 : i32
    "tpu.region"() ({
      %run_scoped3A_49 = tpu.sem_alloc : memref<!tpu.dma_semaphore, #tpu.memory_space<semaphore_mem>>
      %dma_start3A_50 = arith.constant 0 : i32
      %dma_start3A_51 = tpu.memref_slice %arg7[%run_scoped3A_12, %dma_start3A_50] : memref<2x125xi32, #tpu.memory_space<vmem>> -> memref<1x125xi32, #tpu.memory_space<vmem>>
      %dma_start3A_52 = tpu.memref_squeeze %dma_start3A_51 : memref<1x125xi32, #tpu.memory_space<vmem>> -> memref<125xi32, #tpu.memory_space<vmem>>
      %dma_start3A_53 = arith.constant 0 : i32
      %dma_start3A_54 = tpu.memref_slice %arg2[%add3A, %run_scoped3A, %dma_start3A_53] : memref<32x80x125xi32, #tpu.memory_space<hbm>> -> memref<1x1x125xi32, #tpu.memory_space<hbm>>
      %dma_start3A_55 = tpu.memref_squeeze %dma_start3A_54 : memref<1x1x125xi32, #tpu.memory_space<hbm>> -> memref<125xi32, #tpu.memory_space<hbm>>
      %dma_start3A_56 = arith.constant 0 : i32
      %dma_start3A_57 = tpu.memref_slice %arg7[%run_scoped3A_12, %dma_start3A_56] : memref<2x125xi32, #tpu.memory_space<vmem>> -> memref<1x125xi32, #tpu.memory_space<vmem>>
      %dma_start3A_58 = tpu.memref_squeeze %dma_start3A_57 : memref<1x125xi32, #tpu.memory_space<vmem>> -> memref<125xi32, #tpu.memory_space<vmem>>
      %dma_start3A_59 = arith.constant 0 : i32
      %dma_start3A_60 = tpu.memref_slice %arg2[%add3A, %run_scoped3A, %dma_start3A_59] : memref<32x80x125xi32, #tpu.memory_space<hbm>> -> memref<1x1x125xi32, #tpu.memory_space<hbm>>
      %dma_start3A_61 = tpu.memref_squeeze %dma_start3A_60 : memref<1x1x125xi32, #tpu.memory_space<hbm>> -> memref<125xi32, #tpu.memory_space<hbm>>
      tpu.enqueue_dma source(%dma_start3A_61 : memref<125xi32, #tpu.memory_space<hbm>>) target(%dma_start3A_58 : memref<125xi32, #tpu.memory_space<vmem>>) target_semaphore(%run_scoped3A_49 : memref<!tpu.dma_semaphore, #tpu.memory_space<semaphore_mem>>)
      %dma_wait3A = arith.constant 0 : i32
      %dma_wait3A_62 = tpu.memref_slice %arg7[%run_scoped3A_12, %dma_wait3A] : memref<2x125xi32, #tpu.memory_space<vmem>> -> memref<1x125xi32, #tpu.memory_space<vmem>>
      %dma_wait3A_63 = tpu.memref_squeeze %dma_wait3A_62 : memref<1x125xi32, #tpu.memory_space<vmem>> -> memref<125xi32, #tpu.memory_space<vmem>>
      %dma_wait3A_64 = arith.constant 0 : i32
      %dma_wait3A_65 = tpu.memref_slice %arg2[%add3A, %run_scoped3A, %dma_wait3A_64] : memref<32x80x125xi32, #tpu.memory_space<hbm>> -> memref<1x1x125xi32, #tpu.memory_space<hbm>>
      %dma_wait3A_66 = tpu.memref_squeeze %dma_wait3A_65 : memref<1x1x125xi32, #tpu.memory_space<hbm>> -> memref<125xi32, #tpu.memory_space<hbm>>
      %dma_wait3A_67 = arith.constant 0 : i32
      %dma_wait3A_68 = tpu.memref_slice %arg7[%run_scoped3A_12, %dma_wait3A_67] : memref<2x125xi32, #tpu.memory_space<vmem>> -> memref<1x125xi32, #tpu.memory_space<vmem>>
      %dma_wait3A_69 = tpu.memref_squeeze %dma_wait3A_68 : memref<1x125xi32, #tpu.memory_space<vmem>> -> memref<125xi32, #tpu.memory_space<vmem>>
      %dma_wait3A_70 = arith.constant 0 : i32
      %dma_wait3A_71 = tpu.memref_slice %arg2[%add3A, %run_scoped3A, %dma_wait3A_70] : memref<32x80x125xi32, #tpu.memory_space<hbm>> -> memref<1x1x125xi32, #tpu.memory_space<hbm>>
      %dma_wait3A_72 = tpu.memref_squeeze %dma_wait3A_71 : memref<1x1x125xi32, #tpu.memory_space<hbm>> -> memref<125xi32, #tpu.memory_space<hbm>>
      tpu.wait_dma2 semaphore(%run_scoped3A_49 : memref<!tpu.dma_semaphore, #tpu.memory_space<semaphore_mem>>) src(%dma_wait3A_72 : memref<125xi32, #tpu.memory_space<hbm>>) dst(%dma_wait3A_69 : memref<125xi32, #tpu.memory_space<vmem>>)
      tpu.yield
    }) : () -> ()
    %run_scoped3A_13 = arith.constant 1 : i32
    %run_scoped3A_14 = arith.constant 1 : i32
    "tpu.region"() ({
      %run_scoped3A_49 = tpu.sem_alloc : memref<!tpu.dma_semaphore, #tpu.memory_space<semaphore_mem>>
      %dma_start3A_50 = arith.constant 0 : i32
      %dma_start3A_51 = tpu.memref_slice %arg7[%run_scoped3A_14, %dma_start3A_50] : memref<2x125xi32, #tpu.memory_space<vmem>> -> memref<1x125xi32, #tpu.memory_space<vmem>>
      %dma_start3A_52 = tpu.memref_squeeze %dma_start3A_51 : memref<1x125xi32, #tpu.memory_space<vmem>> -> memref<125xi32, #tpu.memory_space<vmem>>
      %dma_start3A_53 = arith.constant 0 : i32
      %dma_start3A_54 = tpu.memref_slice %arg2[%add3A, %run_scoped3A_13, %dma_start3A_53] : memref<32x80x125xi32, #tpu.memory_space<hbm>> -> memref<1x1x125xi32, #tpu.memory_space<hbm>>
      %dma_start3A_55 = tpu.memref_squeeze %dma_start3A_54 : memref<1x1x125xi32, #tpu.memory_space<hbm>> -> memref<125xi32, #tpu.memory_space<hbm>>
      %dma_start3A_56 = arith.constant 0 : i32
      %dma_start3A_57 = tpu.memref_slice %arg7[%run_scoped3A_14, %dma_start3A_56] : memref<2x125xi32, #tpu.memory_space<vmem>> -> memref<1x125xi32, #tpu.memory_space<vmem>>
      %dma_start3A_58 = tpu.memref_squeeze %dma_start3A_57 : memref<1x125xi32, #tpu.memory_space<vmem>> -> memref<125xi32, #tpu.memory_space<vmem>>
      %dma_start3A_59 = arith.constant 0 : i32
      %dma_start3A_60 = tpu.memref_slice %arg2[%add3A, %run_scoped3A_13, %dma_start3A_59] : memref<32x80x125xi32, #tpu.memory_space<hbm>> -> memref<1x1x125xi32, #tpu.memory_space<hbm>>
      %dma_start3A_61 = tpu.memref_squeeze %dma_start3A_60 : memref<1x1x125xi32, #tpu.memory_space<hbm>> -> memref<125xi32, #tpu.memory_space<hbm>>
      tpu.enqueue_dma source(%dma_start3A_61 : memref<125xi32, #tpu.memory_space<hbm>>) target(%dma_start3A_58 : memref<125xi32, #tpu.memory_space<vmem>>) target_semaphore(%run_scoped3A_49 : memref<!tpu.dma_semaphore, #tpu.memory_space<semaphore_mem>>)
      %dma_wait3A = arith.constant 0 : i32
      %dma_wait3A_62 = tpu.memref_slice %arg7[%run_scoped3A_14, %dma_wait3A] : memref<2x125xi32, #tpu.memory_space<vmem>> -> memref<1x125xi32, #tpu.memory_space<vmem>>
      %dma_wait3A_63 = tpu.memref_squeeze %dma_wait3A_62 : memref<1x125xi32, #tpu.memory_space<vmem>> -> memref<125xi32, #tpu.memory_space<vmem>>
      %dma_wait3A_64 = arith.constant 0 : i32
      %dma_wait3A_65 = tpu.memref_slice %arg2[%add3A, %run_scoped3A_13, %dma_wait3A_64] : memref<32x80x125xi32, #tpu.memory_space<hbm>> -> memref<1x1x125xi32, #tpu.memory_space<hbm>>
      %dma_wait3A_66 = tpu.memref_squeeze %dma_wait3A_65 : memref<1x1x125xi32, #tpu.memory_space<hbm>> -> memref<125xi32, #tpu.memory_space<hbm>>
      %dma_wait3A_67 = arith.constant 0 : i32
      %dma_wait3A_68 = tpu.memref_slice %arg7[%run_scoped3A_14, %dma_wait3A_67] : memref<2x125xi32, #tpu.memory_space<vmem>> -> memref<1x125xi32, #tpu.memory_space<vmem>>
      %dma_wait3A_69 = tpu.memref_squeeze %dma_wait3A_68 : memref<1x125xi32, #tpu.memory_space<vmem>> -> memref<125xi32, #tpu.memory_space<vmem>>
      %dma_wait3A_70 = arith.constant 0 : i32
      %dma_wait3A_71 = tpu.memref_slice %arg2[%add3A, %run_scoped3A_13, %dma_wait3A_70] : memref<32x80x125xi32, #tpu.memory_space<hbm>> -> memref<1x1x125xi32, #tpu.memory_space<hbm>>
      %dma_wait3A_72 = tpu.memref_squeeze %dma_wait3A_71 : memref<1x1x125xi32, #tpu.memory_space<hbm>> -> memref<125xi32, #tpu.memory_space<hbm>>
      tpu.wait_dma2 semaphore(%run_scoped3A_49 : memref<!tpu.dma_semaphore, #tpu.memory_space<semaphore_mem>>) src(%dma_wait3A_72 : memref<125xi32, #tpu.memory_space<hbm>>) dst(%dma_wait3A_69 : memref<125xi32, #tpu.memory_space<vmem>>)
      tpu.yield
    }) : () -> ()
    %dma_start3A = arith.constant 0 : i32
    %dma_start3A_15 = arith.constant 0 : i32
    %dma_start3A_16 = arith.constant 0 : i32
    %dma_start3A_17 = arith.constant 0 : i32
    %dma_start3A_18 = tpu.memref_slice %arg9[%dma_start3A_15, %dma_start3A_16, %dma_start3A_17] : memref<2x125x128xf32, #tpu.memory_space<vmem>> -> memref<1x125x128xf32, #tpu.memory_space<vmem>>
    %dma_start3A_19 = tpu.memref_squeeze %dma_start3A_18 : memref<1x125x128xf32, #tpu.memory_space<vmem>> -> memref<125x128xf32, #tpu.memory_space<vmem>>
    %dma_start3A_20 = arith.constant 0 : i32
    %dma_start3A_21 = tpu.memref_slice %arg7[%dma_start3A, %dma_start3A_20] : memref<2x125xi32, #tpu.memory_space<vmem>> -> memref<1x125xi32, #tpu.memory_space<vmem>>
    %dma_start3A_22 = tpu.memref_squeeze %dma_start3A_21 : memref<1x125xi32, #tpu.memory_space<vmem>> -> memref<125xi32, #tpu.memory_space<vmem>>
    %dma_start3A_23 = arith.constant 0 : i32
    %dma_start3A_24 = arith.constant 0 : i32
    %dma_start3A_25 = tpu.memref_slice %arg4[%dma_start3A_23, %dma_start3A_24] : memref<10000x128xf32, #tpu.memory_space<hbm>> -> memref<10000x128xf32, #tpu.memory_space<hbm>>
    tpu.enqueue_indirect_dma source(%dma_start3A_25 : memref<10000x128xf32, #tpu.memory_space<hbm>>) target(%dma_start3A_19 : memref<125x128xf32, #tpu.memory_space<vmem>>) offsets(%dma_start3A_22 : memref<125xi32, #tpu.memory_space<vmem>>) semaphore(%arg11 : memref<!tpu.dma_semaphore, #tpu.memory_space<semaphore_mem>>)
    %dma_start3A_26 = arith.constant 1 : i32
    %dma_start3A_27 = arith.constant 1 : i32
    %dma_start3A_28 = arith.constant 0 : i32
    %dma_start3A_29 = arith.constant 0 : i32
    %dma_start3A_30 = tpu.memref_slice %arg9[%dma_start3A_27, %dma_start3A_28, %dma_start3A_29] : memref<2x125x128xf32, #tpu.memory_space<vmem>> -> memref<1x125x128xf32, #tpu.memory_space<vmem>>
    %dma_start3A_31 = tpu.memref_squeeze %dma_start3A_30 : memref<1x125x128xf32, #tpu.memory_space<vmem>> -> memref<125x128xf32, #tpu.memory_space<vmem>>
    %dma_start3A_32 = arith.constant 0 : i32
    %dma_start3A_33 = tpu.memref_slice %arg7[%dma_start3A_26, %dma_start3A_32] : memref<2x125xi32, #tpu.memory_space<vmem>> -> memref<1x125xi32, #tpu.memory_space<vmem>>
    %dma_start3A_34 = tpu.memref_squeeze %dma_start3A_33 : memref<1x125xi32, #tpu.memory_space<vmem>> -> memref<125xi32, #tpu.memory_space<vmem>>
    %dma_start3A_35 = arith.constant 0 : i32
    %dma_start3A_36 = arith.constant 0 : i32
    %dma_start3A_37 = tpu.memref_slice %arg4[%dma_start3A_35, %dma_start3A_36] : memref<10000x128xf32, #tpu.memory_space<hbm>> -> memref<10000x128xf32, #tpu.memory_space<hbm>>
    tpu.enqueue_indirect_dma source(%dma_start3A_37 : memref<10000x128xf32, #tpu.memory_space<hbm>>) target(%dma_start3A_31 : memref<125x128xf32, #tpu.memory_space<vmem>>) offsets(%dma_start3A_34 : memref<125xi32, #tpu.memory_space<vmem>>) semaphore(%arg12 : memref<!tpu.dma_semaphore, #tpu.memory_space<semaphore_mem>>)
    %scan3A = arith.constant 0 : i32
    %scan3A_38 = arith.constant 0 : i32
    %scan3A_39 = arith.constant 40 : i32
    %scan3A_40 = arith.addi %scan3A_38, %scan3A_39 : i32
    %scan3A_41 = arith.constant 1 : i32
    scf.for %scan3A_49 = %scan3A_38 to %scan3A_40 step %scan3A_41  : i32 {
      %mul3A_50 = arith.constant 2 : i32
      %mul3A_51 = arith.muli %scan3A_49, %mul3A_50 : i32
      %add3A_52 = arith.constant 0 : i32
      %add3A_53 = arith.addi %mul3A_51, %add3A_52 : i32
      %lt3A_54 = arith.constant 80 : i32
      %lt3A_55 = arith.cmpi slt, %add3A_53, %lt3A_54 : i32
      %convert_element_type3A_56 = arith.extui %lt3A_55 : i1 to i32
      %cond3A_57 = arith.constant 0 : i32
      %cond3A_58 = arith.cmpi ne, %convert_element_type3A_56, %cond3A_57 : i32
      scf.if %cond3A_58 {
        %dma_wait3A = arith.constant 0 : i32
        %dma_wait3A_68 = arith.constant 0 : i32
        %dma_wait3A_69 = arith.constant 0 : i32
        %dma_wait3A_70 = arith.constant 0 : i32
        %dma_wait3A_71 = tpu.memref_slice %arg9[%dma_wait3A_68, %dma_wait3A_69, %dma_wait3A_70] : memref<2x125x128xf32, #tpu.memory_space<vmem>> -> memref<1x125x128xf32, #tpu.memory_space<vmem>>
        %dma_wait3A_72 = tpu.memref_squeeze %dma_wait3A_71 : memref<1x125x128xf32, #tpu.memory_space<vmem>> -> memref<125x128xf32, #tpu.memory_space<vmem>>
        %dma_wait3A_73 = arith.constant 0 : i32
        %dma_wait3A_74 = tpu.memref_slice %arg7[%dma_wait3A, %dma_wait3A_73] : memref<2x125xi32, #tpu.memory_space<vmem>> -> memref<1x125xi32, #tpu.memory_space<vmem>>
        %dma_wait3A_75 = tpu.memref_squeeze %dma_wait3A_74 : memref<1x125xi32, #tpu.memory_space<vmem>> -> memref<125xi32, #tpu.memory_space<vmem>>
        %dma_wait3A_76 = arith.constant 0 : i32
        %dma_wait3A_77 = arith.constant 0 : i32
        %dma_wait3A_78 = tpu.memref_slice %arg4[%dma_wait3A_76, %dma_wait3A_77] : memref<10000x128xf32, #tpu.memory_space<hbm>> -> memref<10000x128xf32, #tpu.memory_space<hbm>>
        tpu.wait_indirect_dma semaphore(%arg11 : memref<!tpu.dma_semaphore, #tpu.memory_space<semaphore_mem>>) src(%dma_wait3A_78 : memref<10000x128xf32, #tpu.memory_space<hbm>>) dst(%dma_wait3A_72 : memref<125x128xf32, #tpu.memory_space<vmem>>)
        %add3A_79 = arith.constant 2 : i32
        %add3A_80 = arith.addi %add3A_53, %add3A_79 : i32
        %lt3A_81 = arith.constant 80 : i32
        %lt3A_82 = arith.cmpi slt, %add3A_80, %lt3A_81 : i32
        %convert_element_type3A_83 = arith.extui %lt3A_82 : i1 to i32
        %cond3A_84 = arith.constant 0 : i32
        %cond3A_85 = arith.cmpi ne, %convert_element_type3A_83, %cond3A_84 : i32
        scf.if %cond3A_85 {
          %add3A_94 = arith.constant 2 : i32
          %add3A_95 = arith.addi %add3A_53, %add3A_94 : i32
          %dma_start3A_96 = arith.constant 0 : i32
          %dma_start3A_97 = arith.constant 0 : i32
          %dma_start3A_98 = tpu.memref_slice %arg7[%dma_start3A_96, %dma_start3A_97] : memref<2x125xi32, #tpu.memory_space<vmem>> -> memref<1x125xi32, #tpu.memory_space<vmem>>
          %dma_start3A_99 = tpu.memref_squeeze %dma_start3A_98 : memref<1x125xi32, #tpu.memory_space<vmem>> -> memref<125xi32, #tpu.memory_space<vmem>>
          %dma_start3A_100 = arith.constant 0 : i32
          %dma_start3A_101 = tpu.memref_slice %arg2[%add3A, %add3A_95, %dma_start3A_100] : memref<32x80x125xi32, #tpu.memory_space<hbm>> -> memref<1x1x125xi32, #tpu.memory_space<hbm>>
          %dma_start3A_102 = tpu.memref_squeeze %dma_start3A_101 : memref<1x1x125xi32, #tpu.memory_space<hbm>> -> memref<125xi32, #tpu.memory_space<hbm>>
          %dma_start3A_103 = arith.constant 0 : i32
          %dma_start3A_104 = tpu.memref_slice %arg7[%dma_start3A_96, %dma_start3A_103] : memref<2x125xi32, #tpu.memory_space<vmem>> -> memref<1x125xi32, #tpu.memory_space<vmem>>
          %dma_start3A_105 = tpu.memref_squeeze %dma_start3A_104 : memref<1x125xi32, #tpu.memory_space<vmem>> -> memref<125xi32, #tpu.memory_space<vmem>>
          %dma_start3A_106 = arith.constant 0 : i32
          %dma_start3A_107 = tpu.memref_slice %arg2[%add3A, %add3A_95, %dma_start3A_106] : memref<32x80x125xi32, #tpu.memory_space<hbm>> -> memref<1x1x125xi32, #tpu.memory_space<hbm>>
          %dma_start3A_108 = tpu.memref_squeeze %dma_start3A_107 : memref<1x1x125xi32, #tpu.memory_space<hbm>> -> memref<125xi32, #tpu.memory_space<hbm>>
          tpu.enqueue_dma source(%dma_start3A_108 : memref<125xi32, #tpu.memory_space<hbm>>) target(%dma_start3A_105 : memref<125xi32, #tpu.memory_space<vmem>>) target_semaphore(%arg13 : memref<!tpu.dma_semaphore, #tpu.memory_space<semaphore_mem>>)
        } else {
        }
        %run_scoped3A_86 = arith.constant 0 : i32
        "tpu.region"() ({
          %run_scoped3A_94 = tpu.sem_alloc : memref<!tpu.dma_semaphore, #tpu.memory_space<semaphore_mem>>
          %dma_start3A_95 = arith.constant 0 : i32
          %dma_start3A_96 = arith.constant 0 : i32
          %dma_start3A_97 = tpu.memref_slice %arg9[%run_scoped3A_86, %dma_start3A_95, %dma_start3A_96] : memref<2x125x128xf32, #tpu.memory_space<vmem>> -> memref<1x125x128xf32, #tpu.memory_space<vmem>>
          %dma_start3A_98 = tpu.memref_squeeze %dma_start3A_97 : memref<1x125x128xf32, #tpu.memory_space<vmem>> -> memref<125x128xf32, #tpu.memory_space<vmem>>
          %dma_start3A_99 = arith.constant 0 : i32
          %dma_start3A_100 = tpu.memref_slice %arg8[%add3A_53, %dma_start3A_99] : memref<80x125xi32, #tpu.memory_space<vmem>> -> memref<1x125xi32, #tpu.memory_space<vmem>>
          %dma_start3A_101 = tpu.memref_squeeze %dma_start3A_100 : memref<1x125xi32, #tpu.memory_space<vmem>> -> memref<125xi32, #tpu.memory_space<vmem>>
          %dma_start3A_102 = arith.constant 0 : i32
          %dma_start3A_103 = arith.constant 0 : i32
          %dma_start3A_104 = tpu.memref_slice %arg10[%dma_start3A_102, %dma_start3A_103] : memref<10000x128xf32, #tpu.memory_space<vmem_shared>> -> memref<10000x128xf32, #tpu.memory_space<vmem_shared>>
          tpu.enqueue_indirect_dma source(%dma_start3A_98 : memref<125x128xf32, #tpu.memory_space<vmem>>) target(%dma_start3A_104 : memref<10000x128xf32, #tpu.memory_space<vmem_shared>>) offsets(%dma_start3A_101 : memref<125xi32, #tpu.memory_space<vmem>>) semaphore(%run_scoped3A_94 : memref<!tpu.dma_semaphore, #tpu.memory_space<semaphore_mem>>) {add = true}
          %dma_wait3A_105 = arith.constant 0 : i32
          %dma_wait3A_106 = arith.constant 0 : i32
          %dma_wait3A_107 = tpu.memref_slice %arg9[%run_scoped3A_86, %dma_wait3A_105, %dma_wait3A_106] : memref<2x125x128xf32, #tpu.memory_space<vmem>> -> memref<1x125x128xf32, #tpu.memory_space<vmem>>
          %dma_wait3A_108 = tpu.memref_squeeze %dma_wait3A_107 : memref<1x125x128xf32, #tpu.memory_space<vmem>> -> memref<125x128xf32, #tpu.memory_space<vmem>>
          %dma_wait3A_109 = arith.constant 0 : i32
          %dma_wait3A_110 = tpu.memref_slice %arg8[%add3A_53, %dma_wait3A_109] : memref<80x125xi32, #tpu.memory_space<vmem>> -> memref<1x125xi32, #tpu.memory_space<vmem>>
          %dma_wait3A_111 = tpu.memref_squeeze %dma_wait3A_110 : memref<1x125xi32, #tpu.memory_space<vmem>> -> memref<125xi32, #tpu.memory_space<vmem>>
          %dma_wait3A_112 = arith.constant 0 : i32
          %dma_wait3A_113 = arith.constant 0 : i32
          %dma_wait3A_114 = tpu.memref_slice %arg10[%dma_wait3A_112, %dma_wait3A_113] : memref<10000x128xf32, #tpu.memory_space<vmem_shared>> -> memref<10000x128xf32, #tpu.memory_space<vmem_shared>>
          tpu.wait_indirect_dma semaphore(%run_scoped3A_94 : memref<!tpu.dma_semaphore, #tpu.memory_space<semaphore_mem>>) src(%dma_wait3A_108 : memref<125x128xf32, #tpu.memory_space<vmem>>) dst(%dma_wait3A_114 : memref<10000x128xf32, #tpu.memory_space<vmem_shared>>)
          tpu.yield
        }) : () -> ()
        %add3A_87 = arith.constant 2 : i32
        %add3A_88 = arith.addi %add3A_53, %add3A_87 : i32
        %lt3A_89 = arith.constant 80 : i32
        %lt3A_90 = arith.cmpi slt, %add3A_88, %lt3A_89 : i32
        %convert_element_type3A_91 = arith.extui %lt3A_90 : i1 to i32
        %cond3A_92 = arith.constant 0 : i32
        %cond3A_93 = arith.cmpi ne, %convert_element_type3A_91, %cond3A_92 : i32
        scf.if %cond3A_93 {
          %add3A_94 = arith.constant 2 : i32
          %add3A_95 = arith.addi %add3A_53, %add3A_94 : i32
          %dma_wait3A_96 = arith.constant 0 : i32
          %dma_wait3A_97 = arith.constant 0 : i32
          %dma_wait3A_98 = tpu.memref_slice %arg7[%dma_wait3A_96, %dma_wait3A_97] : memref<2x125xi32, #tpu.memory_space<vmem>> -> memref<1x125xi32, #tpu.memory_space<vmem>>
          %dma_wait3A_99 = tpu.memref_squeeze %dma_wait3A_98 : memref<1x125xi32, #tpu.memory_space<vmem>> -> memref<125xi32, #tpu.memory_space<vmem>>
          %dma_wait3A_100 = arith.constant 0 : i32
          %dma_wait3A_101 = tpu.memref_slice %arg2[%add3A, %add3A_95, %dma_wait3A_100] : memref<32x80x125xi32, #tpu.memory_space<hbm>> -> memref<1x1x125xi32, #tpu.memory_space<hbm>>
          %dma_wait3A_102 = tpu.memref_squeeze %dma_wait3A_101 : memref<1x1x125xi32, #tpu.memory_space<hbm>> -> memref<125xi32, #tpu.memory_space<hbm>>
          %dma_wait3A_103 = arith.constant 0 : i32
          %dma_wait3A_104 = tpu.memref_slice %arg7[%dma_wait3A_96, %dma_wait3A_103] : memref<2x125xi32, #tpu.memory_space<vmem>> -> memref<1x125xi32, #tpu.memory_space<vmem>>
          %dma_wait3A_105 = tpu.memref_squeeze %dma_wait3A_104 : memref<1x125xi32, #tpu.memory_space<vmem>> -> memref<125xi32, #tpu.memory_space<vmem>>
          %dma_wait3A_106 = arith.constant 0 : i32
          %dma_wait3A_107 = tpu.memref_slice %arg2[%add3A, %add3A_95, %dma_wait3A_106] : memref<32x80x125xi32, #tpu.memory_space<hbm>> -> memref<1x1x125xi32, #tpu.memory_space<hbm>>
          %dma_wait3A_108 = tpu.memref_squeeze %dma_wait3A_107 : memref<1x1x125xi32, #tpu.memory_space<hbm>> -> memref<125xi32, #tpu.memory_space<hbm>>
          tpu.wait_dma2 semaphore(%arg13 : memref<!tpu.dma_semaphore, #tpu.memory_space<semaphore_mem>>) src(%dma_wait3A_108 : memref<125xi32, #tpu.memory_space<hbm>>) dst(%dma_wait3A_105 : memref<125xi32, #tpu.memory_space<vmem>>)
          %dma_start3A_109 = arith.constant 0 : i32
          %dma_start3A_110 = arith.constant 0 : i32
          %dma_start3A_111 = arith.constant 0 : i32
          %dma_start3A_112 = arith.constant 0 : i32
          %dma_start3A_113 = tpu.memref_slice %arg9[%dma_start3A_110, %dma_start3A_111, %dma_start3A_112] : memref<2x125x128xf32, #tpu.memory_space<vmem>> -> memref<1x125x128xf32, #tpu.memory_space<vmem>>
          %dma_start3A_114 = tpu.memref_squeeze %dma_start3A_113 : memref<1x125x128xf32, #tpu.memory_space<vmem>> -> memref<125x128xf32, #tpu.memory_space<vmem>>
          %dma_start3A_115 = arith.constant 0 : i32
          %dma_start3A_116 = tpu.memref_slice %arg7[%dma_start3A_109, %dma_start3A_115] : memref<2x125xi32, #tpu.memory_space<vmem>> -> memref<1x125xi32, #tpu.memory_space<vmem>>
          %dma_start3A_117 = tpu.memref_squeeze %dma_start3A_116 : memref<1x125xi32, #tpu.memory_space<vmem>> -> memref<125xi32, #tpu.memory_space<vmem>>
          %dma_start3A_118 = arith.constant 0 : i32
          %dma_start3A_119 = arith.constant 0 : i32
          %dma_start3A_120 = tpu.memref_slice %arg4[%dma_start3A_118, %dma_start3A_119] : memref<10000x128xf32, #tpu.memory_space<hbm>> -> memref<10000x128xf32, #tpu.memory_space<hbm>>
          tpu.enqueue_indirect_dma source(%dma_start3A_120 : memref<10000x128xf32, #tpu.memory_space<hbm>>) target(%dma_start3A_114 : memref<125x128xf32, #tpu.memory_space<vmem>>) offsets(%dma_start3A_117 : memref<125xi32, #tpu.memory_space<vmem>>) semaphore(%arg11 : memref<!tpu.dma_semaphore, #tpu.memory_space<semaphore_mem>>)
        } else {
        }
      } else {
      }
      %mul3A_59 = arith.constant 2 : i32
      %mul3A_60 = arith.muli %scan3A_49, %mul3A_59 : i32
      %add3A_61 = arith.constant 1 : i32
      %add3A_62 = arith.addi %mul3A_60, %add3A_61 : i32
      %lt3A_63 = arith.constant 80 : i32
      %lt3A_64 = arith.cmpi slt, %add3A_62, %lt3A_63 : i32
      %convert_element_type3A_65 = arith.extui %lt3A_64 : i1 to i32
      %cond3A_66 = arith.constant 0 : i32
      %cond3A_67 = arith.cmpi ne, %convert_element_type3A_65, %cond3A_66 : i32
      scf.if %cond3A_67 {
        %dma_wait3A = arith.constant 1 : i32
        %dma_wait3A_68 = arith.constant 1 : i32
        %dma_wait3A_69 = arith.constant 0 : i32
        %dma_wait3A_70 = arith.constant 0 : i32
        %dma_wait3A_71 = tpu.memref_slice %arg9[%dma_wait3A_68, %dma_wait3A_69, %dma_wait3A_70] : memref<2x125x128xf32, #tpu.memory_space<vmem>> -> memref<1x125x128xf32, #tpu.memory_space<vmem>>
        %dma_wait3A_72 = tpu.memref_squeeze %dma_wait3A_71 : memref<1x125x128xf32, #tpu.memory_space<vmem>> -> memref<125x128xf32, #tpu.memory_space<vmem>>
        %dma_wait3A_73 = arith.constant 0 : i32
        %dma_wait3A_74 = tpu.memref_slice %arg7[%dma_wait3A, %dma_wait3A_73] : memref<2x125xi32, #tpu.memory_space<vmem>> -> memref<1x125xi32, #tpu.memory_space<vmem>>
        %dma_wait3A_75 = tpu.memref_squeeze %dma_wait3A_74 : memref<1x125xi32, #tpu.memory_space<vmem>> -> memref<125xi32, #tpu.memory_space<vmem>>
        %dma_wait3A_76 = arith.constant 0 : i32
        %dma_wait3A_77 = arith.constant 0 : i32
        %dma_wait3A_78 = tpu.memref_slice %arg4[%dma_wait3A_76, %dma_wait3A_77] : memref<10000x128xf32, #tpu.memory_space<hbm>> -> memref<10000x128xf32, #tpu.memory_space<hbm>>
        tpu.wait_indirect_dma semaphore(%arg12 : memref<!tpu.dma_semaphore, #tpu.memory_space<semaphore_mem>>) src(%dma_wait3A_78 : memref<10000x128xf32, #tpu.memory_space<hbm>>) dst(%dma_wait3A_72 : memref<125x128xf32, #tpu.memory_space<vmem>>)
        %add3A_79 = arith.constant 2 : i32
        %add3A_80 = arith.addi %add3A_62, %add3A_79 : i32
        %lt3A_81 = arith.constant 80 : i32
        %lt3A_82 = arith.cmpi slt, %add3A_80, %lt3A_81 : i32
        %convert_element_type3A_83 = arith.extui %lt3A_82 : i1 to i32
        %cond3A_84 = arith.constant 0 : i32
        %cond3A_85 = arith.cmpi ne, %convert_element_type3A_83, %cond3A_84 : i32
        scf.if %cond3A_85 {
          %add3A_94 = arith.constant 2 : i32
          %add3A_95 = arith.addi %add3A_62, %add3A_94 : i32
          %dma_start3A_96 = arith.constant 1 : i32
          %dma_start3A_97 = arith.constant 0 : i32
          %dma_start3A_98 = tpu.memref_slice %arg7[%dma_start3A_96, %dma_start3A_97] : memref<2x125xi32, #tpu.memory_space<vmem>> -> memref<1x125xi32, #tpu.memory_space<vmem>>
          %dma_start3A_99 = tpu.memref_squeeze %dma_start3A_98 : memref<1x125xi32, #tpu.memory_space<vmem>> -> memref<125xi32, #tpu.memory_space<vmem>>
          %dma_start3A_100 = arith.constant 0 : i32
          %dma_start3A_101 = tpu.memref_slice %arg2[%add3A, %add3A_95, %dma_start3A_100] : memref<32x80x125xi32, #tpu.memory_space<hbm>> -> memref<1x1x125xi32, #tpu.memory_space<hbm>>
          %dma_start3A_102 = tpu.memref_squeeze %dma_start3A_101 : memref<1x1x125xi32, #tpu.memory_space<hbm>> -> memref<125xi32, #tpu.memory_space<hbm>>
          %dma_start3A_103 = arith.constant 0 : i32
          %dma_start3A_104 = tpu.memref_slice %arg7[%dma_start3A_96, %dma_start3A_103] : memref<2x125xi32, #tpu.memory_space<vmem>> -> memref<1x125xi32, #tpu.memory_space<vmem>>
          %dma_start3A_105 = tpu.memref_squeeze %dma_start3A_104 : memref<1x125xi32, #tpu.memory_space<vmem>> -> memref<125xi32, #tpu.memory_space<vmem>>
          %dma_start3A_106 = arith.constant 0 : i32
          %dma_start3A_107 = tpu.memref_slice %arg2[%add3A, %add3A_95, %dma_start3A_106] : memref<32x80x125xi32, #tpu.memory_space<hbm>> -> memref<1x1x125xi32, #tpu.memory_space<hbm>>
          %dma_start3A_108 = tpu.memref_squeeze %dma_start3A_107 : memref<1x1x125xi32, #tpu.memory_space<hbm>> -> memref<125xi32, #tpu.memory_space<hbm>>
          tpu.enqueue_dma source(%dma_start3A_108 : memref<125xi32, #tpu.memory_space<hbm>>) target(%dma_start3A_105 : memref<125xi32, #tpu.memory_space<vmem>>) target_semaphore(%arg14 : memref<!tpu.dma_semaphore, #tpu.memory_space<semaphore_mem>>)
        } else {
        }
        %run_scoped3A_86 = arith.constant 1 : i32
        "tpu.region"() ({
          %run_scoped3A_94 = tpu.sem_alloc : memref<!tpu.dma_semaphore, #tpu.memory_space<semaphore_mem>>
          %dma_start3A_95 = arith.constant 0 : i32
          %dma_start3A_96 = arith.constant 0 : i32
          %dma_start3A_97 = tpu.memref_slice %arg9[%run_scoped3A_86, %dma_start3A_95, %dma_start3A_96] : memref<2x125x128xf32, #tpu.memory_space<vmem>> -> memref<1x125x128xf32, #tpu.memory_space<vmem>>
          %dma_start3A_98 = tpu.memref_squeeze %dma_start3A_97 : memref<1x125x128xf32, #tpu.memory_space<vmem>> -> memref<125x128xf32, #tpu.memory_space<vmem>>
          %dma_start3A_99 = arith.constant 0 : i32
          %dma_start3A_100 = tpu.memref_slice %arg8[%add3A_62, %dma_start3A_99] : memref<80x125xi32, #tpu.memory_space<vmem>> -> memref<1x125xi32, #tpu.memory_space<vmem>>
          %dma_start3A_101 = tpu.memref_squeeze %dma_start3A_100 : memref<1x125xi32, #tpu.memory_space<vmem>> -> memref<125xi32, #tpu.memory_space<vmem>>
          %dma_start3A_102 = arith.constant 0 : i32
          %dma_start3A_103 = arith.constant 0 : i32
          %dma_start3A_104 = tpu.memref_slice %arg10[%dma_start3A_102, %dma_start3A_103] : memref<10000x128xf32, #tpu.memory_space<vmem_shared>> -> memref<10000x128xf32, #tpu.memory_space<vmem_shared>>
          tpu.enqueue_indirect_dma source(%dma_start3A_98 : memref<125x128xf32, #tpu.memory_space<vmem>>) target(%dma_start3A_104 : memref<10000x128xf32, #tpu.memory_space<vmem_shared>>) offsets(%dma_start3A_101 : memref<125xi32, #tpu.memory_space<vmem>>) semaphore(%run_scoped3A_94 : memref<!tpu.dma_semaphore, #tpu.memory_space<semaphore_mem>>) {add = true}
          %dma_wait3A_105 = arith.constant 0 : i32
          %dma_wait3A_106 = arith.constant 0 : i32
          %dma_wait3A_107 = tpu.memref_slice %arg9[%run_scoped3A_86, %dma_wait3A_105, %dma_wait3A_106] : memref<2x125x128xf32, #tpu.memory_space<vmem>> -> memref<1x125x128xf32, #tpu.memory_space<vmem>>
          %dma_wait3A_108 = tpu.memref_squeeze %dma_wait3A_107 : memref<1x125x128xf32, #tpu.memory_space<vmem>> -> memref<125x128xf32, #tpu.memory_space<vmem>>
          %dma_wait3A_109 = arith.constant 0 : i32
          %dma_wait3A_110 = tpu.memref_slice %arg8[%add3A_62, %dma_wait3A_109] : memref<80x125xi32, #tpu.memory_space<vmem>> -> memref<1x125xi32, #tpu.memory_space<vmem>>
          %dma_wait3A_111 = tpu.memref_squeeze %dma_wait3A_110 : memref<1x125xi32, #tpu.memory_space<vmem>> -> memref<125xi32, #tpu.memory_space<vmem>>
          %dma_wait3A_112 = arith.constant 0 : i32
          %dma_wait3A_113 = arith.constant 0 : i32
          %dma_wait3A_114 = tpu.memref_slice %arg10[%dma_wait3A_112, %dma_wait3A_113] : memref<10000x128xf32, #tpu.memory_space<vmem_shared>> -> memref<10000x128xf32, #tpu.memory_space<vmem_shared>>
          tpu.wait_indirect_dma semaphore(%run_scoped3A_94 : memref<!tpu.dma_semaphore, #tpu.memory_space<semaphore_mem>>) src(%dma_wait3A_108 : memref<125x128xf32, #tpu.memory_space<vmem>>) dst(%dma_wait3A_114 : memref<10000x128xf32, #tpu.memory_space<vmem_shared>>)
          tpu.yield
        }) : () -> ()
        %add3A_87 = arith.constant 2 : i32
        %add3A_88 = arith.addi %add3A_62, %add3A_87 : i32
        %lt3A_89 = arith.constant 80 : i32
        %lt3A_90 = arith.cmpi slt, %add3A_88, %lt3A_89 : i32
        %convert_element_type3A_91 = arith.extui %lt3A_90 : i1 to i32
        %cond3A_92 = arith.constant 0 : i32
        %cond3A_93 = arith.cmpi ne, %convert_element_type3A_91, %cond3A_92 : i32
        scf.if %cond3A_93 {
          %add3A_94 = arith.constant 2 : i32
          %add3A_95 = arith.addi %add3A_62, %add3A_94 : i32
          %dma_wait3A_96 = arith.constant 1 : i32
          %dma_wait3A_97 = arith.constant 0 : i32
          %dma_wait3A_98 = tpu.memref_slice %arg7[%dma_wait3A_96, %dma_wait3A_97] : memref<2x125xi32, #tpu.memory_space<vmem>> -> memref<1x125xi32, #tpu.memory_space<vmem>>
          %dma_wait3A_99 = tpu.memref_squeeze %dma_wait3A_98 : memref<1x125xi32, #tpu.memory_space<vmem>> -> memref<125xi32, #tpu.memory_space<vmem>>
          %dma_wait3A_100 = arith.constant 0 : i32
          %dma_wait3A_101 = tpu.memref_slice %arg2[%add3A, %add3A_95, %dma_wait3A_100] : memref<32x80x125xi32, #tpu.memory_space<hbm>> -> memref<1x1x125xi32, #tpu.memory_space<hbm>>
          %dma_wait3A_102 = tpu.memref_squeeze %dma_wait3A_101 : memref<1x1x125xi32, #tpu.memory_space<hbm>> -> memref<125xi32, #tpu.memory_space<hbm>>
          %dma_wait3A_103 = arith.constant 0 : i32
          %dma_wait3A_104 = tpu.memref_slice %arg7[%dma_wait3A_96, %dma_wait3A_103] : memref<2x125xi32, #tpu.memory_space<vmem>> -> memref<1x125xi32, #tpu.memory_space<vmem>>
          %dma_wait3A_105 = tpu.memref_squeeze %dma_wait3A_104 : memref<1x125xi32, #tpu.memory_space<vmem>> -> memref<125xi32, #tpu.memory_space<vmem>>
          %dma_wait3A_106 = arith.constant 0 : i32
          %dma_wait3A_107 = tpu.memref_slice %arg2[%add3A, %add3A_95, %dma_wait3A_106] : memref<32x80x125xi32, #tpu.memory_space<hbm>> -> memref<1x1x125xi32, #tpu.memory_space<hbm>>
          %dma_wait3A_108 = tpu.memref_squeeze %dma_wait3A_107 : memref<1x1x125xi32, #tpu.memory_space<hbm>> -> memref<125xi32, #tpu.memory_space<hbm>>
          tpu.wait_dma2 semaphore(%arg14 : memref<!tpu.dma_semaphore, #tpu.memory_space<semaphore_mem>>) src(%dma_wait3A_108 : memref<125xi32, #tpu.memory_space<hbm>>) dst(%dma_wait3A_105 : memref<125xi32, #tpu.memory_space<vmem>>)
          %dma_start3A_109 = arith.constant 1 : i32
          %dma_start3A_110 = arith.constant 1 : i32
          %dma_start3A_111 = arith.constant 0 : i32
          %dma_start3A_112 = arith.constant 0 : i32
          %dma_start3A_113 = tpu.memref_slice %arg9[%dma_start3A_110, %dma_start3A_111, %dma_start3A_112] : memref<2x125x128xf32, #tpu.memory_space<vmem>> -> memref<1x125x128xf32, #tpu.memory_space<vmem>>
          %dma_start3A_114 = tpu.memref_squeeze %dma_start3A_113 : memref<1x125x128xf32, #tpu.memory_space<vmem>> -> memref<125x128xf32, #tpu.memory_space<vmem>>
          %dma_start3A_115 = arith.constant 0 : i32
          %dma_start3A_116 = tpu.memref_slice %arg7[%dma_start3A_109, %dma_start3A_115] : memref<2x125xi32, #tpu.memory_space<vmem>> -> memref<1x125xi32, #tpu.memory_space<vmem>>
          %dma_start3A_117 = tpu.memref_squeeze %dma_start3A_116 : memref<1x125xi32, #tpu.memory_space<vmem>> -> memref<125xi32, #tpu.memory_space<vmem>>
          %dma_start3A_118 = arith.constant 0 : i32
          %dma_start3A_119 = arith.constant 0 : i32
          %dma_start3A_120 = tpu.memref_slice %arg4[%dma_start3A_118, %dma_start3A_119] : memref<10000x128xf32, #tpu.memory_space<hbm>> -> memref<10000x128xf32, #tpu.memory_space<hbm>>
          tpu.enqueue_indirect_dma source(%dma_start3A_120 : memref<10000x128xf32, #tpu.memory_space<hbm>>) target(%dma_start3A_114 : memref<125x128xf32, #tpu.memory_space<vmem>>) offsets(%dma_start3A_117 : memref<125xi32, #tpu.memory_space<vmem>>) semaphore(%arg12 : memref<!tpu.dma_semaphore, #tpu.memory_space<semaphore_mem>>)
        } else {
        }
      } else {
      }
    }
    %scan3A_42 = arith.constant 40 : i32
    %barrier3A_43 = arith.constant 0 : index
    tpu.barrier barrier_id(%barrier3A_43)
    %lt3A_44 = arith.constant 10 : i32
    %lt3A_45 = arith.cmpi slt, %arg1, %lt3A_44 : i32
    %convert_element_type3A_46 = arith.extui %lt3A_45 : i1 to i32
    %cond3A_47 = arith.constant 0 : i32
    %cond3A_48 = arith.cmpi ne, %convert_element_type3A_46, %cond3A_47 : i32
    scf.if %cond3A_48 {
      %mul3A_49 = arith.constant 1000 : i32
      %mul3A_50 = arith.muli %arg1, %mul3A_49 : i32
      %mul3A_51 = arith.constant 1000 : i32
      %mul3A_52 = arith.muli %arg1, %mul3A_51 : i32
      "tpu.region"() ({
        %run_scoped3A_53 = tpu.sem_alloc : memref<!tpu.dma_semaphore, #tpu.memory_space<semaphore_mem>>
        %dma_start3A_54 = arith.constant 0 : i32
        %dma_start3A_55 = tpu.memref_slice %arg6[%arg0, %mul3A_52, %dma_start3A_54] : memref<2x10000x128xf32, #tpu.memory_space<hbm>> -> memref<1x1000x128xf32, #tpu.memory_space<hbm>>
        %dma_start3A_56 = tpu.memref_squeeze %dma_start3A_55 : memref<1x1000x128xf32, #tpu.memory_space<hbm>> -> memref<1000x128xf32, #tpu.memory_space<hbm>>
        %dma_start3A_57 = arith.constant 0 : i32
        %dma_start3A_58 = tpu.memref_slice %arg10[%mul3A_50, %dma_start3A_57] : memref<10000x128xf32, #tpu.memory_space<vmem_shared>> -> memref<1000x128xf32, #tpu.memory_space<vmem_shared>>
        tpu.enqueue_dma source(%dma_start3A_58 : memref<1000x128xf32, #tpu.memory_space<vmem_shared>>) target(%dma_start3A_56 : memref<1000x128xf32, #tpu.memory_space<hbm>>) target_semaphore(%run_scoped3A_53 : memref<!tpu.dma_semaphore, #tpu.memory_space<semaphore_mem>>)
        %dma_wait3A = arith.constant 0 : i32
        %dma_wait3A_59 = tpu.memref_slice %arg6[%arg0, %mul3A_52, %dma_wait3A] : memref<2x10000x128xf32, #tpu.memory_space<hbm>> -> memref<1x1000x128xf32, #tpu.memory_space<hbm>>
        %dma_wait3A_60 = tpu.memref_squeeze %dma_wait3A_59 : memref<1x1000x128xf32, #tpu.memory_space<hbm>> -> memref<1000x128xf32, #tpu.memory_space<hbm>>
        %dma_wait3A_61 = arith.constant 0 : i32
        %dma_wait3A_62 = tpu.memref_slice %arg10[%mul3A_50, %dma_wait3A_61] : memref<10000x128xf32, #tpu.memory_space<vmem_shared>> -> memref<1000x128xf32, #tpu.memory_space<vmem_shared>>
        tpu.wait_dma2 semaphore(%run_scoped3A_53 : memref<!tpu.dma_semaphore, #tpu.memory_space<semaphore_mem>>) src(%dma_wait3A_62 : memref<1000x128xf32, #tpu.memory_space<vmem_shared>>) dst(%dma_wait3A_60 : memref<1000x128xf32, #tpu.memory_space<hbm>>)
        tpu.yield
      }) : () -> ()
    } else {
    }
    return
  }
}

#map = affine_map<(d0, d1) -> (0, 0, 0)>
#map1 = affine_map<(d0, d1) -> (0, 0)>
module attributes {stable_mosaic.version = 14 : i64} {
  func.func @k(%arg0: i32, %arg1: i32, %arg2: memref<32x80x125xi32, #tpu.memory_space<hbm>>, %arg3: memref<10000x8xf32, #tpu.memory_space<hbm>>, %arg4: memref<10000x8xf32, #tpu.memory_space<hbm>>, %arg5: memref<2x10000x8xf32, #tpu.memory_space<hbm>>, %arg6: memref<80x125xi32, #tpu.memory_space<vmem>>, %arg7: memref<125x8xf32, #tpu.memory_space<vmem>>, %arg8: memref<10000x8xf32, #tpu.memory_space<vmem_shared>>) attributes {dimension_semantics = [#tpu.dimension_semantics<core_parallel>, #tpu.dimension_semantics<subcore_parallel>], iteration_bounds = array<i64: 2, 16>, scalar_prefetch = 0 : i64, scratch_operands = 3 : i64, tpu.core_type = #tpu.core_type<sc_vector_subcore>, window_params = [{transform_indices = #map}, {transform_indices = #map1}, {transform_indices = #map1}, {transform_indices = #map}]} {
    %mul3A = arith.constant 16 : i32
    %mul3A_0 = arith.muli %arg0, %mul3A : i32
    %add3A = arith.addi %mul3A_0, %arg1 : i32
    %eq3A = arith.constant 0 : i32
    %eq3A_1 = arith.cmpi eq, %arg0, %eq3A : i32
    %lt3A = arith.constant 10 : i32
    %lt3A_2 = arith.cmpi slt, %arg1, %lt3A : i32
    %and3A = arith.andi %eq3A_1, %lt3A_2 : i1
    %convert_element_type3A = arith.extui %and3A : i1 to i32
    %cond3A = arith.constant 0 : i32
    %cond3A_3 = arith.cmpi ne, %convert_element_type3A, %cond3A : i32
    scf.if %cond3A_3 {
      %mul3A_23 = arith.constant 1000 : i32
      %mul3A_24 = arith.muli %arg1, %mul3A_23 : i32
      %mul3A_25 = arith.constant 1000 : i32
      %mul3A_26 = arith.muli %arg1, %mul3A_25 : i32
      "tpu.region"() ({
        %run_scoped3A = tpu.sem_alloc : memref<!tpu.dma_semaphore, #tpu.memory_space<semaphore_mem>>
        %dma_start3A = arith.constant 0 : i32
        %dma_start3A_27 = tpu.memref_slice %arg8[%mul3A_26, %dma_start3A] : memref<10000x8xf32, #tpu.memory_space<vmem_shared>> -> memref<1000x8xf32, #tpu.memory_space<vmem_shared>>
        %dma_start3A_28 = arith.constant 0 : i32
        %dma_start3A_29 = tpu.memref_slice %arg3[%mul3A_24, %dma_start3A_28] : memref<10000x8xf32, #tpu.memory_space<hbm>> -> memref<1000x8xf32, #tpu.memory_space<hbm>>
        tpu.enqueue_dma source(%dma_start3A_29 : memref<1000x8xf32, #tpu.memory_space<hbm>>) target(%dma_start3A_27 : memref<1000x8xf32, #tpu.memory_space<vmem_shared>>) target_semaphore(%run_scoped3A : memref<!tpu.dma_semaphore, #tpu.memory_space<semaphore_mem>>)
        %dma_wait3A = arith.constant 0 : i32
        %dma_wait3A_30 = tpu.memref_slice %arg8[%mul3A_26, %dma_wait3A] : memref<10000x8xf32, #tpu.memory_space<vmem_shared>> -> memref<1000x8xf32, #tpu.memory_space<vmem_shared>>
        %dma_wait3A_31 = arith.constant 0 : i32
        %dma_wait3A_32 = tpu.memref_slice %arg3[%mul3A_24, %dma_wait3A_31] : memref<10000x8xf32, #tpu.memory_space<hbm>> -> memref<1000x8xf32, #tpu.memory_space<hbm>>
        tpu.wait_dma2 semaphore(%run_scoped3A : memref<!tpu.dma_semaphore, #tpu.memory_space<semaphore_mem>>) src(%dma_wait3A_32 : memref<1000x8xf32, #tpu.memory_space<hbm>>) dst(%dma_wait3A_30 : memref<1000x8xf32, #tpu.memory_space<vmem_shared>>)
        tpu.yield
      }) : () -> ()
    } else {
    }
    %eq3A_4 = arith.constant 1 : i32
    %eq3A_5 = arith.cmpi eq, %arg0, %eq3A_4 : i32
    %lt3A_6 = arith.constant 10 : i32
    %lt3A_7 = arith.cmpi slt, %arg1, %lt3A_6 : i32
    %and3A_8 = arith.andi %eq3A_5, %lt3A_7 : i1
    %convert_element_type3A_9 = arith.extui %and3A_8 : i1 to i32
    %cond3A_10 = arith.constant 0 : i32
    %cond3A_11 = arith.cmpi ne, %convert_element_type3A_9, %cond3A_10 : i32
    scf.if %cond3A_11 {
      %mul3A_23 = arith.constant 1000 : i32
      %mul3A_24 = arith.muli %arg1, %mul3A_23 : i32
      %mul3A_25 = arith.constant 1000 : i32
      %mul3A_26 = arith.muli %arg1, %mul3A_25 : i32
      "tpu.region"() ({
        %run_scoped3A = tpu.sem_alloc : memref<!tpu.dma_semaphore, #tpu.memory_space<semaphore_mem>>
        %dma_start3A = arith.constant 0 : i32
        %dma_start3A_27 = tpu.memref_slice %arg8[%mul3A_26, %dma_start3A] : memref<10000x8xf32, #tpu.memory_space<vmem_shared>> -> memref<1000x8xf32, #tpu.memory_space<vmem_shared>>
        %dma_start3A_28 = arith.constant 0 : i32
        %dma_start3A_29 = tpu.memref_slice %arg4[%mul3A_24, %dma_start3A_28] : memref<10000x8xf32, #tpu.memory_space<hbm>> -> memref<1000x8xf32, #tpu.memory_space<hbm>>
        tpu.enqueue_dma source(%dma_start3A_29 : memref<1000x8xf32, #tpu.memory_space<hbm>>) target(%dma_start3A_27 : memref<1000x8xf32, #tpu.memory_space<vmem_shared>>) target_semaphore(%run_scoped3A : memref<!tpu.dma_semaphore, #tpu.memory_space<semaphore_mem>>)
        %dma_wait3A = arith.constant 0 : i32
        %dma_wait3A_30 = tpu.memref_slice %arg8[%mul3A_26, %dma_wait3A] : memref<10000x8xf32, #tpu.memory_space<vmem_shared>> -> memref<1000x8xf32, #tpu.memory_space<vmem_shared>>
        %dma_wait3A_31 = arith.constant 0 : i32
        %dma_wait3A_32 = tpu.memref_slice %arg4[%mul3A_24, %dma_wait3A_31] : memref<10000x8xf32, #tpu.memory_space<hbm>> -> memref<1000x8xf32, #tpu.memory_space<hbm>>
        tpu.wait_dma2 semaphore(%run_scoped3A : memref<!tpu.dma_semaphore, #tpu.memory_space<semaphore_mem>>) src(%dma_wait3A_32 : memref<1000x8xf32, #tpu.memory_space<hbm>>) dst(%dma_wait3A_30 : memref<1000x8xf32, #tpu.memory_space<vmem_shared>>)
        tpu.yield
      }) : () -> ()
    } else {
    }
    "tpu.region"() ({
      %run_scoped3A = tpu.sem_alloc : memref<!tpu.dma_semaphore, #tpu.memory_space<semaphore_mem>>
      %dma_start3A = arith.constant 0 : i32
      %dma_start3A_23 = arith.constant 0 : i32
      %dma_start3A_24 = tpu.memref_slice %arg2[%add3A, %dma_start3A, %dma_start3A_23] : memref<32x80x125xi32, #tpu.memory_space<hbm>> -> memref<1x80x125xi32, #tpu.memory_space<hbm>>
      %dma_start3A_25 = tpu.memref_squeeze %dma_start3A_24 : memref<1x80x125xi32, #tpu.memory_space<hbm>> -> memref<80x125xi32, #tpu.memory_space<hbm>>
      %dma_start3A_26 = arith.constant 0 : i32
      %dma_start3A_27 = arith.constant 0 : i32
      %dma_start3A_28 = tpu.memref_slice %arg2[%add3A, %dma_start3A_26, %dma_start3A_27] : memref<32x80x125xi32, #tpu.memory_space<hbm>> -> memref<1x80x125xi32, #tpu.memory_space<hbm>>
      %dma_start3A_29 = tpu.memref_squeeze %dma_start3A_28 : memref<1x80x125xi32, #tpu.memory_space<hbm>> -> memref<80x125xi32, #tpu.memory_space<hbm>>
      tpu.enqueue_dma source(%dma_start3A_29 : memref<80x125xi32, #tpu.memory_space<hbm>>) target(%arg6 : memref<80x125xi32, #tpu.memory_space<vmem>>) target_semaphore(%run_scoped3A : memref<!tpu.dma_semaphore, #tpu.memory_space<semaphore_mem>>)
      %dma_wait3A = arith.constant 0 : i32
      %dma_wait3A_30 = arith.constant 0 : i32
      %dma_wait3A_31 = tpu.memref_slice %arg2[%add3A, %dma_wait3A, %dma_wait3A_30] : memref<32x80x125xi32, #tpu.memory_space<hbm>> -> memref<1x80x125xi32, #tpu.memory_space<hbm>>
      %dma_wait3A_32 = tpu.memref_squeeze %dma_wait3A_31 : memref<1x80x125xi32, #tpu.memory_space<hbm>> -> memref<80x125xi32, #tpu.memory_space<hbm>>
      %dma_wait3A_33 = arith.constant 0 : i32
      %dma_wait3A_34 = arith.constant 0 : i32
      %dma_wait3A_35 = tpu.memref_slice %arg2[%add3A, %dma_wait3A_33, %dma_wait3A_34] : memref<32x80x125xi32, #tpu.memory_space<hbm>> -> memref<1x80x125xi32, #tpu.memory_space<hbm>>
      %dma_wait3A_36 = tpu.memref_squeeze %dma_wait3A_35 : memref<1x80x125xi32, #tpu.memory_space<hbm>> -> memref<80x125xi32, #tpu.memory_space<hbm>>
      tpu.wait_dma2 semaphore(%run_scoped3A : memref<!tpu.dma_semaphore, #tpu.memory_space<semaphore_mem>>) src(%dma_wait3A_36 : memref<80x125xi32, #tpu.memory_space<hbm>>) dst(%arg6 : memref<80x125xi32, #tpu.memory_space<vmem>>)
      tpu.yield
    }) : () -> ()
    "tpu.region"() ({
      %run_scoped3A = tpu.sem_alloc : memref<!tpu.dma_semaphore, #tpu.memory_space<semaphore_mem>>
      %dma_start3A = arith.constant 0 : i32
      %dma_start3A_23 = arith.constant 0 : i32
      %dma_start3A_24 = tpu.memref_slice %arg3[%dma_start3A, %dma_start3A_23] : memref<10000x8xf32, #tpu.memory_space<hbm>> -> memref<125x8xf32, #tpu.memory_space<hbm>>
      %dma_start3A_25 = arith.constant 0 : i32
      %dma_start3A_26 = arith.constant 0 : i32
      %dma_start3A_27 = tpu.memref_slice %arg3[%dma_start3A_25, %dma_start3A_26] : memref<10000x8xf32, #tpu.memory_space<hbm>> -> memref<125x8xf32, #tpu.memory_space<hbm>>
      tpu.enqueue_dma source(%dma_start3A_27 : memref<125x8xf32, #tpu.memory_space<hbm>>) target(%arg7 : memref<125x8xf32, #tpu.memory_space<vmem>>) target_semaphore(%run_scoped3A : memref<!tpu.dma_semaphore, #tpu.memory_space<semaphore_mem>>)
      %dma_wait3A = arith.constant 0 : i32
      %dma_wait3A_28 = arith.constant 0 : i32
      %dma_wait3A_29 = tpu.memref_slice %arg3[%dma_wait3A, %dma_wait3A_28] : memref<10000x8xf32, #tpu.memory_space<hbm>> -> memref<125x8xf32, #tpu.memory_space<hbm>>
      %dma_wait3A_30 = arith.constant 0 : i32
      %dma_wait3A_31 = arith.constant 0 : i32
      %dma_wait3A_32 = tpu.memref_slice %arg3[%dma_wait3A_30, %dma_wait3A_31] : memref<10000x8xf32, #tpu.memory_space<hbm>> -> memref<125x8xf32, #tpu.memory_space<hbm>>
      tpu.wait_dma2 semaphore(%run_scoped3A : memref<!tpu.dma_semaphore, #tpu.memory_space<semaphore_mem>>) src(%dma_wait3A_32 : memref<125x8xf32, #tpu.memory_space<hbm>>) dst(%arg7 : memref<125x8xf32, #tpu.memory_space<vmem>>)
      tpu.yield
    }) : () -> ()
    %barrier3A = arith.constant 0 : index
    tpu.barrier barrier_id(%barrier3A)
    %scan3A = arith.constant 0 : i32
    %scan3A_12 = arith.constant 0 : i32
    %scan3A_13 = arith.constant 80 : i32
    %scan3A_14 = arith.addi %scan3A_12, %scan3A_13 : i32
    %scan3A_15 = arith.constant 1 : i32
    scf.for %scan3A_23 = %scan3A_12 to %scan3A_14 step %scan3A_15  : i32 {
      "tpu.region"() ({
        %run_scoped3A = tpu.sem_alloc : memref<!tpu.dma_semaphore, #tpu.memory_space<semaphore_mem>>
        %dma_start3A = arith.constant 0 : i32
        %dma_start3A_24 = tpu.memref_slice %arg6[%scan3A_23, %dma_start3A] : memref<80x125xi32, #tpu.memory_space<vmem>> -> memref<1x125xi32, #tpu.memory_space<vmem>>
        %dma_start3A_25 = tpu.memref_squeeze %dma_start3A_24 : memref<1x125xi32, #tpu.memory_space<vmem>> -> memref<125xi32, #tpu.memory_space<vmem>>
        %dma_start3A_26 = arith.constant 0 : i32
        %dma_start3A_27 = arith.constant 0 : i32
        %dma_start3A_28 = tpu.memref_slice %arg8[%dma_start3A_26, %dma_start3A_27] : memref<10000x8xf32, #tpu.memory_space<vmem_shared>> -> memref<10000x8xf32, #tpu.memory_space<vmem_shared>>
        tpu.enqueue_indirect_dma source(%arg7 : memref<125x8xf32, #tpu.memory_space<vmem>>) target(%dma_start3A_28 : memref<10000x8xf32, #tpu.memory_space<vmem_shared>>) offsets(%dma_start3A_25 : memref<125xi32, #tpu.memory_space<vmem>>) semaphore(%run_scoped3A : memref<!tpu.dma_semaphore, #tpu.memory_space<semaphore_mem>>) {add = true}
        %dma_wait3A = arith.constant 0 : i32
        %dma_wait3A_29 = tpu.memref_slice %arg6[%scan3A_23, %dma_wait3A] : memref<80x125xi32, #tpu.memory_space<vmem>> -> memref<1x125xi32, #tpu.memory_space<vmem>>
        %dma_wait3A_30 = tpu.memref_squeeze %dma_wait3A_29 : memref<1x125xi32, #tpu.memory_space<vmem>> -> memref<125xi32, #tpu.memory_space<vmem>>
        %dma_wait3A_31 = arith.constant 0 : i32
        %dma_wait3A_32 = arith.constant 0 : i32
        %dma_wait3A_33 = tpu.memref_slice %arg8[%dma_wait3A_31, %dma_wait3A_32] : memref<10000x8xf32, #tpu.memory_space<vmem_shared>> -> memref<10000x8xf32, #tpu.memory_space<vmem_shared>>
        tpu.wait_indirect_dma semaphore(%run_scoped3A : memref<!tpu.dma_semaphore, #tpu.memory_space<semaphore_mem>>) src(%arg7 : memref<125x8xf32, #tpu.memory_space<vmem>>) dst(%dma_wait3A_33 : memref<10000x8xf32, #tpu.memory_space<vmem_shared>>)
        tpu.yield
      }) : () -> ()
    }
    %scan3A_16 = arith.constant 80 : i32
    %barrier3A_17 = arith.constant 0 : index
    tpu.barrier barrier_id(%barrier3A_17)
    %lt3A_18 = arith.constant 10 : i32
    %lt3A_19 = arith.cmpi slt, %arg1, %lt3A_18 : i32
    %convert_element_type3A_20 = arith.extui %lt3A_19 : i1 to i32
    %cond3A_21 = arith.constant 0 : i32
    %cond3A_22 = arith.cmpi ne, %convert_element_type3A_20, %cond3A_21 : i32
    scf.if %cond3A_22 {
      %mul3A_23 = arith.constant 1000 : i32
      %mul3A_24 = arith.muli %arg1, %mul3A_23 : i32
      %mul3A_25 = arith.constant 1000 : i32
      %mul3A_26 = arith.muli %arg1, %mul3A_25 : i32
      "tpu.region"() ({
        %run_scoped3A = tpu.sem_alloc : memref<!tpu.dma_semaphore, #tpu.memory_space<semaphore_mem>>
        %dma_start3A = arith.constant 0 : i32
        %dma_start3A_27 = tpu.memref_slice %arg5[%arg0, %mul3A_26, %dma_start3A] : memref<2x10000x8xf32, #tpu.memory_space<hbm>> -> memref<1x1000x8xf32, #tpu.memory_space<hbm>>
        %dma_start3A_28 = tpu.memref_squeeze %dma_start3A_27 : memref<1x1000x8xf32, #tpu.memory_space<hbm>> -> memref<1000x8xf32, #tpu.memory_space<hbm>>
        %dma_start3A_29 = arith.constant 0 : i32
        %dma_start3A_30 = tpu.memref_slice %arg8[%mul3A_24, %dma_start3A_29] : memref<10000x8xf32, #tpu.memory_space<vmem_shared>> -> memref<1000x8xf32, #tpu.memory_space<vmem_shared>>
        tpu.enqueue_dma source(%dma_start3A_30 : memref<1000x8xf32, #tpu.memory_space<vmem_shared>>) target(%dma_start3A_28 : memref<1000x8xf32, #tpu.memory_space<hbm>>) target_semaphore(%run_scoped3A : memref<!tpu.dma_semaphore, #tpu.memory_space<semaphore_mem>>)
        %dma_wait3A = arith.constant 0 : i32
        %dma_wait3A_31 = tpu.memref_slice %arg5[%arg0, %mul3A_26, %dma_wait3A] : memref<2x10000x8xf32, #tpu.memory_space<hbm>> -> memref<1x1000x8xf32, #tpu.memory_space<hbm>>
        %dma_wait3A_32 = tpu.memref_squeeze %dma_wait3A_31 : memref<1x1000x8xf32, #tpu.memory_space<hbm>> -> memref<1000x8xf32, #tpu.memory_space<hbm>>
        %dma_wait3A_33 = arith.constant 0 : i32
        %dma_wait3A_34 = tpu.memref_slice %arg8[%mul3A_24, %dma_wait3A_33] : memref<10000x8xf32, #tpu.memory_space<vmem_shared>> -> memref<1000x8xf32, #tpu.memory_space<vmem_shared>>
        tpu.wait_dma2 semaphore(%run_scoped3A : memref<!tpu.dma_semaphore, #tpu.memory_space<semaphore_mem>>) src(%dma_wait3A_34 : memref<1000x8xf32, #tpu.memory_space<vmem_shared>>) dst(%dma_wait3A_32 : memref<1000x8xf32, #tpu.memory_space<hbm>>)
        tpu.yield
      }) : () -> ()
    } else {
    }
    return
  }
}

#map = affine_map<(d0, d1) -> (0, 0, 0)>
#map1 = affine_map<(d0, d1) -> (0, 0)>
module attributes {stable_mosaic.version = 14 : i64} {
  func.func @k(%arg0: i32, %arg1: i32, %arg2: memref<32x80x125xi32, #tpu.memory_space<hbm>>, %arg3: memref<32x80x125xi32, #tpu.memory_space<hbm>>, %arg4: memref<10000x128xf32, #tpu.memory_space<hbm>>, %arg5: memref<10000x128xf32, #tpu.memory_space<hbm>>, %arg6: memref<2x10000x128xf32, #tpu.memory_space<hbm>>, %arg7: memref<2x125xi32, #tpu.memory_space<vmem>>, %arg8: memref<80x125xi32, #tpu.memory_space<vmem>>, %arg9: memref<2x125x128xf32, #tpu.memory_space<vmem>>, %arg10: memref<10000x128xf32, #tpu.memory_space<vmem_shared>>, %arg11: memref<!tpu.dma_semaphore, #tpu.memory_space<semaphore_mem>>, %arg12: memref<!tpu.dma_semaphore, #tpu.memory_space<semaphore_mem>>, %arg13: memref<!tpu.dma_semaphore, #tpu.memory_space<semaphore_mem>>, %arg14: memref<!tpu.dma_semaphore, #tpu.memory_space<semaphore_mem>>) attributes {dimension_semantics = [#tpu.dimension_semantics<core_parallel>, #tpu.dimension_semantics<subcore_parallel>], iteration_bounds = array<i64: 2, 16>, scalar_prefetch = 0 : i64, scratch_operands = 8 : i64, tpu.core_type = #tpu.core_type<sc_vector_subcore>, window_params = [{transform_indices = #map}, {transform_indices = #map}, {transform_indices = #map1}, {transform_indices = #map1}, {transform_indices = #map}]} {
    %mul3A = arith.constant 16 : i32
    %mul3A_0 = arith.muli %arg0, %mul3A : i32
    %add3A = arith.addi %mul3A_0, %arg1 : i32
    %eq3A = arith.constant 0 : i32
    %eq3A_1 = arith.cmpi eq, %arg0, %eq3A : i32
    %lt3A = arith.constant 10 : i32
    %lt3A_2 = arith.cmpi slt, %arg1, %lt3A : i32
    %and3A = arith.andi %eq3A_1, %lt3A_2 : i1
    %convert_element_type3A = arith.extui %and3A : i1 to i32
    %cond3A = arith.constant 0 : i32
    %cond3A_3 = arith.cmpi ne, %convert_element_type3A, %cond3A : i32
    scf.if %cond3A_3 {
      %mul3A_49 = arith.constant 1000 : i32
      %mul3A_50 = arith.muli %arg1, %mul3A_49 : i32
      %mul3A_51 = arith.constant 1000 : i32
      %mul3A_52 = arith.muli %arg1, %mul3A_51 : i32
      "tpu.region"() ({
        %run_scoped3A_53 = tpu.sem_alloc : memref<!tpu.dma_semaphore, #tpu.memory_space<semaphore_mem>>
        %dma_start3A_54 = arith.constant 0 : i32
        %dma_start3A_55 = tpu.memref_slice %arg10[%mul3A_52, %dma_start3A_54] : memref<10000x128xf32, #tpu.memory_space<vmem_shared>> -> memref<1000x128xf32, #tpu.memory_space<vmem_shared>>
        %dma_start3A_56 = arith.constant 0 : i32
        %dma_start3A_57 = tpu.memref_slice %arg4[%mul3A_50, %dma_start3A_56] : memref<10000x128xf32, #tpu.memory_space<hbm>> -> memref<1000x128xf32, #tpu.memory_space<hbm>>
        tpu.enqueue_dma source(%dma_start3A_57 : memref<1000x128xf32, #tpu.memory_space<hbm>>) target(%dma_start3A_55 : memref<1000x128xf32, #tpu.memory_space<vmem_shared>>) target_semaphore(%run_scoped3A_53 : memref<!tpu.dma_semaphore, #tpu.memory_space<semaphore_mem>>)
        %dma_wait3A = arith.constant 0 : i32
        %dma_wait3A_58 = tpu.memref_slice %arg10[%mul3A_52, %dma_wait3A] : memref<10000x128xf32, #tpu.memory_space<vmem_shared>> -> memref<1000x128xf32, #tpu.memory_space<vmem_shared>>
        %dma_wait3A_59 = arith.constant 0 : i32
        %dma_wait3A_60 = tpu.memref_slice %arg4[%mul3A_50, %dma_wait3A_59] : memref<10000x128xf32, #tpu.memory_space<hbm>> -> memref<1000x128xf32, #tpu.memory_space<hbm>>
        tpu.wait_dma2 semaphore(%run_scoped3A_53 : memref<!tpu.dma_semaphore, #tpu.memory_space<semaphore_mem>>) src(%dma_wait3A_60 : memref<1000x128xf32, #tpu.memory_space<hbm>>) dst(%dma_wait3A_58 : memref<1000x128xf32, #tpu.memory_space<vmem_shared>>)
        tpu.yield
      }) : () -> ()
    } else {
    }
    %eq3A_4 = arith.constant 1 : i32
    %eq3A_5 = arith.cmpi eq, %arg0, %eq3A_4 : i32
    %lt3A_6 = arith.constant 10 : i32
    %lt3A_7 = arith.cmpi slt, %arg1, %lt3A_6 : i32
    %and3A_8 = arith.andi %eq3A_5, %lt3A_7 : i1
    %convert_element_type3A_9 = arith.extui %and3A_8 : i1 to i32
    %cond3A_10 = arith.constant 0 : i32
    %cond3A_11 = arith.cmpi ne, %convert_element_type3A_9, %cond3A_10 : i32
    scf.if %cond3A_11 {
      %mul3A_49 = arith.constant 1000 : i32
      %mul3A_50 = arith.muli %arg1, %mul3A_49 : i32
      %mul3A_51 = arith.constant 1000 : i32
      %mul3A_52 = arith.muli %arg1, %mul3A_51 : i32
      "tpu.region"() ({
        %run_scoped3A_53 = tpu.sem_alloc : memref<!tpu.dma_semaphore, #tpu.memory_space<semaphore_mem>>
        %dma_start3A_54 = arith.constant 0 : i32
        %dma_start3A_55 = tpu.memref_slice %arg10[%mul3A_52, %dma_start3A_54] : memref<10000x128xf32, #tpu.memory_space<vmem_shared>> -> memref<1000x128xf32, #tpu.memory_space<vmem_shared>>
        %dma_start3A_56 = arith.constant 0 : i32
        %dma_start3A_57 = tpu.memref_slice %arg5[%mul3A_50, %dma_start3A_56] : memref<10000x128xf32, #tpu.memory_space<hbm>> -> memref<1000x128xf32, #tpu.memory_space<hbm>>
        tpu.enqueue_dma source(%dma_start3A_57 : memref<1000x128xf32, #tpu.memory_space<hbm>>) target(%dma_start3A_55 : memref<1000x128xf32, #tpu.memory_space<vmem_shared>>) target_semaphore(%run_scoped3A_53 : memref<!tpu.dma_semaphore, #tpu.memory_space<semaphore_mem>>)
        %dma_wait3A = arith.constant 0 : i32
        %dma_wait3A_58 = tpu.memref_slice %arg10[%mul3A_52, %dma_wait3A] : memref<10000x128xf32, #tpu.memory_space<vmem_shared>> -> memref<1000x128xf32, #tpu.memory_space<vmem_shared>>
        %dma_wait3A_59 = arith.constant 0 : i32
        %dma_wait3A_60 = tpu.memref_slice %arg5[%mul3A_50, %dma_wait3A_59] : memref<10000x128xf32, #tpu.memory_space<hbm>> -> memref<1000x128xf32, #tpu.memory_space<hbm>>
        tpu.wait_dma2 semaphore(%run_scoped3A_53 : memref<!tpu.dma_semaphore, #tpu.memory_space<semaphore_mem>>) src(%dma_wait3A_60 : memref<1000x128xf32, #tpu.memory_space<hbm>>) dst(%dma_wait3A_58 : memref<1000x128xf32, #tpu.memory_space<vmem_shared>>)
        tpu.yield
      }) : () -> ()
    } else {
    }
    "tpu.region"() ({
      %run_scoped3A_49 = tpu.sem_alloc : memref<!tpu.dma_semaphore, #tpu.memory_space<semaphore_mem>>
      %dma_start3A_50 = arith.constant 0 : i32
      %dma_start3A_51 = arith.constant 0 : i32
      %dma_start3A_52 = tpu.memref_slice %arg3[%add3A, %dma_start3A_50, %dma_start3A_51] : memref<32x80x125xi32, #tpu.memory_space<hbm>> -> memref<1x80x125xi32, #tpu.memory_space<hbm>>
      %dma_start3A_53 = tpu.memref_squeeze %dma_start3A_52 : memref<1x80x125xi32, #tpu.memory_space<hbm>> -> memref<80x125xi32, #tpu.memory_space<hbm>>
      %dma_start3A_54 = arith.constant 0 : i32
      %dma_start3A_55 = arith.constant 0 : i32
      %dma_start3A_56 = tpu.memref_slice %arg3[%add3A, %dma_start3A_54, %dma_start3A_55] : memref<32x80x125xi32, #tpu.memory_space<hbm>> -> memref<1x80x125xi32, #tpu.memory_space<hbm>>
      %dma_start3A_57 = tpu.memref_squeeze %dma_start3A_56 : memref<1x80x125xi32, #tpu.memory_space<hbm>> -> memref<80x125xi32, #tpu.memory_space<hbm>>
      tpu.enqueue_dma source(%dma_start3A_57 : memref<80x125xi32, #tpu.memory_space<hbm>>) target(%arg8 : memref<80x125xi32, #tpu.memory_space<vmem>>) target_semaphore(%run_scoped3A_49 : memref<!tpu.dma_semaphore, #tpu.memory_space<semaphore_mem>>)
      %dma_wait3A = arith.constant 0 : i32
      %dma_wait3A_58 = arith.constant 0 : i32
      %dma_wait3A_59 = tpu.memref_slice %arg3[%add3A, %dma_wait3A, %dma_wait3A_58] : memref<32x80x125xi32, #tpu.memory_space<hbm>> -> memref<1x80x125xi32, #tpu.memory_space<hbm>>
      %dma_wait3A_60 = tpu.memref_squeeze %dma_wait3A_59 : memref<1x80x125xi32, #tpu.memory_space<hbm>> -> memref<80x125xi32, #tpu.memory_space<hbm>>
      %dma_wait3A_61 = arith.constant 0 : i32
      %dma_wait3A_62 = arith.constant 0 : i32
      %dma_wait3A_63 = tpu.memref_slice %arg3[%add3A, %dma_wait3A_61, %dma_wait3A_62] : memref<32x80x125xi32, #tpu.memory_space<hbm>> -> memref<1x80x125xi32, #tpu.memory_space<hbm>>
      %dma_wait3A_64 = tpu.memref_squeeze %dma_wait3A_63 : memref<1x80x125xi32, #tpu.memory_space<hbm>> -> memref<80x125xi32, #tpu.memory_space<hbm>>
      tpu.wait_dma2 semaphore(%run_scoped3A_49 : memref<!tpu.dma_semaphore, #tpu.memory_space<semaphore_mem>>) src(%dma_wait3A_64 : memref<80x125xi32, #tpu.memory_space<hbm>>) dst(%arg8 : memref<80x125xi32, #tpu.memory_space<vmem>>)
      tpu.yield
    }) : () -> ()
    %barrier3A = arith.constant 0 : index
    tpu.barrier barrier_id(%barrier3A)
    %run_scoped3A = arith.constant 0 : i32
    %run_scoped3A_12 = arith.constant 0 : i32
    "tpu.region"() ({
      %run_scoped3A_49 = tpu.sem_alloc : memref<!tpu.dma_semaphore, #tpu.memory_space<semaphore_mem>>
      %dma_start3A_50 = arith.constant 0 : i32
      %dma_start3A_51 = tpu.memref_slice %arg7[%run_scoped3A_12, %dma_start3A_50] : memref<2x125xi32, #tpu.memory_space<vmem>> -> memref<1x125xi32, #tpu.memory_space<vmem>>
      %dma_start3A_52 = tpu.memref_squeeze %dma_start3A_51 : memref<1x125xi32, #tpu.memory_space<vmem>> -> memref<125xi32, #tpu.memory_space<vmem>>
      %dma_start3A_53 = arith.constant 0 : i32
      %dma_start3A_54 = tpu.memref_slice %arg2[%add3A, %run_scoped3A, %dma_start3A_53] : memref<32x80x125xi32, #tpu.memory_space<hbm>> -> memref<1x1x125xi32, #tpu.memory_space<hbm>>
      %dma_start3A_55 = tpu.memref_squeeze %dma_start3A_54 : memref<1x1x125xi32, #tpu.memory_space<hbm>> -> memref<125xi32, #tpu.memory_space<hbm>>
      %dma_start3A_56 = arith.constant 0 : i32
      %dma_start3A_57 = tpu.memref_slice %arg7[%run_scoped3A_12, %dma_start3A_56] : memref<2x125xi32, #tpu.memory_space<vmem>> -> memref<1x125xi32, #tpu.memory_space<vmem>>
      %dma_start3A_58 = tpu.memref_squeeze %dma_start3A_57 : memref<1x125xi32, #tpu.memory_space<vmem>> -> memref<125xi32, #tpu.memory_space<vmem>>
      %dma_start3A_59 = arith.constant 0 : i32
      %dma_start3A_60 = tpu.memref_slice %arg2[%add3A, %run_scoped3A, %dma_start3A_59] : memref<32x80x125xi32, #tpu.memory_space<hbm>> -> memref<1x1x125xi32, #tpu.memory_space<hbm>>
      %dma_start3A_61 = tpu.memref_squeeze %dma_start3A_60 : memref<1x1x125xi32, #tpu.memory_space<hbm>> -> memref<125xi32, #tpu.memory_space<hbm>>
      tpu.enqueue_dma source(%dma_start3A_61 : memref<125xi32, #tpu.memory_space<hbm>>) target(%dma_start3A_58 : memref<125xi32, #tpu.memory_space<vmem>>) target_semaphore(%run_scoped3A_49 : memref<!tpu.dma_semaphore, #tpu.memory_space<semaphore_mem>>)
      %dma_wait3A = arith.constant 0 : i32
      %dma_wait3A_62 = tpu.memref_slice %arg7[%run_scoped3A_12, %dma_wait3A] : memref<2x125xi32, #tpu.memory_space<vmem>> -> memref<1x125xi32, #tpu.memory_space<vmem>>
      %dma_wait3A_63 = tpu.memref_squeeze %dma_wait3A_62 : memref<1x125xi32, #tpu.memory_space<vmem>> -> memref<125xi32, #tpu.memory_space<vmem>>
      %dma_wait3A_64 = arith.constant 0 : i32
      %dma_wait3A_65 = tpu.memref_slice %arg2[%add3A, %run_scoped3A, %dma_wait3A_64] : memref<32x80x125xi32, #tpu.memory_space<hbm>> -> memref<1x1x125xi32, #tpu.memory_space<hbm>>
      %dma_wait3A_66 = tpu.memref_squeeze %dma_wait3A_65 : memref<1x1x125xi32, #tpu.memory_space<hbm>> -> memref<125xi32, #tpu.memory_space<hbm>>
      %dma_wait3A_67 = arith.constant 0 : i32
      %dma_wait3A_68 = tpu.memref_slice %arg7[%run_scoped3A_12, %dma_wait3A_67] : memref<2x125xi32, #tpu.memory_space<vmem>> -> memref<1x125xi32, #tpu.memory_space<vmem>>
      %dma_wait3A_69 = tpu.memref_squeeze %dma_wait3A_68 : memref<1x125xi32, #tpu.memory_space<vmem>> -> memref<125xi32, #tpu.memory_space<vmem>>
      %dma_wait3A_70 = arith.constant 0 : i32
      %dma_wait3A_71 = tpu.memref_slice %arg2[%add3A, %run_scoped3A, %dma_wait3A_70] : memref<32x80x125xi32, #tpu.memory_space<hbm>> -> memref<1x1x125xi32, #tpu.memory_space<hbm>>
      %dma_wait3A_72 = tpu.memref_squeeze %dma_wait3A_71 : memref<1x1x125xi32, #tpu.memory_space<hbm>> -> memref<125xi32, #tpu.memory_space<hbm>>
      tpu.wait_dma2 semaphore(%run_scoped3A_49 : memref<!tpu.dma_semaphore, #tpu.memory_space<semaphore_mem>>) src(%dma_wait3A_72 : memref<125xi32, #tpu.memory_space<hbm>>) dst(%dma_wait3A_69 : memref<125xi32, #tpu.memory_space<vmem>>)
      tpu.yield
    }) : () -> ()
    %run_scoped3A_13 = arith.constant 1 : i32
    %run_scoped3A_14 = arith.constant 1 : i32
    "tpu.region"() ({
      %run_scoped3A_49 = tpu.sem_alloc : memref<!tpu.dma_semaphore, #tpu.memory_space<semaphore_mem>>
      %dma_start3A_50 = arith.constant 0 : i32
      %dma_start3A_51 = tpu.memref_slice %arg7[%run_scoped3A_14, %dma_start3A_50] : memref<2x125xi32, #tpu.memory_space<vmem>> -> memref<1x125xi32, #tpu.memory_space<vmem>>
      %dma_start3A_52 = tpu.memref_squeeze %dma_start3A_51 : memref<1x125xi32, #tpu.memory_space<vmem>> -> memref<125xi32, #tpu.memory_space<vmem>>
      %dma_start3A_53 = arith.constant 0 : i32
      %dma_start3A_54 = tpu.memref_slice %arg2[%add3A, %run_scoped3A_13, %dma_start3A_53] : memref<32x80x125xi32, #tpu.memory_space<hbm>> -> memref<1x1x125xi32, #tpu.memory_space<hbm>>
      %dma_start3A_55 = tpu.memref_squeeze %dma_start3A_54 : memref<1x1x125xi32, #tpu.memory_space<hbm>> -> memref<125xi32, #tpu.memory_space<hbm>>
      %dma_start3A_56 = arith.constant 0 : i32
      %dma_start3A_57 = tpu.memref_slice %arg7[%run_scoped3A_14, %dma_start3A_56] : memref<2x125xi32, #tpu.memory_space<vmem>> -> memref<1x125xi32, #tpu.memory_space<vmem>>
      %dma_start3A_58 = tpu.memref_squeeze %dma_start3A_57 : memref<1x125xi32, #tpu.memory_space<vmem>> -> memref<125xi32, #tpu.memory_space<vmem>>
      %dma_start3A_59 = arith.constant 0 : i32
      %dma_start3A_60 = tpu.memref_slice %arg2[%add3A, %run_scoped3A_13, %dma_start3A_59] : memref<32x80x125xi32, #tpu.memory_space<hbm>> -> memref<1x1x125xi32, #tpu.memory_space<hbm>>
      %dma_start3A_61 = tpu.memref_squeeze %dma_start3A_60 : memref<1x1x125xi32, #tpu.memory_space<hbm>> -> memref<125xi32, #tpu.memory_space<hbm>>
      tpu.enqueue_dma source(%dma_start3A_61 : memref<125xi32, #tpu.memory_space<hbm>>) target(%dma_start3A_58 : memref<125xi32, #tpu.memory_space<vmem>>) target_semaphore(%run_scoped3A_49 : memref<!tpu.dma_semaphore, #tpu.memory_space<semaphore_mem>>)
      %dma_wait3A = arith.constant 0 : i32
      %dma_wait3A_62 = tpu.memref_slice %arg7[%run_scoped3A_14, %dma_wait3A] : memref<2x125xi32, #tpu.memory_space<vmem>> -> memref<1x125xi32, #tpu.memory_space<vmem>>
      %dma_wait3A_63 = tpu.memref_squeeze %dma_wait3A_62 : memref<1x125xi32, #tpu.memory_space<vmem>> -> memref<125xi32, #tpu.memory_space<vmem>>
      %dma_wait3A_64 = arith.constant 0 : i32
      %dma_wait3A_65 = tpu.memref_slice %arg2[%add3A, %run_scoped3A_13, %dma_wait3A_64] : memref<32x80x125xi32, #tpu.memory_space<hbm>> -> memref<1x1x125xi32, #tpu.memory_space<hbm>>
      %dma_wait3A_66 = tpu.memref_squeeze %dma_wait3A_65 : memref<1x1x125xi32, #tpu.memory_space<hbm>> -> memref<125xi32, #tpu.memory_space<hbm>>
      %dma_wait3A_67 = arith.constant 0 : i32
      %dma_wait3A_68 = tpu.memref_slice %arg7[%run_scoped3A_14, %dma_wait3A_67] : memref<2x125xi32, #tpu.memory_space<vmem>> -> memref<1x125xi32, #tpu.memory_space<vmem>>
      %dma_wait3A_69 = tpu.memref_squeeze %dma_wait3A_68 : memref<1x125xi32, #tpu.memory_space<vmem>> -> memref<125xi32, #tpu.memory_space<vmem>>
      %dma_wait3A_70 = arith.constant 0 : i32
      %dma_wait3A_71 = tpu.memref_slice %arg2[%add3A, %run_scoped3A_13, %dma_wait3A_70] : memref<32x80x125xi32, #tpu.memory_space<hbm>> -> memref<1x1x125xi32, #tpu.memory_space<hbm>>
      %dma_wait3A_72 = tpu.memref_squeeze %dma_wait3A_71 : memref<1x1x125xi32, #tpu.memory_space<hbm>> -> memref<125xi32, #tpu.memory_space<hbm>>
      tpu.wait_dma2 semaphore(%run_scoped3A_49 : memref<!tpu.dma_semaphore, #tpu.memory_space<semaphore_mem>>) src(%dma_wait3A_72 : memref<125xi32, #tpu.memory_space<hbm>>) dst(%dma_wait3A_69 : memref<125xi32, #tpu.memory_space<vmem>>)
      tpu.yield
    }) : () -> ()
    %dma_start3A = arith.constant 0 : i32
    %dma_start3A_15 = arith.constant 0 : i32
    %dma_start3A_16 = arith.constant 0 : i32
    %dma_start3A_17 = arith.constant 0 : i32
    %dma_start3A_18 = tpu.memref_slice %arg9[%dma_start3A_15, %dma_start3A_16, %dma_start3A_17] : memref<2x125x128xf32, #tpu.memory_space<vmem>> -> memref<1x125x128xf32, #tpu.memory_space<vmem>>
    %dma_start3A_19 = tpu.memref_squeeze %dma_start3A_18 : memref<1x125x128xf32, #tpu.memory_space<vmem>> -> memref<125x128xf32, #tpu.memory_space<vmem>>
    %dma_start3A_20 = arith.constant 0 : i32
    %dma_start3A_21 = tpu.memref_slice %arg7[%dma_start3A, %dma_start3A_20] : memref<2x125xi32, #tpu.memory_space<vmem>> -> memref<1x125xi32, #tpu.memory_space<vmem>>
    %dma_start3A_22 = tpu.memref_squeeze %dma_start3A_21 : memref<1x125xi32, #tpu.memory_space<vmem>> -> memref<125xi32, #tpu.memory_space<vmem>>
    %dma_start3A_23 = arith.constant 0 : i32
    %dma_start3A_24 = arith.constant 0 : i32
    %dma_start3A_25 = tpu.memref_slice %arg4[%dma_start3A_23, %dma_start3A_24] : memref<10000x128xf32, #tpu.memory_space<hbm>> -> memref<10000x128xf32, #tpu.memory_space<hbm>>
    tpu.enqueue_indirect_dma source(%dma_start3A_25 : memref<10000x128xf32, #tpu.memory_space<hbm>>) target(%dma_start3A_19 : memref<125x128xf32, #tpu.memory_space<vmem>>) offsets(%dma_start3A_22 : memref<125xi32, #tpu.memory_space<vmem>>) semaphore(%arg11 : memref<!tpu.dma_semaphore, #tpu.memory_space<semaphore_mem>>)
    %dma_start3A_26 = arith.constant 1 : i32
    %dma_start3A_27 = arith.constant 1 : i32
    %dma_start3A_28 = arith.constant 0 : i32
    %dma_start3A_29 = arith.constant 0 : i32
    %dma_start3A_30 = tpu.memref_slice %arg9[%dma_start3A_27, %dma_start3A_28, %dma_start3A_29] : memref<2x125x128xf32, #tpu.memory_space<vmem>> -> memref<1x125x128xf32, #tpu.memory_space<vmem>>
    %dma_start3A_31 = tpu.memref_squeeze %dma_start3A_30 : memref<1x125x128xf32, #tpu.memory_space<vmem>> -> memref<125x128xf32, #tpu.memory_space<vmem>>
    %dma_start3A_32 = arith.constant 0 : i32
    %dma_start3A_33 = tpu.memref_slice %arg7[%dma_start3A_26, %dma_start3A_32] : memref<2x125xi32, #tpu.memory_space<vmem>> -> memref<1x125xi32, #tpu.memory_space<vmem>>
    %dma_start3A_34 = tpu.memref_squeeze %dma_start3A_33 : memref<1x125xi32, #tpu.memory_space<vmem>> -> memref<125xi32, #tpu.memory_space<vmem>>
    %dma_start3A_35 = arith.constant 0 : i32
    %dma_start3A_36 = arith.constant 0 : i32
    %dma_start3A_37 = tpu.memref_slice %arg4[%dma_start3A_35, %dma_start3A_36] : memref<10000x128xf32, #tpu.memory_space<hbm>> -> memref<10000x128xf32, #tpu.memory_space<hbm>>
    tpu.enqueue_indirect_dma source(%dma_start3A_37 : memref<10000x128xf32, #tpu.memory_space<hbm>>) target(%dma_start3A_31 : memref<125x128xf32, #tpu.memory_space<vmem>>) offsets(%dma_start3A_34 : memref<125xi32, #tpu.memory_space<vmem>>) semaphore(%arg12 : memref<!tpu.dma_semaphore, #tpu.memory_space<semaphore_mem>>)
    %scan3A = arith.constant 0 : i32
    %scan3A_38 = arith.constant 0 : i32
    %scan3A_39 = arith.constant 40 : i32
    %scan3A_40 = arith.addi %scan3A_38, %scan3A_39 : i32
    %scan3A_41 = arith.constant 1 : i32
    scf.for %scan3A_49 = %scan3A_38 to %scan3A_40 step %scan3A_41  : i32 {
      %mul3A_50 = arith.constant 2 : i32
      %mul3A_51 = arith.muli %scan3A_49, %mul3A_50 : i32
      %add3A_52 = arith.constant 0 : i32
      %add3A_53 = arith.addi %mul3A_51, %add3A_52 : i32
      %lt3A_54 = arith.constant 80 : i32
      %lt3A_55 = arith.cmpi slt, %add3A_53, %lt3A_54 : i32
      %convert_element_type3A_56 = arith.extui %lt3A_55 : i1 to i32
      %cond3A_57 = arith.constant 0 : i32
      %cond3A_58 = arith.cmpi ne, %convert_element_type3A_56, %cond3A_57 : i32
      scf.if %cond3A_58 {
        %dma_wait3A = arith.constant 0 : i32
        %dma_wait3A_68 = arith.constant 0 : i32
        %dma_wait3A_69 = arith.constant 0 : i32
        %dma_wait3A_70 = arith.constant 0 : i32
        %dma_wait3A_71 = tpu.memref_slice %arg9[%dma_wait3A_68, %dma_wait3A_69, %dma_wait3A_70] : memref<2x125x128xf32, #tpu.memory_space<vmem>> -> memref<1x125x128xf32, #tpu.memory_space<vmem>>
        %dma_wait3A_72 = tpu.memref_squeeze %dma_wait3A_71 : memref<1x125x128xf32, #tpu.memory_space<vmem>> -> memref<125x128xf32, #tpu.memory_space<vmem>>
        %dma_wait3A_73 = arith.constant 0 : i32
        %dma_wait3A_74 = tpu.memref_slice %arg7[%dma_wait3A, %dma_wait3A_73] : memref<2x125xi32, #tpu.memory_space<vmem>> -> memref<1x125xi32, #tpu.memory_space<vmem>>
        %dma_wait3A_75 = tpu.memref_squeeze %dma_wait3A_74 : memref<1x125xi32, #tpu.memory_space<vmem>> -> memref<125xi32, #tpu.memory_space<vmem>>
        %dma_wait3A_76 = arith.constant 0 : i32
        %dma_wait3A_77 = arith.constant 0 : i32
        %dma_wait3A_78 = tpu.memref_slice %arg4[%dma_wait3A_76, %dma_wait3A_77] : memref<10000x128xf32, #tpu.memory_space<hbm>> -> memref<10000x128xf32, #tpu.memory_space<hbm>>
        tpu.wait_indirect_dma semaphore(%arg11 : memref<!tpu.dma_semaphore, #tpu.memory_space<semaphore_mem>>) src(%dma_wait3A_78 : memref<10000x128xf32, #tpu.memory_space<hbm>>) dst(%dma_wait3A_72 : memref<125x128xf32, #tpu.memory_space<vmem>>)
        %add3A_79 = arith.constant 2 : i32
        %add3A_80 = arith.addi %add3A_53, %add3A_79 : i32
        %lt3A_81 = arith.constant 80 : i32
        %lt3A_82 = arith.cmpi slt, %add3A_80, %lt3A_81 : i32
        %convert_element_type3A_83 = arith.extui %lt3A_82 : i1 to i32
        %cond3A_84 = arith.constant 0 : i32
        %cond3A_85 = arith.cmpi ne, %convert_element_type3A_83, %cond3A_84 : i32
        scf.if %cond3A_85 {
          %add3A_94 = arith.constant 2 : i32
          %add3A_95 = arith.addi %add3A_53, %add3A_94 : i32
          %dma_start3A_96 = arith.constant 0 : i32
          %dma_start3A_97 = arith.constant 0 : i32
          %dma_start3A_98 = tpu.memref_slice %arg7[%dma_start3A_96, %dma_start3A_97] : memref<2x125xi32, #tpu.memory_space<vmem>> -> memref<1x125xi32, #tpu.memory_space<vmem>>
          %dma_start3A_99 = tpu.memref_squeeze %dma_start3A_98 : memref<1x125xi32, #tpu.memory_space<vmem>> -> memref<125xi32, #tpu.memory_space<vmem>>
          %dma_start3A_100 = arith.constant 0 : i32
          %dma_start3A_101 = tpu.memref_slice %arg2[%add3A, %add3A_95, %dma_start3A_100] : memref<32x80x125xi32, #tpu.memory_space<hbm>> -> memref<1x1x125xi32, #tpu.memory_space<hbm>>
          %dma_start3A_102 = tpu.memref_squeeze %dma_start3A_101 : memref<1x1x125xi32, #tpu.memory_space<hbm>> -> memref<125xi32, #tpu.memory_space<hbm>>
          %dma_start3A_103 = arith.constant 0 : i32
          %dma_start3A_104 = tpu.memref_slice %arg7[%dma_start3A_96, %dma_start3A_103] : memref<2x125xi32, #tpu.memory_space<vmem>> -> memref<1x125xi32, #tpu.memory_space<vmem>>
          %dma_start3A_105 = tpu.memref_squeeze %dma_start3A_104 : memref<1x125xi32, #tpu.memory_space<vmem>> -> memref<125xi32, #tpu.memory_space<vmem>>
          %dma_start3A_106 = arith.constant 0 : i32
          %dma_start3A_107 = tpu.memref_slice %arg2[%add3A, %add3A_95, %dma_start3A_106] : memref<32x80x125xi32, #tpu.memory_space<hbm>> -> memref<1x1x125xi32, #tpu.memory_space<hbm>>
          %dma_start3A_108 = tpu.memref_squeeze %dma_start3A_107 : memref<1x1x125xi32, #tpu.memory_space<hbm>> -> memref<125xi32, #tpu.memory_space<hbm>>
          tpu.enqueue_dma source(%dma_start3A_108 : memref<125xi32, #tpu.memory_space<hbm>>) target(%dma_start3A_105 : memref<125xi32, #tpu.memory_space<vmem>>) target_semaphore(%arg13 : memref<!tpu.dma_semaphore, #tpu.memory_space<semaphore_mem>>)
        } else {
        }
        %run_scoped3A_86 = arith.constant 0 : i32
        "tpu.region"() ({
          %run_scoped3A_94 = tpu.sem_alloc : memref<!tpu.dma_semaphore, #tpu.memory_space<semaphore_mem>>
          %dma_start3A_95 = arith.constant 0 : i32
          %dma_start3A_96 = arith.constant 0 : i32
          %dma_start3A_97 = tpu.memref_slice %arg9[%run_scoped3A_86, %dma_start3A_95, %dma_start3A_96] : memref<2x125x128xf32, #tpu.memory_space<vmem>> -> memref<1x125x128xf32, #tpu.memory_space<vmem>>
          %dma_start3A_98 = tpu.memref_squeeze %dma_start3A_97 : memref<1x125x128xf32, #tpu.memory_space<vmem>> -> memref<125x128xf32, #tpu.memory_space<vmem>>
          %dma_start3A_99 = arith.constant 0 : i32
          %dma_start3A_100 = tpu.memref_slice %arg8[%add3A_53, %dma_start3A_99] : memref<80x125xi32, #tpu.memory_space<vmem>> -> memref<1x125xi32, #tpu.memory_space<vmem>>
          %dma_start3A_101 = tpu.memref_squeeze %dma_start3A_100 : memref<1x125xi32, #tpu.memory_space<vmem>> -> memref<125xi32, #tpu.memory_space<vmem>>
          %dma_start3A_102 = arith.constant 0 : i32
          %dma_start3A_103 = arith.constant 0 : i32
          %dma_start3A_104 = tpu.memref_slice %arg10[%dma_start3A_102, %dma_start3A_103] : memref<10000x128xf32, #tpu.memory_space<vmem_shared>> -> memref<10000x128xf32, #tpu.memory_space<vmem_shared>>
          tpu.enqueue_indirect_dma source(%dma_start3A_98 : memref<125x128xf32, #tpu.memory_space<vmem>>) target(%dma_start3A_104 : memref<10000x128xf32, #tpu.memory_space<vmem_shared>>) offsets(%dma_start3A_101 : memref<125xi32, #tpu.memory_space<vmem>>) semaphore(%run_scoped3A_94 : memref<!tpu.dma_semaphore, #tpu.memory_space<semaphore_mem>>) {add = true}
          %dma_wait3A_105 = arith.constant 0 : i32
          %dma_wait3A_106 = arith.constant 0 : i32
          %dma_wait3A_107 = tpu.memref_slice %arg9[%run_scoped3A_86, %dma_wait3A_105, %dma_wait3A_106] : memref<2x125x128xf32, #tpu.memory_space<vmem>> -> memref<1x125x128xf32, #tpu.memory_space<vmem>>
          %dma_wait3A_108 = tpu.memref_squeeze %dma_wait3A_107 : memref<1x125x128xf32, #tpu.memory_space<vmem>> -> memref<125x128xf32, #tpu.memory_space<vmem>>
          %dma_wait3A_109 = arith.constant 0 : i32
          %dma_wait3A_110 = tpu.memref_slice %arg8[%add3A_53, %dma_wait3A_109] : memref<80x125xi32, #tpu.memory_space<vmem>> -> memref<1x125xi32, #tpu.memory_space<vmem>>
          %dma_wait3A_111 = tpu.memref_squeeze %dma_wait3A_110 : memref<1x125xi32, #tpu.memory_space<vmem>> -> memref<125xi32, #tpu.memory_space<vmem>>
          %dma_wait3A_112 = arith.constant 0 : i32
          %dma_wait3A_113 = arith.constant 0 : i32
          %dma_wait3A_114 = tpu.memref_slice %arg10[%dma_wait3A_112, %dma_wait3A_113] : memref<10000x128xf32, #tpu.memory_space<vmem_shared>> -> memref<10000x128xf32, #tpu.memory_space<vmem_shared>>
          tpu.wait_indirect_dma semaphore(%run_scoped3A_94 : memref<!tpu.dma_semaphore, #tpu.memory_space<semaphore_mem>>) src(%dma_wait3A_108 : memref<125x128xf32, #tpu.memory_space<vmem>>) dst(%dma_wait3A_114 : memref<10000x128xf32, #tpu.memory_space<vmem_shared>>)
          tpu.yield
        }) : () -> ()
        %add3A_87 = arith.constant 2 : i32
        %add3A_88 = arith.addi %add3A_53, %add3A_87 : i32
        %lt3A_89 = arith.constant 80 : i32
        %lt3A_90 = arith.cmpi slt, %add3A_88, %lt3A_89 : i32
        %convert_element_type3A_91 = arith.extui %lt3A_90 : i1 to i32
        %cond3A_92 = arith.constant 0 : i32
        %cond3A_93 = arith.cmpi ne, %convert_element_type3A_91, %cond3A_92 : i32
        scf.if %cond3A_93 {
          %add3A_94 = arith.constant 2 : i32
          %add3A_95 = arith.addi %add3A_53, %add3A_94 : i32
          %dma_wait3A_96 = arith.constant 0 : i32
          %dma_wait3A_97 = arith.constant 0 : i32
          %dma_wait3A_98 = tpu.memref_slice %arg7[%dma_wait3A_96, %dma_wait3A_97] : memref<2x125xi32, #tpu.memory_space<vmem>> -> memref<1x125xi32, #tpu.memory_space<vmem>>
          %dma_wait3A_99 = tpu.memref_squeeze %dma_wait3A_98 : memref<1x125xi32, #tpu.memory_space<vmem>> -> memref<125xi32, #tpu.memory_space<vmem>>
          %dma_wait3A_100 = arith.constant 0 : i32
          %dma_wait3A_101 = tpu.memref_slice %arg2[%add3A, %add3A_95, %dma_wait3A_100] : memref<32x80x125xi32, #tpu.memory_space<hbm>> -> memref<1x1x125xi32, #tpu.memory_space<hbm>>
          %dma_wait3A_102 = tpu.memref_squeeze %dma_wait3A_101 : memref<1x1x125xi32, #tpu.memory_space<hbm>> -> memref<125xi32, #tpu.memory_space<hbm>>
          %dma_wait3A_103 = arith.constant 0 : i32
          %dma_wait3A_104 = tpu.memref_slice %arg7[%dma_wait3A_96, %dma_wait3A_103] : memref<2x125xi32, #tpu.memory_space<vmem>> -> memref<1x125xi32, #tpu.memory_space<vmem>>
          %dma_wait3A_105 = tpu.memref_squeeze %dma_wait3A_104 : memref<1x125xi32, #tpu.memory_space<vmem>> -> memref<125xi32, #tpu.memory_space<vmem>>
          %dma_wait3A_106 = arith.constant 0 : i32
          %dma_wait3A_107 = tpu.memref_slice %arg2[%add3A, %add3A_95, %dma_wait3A_106] : memref<32x80x125xi32, #tpu.memory_space<hbm>> -> memref<1x1x125xi32, #tpu.memory_space<hbm>>
          %dma_wait3A_108 = tpu.memref_squeeze %dma_wait3A_107 : memref<1x1x125xi32, #tpu.memory_space<hbm>> -> memref<125xi32, #tpu.memory_space<hbm>>
          tpu.wait_dma2 semaphore(%arg13 : memref<!tpu.dma_semaphore, #tpu.memory_space<semaphore_mem>>) src(%dma_wait3A_108 : memref<125xi32, #tpu.memory_space<hbm>>) dst(%dma_wait3A_105 : memref<125xi32, #tpu.memory_space<vmem>>)
          %dma_start3A_109 = arith.constant 0 : i32
          %dma_start3A_110 = arith.constant 0 : i32
          %dma_start3A_111 = arith.constant 0 : i32
          %dma_start3A_112 = arith.constant 0 : i32
          %dma_start3A_113 = tpu.memref_slice %arg9[%dma_start3A_110, %dma_start3A_111, %dma_start3A_112] : memref<2x125x128xf32, #tpu.memory_space<vmem>> -> memref<1x125x128xf32, #tpu.memory_space<vmem>>
          %dma_start3A_114 = tpu.memref_squeeze %dma_start3A_113 : memref<1x125x128xf32, #tpu.memory_space<vmem>> -> memref<125x128xf32, #tpu.memory_space<vmem>>
          %dma_start3A_115 = arith.constant 0 : i32
          %dma_start3A_116 = tpu.memref_slice %arg7[%dma_start3A_109, %dma_start3A_115] : memref<2x125xi32, #tpu.memory_space<vmem>> -> memref<1x125xi32, #tpu.memory_space<vmem>>
          %dma_start3A_117 = tpu.memref_squeeze %dma_start3A_116 : memref<1x125xi32, #tpu.memory_space<vmem>> -> memref<125xi32, #tpu.memory_space<vmem>>
          %dma_start3A_118 = arith.constant 0 : i32
          %dma_start3A_119 = arith.constant 0 : i32
          %dma_start3A_120 = tpu.memref_slice %arg4[%dma_start3A_118, %dma_start3A_119] : memref<10000x128xf32, #tpu.memory_space<hbm>> -> memref<10000x128xf32, #tpu.memory_space<hbm>>
          tpu.enqueue_indirect_dma source(%dma_start3A_120 : memref<10000x128xf32, #tpu.memory_space<hbm>>) target(%dma_start3A_114 : memref<125x128xf32, #tpu.memory_space<vmem>>) offsets(%dma_start3A_117 : memref<125xi32, #tpu.memory_space<vmem>>) semaphore(%arg11 : memref<!tpu.dma_semaphore, #tpu.memory_space<semaphore_mem>>)
        } else {
        }
      } else {
      }
      %mul3A_59 = arith.constant 2 : i32
      %mul3A_60 = arith.muli %scan3A_49, %mul3A_59 : i32
      %add3A_61 = arith.constant 1 : i32
      %add3A_62 = arith.addi %mul3A_60, %add3A_61 : i32
      %lt3A_63 = arith.constant 80 : i32
      %lt3A_64 = arith.cmpi slt, %add3A_62, %lt3A_63 : i32
      %convert_element_type3A_65 = arith.extui %lt3A_64 : i1 to i32
      %cond3A_66 = arith.constant 0 : i32
      %cond3A_67 = arith.cmpi ne, %convert_element_type3A_65, %cond3A_66 : i32
      scf.if %cond3A_67 {
        %dma_wait3A = arith.constant 1 : i32
        %dma_wait3A_68 = arith.constant 1 : i32
        %dma_wait3A_69 = arith.constant 0 : i32
        %dma_wait3A_70 = arith.constant 0 : i32
        %dma_wait3A_71 = tpu.memref_slice %arg9[%dma_wait3A_68, %dma_wait3A_69, %dma_wait3A_70] : memref<2x125x128xf32, #tpu.memory_space<vmem>> -> memref<1x125x128xf32, #tpu.memory_space<vmem>>
        %dma_wait3A_72 = tpu.memref_squeeze %dma_wait3A_71 : memref<1x125x128xf32, #tpu.memory_space<vmem>> -> memref<125x128xf32, #tpu.memory_space<vmem>>
        %dma_wait3A_73 = arith.constant 0 : i32
        %dma_wait3A_74 = tpu.memref_slice %arg7[%dma_wait3A, %dma_wait3A_73] : memref<2x125xi32, #tpu.memory_space<vmem>> -> memref<1x125xi32, #tpu.memory_space<vmem>>
        %dma_wait3A_75 = tpu.memref_squeeze %dma_wait3A_74 : memref<1x125xi32, #tpu.memory_space<vmem>> -> memref<125xi32, #tpu.memory_space<vmem>>
        %dma_wait3A_76 = arith.constant 0 : i32
        %dma_wait3A_77 = arith.constant 0 : i32
        %dma_wait3A_78 = tpu.memref_slice %arg4[%dma_wait3A_76, %dma_wait3A_77] : memref<10000x128xf32, #tpu.memory_space<hbm>> -> memref<10000x128xf32, #tpu.memory_space<hbm>>
        tpu.wait_indirect_dma semaphore(%arg12 : memref<!tpu.dma_semaphore, #tpu.memory_space<semaphore_mem>>) src(%dma_wait3A_78 : memref<10000x128xf32, #tpu.memory_space<hbm>>) dst(%dma_wait3A_72 : memref<125x128xf32, #tpu.memory_space<vmem>>)
        %add3A_79 = arith.constant 2 : i32
        %add3A_80 = arith.addi %add3A_62, %add3A_79 : i32
        %lt3A_81 = arith.constant 80 : i32
        %lt3A_82 = arith.cmpi slt, %add3A_80, %lt3A_81 : i32
        %convert_element_type3A_83 = arith.extui %lt3A_82 : i1 to i32
        %cond3A_84 = arith.constant 0 : i32
        %cond3A_85 = arith.cmpi ne, %convert_element_type3A_83, %cond3A_84 : i32
        scf.if %cond3A_85 {
          %add3A_94 = arith.constant 2 : i32
          %add3A_95 = arith.addi %add3A_62, %add3A_94 : i32
          %dma_start3A_96 = arith.constant 1 : i32
          %dma_start3A_97 = arith.constant 0 : i32
          %dma_start3A_98 = tpu.memref_slice %arg7[%dma_start3A_96, %dma_start3A_97] : memref<2x125xi32, #tpu.memory_space<vmem>> -> memref<1x125xi32, #tpu.memory_space<vmem>>
          %dma_start3A_99 = tpu.memref_squeeze %dma_start3A_98 : memref<1x125xi32, #tpu.memory_space<vmem>> -> memref<125xi32, #tpu.memory_space<vmem>>
          %dma_start3A_100 = arith.constant 0 : i32
          %dma_start3A_101 = tpu.memref_slice %arg2[%add3A, %add3A_95, %dma_start3A_100] : memref<32x80x125xi32, #tpu.memory_space<hbm>> -> memref<1x1x125xi32, #tpu.memory_space<hbm>>
          %dma_start3A_102 = tpu.memref_squeeze %dma_start3A_101 : memref<1x1x125xi32, #tpu.memory_space<hbm>> -> memref<125xi32, #tpu.memory_space<hbm>>
          %dma_start3A_103 = arith.constant 0 : i32
          %dma_start3A_104 = tpu.memref_slice %arg7[%dma_start3A_96, %dma_start3A_103] : memref<2x125xi32, #tpu.memory_space<vmem>> -> memref<1x125xi32, #tpu.memory_space<vmem>>
          %dma_start3A_105 = tpu.memref_squeeze %dma_start3A_104 : memref<1x125xi32, #tpu.memory_space<vmem>> -> memref<125xi32, #tpu.memory_space<vmem>>
          %dma_start3A_106 = arith.constant 0 : i32
          %dma_start3A_107 = tpu.memref_slice %arg2[%add3A, %add3A_95, %dma_start3A_106] : memref<32x80x125xi32, #tpu.memory_space<hbm>> -> memref<1x1x125xi32, #tpu.memory_space<hbm>>
          %dma_start3A_108 = tpu.memref_squeeze %dma_start3A_107 : memref<1x1x125xi32, #tpu.memory_space<hbm>> -> memref<125xi32, #tpu.memory_space<hbm>>
          tpu.enqueue_dma source(%dma_start3A_108 : memref<125xi32, #tpu.memory_space<hbm>>) target(%dma_start3A_105 : memref<125xi32, #tpu.memory_space<vmem>>) target_semaphore(%arg14 : memref<!tpu.dma_semaphore, #tpu.memory_space<semaphore_mem>>)
        } else {
        }
        %run_scoped3A_86 = arith.constant 1 : i32
        "tpu.region"() ({
          %run_scoped3A_94 = tpu.sem_alloc : memref<!tpu.dma_semaphore, #tpu.memory_space<semaphore_mem>>
          %dma_start3A_95 = arith.constant 0 : i32
          %dma_start3A_96 = arith.constant 0 : i32
          %dma_start3A_97 = tpu.memref_slice %arg9[%run_scoped3A_86, %dma_start3A_95, %dma_start3A_96] : memref<2x125x128xf32, #tpu.memory_space<vmem>> -> memref<1x125x128xf32, #tpu.memory_space<vmem>>
          %dma_start3A_98 = tpu.memref_squeeze %dma_start3A_97 : memref<1x125x128xf32, #tpu.memory_space<vmem>> -> memref<125x128xf32, #tpu.memory_space<vmem>>
          %dma_start3A_99 = arith.constant 0 : i32
          %dma_start3A_100 = tpu.memref_slice %arg8[%add3A_62, %dma_start3A_99] : memref<80x125xi32, #tpu.memory_space<vmem>> -> memref<1x125xi32, #tpu.memory_space<vmem>>
          %dma_start3A_101 = tpu.memref_squeeze %dma_start3A_100 : memref<1x125xi32, #tpu.memory_space<vmem>> -> memref<125xi32, #tpu.memory_space<vmem>>
          %dma_start3A_102 = arith.constant 0 : i32
          %dma_start3A_103 = arith.constant 0 : i32
          %dma_start3A_104 = tpu.memref_slice %arg10[%dma_start3A_102, %dma_start3A_103] : memref<10000x128xf32, #tpu.memory_space<vmem_shared>> -> memref<10000x128xf32, #tpu.memory_space<vmem_shared>>
          tpu.enqueue_indirect_dma source(%dma_start3A_98 : memref<125x128xf32, #tpu.memory_space<vmem>>) target(%dma_start3A_104 : memref<10000x128xf32, #tpu.memory_space<vmem_shared>>) offsets(%dma_start3A_101 : memref<125xi32, #tpu.memory_space<vmem>>) semaphore(%run_scoped3A_94 : memref<!tpu.dma_semaphore, #tpu.memory_space<semaphore_mem>>) {add = true}
          %dma_wait3A_105 = arith.constant 0 : i32
          %dma_wait3A_106 = arith.constant 0 : i32
          %dma_wait3A_107 = tpu.memref_slice %arg9[%run_scoped3A_86, %dma_wait3A_105, %dma_wait3A_106] : memref<2x125x128xf32, #tpu.memory_space<vmem>> -> memref<1x125x128xf32, #tpu.memory_space<vmem>>
          %dma_wait3A_108 = tpu.memref_squeeze %dma_wait3A_107 : memref<1x125x128xf32, #tpu.memory_space<vmem>> -> memref<125x128xf32, #tpu.memory_space<vmem>>
          %dma_wait3A_109 = arith.constant 0 : i32
          %dma_wait3A_110 = tpu.memref_slice %arg8[%add3A_62, %dma_wait3A_109] : memref<80x125xi32, #tpu.memory_space<vmem>> -> memref<1x125xi32, #tpu.memory_space<vmem>>
          %dma_wait3A_111 = tpu.memref_squeeze %dma_wait3A_110 : memref<1x125xi32, #tpu.memory_space<vmem>> -> memref<125xi32, #tpu.memory_space<vmem>>
          %dma_wait3A_112 = arith.constant 0 : i32
          %dma_wait3A_113 = arith.constant 0 : i32
          %dma_wait3A_114 = tpu.memref_slice %arg10[%dma_wait3A_112, %dma_wait3A_113] : memref<10000x128xf32, #tpu.memory_space<vmem_shared>> -> memref<10000x128xf32, #tpu.memory_space<vmem_shared>>
          tpu.wait_indirect_dma semaphore(%run_scoped3A_94 : memref<!tpu.dma_semaphore, #tpu.memory_space<semaphore_mem>>) src(%dma_wait3A_108 : memref<125x128xf32, #tpu.memory_space<vmem>>) dst(%dma_wait3A_114 : memref<10000x128xf32, #tpu.memory_space<vmem_shared>>)
          tpu.yield
        }) : () -> ()
        %add3A_87 = arith.constant 2 : i32
        %add3A_88 = arith.addi %add3A_62, %add3A_87 : i32
        %lt3A_89 = arith.constant 80 : i32
        %lt3A_90 = arith.cmpi slt, %add3A_88, %lt3A_89 : i32
        %convert_element_type3A_91 = arith.extui %lt3A_90 : i1 to i32
        %cond3A_92 = arith.constant 0 : i32
        %cond3A_93 = arith.cmpi ne, %convert_element_type3A_91, %cond3A_92 : i32
        scf.if %cond3A_93 {
          %add3A_94 = arith.constant 2 : i32
          %add3A_95 = arith.addi %add3A_62, %add3A_94 : i32
          %dma_wait3A_96 = arith.constant 1 : i32
          %dma_wait3A_97 = arith.constant 0 : i32
          %dma_wait3A_98 = tpu.memref_slice %arg7[%dma_wait3A_96, %dma_wait3A_97] : memref<2x125xi32, #tpu.memory_space<vmem>> -> memref<1x125xi32, #tpu.memory_space<vmem>>
          %dma_wait3A_99 = tpu.memref_squeeze %dma_wait3A_98 : memref<1x125xi32, #tpu.memory_space<vmem>> -> memref<125xi32, #tpu.memory_space<vmem>>
          %dma_wait3A_100 = arith.constant 0 : i32
          %dma_wait3A_101 = tpu.memref_slice %arg2[%add3A, %add3A_95, %dma_wait3A_100] : memref<32x80x125xi32, #tpu.memory_space<hbm>> -> memref<1x1x125xi32, #tpu.memory_space<hbm>>
          %dma_wait3A_102 = tpu.memref_squeeze %dma_wait3A_101 : memref<1x1x125xi32, #tpu.memory_space<hbm>> -> memref<125xi32, #tpu.memory_space<hbm>>
          %dma_wait3A_103 = arith.constant 0 : i32
          %dma_wait3A_104 = tpu.memref_slice %arg7[%dma_wait3A_96, %dma_wait3A_103] : memref<2x125xi32, #tpu.memory_space<vmem>> -> memref<1x125xi32, #tpu.memory_space<vmem>>
          %dma_wait3A_105 = tpu.memref_squeeze %dma_wait3A_104 : memref<1x125xi32, #tpu.memory_space<vmem>> -> memref<125xi32, #tpu.memory_space<vmem>>
          %dma_wait3A_106 = arith.constant 0 : i32
          %dma_wait3A_107 = tpu.memref_slice %arg2[%add3A, %add3A_95, %dma_wait3A_106] : memref<32x80x125xi32, #tpu.memory_space<hbm>> -> memref<1x1x125xi32, #tpu.memory_space<hbm>>
          %dma_wait3A_108 = tpu.memref_squeeze %dma_wait3A_107 : memref<1x1x125xi32, #tpu.memory_space<hbm>> -> memref<125xi32, #tpu.memory_space<hbm>>
          tpu.wait_dma2 semaphore(%arg14 : memref<!tpu.dma_semaphore, #tpu.memory_space<semaphore_mem>>) src(%dma_wait3A_108 : memref<125xi32, #tpu.memory_space<hbm>>) dst(%dma_wait3A_105 : memref<125xi32, #tpu.memory_space<vmem>>)
          %dma_start3A_109 = arith.constant 1 : i32
          %dma_start3A_110 = arith.constant 1 : i32
          %dma_start3A_111 = arith.constant 0 : i32
          %dma_start3A_112 = arith.constant 0 : i32
          %dma_start3A_113 = tpu.memref_slice %arg9[%dma_start3A_110, %dma_start3A_111, %dma_start3A_112] : memref<2x125x128xf32, #tpu.memory_space<vmem>> -> memref<1x125x128xf32, #tpu.memory_space<vmem>>
          %dma_start3A_114 = tpu.memref_squeeze %dma_start3A_113 : memref<1x125x128xf32, #tpu.memory_space<vmem>> -> memref<125x128xf32, #tpu.memory_space<vmem>>
          %dma_start3A_115 = arith.constant 0 : i32
          %dma_start3A_116 = tpu.memref_slice %arg7[%dma_start3A_109, %dma_start3A_115] : memref<2x125xi32, #tpu.memory_space<vmem>> -> memref<1x125xi32, #tpu.memory_space<vmem>>
          %dma_start3A_117 = tpu.memref_squeeze %dma_start3A_116 : memref<1x125xi32, #tpu.memory_space<vmem>> -> memref<125xi32, #tpu.memory_space<vmem>>
          %dma_start3A_118 = arith.constant 0 : i32
          %dma_start3A_119 = arith.constant 0 : i32
          %dma_start3A_120 = tpu.memref_slice %arg4[%dma_start3A_118, %dma_start3A_119] : memref<10000x128xf32, #tpu.memory_space<hbm>> -> memref<10000x128xf32, #tpu.memory_space<hbm>>
          tpu.enqueue_indirect_dma source(%dma_start3A_120 : memref<10000x128xf32, #tpu.memory_space<hbm>>) target(%dma_start3A_114 : memref<125x128xf32, #tpu.memory_space<vmem>>) offsets(%dma_start3A_117 : memref<125xi32, #tpu.memory_space<vmem>>) semaphore(%arg12 : memref<!tpu.dma_semaphore, #tpu.memory_space<semaphore_mem>>)
        } else {
        }
      } else {
      }
    }
    %scan3A_42 = arith.constant 40 : i32
    %barrier3A_43 = arith.constant 0 : index
    tpu.barrier barrier_id(%barrier3A_43)
    %lt3A_44 = arith.constant 10 : i32
    %lt3A_45 = arith.cmpi slt, %arg1, %lt3A_44 : i32
    %convert_element_type3A_46 = arith.extui %lt3A_45 : i1 to i32
    %cond3A_47 = arith.constant 0 : i32
    %cond3A_48 = arith.cmpi ne, %convert_element_type3A_46, %cond3A_47 : i32
    scf.if %cond3A_48 {
      %mul3A_49 = arith.constant 1000 : i32
      %mul3A_50 = arith.muli %arg1, %mul3A_49 : i32
      %mul3A_51 = arith.constant 1000 : i32
      %mul3A_52 = arith.muli %arg1, %mul3A_51 : i32
      "tpu.region"() ({
        %run_scoped3A_53 = tpu.sem_alloc : memref<!tpu.dma_semaphore, #tpu.memory_space<semaphore_mem>>
        %dma_start3A_54 = arith.constant 0 : i32
        %dma_start3A_55 = tpu.memref_slice %arg6[%arg0, %mul3A_52, %dma_start3A_54] : memref<2x10000x128xf32, #tpu.memory_space<hbm>> -> memref<1x1000x128xf32, #tpu.memory_space<hbm>>
        %dma_start3A_56 = tpu.memref_squeeze %dma_start3A_55 : memref<1x1000x128xf32, #tpu.memory_space<hbm>> -> memref<1000x128xf32, #tpu.memory_space<hbm>>
        %dma_start3A_57 = arith.constant 0 : i32
        %dma_start3A_58 = tpu.memref_slice %arg10[%mul3A_50, %dma_start3A_57] : memref<10000x128xf32, #tpu.memory_space<vmem_shared>> -> memref<1000x128xf32, #tpu.memory_space<vmem_shared>>
        tpu.enqueue_dma source(%dma_start3A_58 : memref<1000x128xf32, #tpu.memory_space<vmem_shared>>) target(%dma_start3A_56 : memref<1000x128xf32, #tpu.memory_space<hbm>>) target_semaphore(%run_scoped3A_53 : memref<!tpu.dma_semaphore, #tpu.memory_space<semaphore_mem>>)
        %dma_wait3A = arith.constant 0 : i32
        %dma_wait3A_59 = tpu.memref_slice %arg6[%arg0, %mul3A_52, %dma_wait3A] : memref<2x10000x128xf32, #tpu.memory_space<hbm>> -> memref<1x1000x128xf32, #tpu.memory_space<hbm>>
        %dma_wait3A_60 = tpu.memref_squeeze %dma_wait3A_59 : memref<1x1000x128xf32, #tpu.memory_space<hbm>> -> memref<1000x128xf32, #tpu.memory_space<hbm>>
        %dma_wait3A_61 = arith.constant 0 : i32
        %dma_wait3A_62 = tpu.memref_slice %arg10[%mul3A_50, %dma_wait3A_61] : memref<10000x128xf32, #tpu.memory_space<vmem_shared>> -> memref<1000x128xf32, #tpu.memory_space<vmem_shared>>
        tpu.wait_dma2 semaphore(%run_scoped3A_53 : memref<!tpu.dma_semaphore, #tpu.memory_space<semaphore_mem>>) src(%dma_wait3A_62 : memref<1000x128xf32, #tpu.memory_space<vmem_shared>>) dst(%dma_wait3A_60 : memref<1000x128xf32, #tpu.memory_space<hbm>>)
        tpu.yield
      }) : () -> ()
    } else {
    }
    return
  }
}

#map = affine_map<(d0, d1) -> (0, 0, 0)>
#map1 = affine_map<(d0, d1) -> (0, 0)>
module attributes {stable_mosaic.version = 14 : i64} {
  func.func @k(%arg0: i32, %arg1: i32, %arg2: memref<32x80x125xi32, #tpu.memory_space<hbm>>, %arg3: memref<32x80x125xi32, #tpu.memory_space<hbm>>, %arg4: memref<10000x128xf32, #tpu.memory_space<hbm>>, %arg5: memref<10000x128xf32, #tpu.memory_space<hbm>>, %arg6: memref<2x10000x128xf32, #tpu.memory_space<hbm>>, %arg7: memref<2x125xi32, #tpu.memory_space<vmem>>, %arg8: memref<80x125xi32, #tpu.memory_space<vmem>>, %arg9: memref<2x125x128xf32, #tpu.memory_space<vmem>>, %arg10: memref<10000x128xf32, #tpu.memory_space<vmem_shared>>, %arg11: memref<!tpu.dma_semaphore, #tpu.memory_space<semaphore_mem>>, %arg12: memref<!tpu.dma_semaphore, #tpu.memory_space<semaphore_mem>>, %arg13: memref<!tpu.dma_semaphore, #tpu.memory_space<semaphore_mem>>, %arg14: memref<!tpu.dma_semaphore, #tpu.memory_space<semaphore_mem>>) attributes {dimension_semantics = [#tpu.dimension_semantics<core_parallel>, #tpu.dimension_semantics<subcore_parallel>], iteration_bounds = array<i64: 2, 16>, scalar_prefetch = 0 : i64, scratch_operands = 8 : i64, tpu.core_type = #tpu.core_type<sc_vector_subcore>, window_params = [{transform_indices = #map}, {transform_indices = #map}, {transform_indices = #map1}, {transform_indices = #map1}, {transform_indices = #map}]} {
    %mul3A = arith.constant 16 : i32
    %mul3A_0 = arith.muli %arg0, %mul3A : i32
    %add3A = arith.addi %mul3A_0, %arg1 : i32
    %eq3A = arith.constant 0 : i32
    %eq3A_1 = arith.cmpi eq, %arg0, %eq3A : i32
    %lt3A = arith.constant 10 : i32
    %lt3A_2 = arith.cmpi slt, %arg1, %lt3A : i32
    %and3A = arith.andi %eq3A_1, %lt3A_2 : i1
    %convert_element_type3A = arith.extui %and3A : i1 to i32
    %cond3A = arith.constant 0 : i32
    %cond3A_3 = arith.cmpi ne, %convert_element_type3A, %cond3A : i32
    scf.if %cond3A_3 {
      %mul3A_49 = arith.constant 1000 : i32
      %mul3A_50 = arith.muli %arg1, %mul3A_49 : i32
      %mul3A_51 = arith.constant 1000 : i32
      %mul3A_52 = arith.muli %arg1, %mul3A_51 : i32
      "tpu.region"() ({
        %run_scoped3A_53 = tpu.sem_alloc : memref<!tpu.dma_semaphore, #tpu.memory_space<semaphore_mem>>
        %dma_start3A_54 = arith.constant 0 : i32
        %dma_start3A_55 = tpu.memref_slice %arg10[%mul3A_52, %dma_start3A_54] : memref<10000x128xf32, #tpu.memory_space<vmem_shared>> -> memref<1000x128xf32, #tpu.memory_space<vmem_shared>>
        %dma_start3A_56 = arith.constant 0 : i32
        %dma_start3A_57 = tpu.memref_slice %arg4[%mul3A_50, %dma_start3A_56] : memref<10000x128xf32, #tpu.memory_space<hbm>> -> memref<1000x128xf32, #tpu.memory_space<hbm>>
        tpu.enqueue_dma source(%dma_start3A_57 : memref<1000x128xf32, #tpu.memory_space<hbm>>) target(%dma_start3A_55 : memref<1000x128xf32, #tpu.memory_space<vmem_shared>>) target_semaphore(%run_scoped3A_53 : memref<!tpu.dma_semaphore, #tpu.memory_space<semaphore_mem>>)
        %dma_wait3A = arith.constant 0 : i32
        %dma_wait3A_58 = tpu.memref_slice %arg10[%mul3A_52, %dma_wait3A] : memref<10000x128xf32, #tpu.memory_space<vmem_shared>> -> memref<1000x128xf32, #tpu.memory_space<vmem_shared>>
        %dma_wait3A_59 = arith.constant 0 : i32
        %dma_wait3A_60 = tpu.memref_slice %arg4[%mul3A_50, %dma_wait3A_59] : memref<10000x128xf32, #tpu.memory_space<hbm>> -> memref<1000x128xf32, #tpu.memory_space<hbm>>
        tpu.wait_dma2 semaphore(%run_scoped3A_53 : memref<!tpu.dma_semaphore, #tpu.memory_space<semaphore_mem>>) src(%dma_wait3A_60 : memref<1000x128xf32, #tpu.memory_space<hbm>>) dst(%dma_wait3A_58 : memref<1000x128xf32, #tpu.memory_space<vmem_shared>>)
        tpu.yield
      }) : () -> ()
    } else {
    }
    %eq3A_4 = arith.constant 1 : i32
    %eq3A_5 = arith.cmpi eq, %arg0, %eq3A_4 : i32
    %lt3A_6 = arith.constant 10 : i32
    %lt3A_7 = arith.cmpi slt, %arg1, %lt3A_6 : i32
    %and3A_8 = arith.andi %eq3A_5, %lt3A_7 : i1
    %convert_element_type3A_9 = arith.extui %and3A_8 : i1 to i32
    %cond3A_10 = arith.constant 0 : i32
    %cond3A_11 = arith.cmpi ne, %convert_element_type3A_9, %cond3A_10 : i32
    scf.if %cond3A_11 {
      %mul3A_49 = arith.constant 1000 : i32
      %mul3A_50 = arith.muli %arg1, %mul3A_49 : i32
      %mul3A_51 = arith.constant 1000 : i32
      %mul3A_52 = arith.muli %arg1, %mul3A_51 : i32
      "tpu.region"() ({
        %run_scoped3A_53 = tpu.sem_alloc : memref<!tpu.dma_semaphore, #tpu.memory_space<semaphore_mem>>
        %dma_start3A_54 = arith.constant 0 : i32
        %dma_start3A_55 = tpu.memref_slice %arg10[%mul3A_52, %dma_start3A_54] : memref<10000x128xf32, #tpu.memory_space<vmem_shared>> -> memref<1000x128xf32, #tpu.memory_space<vmem_shared>>
        %dma_start3A_56 = arith.constant 0 : i32
        %dma_start3A_57 = tpu.memref_slice %arg5[%mul3A_50, %dma_start3A_56] : memref<10000x128xf32, #tpu.memory_space<hbm>> -> memref<1000x128xf32, #tpu.memory_space<hbm>>
        tpu.enqueue_dma source(%dma_start3A_57 : memref<1000x128xf32, #tpu.memory_space<hbm>>) target(%dma_start3A_55 : memref<1000x128xf32, #tpu.memory_space<vmem_shared>>) target_semaphore(%run_scoped3A_53 : memref<!tpu.dma_semaphore, #tpu.memory_space<semaphore_mem>>)
        %dma_wait3A = arith.constant 0 : i32
        %dma_wait3A_58 = tpu.memref_slice %arg10[%mul3A_52, %dma_wait3A] : memref<10000x128xf32, #tpu.memory_space<vmem_shared>> -> memref<1000x128xf32, #tpu.memory_space<vmem_shared>>
        %dma_wait3A_59 = arith.constant 0 : i32
        %dma_wait3A_60 = tpu.memref_slice %arg5[%mul3A_50, %dma_wait3A_59] : memref<10000x128xf32, #tpu.memory_space<hbm>> -> memref<1000x128xf32, #tpu.memory_space<hbm>>
        tpu.wait_dma2 semaphore(%run_scoped3A_53 : memref<!tpu.dma_semaphore, #tpu.memory_space<semaphore_mem>>) src(%dma_wait3A_60 : memref<1000x128xf32, #tpu.memory_space<hbm>>) dst(%dma_wait3A_58 : memref<1000x128xf32, #tpu.memory_space<vmem_shared>>)
        tpu.yield
      }) : () -> ()
    } else {
    }
    "tpu.region"() ({
      %run_scoped3A_49 = tpu.sem_alloc : memref<!tpu.dma_semaphore, #tpu.memory_space<semaphore_mem>>
      %dma_start3A_50 = arith.constant 0 : i32
      %dma_start3A_51 = arith.constant 0 : i32
      %dma_start3A_52 = tpu.memref_slice %arg3[%add3A, %dma_start3A_50, %dma_start3A_51] : memref<32x80x125xi32, #tpu.memory_space<hbm>> -> memref<1x80x125xi32, #tpu.memory_space<hbm>>
      %dma_start3A_53 = tpu.memref_squeeze %dma_start3A_52 : memref<1x80x125xi32, #tpu.memory_space<hbm>> -> memref<80x125xi32, #tpu.memory_space<hbm>>
      %dma_start3A_54 = arith.constant 0 : i32
      %dma_start3A_55 = arith.constant 0 : i32
      %dma_start3A_56 = tpu.memref_slice %arg3[%add3A, %dma_start3A_54, %dma_start3A_55] : memref<32x80x125xi32, #tpu.memory_space<hbm>> -> memref<1x80x125xi32, #tpu.memory_space<hbm>>
      %dma_start3A_57 = tpu.memref_squeeze %dma_start3A_56 : memref<1x80x125xi32, #tpu.memory_space<hbm>> -> memref<80x125xi32, #tpu.memory_space<hbm>>
      tpu.enqueue_dma source(%dma_start3A_57 : memref<80x125xi32, #tpu.memory_space<hbm>>) target(%arg8 : memref<80x125xi32, #tpu.memory_space<vmem>>) target_semaphore(%run_scoped3A_49 : memref<!tpu.dma_semaphore, #tpu.memory_space<semaphore_mem>>)
      %dma_wait3A = arith.constant 0 : i32
      %dma_wait3A_58 = arith.constant 0 : i32
      %dma_wait3A_59 = tpu.memref_slice %arg3[%add3A, %dma_wait3A, %dma_wait3A_58] : memref<32x80x125xi32, #tpu.memory_space<hbm>> -> memref<1x80x125xi32, #tpu.memory_space<hbm>>
      %dma_wait3A_60 = tpu.memref_squeeze %dma_wait3A_59 : memref<1x80x125xi32, #tpu.memory_space<hbm>> -> memref<80x125xi32, #tpu.memory_space<hbm>>
      %dma_wait3A_61 = arith.constant 0 : i32
      %dma_wait3A_62 = arith.constant 0 : i32
      %dma_wait3A_63 = tpu.memref_slice %arg3[%add3A, %dma_wait3A_61, %dma_wait3A_62] : memref<32x80x125xi32, #tpu.memory_space<hbm>> -> memref<1x80x125xi32, #tpu.memory_space<hbm>>
      %dma_wait3A_64 = tpu.memref_squeeze %dma_wait3A_63 : memref<1x80x125xi32, #tpu.memory_space<hbm>> -> memref<80x125xi32, #tpu.memory_space<hbm>>
      tpu.wait_dma2 semaphore(%run_scoped3A_49 : memref<!tpu.dma_semaphore, #tpu.memory_space<semaphore_mem>>) src(%dma_wait3A_64 : memref<80x125xi32, #tpu.memory_space<hbm>>) dst(%arg8 : memref<80x125xi32, #tpu.memory_space<vmem>>)
      tpu.yield
    }) : () -> ()
    %barrier3A = arith.constant 0 : index
    tpu.barrier barrier_id(%barrier3A)
    %run_scoped3A = arith.constant 0 : i32
    %run_scoped3A_12 = arith.constant 0 : i32
    "tpu.region"() ({
      %run_scoped3A_49 = tpu.sem_alloc : memref<!tpu.dma_semaphore, #tpu.memory_space<semaphore_mem>>
      %dma_start3A_50 = arith.constant 0 : i32
      %dma_start3A_51 = tpu.memref_slice %arg7[%run_scoped3A_12, %dma_start3A_50] : memref<2x125xi32, #tpu.memory_space<vmem>> -> memref<1x125xi32, #tpu.memory_space<vmem>>
      %dma_start3A_52 = tpu.memref_squeeze %dma_start3A_51 : memref<1x125xi32, #tpu.memory_space<vmem>> -> memref<125xi32, #tpu.memory_space<vmem>>
      %dma_start3A_53 = arith.constant 0 : i32
      %dma_start3A_54 = tpu.memref_slice %arg2[%add3A, %run_scoped3A, %dma_start3A_53] : memref<32x80x125xi32, #tpu.memory_space<hbm>> -> memref<1x1x125xi32, #tpu.memory_space<hbm>>
      %dma_start3A_55 = tpu.memref_squeeze %dma_start3A_54 : memref<1x1x125xi32, #tpu.memory_space<hbm>> -> memref<125xi32, #tpu.memory_space<hbm>>
      %dma_start3A_56 = arith.constant 0 : i32
      %dma_start3A_57 = tpu.memref_slice %arg7[%run_scoped3A_12, %dma_start3A_56] : memref<2x125xi32, #tpu.memory_space<vmem>> -> memref<1x125xi32, #tpu.memory_space<vmem>>
      %dma_start3A_58 = tpu.memref_squeeze %dma_start3A_57 : memref<1x125xi32, #tpu.memory_space<vmem>> -> memref<125xi32, #tpu.memory_space<vmem>>
      %dma_start3A_59 = arith.constant 0 : i32
      %dma_start3A_60 = tpu.memref_slice %arg2[%add3A, %run_scoped3A, %dma_start3A_59] : memref<32x80x125xi32, #tpu.memory_space<hbm>> -> memref<1x1x125xi32, #tpu.memory_space<hbm>>
      %dma_start3A_61 = tpu.memref_squeeze %dma_start3A_60 : memref<1x1x125xi32, #tpu.memory_space<hbm>> -> memref<125xi32, #tpu.memory_space<hbm>>
      tpu.enqueue_dma source(%dma_start3A_61 : memref<125xi32, #tpu.memory_space<hbm>>) target(%dma_start3A_58 : memref<125xi32, #tpu.memory_space<vmem>>) target_semaphore(%run_scoped3A_49 : memref<!tpu.dma_semaphore, #tpu.memory_space<semaphore_mem>>)
      %dma_wait3A = arith.constant 0 : i32
      %dma_wait3A_62 = tpu.memref_slice %arg7[%run_scoped3A_12, %dma_wait3A] : memref<2x125xi32, #tpu.memory_space<vmem>> -> memref<1x125xi32, #tpu.memory_space<vmem>>
      %dma_wait3A_63 = tpu.memref_squeeze %dma_wait3A_62 : memref<1x125xi32, #tpu.memory_space<vmem>> -> memref<125xi32, #tpu.memory_space<vmem>>
      %dma_wait3A_64 = arith.constant 0 : i32
      %dma_wait3A_65 = tpu.memref_slice %arg2[%add3A, %run_scoped3A, %dma_wait3A_64] : memref<32x80x125xi32, #tpu.memory_space<hbm>> -> memref<1x1x125xi32, #tpu.memory_space<hbm>>
      %dma_wait3A_66 = tpu.memref_squeeze %dma_wait3A_65 : memref<1x1x125xi32, #tpu.memory_space<hbm>> -> memref<125xi32, #tpu.memory_space<hbm>>
      %dma_wait3A_67 = arith.constant 0 : i32
      %dma_wait3A_68 = tpu.memref_slice %arg7[%run_scoped3A_12, %dma_wait3A_67] : memref<2x125xi32, #tpu.memory_space<vmem>> -> memref<1x125xi32, #tpu.memory_space<vmem>>
      %dma_wait3A_69 = tpu.memref_squeeze %dma_wait3A_68 : memref<1x125xi32, #tpu.memory_space<vmem>> -> memref<125xi32, #tpu.memory_space<vmem>>
      %dma_wait3A_70 = arith.constant 0 : i32
      %dma_wait3A_71 = tpu.memref_slice %arg2[%add3A, %run_scoped3A, %dma_wait3A_70] : memref<32x80x125xi32, #tpu.memory_space<hbm>> -> memref<1x1x125xi32, #tpu.memory_space<hbm>>
      %dma_wait3A_72 = tpu.memref_squeeze %dma_wait3A_71 : memref<1x1x125xi32, #tpu.memory_space<hbm>> -> memref<125xi32, #tpu.memory_space<hbm>>
      tpu.wait_dma2 semaphore(%run_scoped3A_49 : memref<!tpu.dma_semaphore, #tpu.memory_space<semaphore_mem>>) src(%dma_wait3A_72 : memref<125xi32, #tpu.memory_space<hbm>>) dst(%dma_wait3A_69 : memref<125xi32, #tpu.memory_space<vmem>>)
      tpu.yield
    }) : () -> ()
    %run_scoped3A_13 = arith.constant 1 : i32
    %run_scoped3A_14 = arith.constant 1 : i32
    "tpu.region"() ({
      %run_scoped3A_49 = tpu.sem_alloc : memref<!tpu.dma_semaphore, #tpu.memory_space<semaphore_mem>>
      %dma_start3A_50 = arith.constant 0 : i32
      %dma_start3A_51 = tpu.memref_slice %arg7[%run_scoped3A_14, %dma_start3A_50] : memref<2x125xi32, #tpu.memory_space<vmem>> -> memref<1x125xi32, #tpu.memory_space<vmem>>
      %dma_start3A_52 = tpu.memref_squeeze %dma_start3A_51 : memref<1x125xi32, #tpu.memory_space<vmem>> -> memref<125xi32, #tpu.memory_space<vmem>>
      %dma_start3A_53 = arith.constant 0 : i32
      %dma_start3A_54 = tpu.memref_slice %arg2[%add3A, %run_scoped3A_13, %dma_start3A_53] : memref<32x80x125xi32, #tpu.memory_space<hbm>> -> memref<1x1x125xi32, #tpu.memory_space<hbm>>
      %dma_start3A_55 = tpu.memref_squeeze %dma_start3A_54 : memref<1x1x125xi32, #tpu.memory_space<hbm>> -> memref<125xi32, #tpu.memory_space<hbm>>
      %dma_start3A_56 = arith.constant 0 : i32
      %dma_start3A_57 = tpu.memref_slice %arg7[%run_scoped3A_14, %dma_start3A_56] : memref<2x125xi32, #tpu.memory_space<vmem>> -> memref<1x125xi32, #tpu.memory_space<vmem>>
      %dma_start3A_58 = tpu.memref_squeeze %dma_start3A_57 : memref<1x125xi32, #tpu.memory_space<vmem>> -> memref<125xi32, #tpu.memory_space<vmem>>
      %dma_start3A_59 = arith.constant 0 : i32
      %dma_start3A_60 = tpu.memref_slice %arg2[%add3A, %run_scoped3A_13, %dma_start3A_59] : memref<32x80x125xi32, #tpu.memory_space<hbm>> -> memref<1x1x125xi32, #tpu.memory_space<hbm>>
      %dma_start3A_61 = tpu.memref_squeeze %dma_start3A_60 : memref<1x1x125xi32, #tpu.memory_space<hbm>> -> memref<125xi32, #tpu.memory_space<hbm>>
      tpu.enqueue_dma source(%dma_start3A_61 : memref<125xi32, #tpu.memory_space<hbm>>) target(%dma_start3A_58 : memref<125xi32, #tpu.memory_space<vmem>>) target_semaphore(%run_scoped3A_49 : memref<!tpu.dma_semaphore, #tpu.memory_space<semaphore_mem>>)
      %dma_wait3A = arith.constant 0 : i32
      %dma_wait3A_62 = tpu.memref_slice %arg7[%run_scoped3A_14, %dma_wait3A] : memref<2x125xi32, #tpu.memory_space<vmem>> -> memref<1x125xi32, #tpu.memory_space<vmem>>
      %dma_wait3A_63 = tpu.memref_squeeze %dma_wait3A_62 : memref<1x125xi32, #tpu.memory_space<vmem>> -> memref<125xi32, #tpu.memory_space<vmem>>
      %dma_wait3A_64 = arith.constant 0 : i32
      %dma_wait3A_65 = tpu.memref_slice %arg2[%add3A, %run_scoped3A_13, %dma_wait3A_64] : memref<32x80x125xi32, #tpu.memory_space<hbm>> -> memref<1x1x125xi32, #tpu.memory_space<hbm>>
      %dma_wait3A_66 = tpu.memref_squeeze %dma_wait3A_65 : memref<1x1x125xi32, #tpu.memory_space<hbm>> -> memref<125xi32, #tpu.memory_space<hbm>>
      %dma_wait3A_67 = arith.constant 0 : i32
      %dma_wait3A_68 = tpu.memref_slice %arg7[%run_scoped3A_14, %dma_wait3A_67] : memref<2x125xi32, #tpu.memory_space<vmem>> -> memref<1x125xi32, #tpu.memory_space<vmem>>
      %dma_wait3A_69 = tpu.memref_squeeze %dma_wait3A_68 : memref<1x125xi32, #tpu.memory_space<vmem>> -> memref<125xi32, #tpu.memory_space<vmem>>
      %dma_wait3A_70 = arith.constant 0 : i32
      %dma_wait3A_71 = tpu.memref_slice %arg2[%add3A, %run_scoped3A_13, %dma_wait3A_70] : memref<32x80x125xi32, #tpu.memory_space<hbm>> -> memref<1x1x125xi32, #tpu.memory_space<hbm>>
      %dma_wait3A_72 = tpu.memref_squeeze %dma_wait3A_71 : memref<1x1x125xi32, #tpu.memory_space<hbm>> -> memref<125xi32, #tpu.memory_space<hbm>>
      tpu.wait_dma2 semaphore(%run_scoped3A_49 : memref<!tpu.dma_semaphore, #tpu.memory_space<semaphore_mem>>) src(%dma_wait3A_72 : memref<125xi32, #tpu.memory_space<hbm>>) dst(%dma_wait3A_69 : memref<125xi32, #tpu.memory_space<vmem>>)
      tpu.yield
    }) : () -> ()
    %dma_start3A = arith.constant 0 : i32
    %dma_start3A_15 = arith.constant 0 : i32
    %dma_start3A_16 = arith.constant 0 : i32
    %dma_start3A_17 = arith.constant 0 : i32
    %dma_start3A_18 = tpu.memref_slice %arg9[%dma_start3A_15, %dma_start3A_16, %dma_start3A_17] : memref<2x125x128xf32, #tpu.memory_space<vmem>> -> memref<1x125x128xf32, #tpu.memory_space<vmem>>
    %dma_start3A_19 = tpu.memref_squeeze %dma_start3A_18 : memref<1x125x128xf32, #tpu.memory_space<vmem>> -> memref<125x128xf32, #tpu.memory_space<vmem>>
    %dma_start3A_20 = arith.constant 0 : i32
    %dma_start3A_21 = tpu.memref_slice %arg7[%dma_start3A, %dma_start3A_20] : memref<2x125xi32, #tpu.memory_space<vmem>> -> memref<1x125xi32, #tpu.memory_space<vmem>>
    %dma_start3A_22 = tpu.memref_squeeze %dma_start3A_21 : memref<1x125xi32, #tpu.memory_space<vmem>> -> memref<125xi32, #tpu.memory_space<vmem>>
    %dma_start3A_23 = arith.constant 0 : i32
    %dma_start3A_24 = arith.constant 0 : i32
    %dma_start3A_25 = tpu.memref_slice %arg4[%dma_start3A_23, %dma_start3A_24] : memref<10000x128xf32, #tpu.memory_space<hbm>> -> memref<10000x128xf32, #tpu.memory_space<hbm>>
    tpu.enqueue_indirect_dma source(%dma_start3A_25 : memref<10000x128xf32, #tpu.memory_space<hbm>>) target(%dma_start3A_19 : memref<125x128xf32, #tpu.memory_space<vmem>>) offsets(%dma_start3A_22 : memref<125xi32, #tpu.memory_space<vmem>>) semaphore(%arg11 : memref<!tpu.dma_semaphore, #tpu.memory_space<semaphore_mem>>)
    %dma_start3A_26 = arith.constant 1 : i32
    %dma_start3A_27 = arith.constant 1 : i32
    %dma_start3A_28 = arith.constant 0 : i32
    %dma_start3A_29 = arith.constant 0 : i32
    %dma_start3A_30 = tpu.memref_slice %arg9[%dma_start3A_27, %dma_start3A_28, %dma_start3A_29] : memref<2x125x128xf32, #tpu.memory_space<vmem>> -> memref<1x125x128xf32, #tpu.memory_space<vmem>>
    %dma_start3A_31 = tpu.memref_squeeze %dma_start3A_30 : memref<1x125x128xf32, #tpu.memory_space<vmem>> -> memref<125x128xf32, #tpu.memory_space<vmem>>
    %dma_start3A_32 = arith.constant 0 : i32
    %dma_start3A_33 = tpu.memref_slice %arg7[%dma_start3A_26, %dma_start3A_32] : memref<2x125xi32, #tpu.memory_space<vmem>> -> memref<1x125xi32, #tpu.memory_space<vmem>>
    %dma_start3A_34 = tpu.memref_squeeze %dma_start3A_33 : memref<1x125xi32, #tpu.memory_space<vmem>> -> memref<125xi32, #tpu.memory_space<vmem>>
    %dma_start3A_35 = arith.constant 0 : i32
    %dma_start3A_36 = arith.constant 0 : i32
    %dma_start3A_37 = tpu.memref_slice %arg4[%dma_start3A_35, %dma_start3A_36] : memref<10000x128xf32, #tpu.memory_space<hbm>> -> memref<10000x128xf32, #tpu.memory_space<hbm>>
    tpu.enqueue_indirect_dma source(%dma_start3A_37 : memref<10000x128xf32, #tpu.memory_space<hbm>>) target(%dma_start3A_31 : memref<125x128xf32, #tpu.memory_space<vmem>>) offsets(%dma_start3A_34 : memref<125xi32, #tpu.memory_space<vmem>>) semaphore(%arg12 : memref<!tpu.dma_semaphore, #tpu.memory_space<semaphore_mem>>)
    %scan3A = arith.constant 0 : i32
    %scan3A_38 = arith.constant 0 : i32
    %scan3A_39 = arith.constant 40 : i32
    %scan3A_40 = arith.addi %scan3A_38, %scan3A_39 : i32
    %scan3A_41 = arith.constant 1 : i32
    scf.for %scan3A_49 = %scan3A_38 to %scan3A_40 step %scan3A_41  : i32 {
      %mul3A_50 = arith.constant 2 : i32
      %mul3A_51 = arith.muli %scan3A_49, %mul3A_50 : i32
      %add3A_52 = arith.constant 0 : i32
      %add3A_53 = arith.addi %mul3A_51, %add3A_52 : i32
      %lt3A_54 = arith.constant 80 : i32
      %lt3A_55 = arith.cmpi slt, %add3A_53, %lt3A_54 : i32
      %convert_element_type3A_56 = arith.extui %lt3A_55 : i1 to i32
      %cond3A_57 = arith.constant 0 : i32
      %cond3A_58 = arith.cmpi ne, %convert_element_type3A_56, %cond3A_57 : i32
      scf.if %cond3A_58 {
        %dma_wait3A = arith.constant 0 : i32
        %dma_wait3A_68 = arith.constant 0 : i32
        %dma_wait3A_69 = arith.constant 0 : i32
        %dma_wait3A_70 = arith.constant 0 : i32
        %dma_wait3A_71 = tpu.memref_slice %arg9[%dma_wait3A_68, %dma_wait3A_69, %dma_wait3A_70] : memref<2x125x128xf32, #tpu.memory_space<vmem>> -> memref<1x125x128xf32, #tpu.memory_space<vmem>>
        %dma_wait3A_72 = tpu.memref_squeeze %dma_wait3A_71 : memref<1x125x128xf32, #tpu.memory_space<vmem>> -> memref<125x128xf32, #tpu.memory_space<vmem>>
        %dma_wait3A_73 = arith.constant 0 : i32
        %dma_wait3A_74 = tpu.memref_slice %arg7[%dma_wait3A, %dma_wait3A_73] : memref<2x125xi32, #tpu.memory_space<vmem>> -> memref<1x125xi32, #tpu.memory_space<vmem>>
        %dma_wait3A_75 = tpu.memref_squeeze %dma_wait3A_74 : memref<1x125xi32, #tpu.memory_space<vmem>> -> memref<125xi32, #tpu.memory_space<vmem>>
        %dma_wait3A_76 = arith.constant 0 : i32
        %dma_wait3A_77 = arith.constant 0 : i32
        %dma_wait3A_78 = tpu.memref_slice %arg4[%dma_wait3A_76, %dma_wait3A_77] : memref<10000x128xf32, #tpu.memory_space<hbm>> -> memref<10000x128xf32, #tpu.memory_space<hbm>>
        tpu.wait_indirect_dma semaphore(%arg11 : memref<!tpu.dma_semaphore, #tpu.memory_space<semaphore_mem>>) src(%dma_wait3A_78 : memref<10000x128xf32, #tpu.memory_space<hbm>>) dst(%dma_wait3A_72 : memref<125x128xf32, #tpu.memory_space<vmem>>)
        %add3A_79 = arith.constant 2 : i32
        %add3A_80 = arith.addi %add3A_53, %add3A_79 : i32
        %lt3A_81 = arith.constant 80 : i32
        %lt3A_82 = arith.cmpi slt, %add3A_80, %lt3A_81 : i32
        %convert_element_type3A_83 = arith.extui %lt3A_82 : i1 to i32
        %cond3A_84 = arith.constant 0 : i32
        %cond3A_85 = arith.cmpi ne, %convert_element_type3A_83, %cond3A_84 : i32
        scf.if %cond3A_85 {
          %add3A_94 = arith.constant 2 : i32
          %add3A_95 = arith.addi %add3A_53, %add3A_94 : i32
          %dma_start3A_96 = arith.constant 0 : i32
          %dma_start3A_97 = arith.constant 0 : i32
          %dma_start3A_98 = tpu.memref_slice %arg7[%dma_start3A_96, %dma_start3A_97] : memref<2x125xi32, #tpu.memory_space<vmem>> -> memref<1x125xi32, #tpu.memory_space<vmem>>
          %dma_start3A_99 = tpu.memref_squeeze %dma_start3A_98 : memref<1x125xi32, #tpu.memory_space<vmem>> -> memref<125xi32, #tpu.memory_space<vmem>>
          %dma_start3A_100 = arith.constant 0 : i32
          %dma_start3A_101 = tpu.memref_slice %arg2[%add3A, %add3A_95, %dma_start3A_100] : memref<32x80x125xi32, #tpu.memory_space<hbm>> -> memref<1x1x125xi32, #tpu.memory_space<hbm>>
          %dma_start3A_102 = tpu.memref_squeeze %dma_start3A_101 : memref<1x1x125xi32, #tpu.memory_space<hbm>> -> memref<125xi32, #tpu.memory_space<hbm>>
          %dma_start3A_103 = arith.constant 0 : i32
          %dma_start3A_104 = tpu.memref_slice %arg7[%dma_start3A_96, %dma_start3A_103] : memref<2x125xi32, #tpu.memory_space<vmem>> -> memref<1x125xi32, #tpu.memory_space<vmem>>
          %dma_start3A_105 = tpu.memref_squeeze %dma_start3A_104 : memref<1x125xi32, #tpu.memory_space<vmem>> -> memref<125xi32, #tpu.memory_space<vmem>>
          %dma_start3A_106 = arith.constant 0 : i32
          %dma_start3A_107 = tpu.memref_slice %arg2[%add3A, %add3A_95, %dma_start3A_106] : memref<32x80x125xi32, #tpu.memory_space<hbm>> -> memref<1x1x125xi32, #tpu.memory_space<hbm>>
          %dma_start3A_108 = tpu.memref_squeeze %dma_start3A_107 : memref<1x1x125xi32, #tpu.memory_space<hbm>> -> memref<125xi32, #tpu.memory_space<hbm>>
          tpu.enqueue_dma source(%dma_start3A_108 : memref<125xi32, #tpu.memory_space<hbm>>) target(%dma_start3A_105 : memref<125xi32, #tpu.memory_space<vmem>>) target_semaphore(%arg13 : memref<!tpu.dma_semaphore, #tpu.memory_space<semaphore_mem>>)
        } else {
        }
        %run_scoped3A_86 = arith.constant 0 : i32
        "tpu.region"() ({
          %run_scoped3A_94 = tpu.sem_alloc : memref<!tpu.dma_semaphore, #tpu.memory_space<semaphore_mem>>
          %dma_start3A_95 = arith.constant 0 : i32
          %dma_start3A_96 = arith.constant 0 : i32
          %dma_start3A_97 = tpu.memref_slice %arg9[%run_scoped3A_86, %dma_start3A_95, %dma_start3A_96] : memref<2x125x128xf32, #tpu.memory_space<vmem>> -> memref<1x125x128xf32, #tpu.memory_space<vmem>>
          %dma_start3A_98 = tpu.memref_squeeze %dma_start3A_97 : memref<1x125x128xf32, #tpu.memory_space<vmem>> -> memref<125x128xf32, #tpu.memory_space<vmem>>
          %dma_start3A_99 = arith.constant 0 : i32
          %dma_start3A_100 = tpu.memref_slice %arg8[%add3A_53, %dma_start3A_99] : memref<80x125xi32, #tpu.memory_space<vmem>> -> memref<1x125xi32, #tpu.memory_space<vmem>>
          %dma_start3A_101 = tpu.memref_squeeze %dma_start3A_100 : memref<1x125xi32, #tpu.memory_space<vmem>> -> memref<125xi32, #tpu.memory_space<vmem>>
          %dma_start3A_102 = arith.constant 0 : i32
          %dma_start3A_103 = arith.constant 0 : i32
          %dma_start3A_104 = tpu.memref_slice %arg10[%dma_start3A_102, %dma_start3A_103] : memref<10000x128xf32, #tpu.memory_space<vmem_shared>> -> memref<10000x128xf32, #tpu.memory_space<vmem_shared>>
          tpu.enqueue_indirect_dma source(%dma_start3A_98 : memref<125x128xf32, #tpu.memory_space<vmem>>) target(%dma_start3A_104 : memref<10000x128xf32, #tpu.memory_space<vmem_shared>>) offsets(%dma_start3A_101 : memref<125xi32, #tpu.memory_space<vmem>>) semaphore(%run_scoped3A_94 : memref<!tpu.dma_semaphore, #tpu.memory_space<semaphore_mem>>) {add = true}
          %dma_wait3A_105 = arith.constant 0 : i32
          %dma_wait3A_106 = arith.constant 0 : i32
          %dma_wait3A_107 = tpu.memref_slice %arg9[%run_scoped3A_86, %dma_wait3A_105, %dma_wait3A_106] : memref<2x125x128xf32, #tpu.memory_space<vmem>> -> memref<1x125x128xf32, #tpu.memory_space<vmem>>
          %dma_wait3A_108 = tpu.memref_squeeze %dma_wait3A_107 : memref<1x125x128xf32, #tpu.memory_space<vmem>> -> memref<125x128xf32, #tpu.memory_space<vmem>>
          %dma_wait3A_109 = arith.constant 0 : i32
          %dma_wait3A_110 = tpu.memref_slice %arg8[%add3A_53, %dma_wait3A_109] : memref<80x125xi32, #tpu.memory_space<vmem>> -> memref<1x125xi32, #tpu.memory_space<vmem>>
          %dma_wait3A_111 = tpu.memref_squeeze %dma_wait3A_110 : memref<1x125xi32, #tpu.memory_space<vmem>> -> memref<125xi32, #tpu.memory_space<vmem>>
          %dma_wait3A_112 = arith.constant 0 : i32
          %dma_wait3A_113 = arith.constant 0 : i32
          %dma_wait3A_114 = tpu.memref_slice %arg10[%dma_wait3A_112, %dma_wait3A_113] : memref<10000x128xf32, #tpu.memory_space<vmem_shared>> -> memref<10000x128xf32, #tpu.memory_space<vmem_shared>>
          tpu.wait_indirect_dma semaphore(%run_scoped3A_94 : memref<!tpu.dma_semaphore, #tpu.memory_space<semaphore_mem>>) src(%dma_wait3A_108 : memref<125x128xf32, #tpu.memory_space<vmem>>) dst(%dma_wait3A_114 : memref<10000x128xf32, #tpu.memory_space<vmem_shared>>)
          tpu.yield
        }) : () -> ()
        %add3A_87 = arith.constant 2 : i32
        %add3A_88 = arith.addi %add3A_53, %add3A_87 : i32
        %lt3A_89 = arith.constant 80 : i32
        %lt3A_90 = arith.cmpi slt, %add3A_88, %lt3A_89 : i32
        %convert_element_type3A_91 = arith.extui %lt3A_90 : i1 to i32
        %cond3A_92 = arith.constant 0 : i32
        %cond3A_93 = arith.cmpi ne, %convert_element_type3A_91, %cond3A_92 : i32
        scf.if %cond3A_93 {
          %add3A_94 = arith.constant 2 : i32
          %add3A_95 = arith.addi %add3A_53, %add3A_94 : i32
          %dma_wait3A_96 = arith.constant 0 : i32
          %dma_wait3A_97 = arith.constant 0 : i32
          %dma_wait3A_98 = tpu.memref_slice %arg7[%dma_wait3A_96, %dma_wait3A_97] : memref<2x125xi32, #tpu.memory_space<vmem>> -> memref<1x125xi32, #tpu.memory_space<vmem>>
          %dma_wait3A_99 = tpu.memref_squeeze %dma_wait3A_98 : memref<1x125xi32, #tpu.memory_space<vmem>> -> memref<125xi32, #tpu.memory_space<vmem>>
          %dma_wait3A_100 = arith.constant 0 : i32
          %dma_wait3A_101 = tpu.memref_slice %arg2[%add3A, %add3A_95, %dma_wait3A_100] : memref<32x80x125xi32, #tpu.memory_space<hbm>> -> memref<1x1x125xi32, #tpu.memory_space<hbm>>
          %dma_wait3A_102 = tpu.memref_squeeze %dma_wait3A_101 : memref<1x1x125xi32, #tpu.memory_space<hbm>> -> memref<125xi32, #tpu.memory_space<hbm>>
          %dma_wait3A_103 = arith.constant 0 : i32
          %dma_wait3A_104 = tpu.memref_slice %arg7[%dma_wait3A_96, %dma_wait3A_103] : memref<2x125xi32, #tpu.memory_space<vmem>> -> memref<1x125xi32, #tpu.memory_space<vmem>>
          %dma_wait3A_105 = tpu.memref_squeeze %dma_wait3A_104 : memref<1x125xi32, #tpu.memory_space<vmem>> -> memref<125xi32, #tpu.memory_space<vmem>>
          %dma_wait3A_106 = arith.constant 0 : i32
          %dma_wait3A_107 = tpu.memref_slice %arg2[%add3A, %add3A_95, %dma_wait3A_106] : memref<32x80x125xi32, #tpu.memory_space<hbm>> -> memref<1x1x125xi32, #tpu.memory_space<hbm>>
          %dma_wait3A_108 = tpu.memref_squeeze %dma_wait3A_107 : memref<1x1x125xi32, #tpu.memory_space<hbm>> -> memref<125xi32, #tpu.memory_space<hbm>>
          tpu.wait_dma2 semaphore(%arg13 : memref<!tpu.dma_semaphore, #tpu.memory_space<semaphore_mem>>) src(%dma_wait3A_108 : memref<125xi32, #tpu.memory_space<hbm>>) dst(%dma_wait3A_105 : memref<125xi32, #tpu.memory_space<vmem>>)
          %dma_start3A_109 = arith.constant 0 : i32
          %dma_start3A_110 = arith.constant 0 : i32
          %dma_start3A_111 = arith.constant 0 : i32
          %dma_start3A_112 = arith.constant 0 : i32
          %dma_start3A_113 = tpu.memref_slice %arg9[%dma_start3A_110, %dma_start3A_111, %dma_start3A_112] : memref<2x125x128xf32, #tpu.memory_space<vmem>> -> memref<1x125x128xf32, #tpu.memory_space<vmem>>
          %dma_start3A_114 = tpu.memref_squeeze %dma_start3A_113 : memref<1x125x128xf32, #tpu.memory_space<vmem>> -> memref<125x128xf32, #tpu.memory_space<vmem>>
          %dma_start3A_115 = arith.constant 0 : i32
          %dma_start3A_116 = tpu.memref_slice %arg7[%dma_start3A_109, %dma_start3A_115] : memref<2x125xi32, #tpu.memory_space<vmem>> -> memref<1x125xi32, #tpu.memory_space<vmem>>
          %dma_start3A_117 = tpu.memref_squeeze %dma_start3A_116 : memref<1x125xi32, #tpu.memory_space<vmem>> -> memref<125xi32, #tpu.memory_space<vmem>>
          %dma_start3A_118 = arith.constant 0 : i32
          %dma_start3A_119 = arith.constant 0 : i32
          %dma_start3A_120 = tpu.memref_slice %arg4[%dma_start3A_118, %dma_start3A_119] : memref<10000x128xf32, #tpu.memory_space<hbm>> -> memref<10000x128xf32, #tpu.memory_space<hbm>>
          tpu.enqueue_indirect_dma source(%dma_start3A_120 : memref<10000x128xf32, #tpu.memory_space<hbm>>) target(%dma_start3A_114 : memref<125x128xf32, #tpu.memory_space<vmem>>) offsets(%dma_start3A_117 : memref<125xi32, #tpu.memory_space<vmem>>) semaphore(%arg11 : memref<!tpu.dma_semaphore, #tpu.memory_space<semaphore_mem>>)
        } else {
        }
      } else {
      }
      %mul3A_59 = arith.constant 2 : i32
      %mul3A_60 = arith.muli %scan3A_49, %mul3A_59 : i32
      %add3A_61 = arith.constant 1 : i32
      %add3A_62 = arith.addi %mul3A_60, %add3A_61 : i32
      %lt3A_63 = arith.constant 80 : i32
      %lt3A_64 = arith.cmpi slt, %add3A_62, %lt3A_63 : i32
      %convert_element_type3A_65 = arith.extui %lt3A_64 : i1 to i32
      %cond3A_66 = arith.constant 0 : i32
      %cond3A_67 = arith.cmpi ne, %convert_element_type3A_65, %cond3A_66 : i32
      scf.if %cond3A_67 {
        %dma_wait3A = arith.constant 1 : i32
        %dma_wait3A_68 = arith.constant 1 : i32
        %dma_wait3A_69 = arith.constant 0 : i32
        %dma_wait3A_70 = arith.constant 0 : i32
        %dma_wait3A_71 = tpu.memref_slice %arg9[%dma_wait3A_68, %dma_wait3A_69, %dma_wait3A_70] : memref<2x125x128xf32, #tpu.memory_space<vmem>> -> memref<1x125x128xf32, #tpu.memory_space<vmem>>
        %dma_wait3A_72 = tpu.memref_squeeze %dma_wait3A_71 : memref<1x125x128xf32, #tpu.memory_space<vmem>> -> memref<125x128xf32, #tpu.memory_space<vmem>>
        %dma_wait3A_73 = arith.constant 0 : i32
        %dma_wait3A_74 = tpu.memref_slice %arg7[%dma_wait3A, %dma_wait3A_73] : memref<2x125xi32, #tpu.memory_space<vmem>> -> memref<1x125xi32, #tpu.memory_space<vmem>>
        %dma_wait3A_75 = tpu.memref_squeeze %dma_wait3A_74 : memref<1x125xi32, #tpu.memory_space<vmem>> -> memref<125xi32, #tpu.memory_space<vmem>>
        %dma_wait3A_76 = arith.constant 0 : i32
        %dma_wait3A_77 = arith.constant 0 : i32
        %dma_wait3A_78 = tpu.memref_slice %arg4[%dma_wait3A_76, %dma_wait3A_77] : memref<10000x128xf32, #tpu.memory_space<hbm>> -> memref<10000x128xf32, #tpu.memory_space<hbm>>
        tpu.wait_indirect_dma semaphore(%arg12 : memref<!tpu.dma_semaphore, #tpu.memory_space<semaphore_mem>>) src(%dma_wait3A_78 : memref<10000x128xf32, #tpu.memory_space<hbm>>) dst(%dma_wait3A_72 : memref<125x128xf32, #tpu.memory_space<vmem>>)
        %add3A_79 = arith.constant 2 : i32
        %add3A_80 = arith.addi %add3A_62, %add3A_79 : i32
        %lt3A_81 = arith.constant 80 : i32
        %lt3A_82 = arith.cmpi slt, %add3A_80, %lt3A_81 : i32
        %convert_element_type3A_83 = arith.extui %lt3A_82 : i1 to i32
        %cond3A_84 = arith.constant 0 : i32
        %cond3A_85 = arith.cmpi ne, %convert_element_type3A_83, %cond3A_84 : i32
        scf.if %cond3A_85 {
          %add3A_94 = arith.constant 2 : i32
          %add3A_95 = arith.addi %add3A_62, %add3A_94 : i32
          %dma_start3A_96 = arith.constant 1 : i32
          %dma_start3A_97 = arith.constant 0 : i32
          %dma_start3A_98 = tpu.memref_slice %arg7[%dma_start3A_96, %dma_start3A_97] : memref<2x125xi32, #tpu.memory_space<vmem>> -> memref<1x125xi32, #tpu.memory_space<vmem>>
          %dma_start3A_99 = tpu.memref_squeeze %dma_start3A_98 : memref<1x125xi32, #tpu.memory_space<vmem>> -> memref<125xi32, #tpu.memory_space<vmem>>
          %dma_start3A_100 = arith.constant 0 : i32
          %dma_start3A_101 = tpu.memref_slice %arg2[%add3A, %add3A_95, %dma_start3A_100] : memref<32x80x125xi32, #tpu.memory_space<hbm>> -> memref<1x1x125xi32, #tpu.memory_space<hbm>>
          %dma_start3A_102 = tpu.memref_squeeze %dma_start3A_101 : memref<1x1x125xi32, #tpu.memory_space<hbm>> -> memref<125xi32, #tpu.memory_space<hbm>>
          %dma_start3A_103 = arith.constant 0 : i32
          %dma_start3A_104 = tpu.memref_slice %arg7[%dma_start3A_96, %dma_start3A_103] : memref<2x125xi32, #tpu.memory_space<vmem>> -> memref<1x125xi32, #tpu.memory_space<vmem>>
          %dma_start3A_105 = tpu.memref_squeeze %dma_start3A_104 : memref<1x125xi32, #tpu.memory_space<vmem>> -> memref<125xi32, #tpu.memory_space<vmem>>
          %dma_start3A_106 = arith.constant 0 : i32
          %dma_start3A_107 = tpu.memref_slice %arg2[%add3A, %add3A_95, %dma_start3A_106] : memref<32x80x125xi32, #tpu.memory_space<hbm>> -> memref<1x1x125xi32, #tpu.memory_space<hbm>>
          %dma_start3A_108 = tpu.memref_squeeze %dma_start3A_107 : memref<1x1x125xi32, #tpu.memory_space<hbm>> -> memref<125xi32, #tpu.memory_space<hbm>>
          tpu.enqueue_dma source(%dma_start3A_108 : memref<125xi32, #tpu.memory_space<hbm>>) target(%dma_start3A_105 : memref<125xi32, #tpu.memory_space<vmem>>) target_semaphore(%arg14 : memref<!tpu.dma_semaphore, #tpu.memory_space<semaphore_mem>>)
        } else {
        }
        %run_scoped3A_86 = arith.constant 1 : i32
        "tpu.region"() ({
          %run_scoped3A_94 = tpu.sem_alloc : memref<!tpu.dma_semaphore, #tpu.memory_space<semaphore_mem>>
          %dma_start3A_95 = arith.constant 0 : i32
          %dma_start3A_96 = arith.constant 0 : i32
          %dma_start3A_97 = tpu.memref_slice %arg9[%run_scoped3A_86, %dma_start3A_95, %dma_start3A_96] : memref<2x125x128xf32, #tpu.memory_space<vmem>> -> memref<1x125x128xf32, #tpu.memory_space<vmem>>
          %dma_start3A_98 = tpu.memref_squeeze %dma_start3A_97 : memref<1x125x128xf32, #tpu.memory_space<vmem>> -> memref<125x128xf32, #tpu.memory_space<vmem>>
          %dma_start3A_99 = arith.constant 0 : i32
          %dma_start3A_100 = tpu.memref_slice %arg8[%add3A_62, %dma_start3A_99] : memref<80x125xi32, #tpu.memory_space<vmem>> -> memref<1x125xi32, #tpu.memory_space<vmem>>
          %dma_start3A_101 = tpu.memref_squeeze %dma_start3A_100 : memref<1x125xi32, #tpu.memory_space<vmem>> -> memref<125xi32, #tpu.memory_space<vmem>>
          %dma_start3A_102 = arith.constant 0 : i32
          %dma_start3A_103 = arith.constant 0 : i32
          %dma_start3A_104 = tpu.memref_slice %arg10[%dma_start3A_102, %dma_start3A_103] : memref<10000x128xf32, #tpu.memory_space<vmem_shared>> -> memref<10000x128xf32, #tpu.memory_space<vmem_shared>>
          tpu.enqueue_indirect_dma source(%dma_start3A_98 : memref<125x128xf32, #tpu.memory_space<vmem>>) target(%dma_start3A_104 : memref<10000x128xf32, #tpu.memory_space<vmem_shared>>) offsets(%dma_start3A_101 : memref<125xi32, #tpu.memory_space<vmem>>) semaphore(%run_scoped3A_94 : memref<!tpu.dma_semaphore, #tpu.memory_space<semaphore_mem>>) {add = true}
          %dma_wait3A_105 = arith.constant 0 : i32
          %dma_wait3A_106 = arith.constant 0 : i32
          %dma_wait3A_107 = tpu.memref_slice %arg9[%run_scoped3A_86, %dma_wait3A_105, %dma_wait3A_106] : memref<2x125x128xf32, #tpu.memory_space<vmem>> -> memref<1x125x128xf32, #tpu.memory_space<vmem>>
          %dma_wait3A_108 = tpu.memref_squeeze %dma_wait3A_107 : memref<1x125x128xf32, #tpu.memory_space<vmem>> -> memref<125x128xf32, #tpu.memory_space<vmem>>
          %dma_wait3A_109 = arith.constant 0 : i32
          %dma_wait3A_110 = tpu.memref_slice %arg8[%add3A_62, %dma_wait3A_109] : memref<80x125xi32, #tpu.memory_space<vmem>> -> memref<1x125xi32, #tpu.memory_space<vmem>>
          %dma_wait3A_111 = tpu.memref_squeeze %dma_wait3A_110 : memref<1x125xi32, #tpu.memory_space<vmem>> -> memref<125xi32, #tpu.memory_space<vmem>>
          %dma_wait3A_112 = arith.constant 0 : i32
          %dma_wait3A_113 = arith.constant 0 : i32
          %dma_wait3A_114 = tpu.memref_slice %arg10[%dma_wait3A_112, %dma_wait3A_113] : memref<10000x128xf32, #tpu.memory_space<vmem_shared>> -> memref<10000x128xf32, #tpu.memory_space<vmem_shared>>
          tpu.wait_indirect_dma semaphore(%run_scoped3A_94 : memref<!tpu.dma_semaphore, #tpu.memory_space<semaphore_mem>>) src(%dma_wait3A_108 : memref<125x128xf32, #tpu.memory_space<vmem>>) dst(%dma_wait3A_114 : memref<10000x128xf32, #tpu.memory_space<vmem_shared>>)
          tpu.yield
        }) : () -> ()
        %add3A_87 = arith.constant 2 : i32
        %add3A_88 = arith.addi %add3A_62, %add3A_87 : i32
        %lt3A_89 = arith.constant 80 : i32
        %lt3A_90 = arith.cmpi slt, %add3A_88, %lt3A_89 : i32
        %convert_element_type3A_91 = arith.extui %lt3A_90 : i1 to i32
        %cond3A_92 = arith.constant 0 : i32
        %cond3A_93 = arith.cmpi ne, %convert_element_type3A_91, %cond3A_92 : i32
        scf.if %cond3A_93 {
          %add3A_94 = arith.constant 2 : i32
          %add3A_95 = arith.addi %add3A_62, %add3A_94 : i32
          %dma_wait3A_96 = arith.constant 1 : i32
          %dma_wait3A_97 = arith.constant 0 : i32
          %dma_wait3A_98 = tpu.memref_slice %arg7[%dma_wait3A_96, %dma_wait3A_97] : memref<2x125xi32, #tpu.memory_space<vmem>> -> memref<1x125xi32, #tpu.memory_space<vmem>>
          %dma_wait3A_99 = tpu.memref_squeeze %dma_wait3A_98 : memref<1x125xi32, #tpu.memory_space<vmem>> -> memref<125xi32, #tpu.memory_space<vmem>>
          %dma_wait3A_100 = arith.constant 0 : i32
          %dma_wait3A_101 = tpu.memref_slice %arg2[%add3A, %add3A_95, %dma_wait3A_100] : memref<32x80x125xi32, #tpu.memory_space<hbm>> -> memref<1x1x125xi32, #tpu.memory_space<hbm>>
          %dma_wait3A_102 = tpu.memref_squeeze %dma_wait3A_101 : memref<1x1x125xi32, #tpu.memory_space<hbm>> -> memref<125xi32, #tpu.memory_space<hbm>>
          %dma_wait3A_103 = arith.constant 0 : i32
          %dma_wait3A_104 = tpu.memref_slice %arg7[%dma_wait3A_96, %dma_wait3A_103] : memref<2x125xi32, #tpu.memory_space<vmem>> -> memref<1x125xi32, #tpu.memory_space<vmem>>
          %dma_wait3A_105 = tpu.memref_squeeze %dma_wait3A_104 : memref<1x125xi32, #tpu.memory_space<vmem>> -> memref<125xi32, #tpu.memory_space<vmem>>
          %dma_wait3A_106 = arith.constant 0 : i32
          %dma_wait3A_107 = tpu.memref_slice %arg2[%add3A, %add3A_95, %dma_wait3A_106] : memref<32x80x125xi32, #tpu.memory_space<hbm>> -> memref<1x1x125xi32, #tpu.memory_space<hbm>>
          %dma_wait3A_108 = tpu.memref_squeeze %dma_wait3A_107 : memref<1x1x125xi32, #tpu.memory_space<hbm>> -> memref<125xi32, #tpu.memory_space<hbm>>
          tpu.wait_dma2 semaphore(%arg14 : memref<!tpu.dma_semaphore, #tpu.memory_space<semaphore_mem>>) src(%dma_wait3A_108 : memref<125xi32, #tpu.memory_space<hbm>>) dst(%dma_wait3A_105 : memref<125xi32, #tpu.memory_space<vmem>>)
          %dma_start3A_109 = arith.constant 1 : i32
          %dma_start3A_110 = arith.constant 1 : i32
          %dma_start3A_111 = arith.constant 0 : i32
          %dma_start3A_112 = arith.constant 0 : i32
          %dma_start3A_113 = tpu.memref_slice %arg9[%dma_start3A_110, %dma_start3A_111, %dma_start3A_112] : memref<2x125x128xf32, #tpu.memory_space<vmem>> -> memref<1x125x128xf32, #tpu.memory_space<vmem>>
          %dma_start3A_114 = tpu.memref_squeeze %dma_start3A_113 : memref<1x125x128xf32, #tpu.memory_space<vmem>> -> memref<125x128xf32, #tpu.memory_space<vmem>>
          %dma_start3A_115 = arith.constant 0 : i32
          %dma_start3A_116 = tpu.memref_slice %arg7[%dma_start3A_109, %dma_start3A_115] : memref<2x125xi32, #tpu.memory_space<vmem>> -> memref<1x125xi32, #tpu.memory_space<vmem>>
          %dma_start3A_117 = tpu.memref_squeeze %dma_start3A_116 : memref<1x125xi32, #tpu.memory_space<vmem>> -> memref<125xi32, #tpu.memory_space<vmem>>
          %dma_start3A_118 = arith.constant 0 : i32
          %dma_start3A_119 = arith.constant 0 : i32
          %dma_start3A_120 = tpu.memref_slice %arg4[%dma_start3A_118, %dma_start3A_119] : memref<10000x128xf32, #tpu.memory_space<hbm>> -> memref<10000x128xf32, #tpu.memory_space<hbm>>
          tpu.enqueue_indirect_dma source(%dma_start3A_120 : memref<10000x128xf32, #tpu.memory_space<hbm>>) target(%dma_start3A_114 : memref<125x128xf32, #tpu.memory_space<vmem>>) offsets(%dma_start3A_117 : memref<125xi32, #tpu.memory_space<vmem>>) semaphore(%arg12 : memref<!tpu.dma_semaphore, #tpu.memory_space<semaphore_mem>>)
        } else {
        }
      } else {
      }
    }
    %scan3A_42 = arith.constant 40 : i32
    %barrier3A_43 = arith.constant 0 : index
    tpu.barrier barrier_id(%barrier3A_43)
    %lt3A_44 = arith.constant 10 : i32
    %lt3A_45 = arith.cmpi slt, %arg1, %lt3A_44 : i32
    %convert_element_type3A_46 = arith.extui %lt3A_45 : i1 to i32
    %cond3A_47 = arith.constant 0 : i32
    %cond3A_48 = arith.cmpi ne, %convert_element_type3A_46, %cond3A_47 : i32
    scf.if %cond3A_48 {
      %mul3A_49 = arith.constant 1000 : i32
      %mul3A_50 = arith.muli %arg1, %mul3A_49 : i32
      %mul3A_51 = arith.constant 1000 : i32
      %mul3A_52 = arith.muli %arg1, %mul3A_51 : i32
      "tpu.region"() ({
        %run_scoped3A_53 = tpu.sem_alloc : memref<!tpu.dma_semaphore, #tpu.memory_space<semaphore_mem>>
        %dma_start3A_54 = arith.constant 0 : i32
        %dma_start3A_55 = tpu.memref_slice %arg6[%arg0, %mul3A_52, %dma_start3A_54] : memref<2x10000x128xf32, #tpu.memory_space<hbm>> -> memref<1x1000x128xf32, #tpu.memory_space<hbm>>
        %dma_start3A_56 = tpu.memref_squeeze %dma_start3A_55 : memref<1x1000x128xf32, #tpu.memory_space<hbm>> -> memref<1000x128xf32, #tpu.memory_space<hbm>>
        %dma_start3A_57 = arith.constant 0 : i32
        %dma_start3A_58 = tpu.memref_slice %arg10[%mul3A_50, %dma_start3A_57] : memref<10000x128xf32, #tpu.memory_space<vmem_shared>> -> memref<1000x128xf32, #tpu.memory_space<vmem_shared>>
        tpu.enqueue_dma source(%dma_start3A_58 : memref<1000x128xf32, #tpu.memory_space<vmem_shared>>) target(%dma_start3A_56 : memref<1000x128xf32, #tpu.memory_space<hbm>>) target_semaphore(%run_scoped3A_53 : memref<!tpu.dma_semaphore, #tpu.memory_space<semaphore_mem>>)
        %dma_wait3A = arith.constant 0 : i32
        %dma_wait3A_59 = tpu.memref_slice %arg6[%arg0, %mul3A_52, %dma_wait3A] : memref<2x10000x128xf32, #tpu.memory_space<hbm>> -> memref<1x1000x128xf32, #tpu.memory_space<hbm>>
        %dma_wait3A_60 = tpu.memref_squeeze %dma_wait3A_59 : memref<1x1000x128xf32, #tpu.memory_space<hbm>> -> memref<1000x128xf32, #tpu.memory_space<hbm>>
        %dma_wait3A_61 = arith.constant 0 : i32
        %dma_wait3A_62 = tpu.memref_slice %arg10[%mul3A_50, %dma_wait3A_61] : memref<10000x128xf32, #tpu.memory_space<vmem_shared>> -> memref<1000x128xf32, #tpu.memory_space<vmem_shared>>
        tpu.wait_dma2 semaphore(%run_scoped3A_53 : memref<!tpu.dma_semaphore, #tpu.memory_space<semaphore_mem>>) src(%dma_wait3A_62 : memref<1000x128xf32, #tpu.memory_space<vmem_shared>>) dst(%dma_wait3A_60 : memref<1000x128xf32, #tpu.memory_space<hbm>>)
        tpu.yield
      }) : () -> ()
    } else {
    }
    return
  }
}

#map = affine_map<(d0, d1) -> (0, 0, 0)>
#map1 = affine_map<(d0, d1) -> (0, 0)>
module attributes {stable_mosaic.version = 14 : i64} {
  func.func @k(%arg0: i32, %arg1: i32, %arg2: memref<32x80x125xi32, #tpu.memory_space<hbm>>, %arg3: memref<32x80x125xi32, #tpu.memory_space<hbm>>, %arg4: memref<10000x128xf32, #tpu.memory_space<hbm>>, %arg5: memref<10000x128xf32, #tpu.memory_space<hbm>>, %arg6: memref<2x10000x128xf32, #tpu.memory_space<hbm>>, %arg7: memref<2x125xi32, #tpu.memory_space<vmem>>, %arg8: memref<80x125xi32, #tpu.memory_space<vmem>>, %arg9: memref<2x125x128xf32, #tpu.memory_space<vmem>>, %arg10: memref<10000x128xf32, #tpu.memory_space<vmem_shared>>, %arg11: memref<!tpu.dma_semaphore, #tpu.memory_space<semaphore_mem>>, %arg12: memref<!tpu.dma_semaphore, #tpu.memory_space<semaphore_mem>>, %arg13: memref<!tpu.dma_semaphore, #tpu.memory_space<semaphore_mem>>, %arg14: memref<!tpu.dma_semaphore, #tpu.memory_space<semaphore_mem>>) attributes {dimension_semantics = [#tpu.dimension_semantics<core_parallel>, #tpu.dimension_semantics<subcore_parallel>], iteration_bounds = array<i64: 2, 16>, scalar_prefetch = 0 : i64, scratch_operands = 8 : i64, tpu.core_type = #tpu.core_type<sc_vector_subcore>, window_params = [{transform_indices = #map}, {transform_indices = #map}, {transform_indices = #map1}, {transform_indices = #map1}, {transform_indices = #map}]} {
    %mul3A = arith.constant 16 : i32
    %mul3A_0 = arith.muli %arg0, %mul3A : i32
    %add3A = arith.addi %mul3A_0, %arg1 : i32
    %eq3A = arith.constant 0 : i32
    %eq3A_1 = arith.cmpi eq, %arg0, %eq3A : i32
    %lt3A = arith.constant 10 : i32
    %lt3A_2 = arith.cmpi slt, %arg1, %lt3A : i32
    %and3A = arith.andi %eq3A_1, %lt3A_2 : i1
    %convert_element_type3A = arith.extui %and3A : i1 to i32
    %cond3A = arith.constant 0 : i32
    %cond3A_3 = arith.cmpi ne, %convert_element_type3A, %cond3A : i32
    scf.if %cond3A_3 {
      %mul3A_49 = arith.constant 1000 : i32
      %mul3A_50 = arith.muli %arg1, %mul3A_49 : i32
      %mul3A_51 = arith.constant 1000 : i32
      %mul3A_52 = arith.muli %arg1, %mul3A_51 : i32
      "tpu.region"() ({
        %run_scoped3A_53 = tpu.sem_alloc : memref<!tpu.dma_semaphore, #tpu.memory_space<semaphore_mem>>
        %dma_start3A_54 = arith.constant 0 : i32
        %dma_start3A_55 = tpu.memref_slice %arg10[%mul3A_52, %dma_start3A_54] : memref<10000x128xf32, #tpu.memory_space<vmem_shared>> -> memref<1000x128xf32, #tpu.memory_space<vmem_shared>>
        %dma_start3A_56 = arith.constant 0 : i32
        %dma_start3A_57 = tpu.memref_slice %arg4[%mul3A_50, %dma_start3A_56] : memref<10000x128xf32, #tpu.memory_space<hbm>> -> memref<1000x128xf32, #tpu.memory_space<hbm>>
        tpu.enqueue_dma source(%dma_start3A_57 : memref<1000x128xf32, #tpu.memory_space<hbm>>) target(%dma_start3A_55 : memref<1000x128xf32, #tpu.memory_space<vmem_shared>>) target_semaphore(%run_scoped3A_53 : memref<!tpu.dma_semaphore, #tpu.memory_space<semaphore_mem>>)
        %dma_wait3A = arith.constant 0 : i32
        %dma_wait3A_58 = tpu.memref_slice %arg10[%mul3A_52, %dma_wait3A] : memref<10000x128xf32, #tpu.memory_space<vmem_shared>> -> memref<1000x128xf32, #tpu.memory_space<vmem_shared>>
        %dma_wait3A_59 = arith.constant 0 : i32
        %dma_wait3A_60 = tpu.memref_slice %arg4[%mul3A_50, %dma_wait3A_59] : memref<10000x128xf32, #tpu.memory_space<hbm>> -> memref<1000x128xf32, #tpu.memory_space<hbm>>
        tpu.wait_dma2 semaphore(%run_scoped3A_53 : memref<!tpu.dma_semaphore, #tpu.memory_space<semaphore_mem>>) src(%dma_wait3A_60 : memref<1000x128xf32, #tpu.memory_space<hbm>>) dst(%dma_wait3A_58 : memref<1000x128xf32, #tpu.memory_space<vmem_shared>>)
        tpu.yield
      }) : () -> ()
    } else {
    }
    %eq3A_4 = arith.constant 1 : i32
    %eq3A_5 = arith.cmpi eq, %arg0, %eq3A_4 : i32
    %lt3A_6 = arith.constant 10 : i32
    %lt3A_7 = arith.cmpi slt, %arg1, %lt3A_6 : i32
    %and3A_8 = arith.andi %eq3A_5, %lt3A_7 : i1
    %convert_element_type3A_9 = arith.extui %and3A_8 : i1 to i32
    %cond3A_10 = arith.constant 0 : i32
    %cond3A_11 = arith.cmpi ne, %convert_element_type3A_9, %cond3A_10 : i32
    scf.if %cond3A_11 {
      %mul3A_49 = arith.constant 1000 : i32
      %mul3A_50 = arith.muli %arg1, %mul3A_49 : i32
      %mul3A_51 = arith.constant 1000 : i32
      %mul3A_52 = arith.muli %arg1, %mul3A_51 : i32
      "tpu.region"() ({
        %run_scoped3A_53 = tpu.sem_alloc : memref<!tpu.dma_semaphore, #tpu.memory_space<semaphore_mem>>
        %dma_start3A_54 = arith.constant 0 : i32
        %dma_start3A_55 = tpu.memref_slice %arg10[%mul3A_52, %dma_start3A_54] : memref<10000x128xf32, #tpu.memory_space<vmem_shared>> -> memref<1000x128xf32, #tpu.memory_space<vmem_shared>>
        %dma_start3A_56 = arith.constant 0 : i32
        %dma_start3A_57 = tpu.memref_slice %arg5[%mul3A_50, %dma_start3A_56] : memref<10000x128xf32, #tpu.memory_space<hbm>> -> memref<1000x128xf32, #tpu.memory_space<hbm>>
        tpu.enqueue_dma source(%dma_start3A_57 : memref<1000x128xf32, #tpu.memory_space<hbm>>) target(%dma_start3A_55 : memref<1000x128xf32, #tpu.memory_space<vmem_shared>>) target_semaphore(%run_scoped3A_53 : memref<!tpu.dma_semaphore, #tpu.memory_space<semaphore_mem>>)
        %dma_wait3A = arith.constant 0 : i32
        %dma_wait3A_58 = tpu.memref_slice %arg10[%mul3A_52, %dma_wait3A] : memref<10000x128xf32, #tpu.memory_space<vmem_shared>> -> memref<1000x128xf32, #tpu.memory_space<vmem_shared>>
        %dma_wait3A_59 = arith.constant 0 : i32
        %dma_wait3A_60 = tpu.memref_slice %arg5[%mul3A_50, %dma_wait3A_59] : memref<10000x128xf32, #tpu.memory_space<hbm>> -> memref<1000x128xf32, #tpu.memory_space<hbm>>
        tpu.wait_dma2 semaphore(%run_scoped3A_53 : memref<!tpu.dma_semaphore, #tpu.memory_space<semaphore_mem>>) src(%dma_wait3A_60 : memref<1000x128xf32, #tpu.memory_space<hbm>>) dst(%dma_wait3A_58 : memref<1000x128xf32, #tpu.memory_space<vmem_shared>>)
        tpu.yield
      }) : () -> ()
    } else {
    }
    "tpu.region"() ({
      %run_scoped3A_49 = tpu.sem_alloc : memref<!tpu.dma_semaphore, #tpu.memory_space<semaphore_mem>>
      %dma_start3A_50 = arith.constant 0 : i32
      %dma_start3A_51 = arith.constant 0 : i32
      %dma_start3A_52 = tpu.memref_slice %arg3[%add3A, %dma_start3A_50, %dma_start3A_51] : memref<32x80x125xi32, #tpu.memory_space<hbm>> -> memref<1x80x125xi32, #tpu.memory_space<hbm>>
      %dma_start3A_53 = tpu.memref_squeeze %dma_start3A_52 : memref<1x80x125xi32, #tpu.memory_space<hbm>> -> memref<80x125xi32, #tpu.memory_space<hbm>>
      %dma_start3A_54 = arith.constant 0 : i32
      %dma_start3A_55 = arith.constant 0 : i32
      %dma_start3A_56 = tpu.memref_slice %arg3[%add3A, %dma_start3A_54, %dma_start3A_55] : memref<32x80x125xi32, #tpu.memory_space<hbm>> -> memref<1x80x125xi32, #tpu.memory_space<hbm>>
      %dma_start3A_57 = tpu.memref_squeeze %dma_start3A_56 : memref<1x80x125xi32, #tpu.memory_space<hbm>> -> memref<80x125xi32, #tpu.memory_space<hbm>>
      tpu.enqueue_dma source(%dma_start3A_57 : memref<80x125xi32, #tpu.memory_space<hbm>>) target(%arg8 : memref<80x125xi32, #tpu.memory_space<vmem>>) target_semaphore(%run_scoped3A_49 : memref<!tpu.dma_semaphore, #tpu.memory_space<semaphore_mem>>)
      %dma_wait3A = arith.constant 0 : i32
      %dma_wait3A_58 = arith.constant 0 : i32
      %dma_wait3A_59 = tpu.memref_slice %arg3[%add3A, %dma_wait3A, %dma_wait3A_58] : memref<32x80x125xi32, #tpu.memory_space<hbm>> -> memref<1x80x125xi32, #tpu.memory_space<hbm>>
      %dma_wait3A_60 = tpu.memref_squeeze %dma_wait3A_59 : memref<1x80x125xi32, #tpu.memory_space<hbm>> -> memref<80x125xi32, #tpu.memory_space<hbm>>
      %dma_wait3A_61 = arith.constant 0 : i32
      %dma_wait3A_62 = arith.constant 0 : i32
      %dma_wait3A_63 = tpu.memref_slice %arg3[%add3A, %dma_wait3A_61, %dma_wait3A_62] : memref<32x80x125xi32, #tpu.memory_space<hbm>> -> memref<1x80x125xi32, #tpu.memory_space<hbm>>
      %dma_wait3A_64 = tpu.memref_squeeze %dma_wait3A_63 : memref<1x80x125xi32, #tpu.memory_space<hbm>> -> memref<80x125xi32, #tpu.memory_space<hbm>>
      tpu.wait_dma2 semaphore(%run_scoped3A_49 : memref<!tpu.dma_semaphore, #tpu.memory_space<semaphore_mem>>) src(%dma_wait3A_64 : memref<80x125xi32, #tpu.memory_space<hbm>>) dst(%arg8 : memref<80x125xi32, #tpu.memory_space<vmem>>)
      tpu.yield
    }) : () -> ()
    %barrier3A = arith.constant 0 : index
    tpu.barrier barrier_id(%barrier3A)
    %run_scoped3A = arith.constant 0 : i32
    %run_scoped3A_12 = arith.constant 0 : i32
    "tpu.region"() ({
      %run_scoped3A_49 = tpu.sem_alloc : memref<!tpu.dma_semaphore, #tpu.memory_space<semaphore_mem>>
      %dma_start3A_50 = arith.constant 0 : i32
      %dma_start3A_51 = tpu.memref_slice %arg7[%run_scoped3A_12, %dma_start3A_50] : memref<2x125xi32, #tpu.memory_space<vmem>> -> memref<1x125xi32, #tpu.memory_space<vmem>>
      %dma_start3A_52 = tpu.memref_squeeze %dma_start3A_51 : memref<1x125xi32, #tpu.memory_space<vmem>> -> memref<125xi32, #tpu.memory_space<vmem>>
      %dma_start3A_53 = arith.constant 0 : i32
      %dma_start3A_54 = tpu.memref_slice %arg2[%add3A, %run_scoped3A, %dma_start3A_53] : memref<32x80x125xi32, #tpu.memory_space<hbm>> -> memref<1x1x125xi32, #tpu.memory_space<hbm>>
      %dma_start3A_55 = tpu.memref_squeeze %dma_start3A_54 : memref<1x1x125xi32, #tpu.memory_space<hbm>> -> memref<125xi32, #tpu.memory_space<hbm>>
      %dma_start3A_56 = arith.constant 0 : i32
      %dma_start3A_57 = tpu.memref_slice %arg7[%run_scoped3A_12, %dma_start3A_56] : memref<2x125xi32, #tpu.memory_space<vmem>> -> memref<1x125xi32, #tpu.memory_space<vmem>>
      %dma_start3A_58 = tpu.memref_squeeze %dma_start3A_57 : memref<1x125xi32, #tpu.memory_space<vmem>> -> memref<125xi32, #tpu.memory_space<vmem>>
      %dma_start3A_59 = arith.constant 0 : i32
      %dma_start3A_60 = tpu.memref_slice %arg2[%add3A, %run_scoped3A, %dma_start3A_59] : memref<32x80x125xi32, #tpu.memory_space<hbm>> -> memref<1x1x125xi32, #tpu.memory_space<hbm>>
      %dma_start3A_61 = tpu.memref_squeeze %dma_start3A_60 : memref<1x1x125xi32, #tpu.memory_space<hbm>> -> memref<125xi32, #tpu.memory_space<hbm>>
      tpu.enqueue_dma source(%dma_start3A_61 : memref<125xi32, #tpu.memory_space<hbm>>) target(%dma_start3A_58 : memref<125xi32, #tpu.memory_space<vmem>>) target_semaphore(%run_scoped3A_49 : memref<!tpu.dma_semaphore, #tpu.memory_space<semaphore_mem>>)
      %dma_wait3A = arith.constant 0 : i32
      %dma_wait3A_62 = tpu.memref_slice %arg7[%run_scoped3A_12, %dma_wait3A] : memref<2x125xi32, #tpu.memory_space<vmem>> -> memref<1x125xi32, #tpu.memory_space<vmem>>
      %dma_wait3A_63 = tpu.memref_squeeze %dma_wait3A_62 : memref<1x125xi32, #tpu.memory_space<vmem>> -> memref<125xi32, #tpu.memory_space<vmem>>
      %dma_wait3A_64 = arith.constant 0 : i32
      %dma_wait3A_65 = tpu.memref_slice %arg2[%add3A, %run_scoped3A, %dma_wait3A_64] : memref<32x80x125xi32, #tpu.memory_space<hbm>> -> memref<1x1x125xi32, #tpu.memory_space<hbm>>
      %dma_wait3A_66 = tpu.memref_squeeze %dma_wait3A_65 : memref<1x1x125xi32, #tpu.memory_space<hbm>> -> memref<125xi32, #tpu.memory_space<hbm>>
      %dma_wait3A_67 = arith.constant 0 : i32
      %dma_wait3A_68 = tpu.memref_slice %arg7[%run_scoped3A_12, %dma_wait3A_67] : memref<2x125xi32, #tpu.memory_space<vmem>> -> memref<1x125xi32, #tpu.memory_space<vmem>>
      %dma_wait3A_69 = tpu.memref_squeeze %dma_wait3A_68 : memref<1x125xi32, #tpu.memory_space<vmem>> -> memref<125xi32, #tpu.memory_space<vmem>>
      %dma_wait3A_70 = arith.constant 0 : i32
      %dma_wait3A_71 = tpu.memref_slice %arg2[%add3A, %run_scoped3A, %dma_wait3A_70] : memref<32x80x125xi32, #tpu.memory_space<hbm>> -> memref<1x1x125xi32, #tpu.memory_space<hbm>>
      %dma_wait3A_72 = tpu.memref_squeeze %dma_wait3A_71 : memref<1x1x125xi32, #tpu.memory_space<hbm>> -> memref<125xi32, #tpu.memory_space<hbm>>
      tpu.wait_dma2 semaphore(%run_scoped3A_49 : memref<!tpu.dma_semaphore, #tpu.memory_space<semaphore_mem>>) src(%dma_wait3A_72 : memref<125xi32, #tpu.memory_space<hbm>>) dst(%dma_wait3A_69 : memref<125xi32, #tpu.memory_space<vmem>>)
      tpu.yield
    }) : () -> ()
    %run_scoped3A_13 = arith.constant 1 : i32
    %run_scoped3A_14 = arith.constant 1 : i32
    "tpu.region"() ({
      %run_scoped3A_49 = tpu.sem_alloc : memref<!tpu.dma_semaphore, #tpu.memory_space<semaphore_mem>>
      %dma_start3A_50 = arith.constant 0 : i32
      %dma_start3A_51 = tpu.memref_slice %arg7[%run_scoped3A_14, %dma_start3A_50] : memref<2x125xi32, #tpu.memory_space<vmem>> -> memref<1x125xi32, #tpu.memory_space<vmem>>
      %dma_start3A_52 = tpu.memref_squeeze %dma_start3A_51 : memref<1x125xi32, #tpu.memory_space<vmem>> -> memref<125xi32, #tpu.memory_space<vmem>>
      %dma_start3A_53 = arith.constant 0 : i32
      %dma_start3A_54 = tpu.memref_slice %arg2[%add3A, %run_scoped3A_13, %dma_start3A_53] : memref<32x80x125xi32, #tpu.memory_space<hbm>> -> memref<1x1x125xi32, #tpu.memory_space<hbm>>
      %dma_start3A_55 = tpu.memref_squeeze %dma_start3A_54 : memref<1x1x125xi32, #tpu.memory_space<hbm>> -> memref<125xi32, #tpu.memory_space<hbm>>
      %dma_start3A_56 = arith.constant 0 : i32
      %dma_start3A_57 = tpu.memref_slice %arg7[%run_scoped3A_14, %dma_start3A_56] : memref<2x125xi32, #tpu.memory_space<vmem>> -> memref<1x125xi32, #tpu.memory_space<vmem>>
      %dma_start3A_58 = tpu.memref_squeeze %dma_start3A_57 : memref<1x125xi32, #tpu.memory_space<vmem>> -> memref<125xi32, #tpu.memory_space<vmem>>
      %dma_start3A_59 = arith.constant 0 : i32
      %dma_start3A_60 = tpu.memref_slice %arg2[%add3A, %run_scoped3A_13, %dma_start3A_59] : memref<32x80x125xi32, #tpu.memory_space<hbm>> -> memref<1x1x125xi32, #tpu.memory_space<hbm>>
      %dma_start3A_61 = tpu.memref_squeeze %dma_start3A_60 : memref<1x1x125xi32, #tpu.memory_space<hbm>> -> memref<125xi32, #tpu.memory_space<hbm>>
      tpu.enqueue_dma source(%dma_start3A_61 : memref<125xi32, #tpu.memory_space<hbm>>) target(%dma_start3A_58 : memref<125xi32, #tpu.memory_space<vmem>>) target_semaphore(%run_scoped3A_49 : memref<!tpu.dma_semaphore, #tpu.memory_space<semaphore_mem>>)
      %dma_wait3A = arith.constant 0 : i32
      %dma_wait3A_62 = tpu.memref_slice %arg7[%run_scoped3A_14, %dma_wait3A] : memref<2x125xi32, #tpu.memory_space<vmem>> -> memref<1x125xi32, #tpu.memory_space<vmem>>
      %dma_wait3A_63 = tpu.memref_squeeze %dma_wait3A_62 : memref<1x125xi32, #tpu.memory_space<vmem>> -> memref<125xi32, #tpu.memory_space<vmem>>
      %dma_wait3A_64 = arith.constant 0 : i32
      %dma_wait3A_65 = tpu.memref_slice %arg2[%add3A, %run_scoped3A_13, %dma_wait3A_64] : memref<32x80x125xi32, #tpu.memory_space<hbm>> -> memref<1x1x125xi32, #tpu.memory_space<hbm>>
      %dma_wait3A_66 = tpu.memref_squeeze %dma_wait3A_65 : memref<1x1x125xi32, #tpu.memory_space<hbm>> -> memref<125xi32, #tpu.memory_space<hbm>>
      %dma_wait3A_67 = arith.constant 0 : i32
      %dma_wait3A_68 = tpu.memref_slice %arg7[%run_scoped3A_14, %dma_wait3A_67] : memref<2x125xi32, #tpu.memory_space<vmem>> -> memref<1x125xi32, #tpu.memory_space<vmem>>
      %dma_wait3A_69 = tpu.memref_squeeze %dma_wait3A_68 : memref<1x125xi32, #tpu.memory_space<vmem>> -> memref<125xi32, #tpu.memory_space<vmem>>
      %dma_wait3A_70 = arith.constant 0 : i32
      %dma_wait3A_71 = tpu.memref_slice %arg2[%add3A, %run_scoped3A_13, %dma_wait3A_70] : memref<32x80x125xi32, #tpu.memory_space<hbm>> -> memref<1x1x125xi32, #tpu.memory_space<hbm>>
      %dma_wait3A_72 = tpu.memref_squeeze %dma_wait3A_71 : memref<1x1x125xi32, #tpu.memory_space<hbm>> -> memref<125xi32, #tpu.memory_space<hbm>>
      tpu.wait_dma2 semaphore(%run_scoped3A_49 : memref<!tpu.dma_semaphore, #tpu.memory_space<semaphore_mem>>) src(%dma_wait3A_72 : memref<125xi32, #tpu.memory_space<hbm>>) dst(%dma_wait3A_69 : memref<125xi32, #tpu.memory_space<vmem>>)
      tpu.yield
    }) : () -> ()
    %dma_start3A = arith.constant 0 : i32
    %dma_start3A_15 = arith.constant 0 : i32
    %dma_start3A_16 = arith.constant 0 : i32
    %dma_start3A_17 = arith.constant 0 : i32
    %dma_start3A_18 = tpu.memref_slice %arg9[%dma_start3A_15, %dma_start3A_16, %dma_start3A_17] : memref<2x125x128xf32, #tpu.memory_space<vmem>> -> memref<1x125x128xf32, #tpu.memory_space<vmem>>
    %dma_start3A_19 = tpu.memref_squeeze %dma_start3A_18 : memref<1x125x128xf32, #tpu.memory_space<vmem>> -> memref<125x128xf32, #tpu.memory_space<vmem>>
    %dma_start3A_20 = arith.constant 0 : i32
    %dma_start3A_21 = tpu.memref_slice %arg7[%dma_start3A, %dma_start3A_20] : memref<2x125xi32, #tpu.memory_space<vmem>> -> memref<1x125xi32, #tpu.memory_space<vmem>>
    %dma_start3A_22 = tpu.memref_squeeze %dma_start3A_21 : memref<1x125xi32, #tpu.memory_space<vmem>> -> memref<125xi32, #tpu.memory_space<vmem>>
    %dma_start3A_23 = arith.constant 0 : i32
    %dma_start3A_24 = arith.constant 0 : i32
    %dma_start3A_25 = tpu.memref_slice %arg4[%dma_start3A_23, %dma_start3A_24] : memref<10000x128xf32, #tpu.memory_space<hbm>> -> memref<10000x128xf32, #tpu.memory_space<hbm>>
    tpu.enqueue_indirect_dma source(%dma_start3A_25 : memref<10000x128xf32, #tpu.memory_space<hbm>>) target(%dma_start3A_19 : memref<125x128xf32, #tpu.memory_space<vmem>>) offsets(%dma_start3A_22 : memref<125xi32, #tpu.memory_space<vmem>>) semaphore(%arg11 : memref<!tpu.dma_semaphore, #tpu.memory_space<semaphore_mem>>)
    %dma_start3A_26 = arith.constant 1 : i32
    %dma_start3A_27 = arith.constant 1 : i32
    %dma_start3A_28 = arith.constant 0 : i32
    %dma_start3A_29 = arith.constant 0 : i32
    %dma_start3A_30 = tpu.memref_slice %arg9[%dma_start3A_27, %dma_start3A_28, %dma_start3A_29] : memref<2x125x128xf32, #tpu.memory_space<vmem>> -> memref<1x125x128xf32, #tpu.memory_space<vmem>>
    %dma_start3A_31 = tpu.memref_squeeze %dma_start3A_30 : memref<1x125x128xf32, #tpu.memory_space<vmem>> -> memref<125x128xf32, #tpu.memory_space<vmem>>
    %dma_start3A_32 = arith.constant 0 : i32
    %dma_start3A_33 = tpu.memref_slice %arg7[%dma_start3A_26, %dma_start3A_32] : memref<2x125xi32, #tpu.memory_space<vmem>> -> memref<1x125xi32, #tpu.memory_space<vmem>>
    %dma_start3A_34 = tpu.memref_squeeze %dma_start3A_33 : memref<1x125xi32, #tpu.memory_space<vmem>> -> memref<125xi32, #tpu.memory_space<vmem>>
    %dma_start3A_35 = arith.constant 0 : i32
    %dma_start3A_36 = arith.constant 0 : i32
    %dma_start3A_37 = tpu.memref_slice %arg4[%dma_start3A_35, %dma_start3A_36] : memref<10000x128xf32, #tpu.memory_space<hbm>> -> memref<10000x128xf32, #tpu.memory_space<hbm>>
    tpu.enqueue_indirect_dma source(%dma_start3A_37 : memref<10000x128xf32, #tpu.memory_space<hbm>>) target(%dma_start3A_31 : memref<125x128xf32, #tpu.memory_space<vmem>>) offsets(%dma_start3A_34 : memref<125xi32, #tpu.memory_space<vmem>>) semaphore(%arg12 : memref<!tpu.dma_semaphore, #tpu.memory_space<semaphore_mem>>)
    %scan3A = arith.constant 0 : i32
    %scan3A_38 = arith.constant 0 : i32
    %scan3A_39 = arith.constant 40 : i32
    %scan3A_40 = arith.addi %scan3A_38, %scan3A_39 : i32
    %scan3A_41 = arith.constant 1 : i32
    scf.for %scan3A_49 = %scan3A_38 to %scan3A_40 step %scan3A_41  : i32 {
      %mul3A_50 = arith.constant 2 : i32
      %mul3A_51 = arith.muli %scan3A_49, %mul3A_50 : i32
      %add3A_52 = arith.constant 0 : i32
      %add3A_53 = arith.addi %mul3A_51, %add3A_52 : i32
      %lt3A_54 = arith.constant 80 : i32
      %lt3A_55 = arith.cmpi slt, %add3A_53, %lt3A_54 : i32
      %convert_element_type3A_56 = arith.extui %lt3A_55 : i1 to i32
      %cond3A_57 = arith.constant 0 : i32
      %cond3A_58 = arith.cmpi ne, %convert_element_type3A_56, %cond3A_57 : i32
      scf.if %cond3A_58 {
        %dma_wait3A = arith.constant 0 : i32
        %dma_wait3A_68 = arith.constant 0 : i32
        %dma_wait3A_69 = arith.constant 0 : i32
        %dma_wait3A_70 = arith.constant 0 : i32
        %dma_wait3A_71 = tpu.memref_slice %arg9[%dma_wait3A_68, %dma_wait3A_69, %dma_wait3A_70] : memref<2x125x128xf32, #tpu.memory_space<vmem>> -> memref<1x125x128xf32, #tpu.memory_space<vmem>>
        %dma_wait3A_72 = tpu.memref_squeeze %dma_wait3A_71 : memref<1x125x128xf32, #tpu.memory_space<vmem>> -> memref<125x128xf32, #tpu.memory_space<vmem>>
        %dma_wait3A_73 = arith.constant 0 : i32
        %dma_wait3A_74 = tpu.memref_slice %arg7[%dma_wait3A, %dma_wait3A_73] : memref<2x125xi32, #tpu.memory_space<vmem>> -> memref<1x125xi32, #tpu.memory_space<vmem>>
        %dma_wait3A_75 = tpu.memref_squeeze %dma_wait3A_74 : memref<1x125xi32, #tpu.memory_space<vmem>> -> memref<125xi32, #tpu.memory_space<vmem>>
        %dma_wait3A_76 = arith.constant 0 : i32
        %dma_wait3A_77 = arith.constant 0 : i32
        %dma_wait3A_78 = tpu.memref_slice %arg4[%dma_wait3A_76, %dma_wait3A_77] : memref<10000x128xf32, #tpu.memory_space<hbm>> -> memref<10000x128xf32, #tpu.memory_space<hbm>>
        tpu.wait_indirect_dma semaphore(%arg11 : memref<!tpu.dma_semaphore, #tpu.memory_space<semaphore_mem>>) src(%dma_wait3A_78 : memref<10000x128xf32, #tpu.memory_space<hbm>>) dst(%dma_wait3A_72 : memref<125x128xf32, #tpu.memory_space<vmem>>)
        %add3A_79 = arith.constant 2 : i32
        %add3A_80 = arith.addi %add3A_53, %add3A_79 : i32
        %lt3A_81 = arith.constant 80 : i32
        %lt3A_82 = arith.cmpi slt, %add3A_80, %lt3A_81 : i32
        %convert_element_type3A_83 = arith.extui %lt3A_82 : i1 to i32
        %cond3A_84 = arith.constant 0 : i32
        %cond3A_85 = arith.cmpi ne, %convert_element_type3A_83, %cond3A_84 : i32
        scf.if %cond3A_85 {
          %add3A_94 = arith.constant 2 : i32
          %add3A_95 = arith.addi %add3A_53, %add3A_94 : i32
          %dma_start3A_96 = arith.constant 0 : i32
          %dma_start3A_97 = arith.constant 0 : i32
          %dma_start3A_98 = tpu.memref_slice %arg7[%dma_start3A_96, %dma_start3A_97] : memref<2x125xi32, #tpu.memory_space<vmem>> -> memref<1x125xi32, #tpu.memory_space<vmem>>
          %dma_start3A_99 = tpu.memref_squeeze %dma_start3A_98 : memref<1x125xi32, #tpu.memory_space<vmem>> -> memref<125xi32, #tpu.memory_space<vmem>>
          %dma_start3A_100 = arith.constant 0 : i32
          %dma_start3A_101 = tpu.memref_slice %arg2[%add3A, %add3A_95, %dma_start3A_100] : memref<32x80x125xi32, #tpu.memory_space<hbm>> -> memref<1x1x125xi32, #tpu.memory_space<hbm>>
          %dma_start3A_102 = tpu.memref_squeeze %dma_start3A_101 : memref<1x1x125xi32, #tpu.memory_space<hbm>> -> memref<125xi32, #tpu.memory_space<hbm>>
          %dma_start3A_103 = arith.constant 0 : i32
          %dma_start3A_104 = tpu.memref_slice %arg7[%dma_start3A_96, %dma_start3A_103] : memref<2x125xi32, #tpu.memory_space<vmem>> -> memref<1x125xi32, #tpu.memory_space<vmem>>
          %dma_start3A_105 = tpu.memref_squeeze %dma_start3A_104 : memref<1x125xi32, #tpu.memory_space<vmem>> -> memref<125xi32, #tpu.memory_space<vmem>>
          %dma_start3A_106 = arith.constant 0 : i32
          %dma_start3A_107 = tpu.memref_slice %arg2[%add3A, %add3A_95, %dma_start3A_106] : memref<32x80x125xi32, #tpu.memory_space<hbm>> -> memref<1x1x125xi32, #tpu.memory_space<hbm>>
          %dma_start3A_108 = tpu.memref_squeeze %dma_start3A_107 : memref<1x1x125xi32, #tpu.memory_space<hbm>> -> memref<125xi32, #tpu.memory_space<hbm>>
          tpu.enqueue_dma source(%dma_start3A_108 : memref<125xi32, #tpu.memory_space<hbm>>) target(%dma_start3A_105 : memref<125xi32, #tpu.memory_space<vmem>>) target_semaphore(%arg13 : memref<!tpu.dma_semaphore, #tpu.memory_space<semaphore_mem>>)
        } else {
        }
        %run_scoped3A_86 = arith.constant 0 : i32
        "tpu.region"() ({
          %run_scoped3A_94 = tpu.sem_alloc : memref<!tpu.dma_semaphore, #tpu.memory_space<semaphore_mem>>
          %dma_start3A_95 = arith.constant 0 : i32
          %dma_start3A_96 = arith.constant 0 : i32
          %dma_start3A_97 = tpu.memref_slice %arg9[%run_scoped3A_86, %dma_start3A_95, %dma_start3A_96] : memref<2x125x128xf32, #tpu.memory_space<vmem>> -> memref<1x125x128xf32, #tpu.memory_space<vmem>>
          %dma_start3A_98 = tpu.memref_squeeze %dma_start3A_97 : memref<1x125x128xf32, #tpu.memory_space<vmem>> -> memref<125x128xf32, #tpu.memory_space<vmem>>
          %dma_start3A_99 = arith.constant 0 : i32
          %dma_start3A_100 = tpu.memref_slice %arg8[%add3A_53, %dma_start3A_99] : memref<80x125xi32, #tpu.memory_space<vmem>> -> memref<1x125xi32, #tpu.memory_space<vmem>>
          %dma_start3A_101 = tpu.memref_squeeze %dma_start3A_100 : memref<1x125xi32, #tpu.memory_space<vmem>> -> memref<125xi32, #tpu.memory_space<vmem>>
          %dma_start3A_102 = arith.constant 0 : i32
          %dma_start3A_103 = arith.constant 0 : i32
          %dma_start3A_104 = tpu.memref_slice %arg10[%dma_start3A_102, %dma_start3A_103] : memref<10000x128xf32, #tpu.memory_space<vmem_shared>> -> memref<10000x128xf32, #tpu.memory_space<vmem_shared>>
          tpu.enqueue_indirect_dma source(%dma_start3A_98 : memref<125x128xf32, #tpu.memory_space<vmem>>) target(%dma_start3A_104 : memref<10000x128xf32, #tpu.memory_space<vmem_shared>>) offsets(%dma_start3A_101 : memref<125xi32, #tpu.memory_space<vmem>>) semaphore(%run_scoped3A_94 : memref<!tpu.dma_semaphore, #tpu.memory_space<semaphore_mem>>) {add = true}
          %dma_wait3A_105 = arith.constant 0 : i32
          %dma_wait3A_106 = arith.constant 0 : i32
          %dma_wait3A_107 = tpu.memref_slice %arg9[%run_scoped3A_86, %dma_wait3A_105, %dma_wait3A_106] : memref<2x125x128xf32, #tpu.memory_space<vmem>> -> memref<1x125x128xf32, #tpu.memory_space<vmem>>
          %dma_wait3A_108 = tpu.memref_squeeze %dma_wait3A_107 : memref<1x125x128xf32, #tpu.memory_space<vmem>> -> memref<125x128xf32, #tpu.memory_space<vmem>>
          %dma_wait3A_109 = arith.constant 0 : i32
          %dma_wait3A_110 = tpu.memref_slice %arg8[%add3A_53, %dma_wait3A_109] : memref<80x125xi32, #tpu.memory_space<vmem>> -> memref<1x125xi32, #tpu.memory_space<vmem>>
          %dma_wait3A_111 = tpu.memref_squeeze %dma_wait3A_110 : memref<1x125xi32, #tpu.memory_space<vmem>> -> memref<125xi32, #tpu.memory_space<vmem>>
          %dma_wait3A_112 = arith.constant 0 : i32
          %dma_wait3A_113 = arith.constant 0 : i32
          %dma_wait3A_114 = tpu.memref_slice %arg10[%dma_wait3A_112, %dma_wait3A_113] : memref<10000x128xf32, #tpu.memory_space<vmem_shared>> -> memref<10000x128xf32, #tpu.memory_space<vmem_shared>>
          tpu.wait_indirect_dma semaphore(%run_scoped3A_94 : memref<!tpu.dma_semaphore, #tpu.memory_space<semaphore_mem>>) src(%dma_wait3A_108 : memref<125x128xf32, #tpu.memory_space<vmem>>) dst(%dma_wait3A_114 : memref<10000x128xf32, #tpu.memory_space<vmem_shared>>)
          tpu.yield
        }) : () -> ()
        %add3A_87 = arith.constant 2 : i32
        %add3A_88 = arith.addi %add3A_53, %add3A_87 : i32
        %lt3A_89 = arith.constant 80 : i32
        %lt3A_90 = arith.cmpi slt, %add3A_88, %lt3A_89 : i32
        %convert_element_type3A_91 = arith.extui %lt3A_90 : i1 to i32
        %cond3A_92 = arith.constant 0 : i32
        %cond3A_93 = arith.cmpi ne, %convert_element_type3A_91, %cond3A_92 : i32
        scf.if %cond3A_93 {
          %add3A_94 = arith.constant 2 : i32
          %add3A_95 = arith.addi %add3A_53, %add3A_94 : i32
          %dma_wait3A_96 = arith.constant 0 : i32
          %dma_wait3A_97 = arith.constant 0 : i32
          %dma_wait3A_98 = tpu.memref_slice %arg7[%dma_wait3A_96, %dma_wait3A_97] : memref<2x125xi32, #tpu.memory_space<vmem>> -> memref<1x125xi32, #tpu.memory_space<vmem>>
          %dma_wait3A_99 = tpu.memref_squeeze %dma_wait3A_98 : memref<1x125xi32, #tpu.memory_space<vmem>> -> memref<125xi32, #tpu.memory_space<vmem>>
          %dma_wait3A_100 = arith.constant 0 : i32
          %dma_wait3A_101 = tpu.memref_slice %arg2[%add3A, %add3A_95, %dma_wait3A_100] : memref<32x80x125xi32, #tpu.memory_space<hbm>> -> memref<1x1x125xi32, #tpu.memory_space<hbm>>
          %dma_wait3A_102 = tpu.memref_squeeze %dma_wait3A_101 : memref<1x1x125xi32, #tpu.memory_space<hbm>> -> memref<125xi32, #tpu.memory_space<hbm>>
          %dma_wait3A_103 = arith.constant 0 : i32
          %dma_wait3A_104 = tpu.memref_slice %arg7[%dma_wait3A_96, %dma_wait3A_103] : memref<2x125xi32, #tpu.memory_space<vmem>> -> memref<1x125xi32, #tpu.memory_space<vmem>>
          %dma_wait3A_105 = tpu.memref_squeeze %dma_wait3A_104 : memref<1x125xi32, #tpu.memory_space<vmem>> -> memref<125xi32, #tpu.memory_space<vmem>>
          %dma_wait3A_106 = arith.constant 0 : i32
          %dma_wait3A_107 = tpu.memref_slice %arg2[%add3A, %add3A_95, %dma_wait3A_106] : memref<32x80x125xi32, #tpu.memory_space<hbm>> -> memref<1x1x125xi32, #tpu.memory_space<hbm>>
          %dma_wait3A_108 = tpu.memref_squeeze %dma_wait3A_107 : memref<1x1x125xi32, #tpu.memory_space<hbm>> -> memref<125xi32, #tpu.memory_space<hbm>>
          tpu.wait_dma2 semaphore(%arg13 : memref<!tpu.dma_semaphore, #tpu.memory_space<semaphore_mem>>) src(%dma_wait3A_108 : memref<125xi32, #tpu.memory_space<hbm>>) dst(%dma_wait3A_105 : memref<125xi32, #tpu.memory_space<vmem>>)
          %dma_start3A_109 = arith.constant 0 : i32
          %dma_start3A_110 = arith.constant 0 : i32
          %dma_start3A_111 = arith.constant 0 : i32
          %dma_start3A_112 = arith.constant 0 : i32
          %dma_start3A_113 = tpu.memref_slice %arg9[%dma_start3A_110, %dma_start3A_111, %dma_start3A_112] : memref<2x125x128xf32, #tpu.memory_space<vmem>> -> memref<1x125x128xf32, #tpu.memory_space<vmem>>
          %dma_start3A_114 = tpu.memref_squeeze %dma_start3A_113 : memref<1x125x128xf32, #tpu.memory_space<vmem>> -> memref<125x128xf32, #tpu.memory_space<vmem>>
          %dma_start3A_115 = arith.constant 0 : i32
          %dma_start3A_116 = tpu.memref_slice %arg7[%dma_start3A_109, %dma_start3A_115] : memref<2x125xi32, #tpu.memory_space<vmem>> -> memref<1x125xi32, #tpu.memory_space<vmem>>
          %dma_start3A_117 = tpu.memref_squeeze %dma_start3A_116 : memref<1x125xi32, #tpu.memory_space<vmem>> -> memref<125xi32, #tpu.memory_space<vmem>>
          %dma_start3A_118 = arith.constant 0 : i32
          %dma_start3A_119 = arith.constant 0 : i32
          %dma_start3A_120 = tpu.memref_slice %arg4[%dma_start3A_118, %dma_start3A_119] : memref<10000x128xf32, #tpu.memory_space<hbm>> -> memref<10000x128xf32, #tpu.memory_space<hbm>>
          tpu.enqueue_indirect_dma source(%dma_start3A_120 : memref<10000x128xf32, #tpu.memory_space<hbm>>) target(%dma_start3A_114 : memref<125x128xf32, #tpu.memory_space<vmem>>) offsets(%dma_start3A_117 : memref<125xi32, #tpu.memory_space<vmem>>) semaphore(%arg11 : memref<!tpu.dma_semaphore, #tpu.memory_space<semaphore_mem>>)
        } else {
        }
      } else {
      }
      %mul3A_59 = arith.constant 2 : i32
      %mul3A_60 = arith.muli %scan3A_49, %mul3A_59 : i32
      %add3A_61 = arith.constant 1 : i32
      %add3A_62 = arith.addi %mul3A_60, %add3A_61 : i32
      %lt3A_63 = arith.constant 80 : i32
      %lt3A_64 = arith.cmpi slt, %add3A_62, %lt3A_63 : i32
      %convert_element_type3A_65 = arith.extui %lt3A_64 : i1 to i32
      %cond3A_66 = arith.constant 0 : i32
      %cond3A_67 = arith.cmpi ne, %convert_element_type3A_65, %cond3A_66 : i32
      scf.if %cond3A_67 {
        %dma_wait3A = arith.constant 1 : i32
        %dma_wait3A_68 = arith.constant 1 : i32
        %dma_wait3A_69 = arith.constant 0 : i32
        %dma_wait3A_70 = arith.constant 0 : i32
        %dma_wait3A_71 = tpu.memref_slice %arg9[%dma_wait3A_68, %dma_wait3A_69, %dma_wait3A_70] : memref<2x125x128xf32, #tpu.memory_space<vmem>> -> memref<1x125x128xf32, #tpu.memory_space<vmem>>
        %dma_wait3A_72 = tpu.memref_squeeze %dma_wait3A_71 : memref<1x125x128xf32, #tpu.memory_space<vmem>> -> memref<125x128xf32, #tpu.memory_space<vmem>>
        %dma_wait3A_73 = arith.constant 0 : i32
        %dma_wait3A_74 = tpu.memref_slice %arg7[%dma_wait3A, %dma_wait3A_73] : memref<2x125xi32, #tpu.memory_space<vmem>> -> memref<1x125xi32, #tpu.memory_space<vmem>>
        %dma_wait3A_75 = tpu.memref_squeeze %dma_wait3A_74 : memref<1x125xi32, #tpu.memory_space<vmem>> -> memref<125xi32, #tpu.memory_space<vmem>>
        %dma_wait3A_76 = arith.constant 0 : i32
        %dma_wait3A_77 = arith.constant 0 : i32
        %dma_wait3A_78 = tpu.memref_slice %arg4[%dma_wait3A_76, %dma_wait3A_77] : memref<10000x128xf32, #tpu.memory_space<hbm>> -> memref<10000x128xf32, #tpu.memory_space<hbm>>
        tpu.wait_indirect_dma semaphore(%arg12 : memref<!tpu.dma_semaphore, #tpu.memory_space<semaphore_mem>>) src(%dma_wait3A_78 : memref<10000x128xf32, #tpu.memory_space<hbm>>) dst(%dma_wait3A_72 : memref<125x128xf32, #tpu.memory_space<vmem>>)
        %add3A_79 = arith.constant 2 : i32
        %add3A_80 = arith.addi %add3A_62, %add3A_79 : i32
        %lt3A_81 = arith.constant 80 : i32
        %lt3A_82 = arith.cmpi slt, %add3A_80, %lt3A_81 : i32
        %convert_element_type3A_83 = arith.extui %lt3A_82 : i1 to i32
        %cond3A_84 = arith.constant 0 : i32
        %cond3A_85 = arith.cmpi ne, %convert_element_type3A_83, %cond3A_84 : i32
        scf.if %cond3A_85 {
          %add3A_94 = arith.constant 2 : i32
          %add3A_95 = arith.addi %add3A_62, %add3A_94 : i32
          %dma_start3A_96 = arith.constant 1 : i32
          %dma_start3A_97 = arith.constant 0 : i32
          %dma_start3A_98 = tpu.memref_slice %arg7[%dma_start3A_96, %dma_start3A_97] : memref<2x125xi32, #tpu.memory_space<vmem>> -> memref<1x125xi32, #tpu.memory_space<vmem>>
          %dma_start3A_99 = tpu.memref_squeeze %dma_start3A_98 : memref<1x125xi32, #tpu.memory_space<vmem>> -> memref<125xi32, #tpu.memory_space<vmem>>
          %dma_start3A_100 = arith.constant 0 : i32
          %dma_start3A_101 = tpu.memref_slice %arg2[%add3A, %add3A_95, %dma_start3A_100] : memref<32x80x125xi32, #tpu.memory_space<hbm>> -> memref<1x1x125xi32, #tpu.memory_space<hbm>>
          %dma_start3A_102 = tpu.memref_squeeze %dma_start3A_101 : memref<1x1x125xi32, #tpu.memory_space<hbm>> -> memref<125xi32, #tpu.memory_space<hbm>>
          %dma_start3A_103 = arith.constant 0 : i32
          %dma_start3A_104 = tpu.memref_slice %arg7[%dma_start3A_96, %dma_start3A_103] : memref<2x125xi32, #tpu.memory_space<vmem>> -> memref<1x125xi32, #tpu.memory_space<vmem>>
          %dma_start3A_105 = tpu.memref_squeeze %dma_start3A_104 : memref<1x125xi32, #tpu.memory_space<vmem>> -> memref<125xi32, #tpu.memory_space<vmem>>
          %dma_start3A_106 = arith.constant 0 : i32
          %dma_start3A_107 = tpu.memref_slice %arg2[%add3A, %add3A_95, %dma_start3A_106] : memref<32x80x125xi32, #tpu.memory_space<hbm>> -> memref<1x1x125xi32, #tpu.memory_space<hbm>>
          %dma_start3A_108 = tpu.memref_squeeze %dma_start3A_107 : memref<1x1x125xi32, #tpu.memory_space<hbm>> -> memref<125xi32, #tpu.memory_space<hbm>>
          tpu.enqueue_dma source(%dma_start3A_108 : memref<125xi32, #tpu.memory_space<hbm>>) target(%dma_start3A_105 : memref<125xi32, #tpu.memory_space<vmem>>) target_semaphore(%arg14 : memref<!tpu.dma_semaphore, #tpu.memory_space<semaphore_mem>>)
        } else {
        }
        %run_scoped3A_86 = arith.constant 1 : i32
        "tpu.region"() ({
          %run_scoped3A_94 = tpu.sem_alloc : memref<!tpu.dma_semaphore, #tpu.memory_space<semaphore_mem>>
          %dma_start3A_95 = arith.constant 0 : i32
          %dma_start3A_96 = arith.constant 0 : i32
          %dma_start3A_97 = tpu.memref_slice %arg9[%run_scoped3A_86, %dma_start3A_95, %dma_start3A_96] : memref<2x125x128xf32, #tpu.memory_space<vmem>> -> memref<1x125x128xf32, #tpu.memory_space<vmem>>
          %dma_start3A_98 = tpu.memref_squeeze %dma_start3A_97 : memref<1x125x128xf32, #tpu.memory_space<vmem>> -> memref<125x128xf32, #tpu.memory_space<vmem>>
          %dma_start3A_99 = arith.constant 0 : i32
          %dma_start3A_100 = tpu.memref_slice %arg8[%add3A_62, %dma_start3A_99] : memref<80x125xi32, #tpu.memory_space<vmem>> -> memref<1x125xi32, #tpu.memory_space<vmem>>
          %dma_start3A_101 = tpu.memref_squeeze %dma_start3A_100 : memref<1x125xi32, #tpu.memory_space<vmem>> -> memref<125xi32, #tpu.memory_space<vmem>>
          %dma_start3A_102 = arith.constant 0 : i32
          %dma_start3A_103 = arith.constant 0 : i32
          %dma_start3A_104 = tpu.memref_slice %arg10[%dma_start3A_102, %dma_start3A_103] : memref<10000x128xf32, #tpu.memory_space<vmem_shared>> -> memref<10000x128xf32, #tpu.memory_space<vmem_shared>>
          tpu.enqueue_indirect_dma source(%dma_start3A_98 : memref<125x128xf32, #tpu.memory_space<vmem>>) target(%dma_start3A_104 : memref<10000x128xf32, #tpu.memory_space<vmem_shared>>) offsets(%dma_start3A_101 : memref<125xi32, #tpu.memory_space<vmem>>) semaphore(%run_scoped3A_94 : memref<!tpu.dma_semaphore, #tpu.memory_space<semaphore_mem>>) {add = true}
          %dma_wait3A_105 = arith.constant 0 : i32
          %dma_wait3A_106 = arith.constant 0 : i32
          %dma_wait3A_107 = tpu.memref_slice %arg9[%run_scoped3A_86, %dma_wait3A_105, %dma_wait3A_106] : memref<2x125x128xf32, #tpu.memory_space<vmem>> -> memref<1x125x128xf32, #tpu.memory_space<vmem>>
          %dma_wait3A_108 = tpu.memref_squeeze %dma_wait3A_107 : memref<1x125x128xf32, #tpu.memory_space<vmem>> -> memref<125x128xf32, #tpu.memory_space<vmem>>
          %dma_wait3A_109 = arith.constant 0 : i32
          %dma_wait3A_110 = tpu.memref_slice %arg8[%add3A_62, %dma_wait3A_109] : memref<80x125xi32, #tpu.memory_space<vmem>> -> memref<1x125xi32, #tpu.memory_space<vmem>>
          %dma_wait3A_111 = tpu.memref_squeeze %dma_wait3A_110 : memref<1x125xi32, #tpu.memory_space<vmem>> -> memref<125xi32, #tpu.memory_space<vmem>>
          %dma_wait3A_112 = arith.constant 0 : i32
          %dma_wait3A_113 = arith.constant 0 : i32
          %dma_wait3A_114 = tpu.memref_slice %arg10[%dma_wait3A_112, %dma_wait3A_113] : memref<10000x128xf32, #tpu.memory_space<vmem_shared>> -> memref<10000x128xf32, #tpu.memory_space<vmem_shared>>
          tpu.wait_indirect_dma semaphore(%run_scoped3A_94 : memref<!tpu.dma_semaphore, #tpu.memory_space<semaphore_mem>>) src(%dma_wait3A_108 : memref<125x128xf32, #tpu.memory_space<vmem>>) dst(%dma_wait3A_114 : memref<10000x128xf32, #tpu.memory_space<vmem_shared>>)
          tpu.yield
        }) : () -> ()
        %add3A_87 = arith.constant 2 : i32
        %add3A_88 = arith.addi %add3A_62, %add3A_87 : i32
        %lt3A_89 = arith.constant 80 : i32
        %lt3A_90 = arith.cmpi slt, %add3A_88, %lt3A_89 : i32
        %convert_element_type3A_91 = arith.extui %lt3A_90 : i1 to i32
        %cond3A_92 = arith.constant 0 : i32
        %cond3A_93 = arith.cmpi ne, %convert_element_type3A_91, %cond3A_92 : i32
        scf.if %cond3A_93 {
          %add3A_94 = arith.constant 2 : i32
          %add3A_95 = arith.addi %add3A_62, %add3A_94 : i32
          %dma_wait3A_96 = arith.constant 1 : i32
          %dma_wait3A_97 = arith.constant 0 : i32
          %dma_wait3A_98 = tpu.memref_slice %arg7[%dma_wait3A_96, %dma_wait3A_97] : memref<2x125xi32, #tpu.memory_space<vmem>> -> memref<1x125xi32, #tpu.memory_space<vmem>>
          %dma_wait3A_99 = tpu.memref_squeeze %dma_wait3A_98 : memref<1x125xi32, #tpu.memory_space<vmem>> -> memref<125xi32, #tpu.memory_space<vmem>>
          %dma_wait3A_100 = arith.constant 0 : i32
          %dma_wait3A_101 = tpu.memref_slice %arg2[%add3A, %add3A_95, %dma_wait3A_100] : memref<32x80x125xi32, #tpu.memory_space<hbm>> -> memref<1x1x125xi32, #tpu.memory_space<hbm>>
          %dma_wait3A_102 = tpu.memref_squeeze %dma_wait3A_101 : memref<1x1x125xi32, #tpu.memory_space<hbm>> -> memref<125xi32, #tpu.memory_space<hbm>>
          %dma_wait3A_103 = arith.constant 0 : i32
          %dma_wait3A_104 = tpu.memref_slice %arg7[%dma_wait3A_96, %dma_wait3A_103] : memref<2x125xi32, #tpu.memory_space<vmem>> -> memref<1x125xi32, #tpu.memory_space<vmem>>
          %dma_wait3A_105 = tpu.memref_squeeze %dma_wait3A_104 : memref<1x125xi32, #tpu.memory_space<vmem>> -> memref<125xi32, #tpu.memory_space<vmem>>
          %dma_wait3A_106 = arith.constant 0 : i32
          %dma_wait3A_107 = tpu.memref_slice %arg2[%add3A, %add3A_95, %dma_wait3A_106] : memref<32x80x125xi32, #tpu.memory_space<hbm>> -> memref<1x1x125xi32, #tpu.memory_space<hbm>>
          %dma_wait3A_108 = tpu.memref_squeeze %dma_wait3A_107 : memref<1x1x125xi32, #tpu.memory_space<hbm>> -> memref<125xi32, #tpu.memory_space<hbm>>
          tpu.wait_dma2 semaphore(%arg14 : memref<!tpu.dma_semaphore, #tpu.memory_space<semaphore_mem>>) src(%dma_wait3A_108 : memref<125xi32, #tpu.memory_space<hbm>>) dst(%dma_wait3A_105 : memref<125xi32, #tpu.memory_space<vmem>>)
          %dma_start3A_109 = arith.constant 1 : i32
          %dma_start3A_110 = arith.constant 1 : i32
          %dma_start3A_111 = arith.constant 0 : i32
          %dma_start3A_112 = arith.constant 0 : i32
          %dma_start3A_113 = tpu.memref_slice %arg9[%dma_start3A_110, %dma_start3A_111, %dma_start3A_112] : memref<2x125x128xf32, #tpu.memory_space<vmem>> -> memref<1x125x128xf32, #tpu.memory_space<vmem>>
          %dma_start3A_114 = tpu.memref_squeeze %dma_start3A_113 : memref<1x125x128xf32, #tpu.memory_space<vmem>> -> memref<125x128xf32, #tpu.memory_space<vmem>>
          %dma_start3A_115 = arith.constant 0 : i32
          %dma_start3A_116 = tpu.memref_slice %arg7[%dma_start3A_109, %dma_start3A_115] : memref<2x125xi32, #tpu.memory_space<vmem>> -> memref<1x125xi32, #tpu.memory_space<vmem>>
          %dma_start3A_117 = tpu.memref_squeeze %dma_start3A_116 : memref<1x125xi32, #tpu.memory_space<vmem>> -> memref<125xi32, #tpu.memory_space<vmem>>
          %dma_start3A_118 = arith.constant 0 : i32
          %dma_start3A_119 = arith.constant 0 : i32
          %dma_start3A_120 = tpu.memref_slice %arg4[%dma_start3A_118, %dma_start3A_119] : memref<10000x128xf32, #tpu.memory_space<hbm>> -> memref<10000x128xf32, #tpu.memory_space<hbm>>
          tpu.enqueue_indirect_dma source(%dma_start3A_120 : memref<10000x128xf32, #tpu.memory_space<hbm>>) target(%dma_start3A_114 : memref<125x128xf32, #tpu.memory_space<vmem>>) offsets(%dma_start3A_117 : memref<125xi32, #tpu.memory_space<vmem>>) semaphore(%arg12 : memref<!tpu.dma_semaphore, #tpu.memory_space<semaphore_mem>>)
        } else {
        }
      } else {
      }
    }
    %scan3A_42 = arith.constant 40 : i32
    %barrier3A_43 = arith.constant 0 : index
    tpu.barrier barrier_id(%barrier3A_43)
    %lt3A_44 = arith.constant 10 : i32
    %lt3A_45 = arith.cmpi slt, %arg1, %lt3A_44 : i32
    %convert_element_type3A_46 = arith.extui %lt3A_45 : i1 to i32
    %cond3A_47 = arith.constant 0 : i32
    %cond3A_48 = arith.cmpi ne, %convert_element_type3A_46, %cond3A_47 : i32
    scf.if %cond3A_48 {
      %mul3A_49 = arith.constant 1000 : i32
      %mul3A_50 = arith.muli %arg1, %mul3A_49 : i32
      %mul3A_51 = arith.constant 1000 : i32
      %mul3A_52 = arith.muli %arg1, %mul3A_51 : i32
      "tpu.region"() ({
        %run_scoped3A_53 = tpu.sem_alloc : memref<!tpu.dma_semaphore, #tpu.memory_space<semaphore_mem>>
        %dma_start3A_54 = arith.constant 0 : i32
        %dma_start3A_55 = tpu.memref_slice %arg6[%arg0, %mul3A_52, %dma_start3A_54] : memref<2x10000x128xf32, #tpu.memory_space<hbm>> -> memref<1x1000x128xf32, #tpu.memory_space<hbm>>
        %dma_start3A_56 = tpu.memref_squeeze %dma_start3A_55 : memref<1x1000x128xf32, #tpu.memory_space<hbm>> -> memref<1000x128xf32, #tpu.memory_space<hbm>>
        %dma_start3A_57 = arith.constant 0 : i32
        %dma_start3A_58 = tpu.memref_slice %arg10[%mul3A_50, %dma_start3A_57] : memref<10000x128xf32, #tpu.memory_space<vmem_shared>> -> memref<1000x128xf32, #tpu.memory_space<vmem_shared>>
        tpu.enqueue_dma source(%dma_start3A_58 : memref<1000x128xf32, #tpu.memory_space<vmem_shared>>) target(%dma_start3A_56 : memref<1000x128xf32, #tpu.memory_space<hbm>>) target_semaphore(%run_scoped3A_53 : memref<!tpu.dma_semaphore, #tpu.memory_space<semaphore_mem>>)
        %dma_wait3A = arith.constant 0 : i32
        %dma_wait3A_59 = tpu.memref_slice %arg6[%arg0, %mul3A_52, %dma_wait3A] : memref<2x10000x128xf32, #tpu.memory_space<hbm>> -> memref<1x1000x128xf32, #tpu.memory_space<hbm>>
        %dma_wait3A_60 = tpu.memref_squeeze %dma_wait3A_59 : memref<1x1000x128xf32, #tpu.memory_space<hbm>> -> memref<1000x128xf32, #tpu.memory_space<hbm>>
        %dma_wait3A_61 = arith.constant 0 : i32
        %dma_wait3A_62 = tpu.memref_slice %arg10[%mul3A_50, %dma_wait3A_61] : memref<10000x128xf32, #tpu.memory_space<vmem_shared>> -> memref<1000x128xf32, #tpu.memory_space<vmem_shared>>
        tpu.wait_dma2 semaphore(%run_scoped3A_53 : memref<!tpu.dma_semaphore, #tpu.memory_space<semaphore_mem>>) src(%dma_wait3A_62 : memref<1000x128xf32, #tpu.memory_space<vmem_shared>>) dst(%dma_wait3A_60 : memref<1000x128xf32, #tpu.memory_space<hbm>>)
        tpu.yield
      }) : () -> ()
    } else {
    }
    return
  }
}

module attributes {stable_mosaic.version = 14 : i64} {
  func.func @_deg8sum_body(%arg0: i32, %arg1: memref<2x1000x8xf32, #tpu.memory_space<vmem>>, %arg2: memref<1000x8xf32, #tpu.memory_space<vmem>>) attributes {dimension_semantics = [#tpu.dimension_semantics<arbitrary>], iteration_bounds = array<i64: 10>, scalar_prefetch = 0 : i64, scratch_operands = 0 : i64, tpu.core_type = #tpu.core_type<tc>, window_params = [{transform_indices = @transform_0, window_bounds = array<i64: 2, 1000, 8>}, {transform_indices = @transform_1, window_bounds = array<i64: 1000, 8>}]} {
    %get3A = arith.constant 0 : index
    %get3A_0 = arith.constant 0 : index
    %get3A_1 = arith.constant 0 : index
    %get3A_2 = vector.load %arg1[%get3A, %get3A_0, %get3A_1] : memref<2x1000x8xf32, #tpu.memory_space<vmem>>, vector<1x1000x8xf32>
    %get3A_3 = vector.shape_cast %get3A_2 : vector<1x1000x8xf32> to vector<1000x8xf32>
    %get3A_4 = arith.constant 1 : index
    %get3A_5 = arith.constant 0 : index
    %get3A_6 = arith.constant 0 : index
    %get3A_7 = vector.load %arg1[%get3A_4, %get3A_5, %get3A_6] : memref<2x1000x8xf32, #tpu.memory_space<vmem>>, vector<1x1000x8xf32>
    %get3A_8 = vector.shape_cast %get3A_7 : vector<1x1000x8xf32> to vector<1000x8xf32>
    %add3A = arith.addf %get3A_3, %get3A_8 : vector<1000x8xf32>
    %swap3A = arith.constant 0 : index
    %swap3A_9 = arith.constant 0 : index
    %swap3A_10 = vector.load %arg2[%swap3A, %swap3A_9] : memref<1000x8xf32, #tpu.memory_space<vmem>>, vector<1000x8xf32>
    tpu.vector_store %arg2[%swap3A, %swap3A_9], %add3A {strides = array<i32>} : memref<1000x8xf32, #tpu.memory_space<vmem>>, vector<1000x8xf32>,
    return
  }
  func.func @transform_0(%arg0: i32) -> (i32, i32, i32) {
    %c0_i32 = arith.constant 0 : i32
    %c0_i32_0 = arith.constant 0 : i32
    %c0_i32_1 = arith.constant 0 : i32
    return %c0_i32, %arg0, %c0_i32_0 : i32, i32, i32
  }
  func.func @transform_1(%arg0: i32) -> (i32, i32) {
    %c0_i32 = arith.constant 0 : i32
    %c0_i32_0 = arith.constant 0 : i32
    return %arg0, %c0_i32 : i32, i32
  }
}

module attributes {stable_mosaic.version = 14 : i64} {
  func.func @_mm_body(%arg0: i32, %arg1: memref<1000x128xf32, #tpu.memory_space<vmem>>, %arg2: memref<128x128xf32, #tpu.memory_space<vmem>>, %arg3: memref<1000x8xf32, #tpu.memory_space<vmem>>, %arg4: memref<1000x128xf32, #tpu.memory_space<vmem>>) attributes {dimension_semantics = [#tpu.dimension_semantics<arbitrary>], iteration_bounds = array<i64: 10>, scalar_prefetch = 0 : i64, scratch_operands = 0 : i64, tpu.core_type = #tpu.core_type<tc>, window_params = [{transform_indices = @transform_0, window_bounds = array<i64: 1000, 128>}, {pipeline_mode = #tpu.pipeline_mode<synchronous>, transform_indices = @transform_1, window_bounds = array<i64: 128, 128>}, {transform_indices = @transform_2, window_bounds = array<i64: 1000, 8>}, {transform_indices = @transform_3, window_bounds = array<i64: 1000, 128>}]} {
    %get3A = arith.constant 0 : index
    %get3A_0 = arith.constant 0 : index
    %get3A_1 = vector.load %arg3[%get3A, %get3A_0] : memref<1000x8xf32, #tpu.memory_space<vmem>>, vector<1000x8xf32>
    %slice3A = vector.extract_strided_slice %get3A_1 {offsets = [0, 0], sizes = [1000, 1], strides = [1, 1]} : vector<1000x8xf32> to vector<1000x1xf32>
    %rsqrt3A = math.rsqrt %slice3A : vector<1000x1xf32>
    %get3A_2 = arith.constant 0 : index
    %get3A_3 = arith.constant 0 : index
    %get3A_4 = vector.load %arg1[%get3A_2, %get3A_3] : memref<1000x128xf32, #tpu.memory_space<vmem>>, vector<1000x128xf32>
    %get3A_5 = arith.constant 0 : index
    %get3A_6 = arith.constant 0 : index
    %get3A_7 = vector.load %arg2[%get3A_5, %get3A_6] : memref<128x128xf32, #tpu.memory_space<vmem>>, vector<128x128xf32>
    %dot_general3A = arith.constant dense<0.000000e+00> : vector<1000x128xf32>
    %dot_general3A_8 = tpu.matmul %get3A_4, %get3A_7, %dot_general3A {dimension_numbers = #tpu.dot_dimension_numbers<[1], [0], [0], [1], [0, 0, 1, 1], [], []>, transpose_lhs_hint = false} : vector<1000x128xf32>, vector<128x128xf32>, vector<1000x128xf32> -> vector<1000x128xf32>
    %mul3A = vector.broadcast %rsqrt3A : vector<1000x1xf32> to vector<1000x128xf32>
    %mul3A_9 = arith.mulf %dot_general3A_8, %mul3A : vector<1000x128xf32>
    %swap3A = arith.constant 0 : index
    %swap3A_10 = arith.constant 0 : index
    %swap3A_11 = vector.load %arg4[%swap3A, %swap3A_10] : memref<1000x128xf32, #tpu.memory_space<vmem>>, vector<1000x128xf32>
    tpu.vector_store %arg4[%swap3A, %swap3A_10], %mul3A_9 {strides = array<i32>} : memref<1000x128xf32, #tpu.memory_space<vmem>>, vector<1000x128xf32>,
    return
  }
  func.func @transform_0(%arg0: i32) -> (i32, i32) {
    %c0_i32 = arith.constant 0 : i32
    %c0_i32_0 = arith.constant 0 : i32
    return %arg0, %c0_i32 : i32, i32
  }
  func.func @transform_1(%arg0: i32) -> (i32, i32) {
    %c0_i32 = arith.constant 0 : i32
    %c0_i32_0 = arith.constant 0 : i32
    %c0_i32_1 = arith.constant 0 : i32
    return %c0_i32, %c0_i32_0 : i32, i32
  }
  func.func @transform_2(%arg0: i32) -> (i32, i32) {
    %c0_i32 = arith.constant 0 : i32
    %c0_i32_0 = arith.constant 0 : i32
    return %arg0, %c0_i32 : i32, i32
  }
  func.func @transform_3(%arg0: i32) -> (i32, i32) {
    %c0_i32 = arith.constant 0 : i32
    %c0_i32_0 = arith.constant 0 : i32
    return %arg0, %c0_i32 : i32, i32
  }
}

module attributes {stable_mosaic.version = 14 : i64} {
  func.func @_post_body(%arg0: i32, %arg1: memref<2x1000x128xf32, #tpu.memory_space<vmem>>, %arg2: memref<1000x8xf32, #tpu.memory_space<vmem>>, %arg3: memref<1x128xf32, #tpu.memory_space<vmem>>, %arg4: memref<1000x128xf32, #tpu.memory_space<vmem>>, %arg5: memref<1x128xf32, #tpu.memory_space<vmem>>, %arg6: memref<1x128xf32, #tpu.memory_space<vmem>>) attributes {dimension_semantics = [#tpu.dimension_semantics<arbitrary>], iteration_bounds = array<i64: 10>, scalar_prefetch = 0 : i64, scratch_operands = 0 : i64, tpu.core_type = #tpu.core_type<tc>, window_params = [{transform_indices = @transform_0, window_bounds = array<i64: 2, 1000, 128>}, {transform_indices = @transform_1, window_bounds = array<i64: 1000, 8>}, {pipeline_mode = #tpu.pipeline_mode<synchronous>, transform_indices = @transform_2, window_bounds = array<i64: 1, 128>}, {transform_indices = @transform_3, window_bounds = array<i64: 1000, 128>}, {pipeline_mode = #tpu.pipeline_mode<synchronous>, transform_indices = @transform_4, window_bounds = array<i64: 1, 128>}, {pipeline_mode = #tpu.pipeline_mode<synchronous>, transform_indices = @transform_5, window_bounds = array<i64: 1, 128>}]} {
    %get3A = arith.constant 0 : index
    %get3A_0 = arith.constant 0 : index
    %get3A_1 = arith.constant 0 : index
    %get3A_2 = vector.load %arg1[%get3A, %get3A_0, %get3A_1] : memref<2x1000x128xf32, #tpu.memory_space<vmem>>, vector<1x1000x128xf32>
    %get3A_3 = vector.shape_cast %get3A_2 : vector<1x1000x128xf32> to vector<1000x128xf32>
    %get3A_4 = arith.constant 1 : index
    %get3A_5 = arith.constant 0 : index
    %get3A_6 = arith.constant 0 : index
    %get3A_7 = vector.load %arg1[%get3A_4, %get3A_5, %get3A_6] : memref<2x1000x128xf32, #tpu.memory_space<vmem>>, vector<1x1000x128xf32>
    %get3A_8 = vector.shape_cast %get3A_7 : vector<1x1000x128xf32> to vector<1000x128xf32>
    %add3A = arith.addf %get3A_3, %get3A_8 : vector<1000x128xf32>
    %get3A_9 = arith.constant 0 : index
    %get3A_10 = arith.constant 0 : index
    %get3A_11 = vector.load %arg2[%get3A_9, %get3A_10] : memref<1000x8xf32, #tpu.memory_space<vmem>>, vector<1000x8xf32>
    %slice3A = vector.extract_strided_slice %get3A_11 {offsets = [0, 0], sizes = [1000, 1], strides = [1, 1]} : vector<1000x8xf32> to vector<1000x1xf32>
    %rsqrt3A = math.rsqrt %slice3A : vector<1000x1xf32>
    %mul3A = vector.broadcast %rsqrt3A : vector<1000x1xf32> to vector<1000x128xf32>
    %mul3A_12 = arith.mulf %add3A, %mul3A : vector<1000x128xf32>
    %get3A_13 = arith.constant 0 : index
    %get3A_14 = arith.constant 0 : index
    %get3A_15 = vector.load %arg3[%get3A_13, %get3A_14] : memref<1x128xf32, #tpu.memory_space<vmem>>, vector<1x128xf32>
    %add3A_16 = vector.broadcast %get3A_15 : vector<1x128xf32> to vector<1000x128xf32>
    %add3A_17 = arith.addf %mul3A_12, %add3A_16 : vector<1000x128xf32>
    %max3A = arith.constant 0.000000e+00 : f32
    %max3A_18 = vector.broadcast %max3A : f32 to vector<1000x128xf32>
    %max3A_19 = arith.maximumf %add3A_17, %max3A_18 : vector<1000x128xf32>
    %swap3A = arith.constant 0 : index
    %swap3A_20 = arith.constant 0 : index
    %swap3A_21 = vector.load %arg4[%swap3A, %swap3A_20] : memref<1000x128xf32, #tpu.memory_space<vmem>>, vector<1000x128xf32>
    tpu.vector_store %arg4[%swap3A, %swap3A_20], %max3A_19 {strides = array<i32>} : memref<1000x128xf32, #tpu.memory_space<vmem>>, vector<1000x128xf32>,
    %eq3A = arith.constant 0 : i32
    %eq3A_22 = arith.cmpi eq, %arg0, %eq3A : i32
    %convert_element_type3A = arith.extui %eq3A_22 : i1 to i32
    %cond3A = arith.constant 0 : i32
    %cond3A_23 = arith.cmpi ne, %convert_element_type3A, %cond3A : i32
    scf.if %cond3A_23 {
      %broadcast_in_dim3A_43 = arith.constant 0.000000e+00 : f32
      %broadcast_in_dim3A_44 = vector.broadcast %broadcast_in_dim3A_43 : f32 to vector<1x128xf32>
      %swap3A_45 = arith.constant 0 : index
      %swap3A_46 = arith.constant 0 : index
      %swap3A_47 = vector.load %arg5[%swap3A_45, %swap3A_46] : memref<1x128xf32, #tpu.memory_space<vmem>>, vector<1x128xf32>
      tpu.vector_store %arg5[%swap3A_45, %swap3A_46], %broadcast_in_dim3A_44 {strides = array<i32>} : memref<1x128xf32, #tpu.memory_space<vmem>>, vector<1x128xf32>,
      %broadcast_in_dim3A_48 = arith.constant 0.000000e+00 : f32
      %broadcast_in_dim3A_49 = vector.broadcast %broadcast_in_dim3A_48 : f32 to vector<1x128xf32>
      %swap3A_50 = arith.constant 0 : index
      %swap3A_51 = arith.constant 0 : index
      %swap3A_52 = vector.load %arg6[%swap3A_50, %swap3A_51] : memref<1x128xf32, #tpu.memory_space<vmem>>, vector<1x128xf32>
      tpu.vector_store %arg6[%swap3A_50, %swap3A_51], %broadcast_in_dim3A_49 {strides = array<i32>} : memref<1x128xf32, #tpu.memory_space<vmem>>, vector<1x128xf32>,
    } else {
    }
    %get3A_24 = arith.constant 0 : index
    %get3A_25 = arith.constant 0 : index
    %get3A_26 = vector.load %arg5[%get3A_24, %get3A_25] : memref<1x128xf32, #tpu.memory_space<vmem>>, vector<1x128xf32>
    %reduce_sum3A = arith.constant dense<0.000000e+00> : vector<128xf32>
    %reduce_sum3A_27 = vector.multi_reduction <add>, %max3A_19, %reduce_sum3A [0] : vector<1000x128xf32> to vector<128xf32>
    %broadcast_in_dim3A = vector.shape_cast %reduce_sum3A_27 : vector<128xf32> to vector<1x128xf32>
    %add3A_28 = arith.addf %get3A_26, %broadcast_in_dim3A : vector<1x128xf32>
    %swap3A_29 = arith.constant 0 : index
    %swap3A_30 = arith.constant 0 : index
    %swap3A_31 = vector.load %arg5[%swap3A_29, %swap3A_30] : memref<1x128xf32, #tpu.memory_space<vmem>>, vector<1x128xf32>
    tpu.vector_store %arg5[%swap3A_29, %swap3A_30], %add3A_28 {strides = array<i32>} : memref<1x128xf32, #tpu.memory_space<vmem>>, vector<1x128xf32>,
    %get3A_32 = arith.constant 0 : index
    %get3A_33 = arith.constant 0 : index
    %get3A_34 = vector.load %arg6[%get3A_32, %get3A_33] : memref<1x128xf32, #tpu.memory_space<vmem>>, vector<1x128xf32>
    %mul3A_35 = arith.mulf %max3A_19, %max3A_19 : vector<1000x128xf32>
    %reduce_sum3A_36 = arith.constant dense<0.000000e+00> : vector<128xf32>
    %reduce_sum3A_37 = vector.multi_reduction <add>, %mul3A_35, %reduce_sum3A_36 [0] : vector<1000x128xf32> to vector<128xf32>
    %broadcast_in_dim3A_38 = vector.shape_cast %reduce_sum3A_37 : vector<128xf32> to vector<1x128xf32>
    %add3A_39 = arith.addf %get3A_34, %broadcast_in_dim3A_38 : vector<1x128xf32>
    %swap3A_40 = arith.constant 0 : index
    %swap3A_41 = arith.constant 0 : index
    %swap3A_42 = vector.load %arg6[%swap3A_40, %swap3A_41] : memref<1x128xf32, #tpu.memory_space<vmem>>, vector<1x128xf32>
    tpu.vector_store %arg6[%swap3A_40, %swap3A_41], %add3A_39 {strides = array<i32>} : memref<1x128xf32, #tpu.memory_space<vmem>>, vector<1x128xf32>,
    return
  }
  func.func @transform_0(%arg0: i32) -> (i32, i32, i32) {
    %c0_i32 = arith.constant 0 : i32
    %c0_i32_0 = arith.constant 0 : i32
    %c0_i32_1 = arith.constant 0 : i32
    return %c0_i32, %arg0, %c0_i32_0 : i32, i32, i32
  }
  func.func @transform_1(%arg0: i32) -> (i32, i32) {
    %c0_i32 = arith.constant 0 : i32
    %c0_i32_0 = arith.constant 0 : i32
    return %arg0, %c0_i32 : i32, i32
  }
  func.func @transform_2(%arg0: i32) -> (i32, i32) {
    %c0_i32 = arith.constant 0 : i32
    %c0_i32_0 = arith.constant 0 : i32
    %c0_i32_1 = arith.constant 0 : i32
    return %c0_i32, %c0_i32_0 : i32, i32
  }
  func.func @transform_3(%arg0: i32) -> (i32, i32) {
    %c0_i32 = arith.constant 0 : i32
    %c0_i32_0 = arith.constant 0 : i32
    return %arg0, %c0_i32 : i32, i32
  }
  func.func @transform_4(%arg0: i32) -> (i32, i32) {
    %c0_i32 = arith.constant 0 : i32
    %c0_i32_0 = arith.constant 0 : i32
    %c0_i32_1 = arith.constant 0 : i32
    return %c0_i32, %c0_i32_0 : i32, i32
  }
  func.func @transform_5(%arg0: i32) -> (i32, i32) {
    %c0_i32 = arith.constant 0 : i32
    %c0_i32_0 = arith.constant 0 : i32
    %c0_i32_1 = arith.constant 0 : i32
    return %c0_i32, %c0_i32_0 : i32, i32
  }
}

module attributes {stable_mosaic.version = 14 : i64} {
  func.func @_mm_bn_body(%arg0: i32, %arg1: memref<1000x128xf32, #tpu.memory_space<vmem>>, %arg2: memref<128x128xf32, #tpu.memory_space<vmem>>, %arg3: memref<1000x8xf32, #tpu.memory_space<vmem>>, %arg4: memref<1x128xf32, #tpu.memory_space<vmem>>, %arg5: memref<1x128xf32, #tpu.memory_space<vmem>>, %arg6: memref<1x128xf32, #tpu.memory_space<vmem>>, %arg7: memref<1x128xf32, #tpu.memory_space<vmem>>, %arg8: memref<1000x128xf32, #tpu.memory_space<vmem>>) attributes {dimension_semantics = [#tpu.dimension_semantics<arbitrary>], iteration_bounds = array<i64: 10>, scalar_prefetch = 0 : i64, scratch_operands = 0 : i64, tpu.core_type = #tpu.core_type<tc>, window_params = [{transform_indices = @transform_0, window_bounds = array<i64: 1000, 128>}, {pipeline_mode = #tpu.pipeline_mode<synchronous>, transform_indices = @transform_1, window_bounds = array<i64: 128, 128>}, {transform_indices = @transform_2, window_bounds = array<i64: 1000, 8>}, {pipeline_mode = #tpu.pipeline_mode<synchronous>, transform_indices = @transform_3, window_bounds = array<i64: 1, 128>}, {pipeline_mode = #tpu.pipeline_mode<synchronous>, transform_indices = @transform_4, window_bounds = array<i64: 1, 128>}, {pipeline_mode = #tpu.pipeline_mode<synchronous>, transform_indices = @transform_5, window_bounds = array<i64: 1, 128>}, {pipeline_mode = #tpu.pipeline_mode<synchronous>, transform_indices = @transform_6, window_bounds = array<i64: 1, 128>}, {transform_indices = @transform_7, window_bounds = array<i64: 1000, 128>}]} {
    %get3A = arith.constant 0 : index
    %get3A_0 = arith.constant 0 : index
    %get3A_1 = vector.load %arg4[%get3A, %get3A_0] : memref<1x128xf32, #tpu.memory_space<vmem>>, vector<1x128xf32>
    %mul3A = arith.constant 9.99999974E-5 : f32
    %mul3A_2 = vector.broadcast %mul3A : f32 to vector<1x128xf32>
    %mul3A_3 = arith.mulf %get3A_1, %mul3A_2 : vector<1x128xf32>
    %get3A_4 = arith.constant 0 : index
    %get3A_5 = arith.constant 0 : index
    %get3A_6 = vector.load %arg5[%get3A_4, %get3A_5] : memref<1x128xf32, #tpu.memory_space<vmem>>, vector<1x128xf32>
    %mul3A_7 = arith.constant 9.99999974E-5 : f32
    %mul3A_8 = vector.broadcast %mul3A_7 : f32 to vector<1x128xf32>
    %mul3A_9 = arith.mulf %get3A_6, %mul3A_8 : vector<1x128xf32>
    %mul3A_10 = arith.mulf %mul3A_3, %mul3A_3 : vector<1x128xf32>
    %sub3A = arith.subf %mul3A_9, %mul3A_10 : vector<1x128xf32>
    %get3A_11 = arith.constant 0 : index
    %get3A_12 = arith.constant 0 : index
    %get3A_13 = vector.load %arg6[%get3A_11, %get3A_12] : memref<1x128xf32, #tpu.memory_space<vmem>>, vector<1x128xf32>
    %add3A = arith.constant 9.99999974E-6 : f32
    %add3A_14 = vector.broadcast %add3A : f32 to vector<1x128xf32>
    %add3A_15 = arith.addf %sub3A, %add3A_14 : vector<1x128xf32>
    %rsqrt3A = math.rsqrt %add3A_15 : vector<1x128xf32>
    %mul3A_16 = arith.mulf %get3A_13, %rsqrt3A : vector<1x128xf32>
    %get3A_17 = arith.constant 0 : index
    %get3A_18 = arith.constant 0 : index
    %get3A_19 = vector.load %arg7[%get3A_17, %get3A_18] : memref<1x128xf32, #tpu.memory_space<vmem>>, vector<1x128xf32>
    %mul3A_20 = arith.mulf %mul3A_3, %mul3A_16 : vector<1x128xf32>
    %sub3A_21 = arith.subf %get3A_19, %mul3A_20 : vector<1x128xf32>
    %get3A_22 = arith.constant 0 : index
    %get3A_23 = arith.constant 0 : index
    %get3A_24 = vector.load %arg1[%get3A_22, %get3A_23] : memref<1000x128xf32, #tpu.memory_space<vmem>>, vector<1000x128xf32>
    %mul3A_25 = vector.broadcast %mul3A_16 : vector<1x128xf32> to vector<1000x128xf32>
    %mul3A_26 = arith.mulf %get3A_24, %mul3A_25 : vector<1000x128xf32>
    %add3A_27 = vector.broadcast %sub3A_21 : vector<1x128xf32> to vector<1000x128xf32>
    %add3A_28 = arith.addf %mul3A_26, %add3A_27 : vector<1000x128xf32>
    %get3A_29 = arith.constant 0 : index
    %get3A_30 = arith.constant 0 : index
    %get3A_31 = vector.load %arg3[%get3A_29, %get3A_30] : memref<1000x8xf32, #tpu.memory_space<vmem>>, vector<1000x8xf32>
    %slice3A = vector.extract_strided_slice %get3A_31 {offsets = [0, 0], sizes = [1000, 1], strides = [1, 1]} : vector<1000x8xf32> to vector<1000x1xf32>
    %rsqrt3A_32 = math.rsqrt %slice3A : vector<1000x1xf32>
    %get3A_33 = arith.constant 0 : index
    %get3A_34 = arith.constant 0 : index
    %get3A_35 = vector.load %arg2[%get3A_33, %get3A_34] : memref<128x128xf32, #tpu.memory_space<vmem>>, vector<128x128xf32>
    %dot_general3A = arith.constant dense<0.000000e+00> : vector<1000x128xf32>
    %dot_general3A_36 = tpu.matmul %add3A_28, %get3A_35, %dot_general3A {dimension_numbers = #tpu.dot_dimension_numbers<[1], [0], [0], [1], [0, 0, 1, 1], [], []>, transpose_lhs_hint = false} : vector<1000x128xf32>, vector<128x128xf32>, vector<1000x128xf32> -> vector<1000x128xf32>
    %mul3A_37 = vector.broadcast %rsqrt3A_32 : vector<1000x1xf32> to vector<1000x128xf32>
    %mul3A_38 = arith.mulf %dot_general3A_36, %mul3A_37 : vector<1000x128xf32>
    %swap3A = arith.constant 0 : index
    %swap3A_39 = arith.constant 0 : index
    %swap3A_40 = vector.load %arg8[%swap3A, %swap3A_39] : memref<1000x128xf32, #tpu.memory_space<vmem>>, vector<1000x128xf32>
    tpu.vector_store %arg8[%swap3A, %swap3A_39], %mul3A_38 {strides = array<i32>} : memref<1000x128xf32, #tpu.memory_space<vmem>>, vector<1000x128xf32>,
    return
  }
  func.func @transform_0(%arg0: i32) -> (i32, i32) {
    %c0_i32 = arith.constant 0 : i32
    %c0_i32_0 = arith.constant 0 : i32
    return %arg0, %c0_i32 : i32, i32
  }
  func.func @transform_1(%arg0: i32) -> (i32, i32) {
    %c0_i32 = arith.constant 0 : i32
    %c0_i32_0 = arith.constant 0 : i32
    %c0_i32_1 = arith.constant 0 : i32
    return %c0_i32, %c0_i32_0 : i32, i32
  }
  func.func @transform_2(%arg0: i32) -> (i32, i32) {
    %c0_i32 = arith.constant 0 : i32
    %c0_i32_0 = arith.constant 0 : i32
    return %arg0, %c0_i32 : i32, i32
  }
  func.func @transform_3(%arg0: i32) -> (i32, i32) {
    %c0_i32 = arith.constant 0 : i32
    %c0_i32_0 = arith.constant 0 : i32
    %c0_i32_1 = arith.constant 0 : i32
    return %c0_i32, %c0_i32_0 : i32, i32
  }
  func.func @transform_4(%arg0: i32) -> (i32, i32) {
    %c0_i32 = arith.constant 0 : i32
    %c0_i32_0 = arith.constant 0 : i32
    %c0_i32_1 = arith.constant 0 : i32
    return %c0_i32, %c0_i32_0 : i32, i32
  }
  func.func @transform_5(%arg0: i32) -> (i32, i32) {
    %c0_i32 = arith.constant 0 : i32
    %c0_i32_0 = arith.constant 0 : i32
    %c0_i32_1 = arith.constant 0 : i32
    return %c0_i32, %c0_i32_0 : i32, i32
  }
  func.func @transform_6(%arg0: i32) -> (i32, i32) {
    %c0_i32 = arith.constant 0 : i32
    %c0_i32_0 = arith.constant 0 : i32
    %c0_i32_1 = arith.constant 0 : i32
    return %c0_i32, %c0_i32_0 : i32, i32
  }
  func.func @transform_7(%arg0: i32) -> (i32, i32) {
    %c0_i32 = arith.constant 0 : i32
    %c0_i32_0 = arith.constant 0 : i32
    return %arg0, %c0_i32 : i32, i32
  }
}

module attributes {stable_mosaic.version = 14 : i64} {
  func.func @_post4_body(%arg0: i32, %arg1: memref<2x1000x128xf32, #tpu.memory_space<vmem>>, %arg2: memref<1000x8xf32, #tpu.memory_space<vmem>>, %arg3: memref<1x128xf32, #tpu.memory_space<vmem>>, %arg4: memref<1x1x1000xi32, #tpu.memory_space<vmem>>, %arg5: memref<256x128xf32, #tpu.memory_space<vmem>>, %arg6: memref<256x1xf32, #tpu.memory_space<vmem>>, %arg7: memref<1x128xf32, #tpu.memory_space<vmem>>, %arg8: memref<1x128xf32, #tpu.memory_space<vmem>>) attributes {dimension_semantics = [#tpu.dimension_semantics<arbitrary>], iteration_bounds = array<i64: 10>, scalar_prefetch = 0 : i64, scratch_operands = 0 : i64, tpu.core_type = #tpu.core_type<tc>, window_params = [{transform_indices = @transform_0, window_bounds = array<i64: 2, 1000, 128>}, {transform_indices = @transform_1, window_bounds = array<i64: 1000, 8>}, {pipeline_mode = #tpu.pipeline_mode<synchronous>, transform_indices = @transform_2, window_bounds = array<i64: 1, 128>}, {transform_indices = @transform_3, window_bounds = array<i64: 1, 1, 1000>}, {pipeline_mode = #tpu.pipeline_mode<synchronous>, transform_indices = @transform_4, window_bounds = array<i64: 256, 128>}, {pipeline_mode = #tpu.pipeline_mode<synchronous>, transform_indices = @transform_5, window_bounds = array<i64: 256, 1>}, {pipeline_mode = #tpu.pipeline_mode<synchronous>, transform_indices = @transform_6, window_bounds = array<i64: 1, 128>}, {pipeline_mode = #tpu.pipeline_mode<synchronous>, transform_indices = @transform_7, window_bounds = array<i64: 1, 128>}]} {
    %get3A = arith.constant 0 : index
    %get3A_0 = arith.constant 0 : index
    %get3A_1 = arith.constant 0 : index
    %get3A_2 = vector.load %arg1[%get3A, %get3A_0, %get3A_1] : memref<2x1000x128xf32, #tpu.memory_space<vmem>>, vector<1x1000x128xf32>
    %get3A_3 = vector.shape_cast %get3A_2 : vector<1x1000x128xf32> to vector<1000x128xf32>
    %get3A_4 = arith.constant 1 : index
    %get3A_5 = arith.constant 0 : index
    %get3A_6 = arith.constant 0 : index
    %get3A_7 = vector.load %arg1[%get3A_4, %get3A_5, %get3A_6] : memref<2x1000x128xf32, #tpu.memory_space<vmem>>, vector<1x1000x128xf32>
    %get3A_8 = vector.shape_cast %get3A_7 : vector<1x1000x128xf32> to vector<1000x128xf32>
    %add3A = arith.addf %get3A_3, %get3A_8 : vector<1000x128xf32>
    %get3A_9 = arith.constant 0 : index
    %get3A_10 = arith.constant 0 : index
    %get3A_11 = vector.load %arg2[%get3A_9, %get3A_10] : memref<1000x8xf32, #tpu.memory_space<vmem>>, vector<1000x8xf32>
    %slice3A = vector.extract_strided_slice %get3A_11 {offsets = [0, 0], sizes = [1000, 1], strides = [1, 1]} : vector<1000x8xf32> to vector<1000x1xf32>
    %rsqrt3A = math.rsqrt %slice3A : vector<1000x1xf32>
    %mul3A = vector.broadcast %rsqrt3A : vector<1000x1xf32> to vector<1000x128xf32>
    %mul3A_12 = arith.mulf %add3A, %mul3A : vector<1000x128xf32>
    %get3A_13 = arith.constant 0 : index
    %get3A_14 = arith.constant 0 : index
    %get3A_15 = vector.load %arg3[%get3A_13, %get3A_14] : memref<1x128xf32, #tpu.memory_space<vmem>>, vector<1x128xf32>
    %add3A_16 = vector.broadcast %get3A_15 : vector<1x128xf32> to vector<1000x128xf32>
    %add3A_17 = arith.addf %mul3A_12, %add3A_16 : vector<1000x128xf32>
    %max3A = arith.constant 0.000000e+00 : f32
    %max3A_18 = vector.broadcast %max3A : f32 to vector<1000x128xf32>
    %max3A_19 = arith.maximumf %add3A_17, %max3A_18 : vector<1000x128xf32>
    %get3A_20 = arith.constant 0 : index
    %get3A_21 = arith.constant 0 : index
    %get3A_22 = arith.constant 0 : index
    %get3A_23 = vector.load %arg4[%get3A_20, %get3A_21, %get3A_22] : memref<1x1x1000xi32, #tpu.memory_space<vmem>>, vector<1x1x1000xi32>
    %get3A_24 = vector.shape_cast %get3A_23 : vector<1x1x1000xi32> to vector<1x1000xi32>
    %iota3A = tpu.iota {dimensions = array<i32: 0>} : vector<256x1000xi32>
    %eq3A = vector.broadcast %get3A_24 : vector<1x1000xi32> to vector<256x1000xi32>
    %eq3A_25 = arith.cmpi eq, %iota3A, %eq3A : vector<256x1000xi32>
    %convert_element_type3A = arith.extui %eq3A_25 : vector<256x1000xi1> to vector<256x1000xi32>
    %convert_element_type3A_26 = arith.sitofp %convert_element_type3A : vector<256x1000xi32> to vector<256x1000xf32>
    %dot_general3A = arith.constant dense<0.000000e+00> : vector<256x128xf32>
    %dot_general3A_27 = tpu.matmul %convert_element_type3A_26, %max3A_19, %dot_general3A {dimension_numbers = #tpu.dot_dimension_numbers<[1], [0], [0], [1], [0, 0, 1, 1], [], []>, transpose_lhs_hint = false} : vector<256x1000xf32>, vector<1000x128xf32>, vector<256x128xf32> -> vector<256x128xf32>
    %reduce_sum3A = arith.constant dense<0.000000e+00> : vector<256xf32>
    %reduce_sum3A_28 = vector.multi_reduction <add>, %convert_element_type3A_26, %reduce_sum3A [1] : vector<256x1000xf32> to vector<256xf32>
    %broadcast_in_dim3A = vector.shape_cast %reduce_sum3A_28 : vector<256xf32> to vector<256x1xf32>
    %eq3A_29 = arith.constant 0 : i32
    %eq3A_30 = arith.cmpi eq, %arg0, %eq3A_29 : i32
    %convert_element_type3A_31 = arith.extui %eq3A_30 : i1 to i32
    %cond3A = arith.constant 0 : i32
    %cond3A_32 = arith.cmpi ne, %convert_element_type3A_31, %cond3A : i32
    scf.if %cond3A_32 {
      %broadcast_in_dim3A_67 = arith.constant 0.000000e+00 : f32
      %broadcast_in_dim3A_68 = vector.broadcast %broadcast_in_dim3A_67 : f32 to vector<256x128xf32>
      %swap3A_69 = arith.constant 0 : index
      %swap3A_70 = arith.constant 0 : index
      %swap3A_71 = vector.load %arg5[%swap3A_69, %swap3A_70] : memref<256x128xf32, #tpu.memory_space<vmem>>, vector<256x128xf32>
      tpu.vector_store %arg5[%swap3A_69, %swap3A_70], %broadcast_in_dim3A_68 {strides = array<i32>} : memref<256x128xf32, #tpu.memory_space<vmem>>, vector<256x128xf32>,
      %broadcast_in_dim3A_72 = arith.constant 0.000000e+00 : f32
      %broadcast_in_dim3A_73 = vector.broadcast %broadcast_in_dim3A_72 : f32 to vector<256x1xf32>
      %swap3A_74 = arith.constant 0 : index
      %swap3A_75 = arith.constant 0 : index
      %swap3A_76 = vector.load %arg6[%swap3A_74, %swap3A_75] : memref<256x1xf32, #tpu.memory_space<vmem>>, vector<256x1xf32>
      tpu.vector_store %arg6[%swap3A_74, %swap3A_75], %broadcast_in_dim3A_73 {strides = array<i32>} : memref<256x1xf32, #tpu.memory_space<vmem>>, vector<256x1xf32>,
      %broadcast_in_dim3A_77 = arith.constant 0.000000e+00 : f32
      %broadcast_in_dim3A_78 = vector.broadcast %broadcast_in_dim3A_77 : f32 to vector<1x128xf32>
      %swap3A_79 = arith.constant 0 : index
      %swap3A_80 = arith.constant 0 : index
      %swap3A_81 = vector.load %arg7[%swap3A_79, %swap3A_80] : memref<1x128xf32, #tpu.memory_space<vmem>>, vector<1x128xf32>
      tpu.vector_store %arg7[%swap3A_79, %swap3A_80], %broadcast_in_dim3A_78 {strides = array<i32>} : memref<1x128xf32, #tpu.memory_space<vmem>>, vector<1x128xf32>,
      %broadcast_in_dim3A_82 = arith.constant 0.000000e+00 : f32
      %broadcast_in_dim3A_83 = vector.broadcast %broadcast_in_dim3A_82 : f32 to vector<1x128xf32>
      %swap3A_84 = arith.constant 0 : index
      %swap3A_85 = arith.constant 0 : index
      %swap3A_86 = vector.load %arg8[%swap3A_84, %swap3A_85] : memref<1x128xf32, #tpu.memory_space<vmem>>, vector<1x128xf32>
      tpu.vector_store %arg8[%swap3A_84, %swap3A_85], %broadcast_in_dim3A_83 {strides = array<i32>} : memref<1x128xf32, #tpu.memory_space<vmem>>, vector<1x128xf32>,
    } else {
    }
    %get3A_33 = arith.constant 0 : index
    %get3A_34 = arith.constant 0 : index
    %get3A_35 = vector.load %arg5[%get3A_33, %get3A_34] : memref<256x128xf32, #tpu.memory_space<vmem>>, vector<256x128xf32>
    %add3A_36 = arith.addf %get3A_35, %dot_general3A_27 : vector<256x128xf32>
    %swap3A = arith.constant 0 : index
    %swap3A_37 = arith.constant 0 : index
    %swap3A_38 = vector.load %arg5[%swap3A, %swap3A_37] : memref<256x128xf32, #tpu.memory_space<vmem>>, vector<256x128xf32>
    tpu.vector_store %arg5[%swap3A, %swap3A_37], %add3A_36 {strides = array<i32>} : memref<256x128xf32, #tpu.memory_space<vmem>>, vector<256x128xf32>,
    %get3A_39 = arith.constant 0 : index
    %get3A_40 = arith.constant 0 : index
    %get3A_41 = vector.load %arg6[%get3A_39, %get3A_40] : memref<256x1xf32, #tpu.memory_space<vmem>>, vector<256x1xf32>
    %add3A_42 = arith.addf %get3A_41, %broadcast_in_dim3A : vector<256x1xf32>
    %swap3A_43 = arith.constant 0 : index
    %swap3A_44 = arith.constant 0 : index
    %swap3A_45 = vector.load %arg6[%swap3A_43, %swap3A_44] : memref<256x1xf32, #tpu.memory_space<vmem>>, vector<256x1xf32>
    tpu.vector_store %arg6[%swap3A_43, %swap3A_44], %add3A_42 {strides = array<i32>} : memref<256x1xf32, #tpu.memory_space<vmem>>, vector<256x1xf32>,
    %get3A_46 = arith.constant 0 : index
    %get3A_47 = arith.constant 0 : index
    %get3A_48 = vector.load %arg7[%get3A_46, %get3A_47] : memref<1x128xf32, #tpu.memory_space<vmem>>, vector<1x128xf32>
    %reduce_sum3A_49 = arith.constant dense<0.000000e+00> : vector<128xf32>
    %reduce_sum3A_50 = vector.multi_reduction <add>, %max3A_19, %reduce_sum3A_49 [0] : vector<1000x128xf32> to vector<128xf32>
    %broadcast_in_dim3A_51 = vector.shape_cast %reduce_sum3A_50 : vector<128xf32> to vector<1x128xf32>
    %add3A_52 = arith.addf %get3A_48, %broadcast_in_dim3A_51 : vector<1x128xf32>
    %swap3A_53 = arith.constant 0 : index
    %swap3A_54 = arith.constant 0 : index
    %swap3A_55 = vector.load %arg7[%swap3A_53, %swap3A_54] : memref<1x128xf32, #tpu.memory_space<vmem>>, vector<1x128xf32>
    tpu.vector_store %arg7[%swap3A_53, %swap3A_54], %add3A_52 {strides = array<i32>} : memref<1x128xf32, #tpu.memory_space<vmem>>, vector<1x128xf32>,
    %get3A_56 = arith.constant 0 : index
    %get3A_57 = arith.constant 0 : index
    %get3A_58 = vector.load %arg8[%get3A_56, %get3A_57] : memref<1x128xf32, #tpu.memory_space<vmem>>, vector<1x128xf32>
    %mul3A_59 = arith.mulf %max3A_19, %max3A_19 : vector<1000x128xf32>
    %reduce_sum3A_60 = arith.constant dense<0.000000e+00> : vector<128xf32>
    %reduce_sum3A_61 = vector.multi_reduction <add>, %mul3A_59, %reduce_sum3A_60 [0] : vector<1000x128xf32> to vector<128xf32>
    %broadcast_in_dim3A_62 = vector.shape_cast %reduce_sum3A_61 : vector<128xf32> to vector<1x128xf32>
    %add3A_63 = arith.addf %get3A_58, %broadcast_in_dim3A_62 : vector<1x128xf32>
    %swap3A_64 = arith.constant 0 : index
    %swap3A_65 = arith.constant 0 : index
    %swap3A_66 = vector.load %arg8[%swap3A_64, %swap3A_65] : memref<1x128xf32, #tpu.memory_space<vmem>>, vector<1x128xf32>
    tpu.vector_store %arg8[%swap3A_64, %swap3A_65], %add3A_63 {strides = array<i32>} : memref<1x128xf32, #tpu.memory_space<vmem>>, vector<1x128xf32>,
    return
  }
  func.func @transform_0(%arg0: i32) -> (i32, i32, i32) {
    %c0_i32 = arith.constant 0 : i32
    %c0_i32_0 = arith.constant 0 : i32
    %c0_i32_1 = arith.constant 0 : i32
    return %c0_i32, %arg0, %c0_i32_0 : i32, i32, i32
  }
  func.func @transform_1(%arg0: i32) -> (i32, i32) {
    %c0_i32 = arith.constant 0 : i32
    %c0_i32_0 = arith.constant 0 : i32
    return %arg0, %c0_i32 : i32, i32
  }
  func.func @transform_2(%arg0: i32) -> (i32, i32) {
    %c0_i32 = arith.constant 0 : i32
    %c0_i32_0 = arith.constant 0 : i32
    %c0_i32_1 = arith.constant 0 : i32
    return %c0_i32, %c0_i32_0 : i32, i32
  }
  func.func @transform_3(%arg0: i32) -> (i32, i32, i32) {
    %c0_i32 = arith.constant 0 : i32
    %c0_i32_0 = arith.constant 0 : i32
    %c0_i32_1 = arith.constant 0 : i32
    return %arg0, %c0_i32, %c0_i32_0 : i32, i32, i32
  }
  func.func @transform_4(%arg0: i32) -> (i32, i32) {
    %c0_i32 = arith.constant 0 : i32
    %c0_i32_0 = arith.constant 0 : i32
    %c0_i32_1 = arith.constant 0 : i32
    return %c0_i32, %c0_i32_0 : i32, i32
  }
  func.func @transform_5(%arg0: i32) -> (i32, i32) {
    %c0_i32 = arith.constant 0 : i32
    %c0_i32_0 = arith.constant 0 : i32
    %c0_i32_1 = arith.constant 0 : i32
    return %c0_i32, %c0_i32_0 : i32, i32
  }
  func.func @transform_6(%arg0: i32) -> (i32, i32) {
    %c0_i32 = arith.constant 0 : i32
    %c0_i32_0 = arith.constant 0 : i32
    %c0_i32_1 = arith.constant 0 : i32
    return %c0_i32, %c0_i32_0 : i32, i32
  }
  func.func @transform_7(%arg0: i32) -> (i32, i32) {
    %c0_i32 = arith.constant 0 : i32
    %c0_i32_0 = arith.constant 0 : i32
    %c0_i32_1 = arith.constant 0 : i32
    return %c0_i32, %c0_i32_0 : i32, i32
  }
}

module attributes {stable_mosaic.version = 14 : i64} {
  func.func @_head_body(%arg0: memref<256x128xf32, #tpu.memory_space<vmem>>, %arg1: memref<256x1xf32, #tpu.memory_space<vmem>>, %arg2: memref<1x128xf32, #tpu.memory_space<vmem>>, %arg3: memref<1x128xf32, #tpu.memory_space<vmem>>, %arg4: memref<1x128xf32, #tpu.memory_space<vmem>>, %arg5: memref<1x128xf32, #tpu.memory_space<vmem>>, %arg6: memref<128x128xf32, #tpu.memory_space<vmem>>, %arg7: memref<1x128xf32, #tpu.memory_space<vmem>>, %arg8: memref<1x128xf32, #tpu.memory_space<vmem>>, %arg9: memref<1x128xf32, #tpu.memory_space<vmem>>, %arg10: memref<128x64xf32, #tpu.memory_space<vmem>>, %arg11: memref<1x64xf32, #tpu.memory_space<vmem>>, %arg12: memref<64x1xf32, #tpu.memory_space<vmem>>, %arg13: memref<1x1xf32, #tpu.memory_space<vmem>>, %arg14: memref<256x1xf32, #tpu.memory_space<vmem>>) attributes {dimension_semantics = [], scalar_prefetch = 0 : i64, scratch_operands = 0 : i64, tpu.core_type = #tpu.core_type<tc>} {
    %get3A = arith.constant 0 : index
    %get3A_0 = arith.constant 0 : index
    %get3A_1 = vector.load %arg2[%get3A, %get3A_0] : memref<1x128xf32, #tpu.memory_space<vmem>>, vector<1x128xf32>
    %mul3A = arith.constant 9.99999974E-5 : f32
    %mul3A_2 = vector.broadcast %mul3A : f32 to vector<1x128xf32>
    %mul3A_3 = arith.mulf %get3A_1, %mul3A_2 : vector<1x128xf32>
    %get3A_4 = arith.constant 0 : index
    %get3A_5 = arith.constant 0 : index
    %get3A_6 = vector.load %arg3[%get3A_4, %get3A_5] : memref<1x128xf32, #tpu.memory_space<vmem>>, vector<1x128xf32>
    %mul3A_7 = arith.constant 9.99999974E-5 : f32
    %mul3A_8 = vector.broadcast %mul3A_7 : f32 to vector<1x128xf32>
    %mul3A_9 = arith.mulf %get3A_6, %mul3A_8 : vector<1x128xf32>
    %mul3A_10 = arith.mulf %mul3A_3, %mul3A_3 : vector<1x128xf32>
    %sub3A = arith.subf %mul3A_9, %mul3A_10 : vector<1x128xf32>
    %get3A_11 = arith.constant 0 : index
    %get3A_12 = arith.constant 0 : index
    %get3A_13 = vector.load %arg4[%get3A_11, %get3A_12] : memref<1x128xf32, #tpu.memory_space<vmem>>, vector<1x128xf32>
    %add3A = arith.constant 9.99999974E-6 : f32
    %add3A_14 = vector.broadcast %add3A : f32 to vector<1x128xf32>
    %add3A_15 = arith.addf %sub3A, %add3A_14 : vector<1x128xf32>
    %rsqrt3A = math.rsqrt %add3A_15 : vector<1x128xf32>
    %mul3A_16 = arith.mulf %get3A_13, %rsqrt3A : vector<1x128xf32>
    %get3A_17 = arith.constant 0 : index
    %get3A_18 = arith.constant 0 : index
    %get3A_19 = vector.load %arg5[%get3A_17, %get3A_18] : memref<1x128xf32, #tpu.memory_space<vmem>>, vector<1x128xf32>
    %mul3A_20 = arith.mulf %mul3A_3, %mul3A_16 : vector<1x128xf32>
    %sub3A_21 = arith.subf %get3A_19, %mul3A_20 : vector<1x128xf32>
    %get3A_22 = arith.constant 0 : index
    %get3A_23 = arith.constant 0 : index
    %get3A_24 = vector.load %arg0[%get3A_22, %get3A_23] : memref<256x128xf32, #tpu.memory_space<vmem>>, vector<256x128xf32>
    %mul3A_25 = vector.broadcast %mul3A_16 : vector<1x128xf32> to vector<256x128xf32>
    %mul3A_26 = arith.mulf %get3A_24, %mul3A_25 : vector<256x128xf32>
    %get3A_27 = arith.constant 0 : index
    %get3A_28 = arith.constant 0 : index
    %get3A_29 = vector.load %arg1[%get3A_27, %get3A_28] : memref<256x1xf32, #tpu.memory_space<vmem>>, vector<256x1xf32>
    %mul3A_30 = vector.broadcast %get3A_29 : vector<256x1xf32> to vector<256x128xf32>
    %mul3A_31 = vector.broadcast %sub3A_21 : vector<1x128xf32> to vector<256x128xf32>
    %mul3A_32 = arith.mulf %mul3A_30, %mul3A_31 : vector<256x128xf32>
    %add3A_33 = arith.addf %mul3A_26, %mul3A_32 : vector<256x128xf32>
    %get3A_34 = arith.constant 0 : index
    %get3A_35 = arith.constant 0 : index
    %get3A_36 = vector.load %arg6[%get3A_34, %get3A_35] : memref<128x128xf32, #tpu.memory_space<vmem>>, vector<128x128xf32>
    %dot_general3A = arith.constant dense<0.000000e+00> : vector<256x128xf32>
    %dot_general3A_37 = tpu.matmul %add3A_33, %get3A_36, %dot_general3A {dimension_numbers = #tpu.dot_dimension_numbers<[1], [0], [0], [1], [0, 0, 1, 1], [], []>, transpose_lhs_hint = false} : vector<256x128xf32>, vector<128x128xf32>, vector<256x128xf32> -> vector<256x128xf32>
    %get3A_38 = arith.constant 0 : index
    %get3A_39 = arith.constant 0 : index
    %get3A_40 = vector.load %arg7[%get3A_38, %get3A_39] : memref<1x128xf32, #tpu.memory_space<vmem>>, vector<1x128xf32>
    %add3A_41 = vector.broadcast %get3A_40 : vector<1x128xf32> to vector<256x128xf32>
    %add3A_42 = arith.addf %dot_general3A_37, %add3A_41 : vector<256x128xf32>
    %max3A = arith.constant 0.000000e+00 : f32
    %max3A_43 = vector.broadcast %max3A : f32 to vector<256x128xf32>
    %max3A_44 = arith.maximumf %add3A_42, %max3A_43 : vector<256x128xf32>
    %reduce_sum3A = arith.constant dense<0.000000e+00> : vector<128xf32>
    %reduce_sum3A_45 = vector.multi_reduction <add>, %max3A_44, %reduce_sum3A [0] : vector<256x128xf32> to vector<128xf32>
    %broadcast_in_dim3A = vector.shape_cast %reduce_sum3A_45 : vector<128xf32> to vector<1x128xf32>
    %mul3A_46 = arith.constant 3.906250e-03 : f32
    %mul3A_47 = vector.broadcast %mul3A_46 : f32 to vector<1x128xf32>
    %mul3A_48 = arith.mulf %broadcast_in_dim3A, %mul3A_47 : vector<1x128xf32>
    %mul3A_49 = arith.mulf %max3A_44, %max3A_44 : vector<256x128xf32>
    %reduce_sum3A_50 = arith.constant dense<0.000000e+00> : vector<128xf32>
    %reduce_sum3A_51 = vector.multi_reduction <add>, %mul3A_49, %reduce_sum3A_50 [0] : vector<256x128xf32> to vector<128xf32>
    %broadcast_in_dim3A_52 = vector.shape_cast %reduce_sum3A_51 : vector<128xf32> to vector<1x128xf32>
    %mul3A_53 = arith.constant 3.906250e-03 : f32
    %mul3A_54 = vector.broadcast %mul3A_53 : f32 to vector<1x128xf32>
    %mul3A_55 = arith.mulf %broadcast_in_dim3A_52, %mul3A_54 : vector<1x128xf32>
    %mul3A_56 = arith.mulf %mul3A_48, %mul3A_48 : vector<1x128xf32>
    %sub3A_57 = arith.subf %mul3A_55, %mul3A_56 : vector<1x128xf32>
    %sub3A_58 = vector.broadcast %mul3A_48 : vector<1x128xf32> to vector<256x128xf32>
    %sub3A_59 = arith.subf %max3A_44, %sub3A_58 : vector<256x128xf32>
    %add3A_60 = arith.constant 9.99999974E-6 : f32
    %add3A_61 = vector.broadcast %add3A_60 : f32 to vector<1x128xf32>
    %add3A_62 = arith.addf %sub3A_57, %add3A_61 : vector<1x128xf32>
    %rsqrt3A_63 = math.rsqrt %add3A_62 : vector<1x128xf32>
    %mul3A_64 = vector.broadcast %rsqrt3A_63 : vector<1x128xf32> to vector<256x128xf32>
    %mul3A_65 = arith.mulf %sub3A_59, %mul3A_64 : vector<256x128xf32>
    %get3A_66 = arith.constant 0 : index
    %get3A_67 = arith.constant 0 : index
    %get3A_68 = vector.load %arg8[%get3A_66, %get3A_67] : memref<1x128xf32, #tpu.memory_space<vmem>>, vector<1x128xf32>
    %mul3A_69 = vector.broadcast %get3A_68 : vector<1x128xf32> to vector<256x128xf32>
    %mul3A_70 = arith.mulf %mul3A_65, %mul3A_69 : vector<256x128xf32>
    %get3A_71 = arith.constant 0 : index
    %get3A_72 = arith.constant 0 : index
    %get3A_73 = vector.load %arg9[%get3A_71, %get3A_72] : memref<1x128xf32, #tpu.memory_space<vmem>>, vector<1x128xf32>
    %add3A_74 = vector.broadcast %get3A_73 : vector<1x128xf32> to vector<256x128xf32>
    %add3A_75 = arith.addf %mul3A_70, %add3A_74 : vector<256x128xf32>
    %get3A_76 = arith.constant 0 : index
    %get3A_77 = arith.constant 0 : index
    %get3A_78 = vector.load %arg10[%get3A_76, %get3A_77] : memref<128x64xf32, #tpu.memory_space<vmem>>, vector<128x64xf32>
    %dot_general3A_79 = arith.constant dense<0.000000e+00> : vector<256x64xf32>
    %dot_general3A_80 = tpu.matmul %add3A_75, %get3A_78, %dot_general3A_79 {dimension_numbers = #tpu.dot_dimension_numbers<[1], [0], [0], [1], [0, 0, 1, 1], [], []>, transpose_lhs_hint = false} : vector<256x128xf32>, vector<128x64xf32>, vector<256x64xf32> -> vector<256x64xf32>
    %get3A_81 = arith.constant 0 : index
    %get3A_82 = arith.constant 0 : index
    %get3A_83 = vector.load %arg11[%get3A_81, %get3A_82] : memref<1x64xf32, #tpu.memory_space<vmem>>, vector<1x64xf32>
    %add3A_84 = vector.broadcast %get3A_83 : vector<1x64xf32> to vector<256x64xf32>
    %add3A_85 = arith.addf %dot_general3A_80, %add3A_84 : vector<256x64xf32>
    %max3A_86 = arith.constant 0.000000e+00 : f32
    %max3A_87 = vector.broadcast %max3A_86 : f32 to vector<256x64xf32>
    %max3A_88 = arith.maximumf %add3A_85, %max3A_87 : vector<256x64xf32>
    %get3A_89 = arith.constant 0 : index
    %get3A_90 = arith.constant 0 : index
    %get3A_91 = vector.load %arg12[%get3A_89, %get3A_90] : memref<64x1xf32, #tpu.memory_space<vmem>>, vector<64x1xf32>
    %dot_general3A_92 = arith.constant dense<0.000000e+00> : vector<256x1xf32>
    %dot_general3A_93 = tpu.matmul %max3A_88, %get3A_91, %dot_general3A_92 {dimension_numbers = #tpu.dot_dimension_numbers<[1], [0], [0], [1], [0, 0, 1, 1], [], []>, transpose_lhs_hint = false} : vector<256x64xf32>, vector<64x1xf32>, vector<256x1xf32> -> vector<256x1xf32>
    %get3A_94 = arith.constant 0 : index
    %get3A_95 = arith.constant 0 : index
    %get3A_96 = vector.load %arg13[%get3A_94, %get3A_95] : memref<1x1xf32, #tpu.memory_space<vmem>>, vector<1x1xf32>
    %add3A_97 = vector.broadcast %get3A_96 : vector<1x1xf32> to vector<256x1xf32>
    %add3A_98 = arith.addf %dot_general3A_93, %add3A_97 : vector<256x1xf32>
    %swap3A = arith.constant 0 : index
    %swap3A_99 = arith.constant 0 : index
    %swap3A_100 = vector.load %arg14[%swap3A, %swap3A_99] : memref<256x1xf32, #tpu.memory_space<vmem>>, vector<256x1xf32>
    tpu.vector_store %arg14[%swap3A, %swap3A_99], %add3A_98 {strides = array<i32>} : memref<256x1xf32, #tpu.memory_space<vmem>>, vector<256x1xf32>,
    return
  }
}

</mosaic_0001>

<sc_bundles>
// kernel: kernel.17.cloned.1.call-start
scs
__scs_entry_jumppad:
0x0: {  	(pc) =	sbr.rel $0x88, $3  }
0x1: {  	(tag) =	ssettag $0x0;
	lr =	simm.s32 $0x1  }
0x2: {  	[smem:$0x3F86] =	sst lr;
	_ =	strace $0xD0000000  }
0x3: {  	_ = 	snop  }
0x4: {  	_ = 	snop  }
0x5: {  	_ = 	snop  }
0x6: {  	_ = 	snop  }
0x7: {  	_ = 	snop  }
__scs_overlays_trampoline_lowered:
0x8: {  	[smem:$0x3F95] =	sst s0  }
0x9: {  	[smem:$0x3F96] =	sst s1  }
0xa: {  	[smem:$0x3F97] =	sst s2  }
0xb: {  	[smem:$0x3F98] =	sst s3  }
0xc: {  	[smem:$0x3F99] =	sst s4  }
0xd: {  	[smem:$0x3F9A] =	sst s5  }
0xe: {  	[smem:$0x3F9B] =	sst s6  }
0xf: {  	[smem:$0x3F9C] =	sst s7  }
0x10: {  	[smem:$0x3F9D] =	sst s8  }
0x11: {  	[smem:$0x3F9E] =	sst s9;
	s0 =	simm.s32 @!p0 $0x0  }
0x12: {  	s1 =	sld [smem:$0x3F84];
	s0 =	simm.s32 @p0 $0x1  }
0x13: {  	[smem:$0x3F9F] =	sst s0;
	s0 =	simm.s32 @!p1 $0x0  }
0x14: {  	s2 =	sld [smem:$0x3F83];
	s0 =	simm.s32 @p1 $0x1  }
0x15: {  	[smem:$0x3FA0] =	sst s0;
	s0 =	simm.s32 @!p2 $0x0  }
0x16: {  	s3 =	sld [smem:$0x3FDB];
	s0 =	simm.s32 @p2 $0x1  }
0x17: {  	s4 =	simm.s32 $0x1BF5;
	[smem:$0x3FA2] =	sst s0  }
0x18: {  	s0 =	sld [smem:$0x3F85];
	_ =	swait.ge [sflag:s4], $0x0  }
0x19: {  	s7 =	sld [smem:$0x3F86]  }
0x1a: {  	s8 =	sadd.s32 $0xFFFFE003, lr  }
0x1b: {  	s9 =	sadd.s32 $0xFFFFFEF7, lr;
	s5 =	simm.s32 $0xFFFFFFFF;
	p2 =	slt.u32 s8, $0xFFFFF086  }
0x1c: {  	p1 =	slt.u32 s9, $0xF7A;
	s5 =	simm.s32 @!p2 $0x0  }
0x1d: {  	s5 =	simm.s32 @p1 $0x1;
	p0 =	seq.s32 s7, s2  }
0x1e: {  	s7 =	smul.u32 @!p0 $0xF7A, s2;
	p2 =	seq.s32 @!p0 s5, $0x0  }
0x1f: {  	s9 =	smul.u32 $0xF7A, s1;
	s8 =	simm.s32 @!p0 $0x1BF5;
	p2 =	por !p2, p0  }
0x20: {  	[sflag:s8] =	ssyncset.s32 @!p0 $0xFFFFF086;
	s6 =	sadd.s32 @!p0 s3, s7;
	s7 =	simm.s32 @!p0 $0x108  }
0x21: {  	s3 =	sadd.s32 s3, s9;
	s6 =	sadd.s32 @!p0 $0x88, s6;
	s7 =	simm.s32 @p2 $0x1082  }
0x22: {  	[simem:s7], [sflag:s8] =	dma.local @!p0 [hbm:s6], $0xF7A  }
0x23: {  	s9 =	sor.u32 $0xD0000000, s2;
	s6 =	simm.s32 $0x108;
	_ =	swait.ge @!p0 [sflag:s8], $0x0  }
0x24: {  	s3 =	sadd.s32 $0x88, s3;
	s6 =	simm.s32 @!p1 $0x1082;
	[sflag:s4] =	ssyncset.s32 $0xFFFFF086  }
0x25: {  	[simem:s6], [sflag:s4] =	dma.local [hbm:s3], $0xF7A  }
0x26: {  	[smem:$0x3F86] =	sst s1;
	(tag) =	ssettag s2;
	_ =	strace s9  }
0x27: {  	s1 =	sld [smem:$0x3F96]  }
0x28: {  	s2 =	sld [smem:$0x3F97]  }
0x29: {  	s4 =	sld [smem:$0x3F99]  }
0x2a: {  	p0 =	seq.s32 s5, $0x0;
	s5 =	sld [smem:$0x3F9A]  }
0x2b: {  	s6 =	sld [smem:$0x3F9B]  }
0x2c: {  	s7 =	sld [smem:$0x3F9C]  }
0x2d: {  	s3 =	simm.s32 $0x108;
	s8 =	sld [smem:$0x3F9D]  }
0x2e: {  	s3 =	simm.s32 @!p0 $0x1082;
	s9 =	sld [smem:$0x3F9E]  }
0x2f: {  	lr =	sadd.s32 s0, s3;
	s0 =	sld [smem:$0x3F95]  }
0x30: {  	s3 =	sld [smem:$0x3F98]  }
0x31: {  	[smem:$0x3FA1] =	sst s10  }
0x32: {  	s10 =	sld [smem:$0x3F9F];
	_ =	sdelay $0x3  }
0x33: {  	p0 =	seq.s32 s10, $0x1;
	s10 =	sld [smem:$0x3FA1];
	_ =	sdelay $0x3  }
0x34: {  	[smem:$0x3FA1] =	sst s10  }
0x35: {  	s10 =	sld [smem:$0x3FA0];
	_ =	sdelay $0x3  }
0x36: {  	p1 =	seq.s32 s10, $0x1;
	s10 =	sld [smem:$0x3FA1];
	_ =	sdelay $0x3  }
0x37: {  	[smem:$0x3FA1] =	sst s10  }
0x38: {  	s10 =	sld [smem:$0x3FA2]  }
0x39: {  	_ = 	snop;
	(pc) =	sbr.ind lr, $3  }
0x3a: {  	_ = 	snop  }
0x3b: {  	_ = 	snop  }
0x3c: {  	p2 =	seq.s32 s10, $0x1;
	s10 =	sld [smem:$0x3FA1]  }
0x3d: {  	_ =	shalt  }
0x3e: {  	_ =	shalt  }
0x3f: {  	_ =	shalt  }
0x40: {  	_ =	shalt  }
0x41: {  	_ =	shalt  }
0x42: {  	_ =	shalt  }
0x43: {  	_ =	shalt  }
0x44: {  	_ =	shalt  }
0x45: {  	_ =	shalt  }
0x46: {  	_ =	shalt  }
0x47: {  	_ =	shalt  }
0x48: {  	_ =	shalt  }
0x49: {  	_ =	shalt  }
0x4a: {  	_ =	shalt  }
0x4b: {  	_ =	shalt  }
0x4c: {  	_ =	shalt  }
0x4d: {  	_ =	shalt  }
0x4e: {  	_ =	shalt  }
0x4f: {  	_ =	shalt  }
0x50: {  	_ =	shalt  }
0x51: {  	_ =	shalt  }
0x52: {  	_ =	shalt  }
0x53: {  	_ =	shalt  }
0x54: {  	_ =	shalt  }
0x55: {  	_ =	shalt  }
0x56: {  	_ =	shalt  }
0x57: {  	_ =	shalt  }
0x58: {  	_ =	shalt  }
0x59: {  	_ =	shalt  }
0x5a: {  	_ =	shalt  }
0x5b: {  	_ =	shalt  }
0x5c: {  	_ =	shalt  }
0x5d: {  	_ =	shalt  }
0x5e: {  	_ =	shalt  }
0x5f: {  	_ =	shalt  }
0x60: {  	_ =	shalt  }
0x61: {  	_ =	shalt  }
0x62: {  	_ =	shalt  }
0x63: {  	_ =	shalt  }
0x64: {  	_ =	shalt  }
0x65: {  	_ =	shalt  }
0x66: {  	_ =	shalt  }
0x67: {  	_ =	shalt  }
0x68: {  	_ =	shalt  }
0x69: {  	_ =	shalt  }
0x6a: {  	_ =	shalt  }
0x6b: {  	_ =	shalt  }
0x6c: {  	_ =	shalt  }
0x6d: {  	_ =	shalt  }
0x6e: {  	_ =	shalt  }
0x6f: {  	_ =	shalt  }
0x70: {  	_ =	shalt  }
0x71: {  	_ =	shalt  }
0x72: {  	_ =	shalt  }
0x73: {  	_ =	shalt  }
0x74: {  	_ =	shalt  }
0x75: {  	_ =	shalt  }
0x76: {  	_ =	shalt  }
0x77: {  	_ =	shalt  }
0x78: {  	_ =	shalt  }
0x79: {  	_ =	shalt  }
0x7a: {  	_ =	shalt  }
0x7b: {  	_ =	shalt  }
0x7c: {  	_ =	shalt  }
0x7d: {  	_ =	shalt  }
0x7e: {  	_ =	shalt  }
0x7f: {  	_ =	shalt  }
0x80: {  	_ =	shalt  }
0x81: {  	_ =	shalt  }
0x82: {  	_ =	shalt  }
0x83: {  	_ =	shalt  }
0x84: {  	_ =	shalt  }
0x85: {  	_ =	shalt  }
0x86: {  	_ =	shalt  }
0x87: {  	_ =	shalt  }
.Lfunc_end0:
.L_simem_size_0:
called_computation_lowered:
.L_overlay_start_0:
0x88: {  	s2 =	sld [smem:$0x3FD9]  }
0x89: {  	s3 =	sld [smem:$0x3FFE];
	_ =	sdelay $0x1  }
0x8a: {  	s1 =	srdreg.scid  }
0x8b: {  	s0 =	sand.u32 $0x1, s1  }
0x8c: {  	s16 =	sshll.u32 s0, $0xA;
	s2 =	sadd.s32 s3, s2  }
0x8d: {  	s2 =	sadd.s32 s2, s16  }
0x8e: {  	[smem:$0x3FAD] =	sst s2  }
0x8f: {  	_ = 	snop  }
0x90: {  	(tm) =	ssettm $0x1  }
0x91: {  	s17 =	sld [smem:$0x3FFB];
	_ =	sdelay $0x3  }
0x92: {  	_ =	strace s17  }
0x93: {  	s2 =	sld [smem:$0x3FFC];
	_ =	sdelay $0x3  }
0x94: {  	_ =	strace s2  }
0x95: {  	s2 =	sld [smem:$0x3FFD];
	_ =	sdelay $0x3  }
0x96: {  	_ =	strace s2  }
0x97: {  	_ =	strace $0x8FFFFFFF  }
0x98: {  	s18 =	sld [smem:$0x3FDB];
	_ =	sdelay $0x1  }
0x99: {  	s19 =	simm.s32 $_scs_section_size  }
0x9a: {  	s4 =	simm.s32 $_size__tile_overlayer_lowered;
	s5 =	simm.s32 $_tile_overlayer_lowered  }
0x9b: {  	s22 =	simm.s32 $0x1BFF;
	s21 =	sshll.u32 s5, $0x1;
	s2 =	sadd.s32 s19, s18  }
0x9c: {  	s6 =	simm.s32 $0x0;
	s20 =	sshll.u32 s4, $0x1;
	s4 =	sadd.s32 s21, s2  }
0x9d: {  	[timem:s6], [sflag:s22] =	dma.local [hbm:s4], s20  }
0x9e: {  	_ =	swait.ge [sflag:s22], s20  }
0x9f: {  	s3 =	ssub.s32 $0x0, s20;
	[sflag:s22] =	ssyncset.done $0x0  }
0xa0: {  	[sflag:s22] =	ssyncadd.s32 s3;
	_ =	sdelay $0x1  }
0xa1: {  	s23 =	simm.s32 $0x1B8B  }
0xa2: {  	_ =	swait.ge [sflag:s23], $0x1  }
0xa3: {  	[sflag:s23] =	ssyncset.done $0x0  }
0xa4: {  	s25 =	simm.s32 $0x1B8E;
	s24 =	sld [smem:$0x3FFE];
	[sflag:s23] =	ssyncadd.s32 $0xFFFFFFFF  }
0xa5: {  	s26 =	simm.s32 $execute0_lowered;
	[smem:$0x3FD2] =	sst s25  }
0xa6: {  	s4 =	sshll.u32 s26, $0x1;
	_ =	strace $0x80000046;
	[dreg:$0x1] =	wrdreg $0xFFFFFFFF  }
0xa7: {  	s28 =	simm.s32 $_size_execute0_lowered;
	s2 =	sadd.s32 s2, s4;
	[dreg:$0x0] =	wrdreg $0x0  }
0xa8: {  	s4 =	sshll.u32 s28, $0x1;
	[dreg:$0x2] =	wrdreg s2  }
0xa9: {  	[dreg:$0x3] =	wrdreg s4  }
0xaa: {  	[dreg:$0x4] =	wrdreg $0xC0  }
0xab: {  	_ =	task [dreg:s6], $0x5FFFF  }
0xac: {  	[dreg:$0x1] =	wrdreg $0xFFFFFFFF  }
0xad: {  	[dreg:$0x0] =	wrdreg $0x60  }
0xae: {  	[dreg:$0x2] =	wrdreg s24  }
0xaf: {  	[dreg:$0x3] =	wrdreg $0x2BE80  }
0xb0: {  	[dreg:$0x4] =	wrdreg $0x9  }
0xb1: {  	_ =	task.clear_ibuf [dreg:s6], $0x5FFFF;
	_ =	strace $0x90000046  }
0xb2: {  	s29 =	simm.s32 $0x9;
	_ =	strace $0x80000048  }
0xb3: {  	_ =	swait.ge [sflag:s29], $0x1  }
0xb4: {  	[sflag:s29] =	ssyncadd.s32 $0xFFFFFFFF  }
0xb5: {  	_ =	strace $0x90000048  }
0xb6: {  	_ =	sfence  }
0xb7: {  	s30 =	sld [smem:$0x0];
	_ =	sdelay $0x2  }
0xb8: {  	s31 =	sshll.u32 s1, $0xD;
	s1 =	sshrl.u32 s1, $0x2  }
0xb9: {  	s3 =	sand.u32 $0x4000, s31;
	s1 =	sadd.s32 s1, s30  }
0xba: {  	s0 =	sor.u32 s3, s0;
	s1 =	sshll.u32 s1, $0x11  }
0xbb: {  	s0 =	sor.u32 s1, s0  }
0xbc: {  	s0 =	sadd.s32 $0x8F2B, s0  }
0xbd: {  	[sflag:s0] =	ssyncadd.remote.s32 $0x1  }
0xbe: {  	_ =	sfence.sel $0xFFFF  }
0xbf: {  	[dreg:$0x0] =	wrdreg $0xFFFFFFFF;
	(pc) =	sbr.abs _section_cstart, $3  }
0xc0: {  	[dreg:$0x1] =	wrdreg $0xFFFFFFFF  }
0xc1: {  	_ =	task.clear_ibuf [dreg:s6], $0x2FFFF;
	_ =	strace $0x9FFFFFFF  }
0xc2: {  	(tm) =	ssettm $0x7FFFFFFF  }
0xc3: {  	_ =	shalt  }
tec
execute0_lowered:
.L_overlay_start_1:
0x0: {  	(tag) =	ssettag $0x1  }
0x1: {  	s5 =	rddreg [dreg:$0x0]  }
0x2: {  	s0 =	srdreg.scid;
	s2 =	rddreg [dreg:$0x1]  }
0x3: {  	s1 =	stileid.u32;
	s3 =	simm.s32 $0x0;
	s14 =	simm.s32 $0x1  }
0x4: {  	s15 =	simm.s32 $0x2800;
	s16 =	simm.s32 $0x7D;
	s19 =	simm.s32 $0x0  }
0x5: {  	s6 =	sand.u32 $0x1, s0;
	s0 =	rddreg [dreg:$0x2];
	s7 =	smul.u32 $0x1F40, s1  }
0x6: {  	[smem:$0x7FF] =	sst s3;
	p1 =	slt.u32 s1, $0xA;
	s4 =	sshll.u32 s6, $0x4  }
0x7: {  	s8 =	smul.u32 $0x13880, s6;
	_ =	strace $0x80000047;
	s31 =	ssub.s32 $0x2, s6  }
0x8: {  	p0 =	seq.s32 s6, $0x0;
	p2 =	seq.s32 s6, $0x1;
	s4 =	sor.u32 s1, s4  }
0x9: {  	s10 =	sshrl.u32 s7, $0x3;
	s12 =	sshrl.u32 s31, $0x1;
	p0 =	por !p0, !p1  }
0xa: {  	p1 =	por !p1, !p2;
	s18 =	sadd.s32 s7, s2;
	p2 =	sgt.u32 s1, $0x9  }
0xb: {  	s4 =	smul.u32 $0x500, s4;
	s8 =	sadd.s32 s7, s8;
	s11 =	sadd.s32 s10, s5  }
0xc: {  	s12 =	ssub.s32 s31, s12;
	p0 =	por !p0, !p0;
	p1 =	por !p1, !p1  }
0xd: {  	s17 =	sshll.u32 @!p2 s1, $0x6;
	s8 =	sshrl.u32 s8, $0x3;
	s6 =	sadd.s32 $0x19E00, s11  }
0xe: {  	s11 =	sshrl.u32 @p0 s18, $0x3;
	s13 =	sshrl.u32 @p1 s18, $0x3;
	s17 =	sor.u32 @!p2 $0x1C01, s17  }
0xf: {  	s18 =	sshrl.u32 @!p2 s18, $0x3;
	s9 =	sadd.s32 s4, s5;
	s4 =	sadd.s32 $0x1C600, s5  }
0x10: {  	s8 =	sadd.s32 s8, s5;
	s5 =	sadd.s32 s4, s10;
	s7 =	sadd.s32 $0xFE00, s9  }
0x11: {  	s9 =	smax.u32 s12, $0x1;
	s10 =	sshll.u32 @p0 s1, $0x6;
	s12 =	sshll.u32 @p1 s1, $0x6  }
0x12: {  	s8 =	sadd.s32 $0x1EE00, s8;
	s10 =	sor.u32 @p0 $0x1C01, s10;
	s12 =	sor.u32 @p1 $0x1C01, s12  }
.LBB2_1:
0x13: {  	[spmem:s11], [sflag:s10] =	dma.local @p0 [hbm:s5], $0x3E8  }
0x14: {  	s20 =	simm.s32 @p0 $0x1  }
0x15: {  	_ =	swait.ge @p0 [sflag:s20], $0x3E8  }
0x16: {  	[sflag:s20] =	ssyncset.done @p0 $0x0  }
0x17: {  	[sflag:s20] =	ssyncadd.s32 @p0 $0xFFFFFC18;
	s20 =	simm.s32 @p1 $0x1  }
0x18: {  	[spmem:s13], [sflag:s12] =	dma.local @p1 [hbm:s6], $0x3E8  }
0x19: {  	_ =	swait.ge @p1 [sflag:s20], $0x3E8  }
0x1a: {  	[sflag:s20] =	ssyncset.done @p1 $0x0  }
0x1b: {  	[sflag:s20] =	ssyncadd.s32 @p1 $0xFFFFFC18  }
0x1c: {  	[tilespmem:s3], [sflag:$0x1] =	stream.linear.gather [hbm4b:s7+s3], $0x2800, $0x38;
	[tilespmem:$0x3F70] =	vst v63  }
0x1d: {  	_ =	swait.ge [sflag:s14], $0x2800  }
0x1e: {  	[sflag:s14] =	ssyncset.done $0x0  }
0x1f: {  	[sflag:s14] =	ssyncadd.s32 $0xFFFFD800  }
0x20: {  	[tilespmem:s15], [sflag:$0x1] =	stream.linear.gather [hbm4b:s4+s3], $0x3E8, $0x38;
	[tilespmem:$0x3F70] =	vst v63  }
0x21: {  	_ =	swait.ge [sflag:s14], $0x3E8  }
0x22: {  	[sflag:s14] =	ssyncset.done $0x0  }
0x23: {  	[sflag:s14] =	ssyncadd.s32 $0xFFFFFC18  }
0x24: {  	s31 =	simm.s32 $0x0;
	[bflag:$0x0] =	sbarrier.arrive $0xFFFF  }
0x25: {  	[spmem:s2] =	stream.indirect.scatter.add.f32 [tilespmem:s15], [sflag:$0x1], $0x8, s31, s16, $0xb8;
	[tilespmem:$0x3F70] =	vst v63  }
0x26: {  	_ =	swait.ge [sflag:s14], $0x3E8  }
0x27: {  	s20 =	simm.s32 $0x200;
	[sflag:s14] =	ssyncset.done $0x0  }
.LBB2_2:
0x28: {  	s21 =	sshra.s32 s20, $0x2;
	[sflag:s14] =	ssyncadd.s32 $0xFFFFFC18;
	p3 =	sne.s32 s20, $0x9E00  }
0x29: {  	[spmem:s2] =	stream.indirect.scatter.add.f32 [tilespmem:s15], [sflag:$0x1], $0x8, s21, s16, $0xb8;
	[tilespmem:$0x3F70] =	vst v63  }
.Ltmp0:
0x2a: {  	_ = 	snop;
	(pc) =	sbr.rel @p3 .LBB2_2-.Ltmp0, $4  }
0x2b: {  	_ = 	snop  }
0x2c: {  	s20 =	sadd.s32 $0x200, s20  }
0x2d: {  	_ =	swait.ge [sflag:s14], $0x3E8  }
0x2e: {  	[sflag:s14] =	ssyncset.done $0x0  }
0x2f: {  	s19 =	sadd.s32 $0x1, s19  }
0x30: {  	[sflag:s14] =	ssyncadd.s32 $0xFFFFFC18;
	p3 =	sne.s32 s19, s9  }
.Ltmp1:
0x31: {  	s20 =	simm.s32 @!p2 $0x1;
	[bflag:$0x0] =	sbarrier.arrive $0xFFFF;
	(pc) =	sbr.rel @p3 .LBB2_1-.Ltmp1, $4  }
0x32: {  	[hbm:s8], [sflag:s17] =	dma.local @!p2 [spmem:s18], $0x3E8  }
0x33: {  	_ =	swait.ge @!p2 [sflag:s20], $0x3E8  }
0x34: {  	[sflag:s20] =	ssyncset.done @!p2 $0x0  }
0x35: {  	[sflag:s20] =	ssyncadd.s32 @!p2 $0xFFFFFC18  }
0x36: {  	_ =	sfence.sel $0x180000  }
0x37: {  	[bflag:$0x0] =	sbarrier.arrive $0xFFFF  }
0x38: {  	p0 =	sne.s32 s1, $0x0;
	_ =	strace $0x90000047  }
0x39: {  	s0 =	sadd.s32 @!p0 $0x100000, s0;
	[bflag:$0x2] =	sbarrier.arrive $0xFFFF  }
0x3a: {  	[sflag:s0] =	ssyncadd.tile.s32 @!p0 $0x1;
	_ =	shalt  }
.Lfunc_end2:
_tile_overlayer_lowered:
.L_overlay_start_2:
0x3b: {  	(tag) =	ssettag $0x2  }
0x3c: {  	s0 =	rddreg [dreg:$0x0];
	s2 =	stileid.u32  }
0x3d: {  	s1 =	rddreg [dreg:$0x1];
	p0 =	sne.s32 s2, $0x0  }
0x3e: {  	s3 =	rddreg [dreg:$0x2];
	[bflag:$0x3] =	sbarrier.arrive $0xFFFF;
	s2 =	simm.s32 @!p0 $0x1C01  }
0x3f: {  	[timem:s3], [sflag:s2] =	dma.local @!p0 [hbm:s0], s1  }
0x40: {  	s0 =	simm.s32 @!p0 $0x1  }
0x41: {  	_ =	swait.ge @!p0 [sflag:s0], s1  }
0x42: {  	s1 =	ssub.s32 @!p0 $0x0, s1;
	[sflag:s0] =	ssyncset.done @!p0 $0x0  }
0x43: {  	[sflag:s0] =	ssyncadd.s32 @!p0 s1  }
0x44: {  	[bflag:$0x3] =	sbarrier.arrive $0xFFFF  }
0x45: {  	_ =	shalt  }

// kernel: kernel.20.cloned.1.call-start
scs
__scs_entry_jumppad:
0x0: {  	(pc) =	sbr.rel $0x88, $3  }
0x1: {  	(tag) =	ssettag $0x0;
	lr =	simm.s32 $0x1  }
0x2: {  	[smem:$0x3F86] =	sst lr;
	_ =	strace $0xD0000000  }
0x3: {  	_ = 	snop  }
0x4: {  	_ = 	snop  }
0x5: {  	_ = 	snop  }
0x6: {  	_ = 	snop  }
0x7: {  	_ = 	snop  }
__scs_overlays_trampoline_lowered:
0x8: {  	[smem:$0x3F95] =	sst s0  }
0x9: {  	[smem:$0x3F96] =	sst s1  }
0xa: {  	[smem:$0x3F97] =	sst s2  }
0xb: {  	[smem:$0x3F98] =	sst s3  }
0xc: {  	[smem:$0x3F99] =	sst s4  }
0xd: {  	[smem:$0x3F9A] =	sst s5  }
0xe: {  	[smem:$0x3F9B] =	sst s6  }
0xf: {  	[smem:$0x3F9C] =	sst s7  }
0x10: {  	[smem:$0x3F9D] =	sst s8  }
0x11: {  	[smem:$0x3F9E] =	sst s9;
	s0 =	simm.s32 @!p0 $0x0  }
0x12: {  	s1 =	sld [smem:$0x3F84];
	s0 =	simm.s32 @p0 $0x1  }
0x13: {  	[smem:$0x3F9F] =	sst s0;
	s0 =	simm.s32 @!p1 $0x0  }
0x14: {  	s2 =	sld [smem:$0x3F83];
	s0 =	simm.s32 @p1 $0x1  }
0x15: {  	[smem:$0x3FA0] =	sst s0;
	s0 =	simm.s32 @!p2 $0x0  }
0x16: {  	s3 =	sld [smem:$0x3FDB];
	s0 =	simm.s32 @p2 $0x1  }
0x17: {  	s4 =	simm.s32 $0x1BF5;
	[smem:$0x3FA2] =	sst s0  }
0x18: {  	s0 =	sld [smem:$0x3F85];
	_ =	swait.ge [sflag:s4], $0x0  }
0x19: {  	s7 =	sld [smem:$0x3F86]  }
0x1a: {  	s8 =	sadd.s32 $0xFFFFE003, lr  }
0x1b: {  	s9 =	sadd.s32 $0xFFFFFEF7, lr;
	s5 =	simm.s32 $0xFFFFFFFF;
	p2 =	slt.u32 s8, $0xFFFFF086  }
0x1c: {  	p1 =	slt.u32 s9, $0xF7A;
	s5 =	simm.s32 @!p2 $0x0  }
0x1d: {  	s5 =	simm.s32 @p1 $0x1;
	p0 =	seq.s32 s7, s2  }
0x1e: {  	s7 =	smul.u32 @!p0 $0xF7A, s2;
	p2 =	seq.s32 @!p0 s5, $0x0  }
0x1f: {  	s9 =	smul.u32 $0xF7A, s1;
	s8 =	simm.s32 @!p0 $0x1BF5;
	p2 =	por !p2, p0  }
0x20: {  	[sflag:s8] =	ssyncset.s32 @!p0 $0xFFFFF086;
	s6 =	sadd.s32 @!p0 s3, s7;
	s7 =	simm.s32 @!p0 $0x108  }
0x21: {  	s3 =	sadd.s32 s3, s9;
	s6 =	sadd.s32 @!p0 $0x88, s6;
	s7 =	simm.s32 @p2 $0x1082  }
0x22: {  	[simem:s7], [sflag:s8] =	dma.local @!p0 [hbm:s6], $0xF7A  }
0x23: {  	s9 =	sor.u32 $0xD0000000, s2;
	s6 =	simm.s32 $0x108;
	_ =	swait.ge @!p0 [sflag:s8], $0x0  }
0x24: {  	s3 =	sadd.s32 $0x88, s3;
	s6 =	simm.s32 @!p1 $0x1082;
	[sflag:s4] =	ssyncset.s32 $0xFFFFF086  }
0x25: {  	[simem:s6], [sflag:s4] =	dma.local [hbm:s3], $0xF7A  }
0x26: {  	[smem:$0x3F86] =	sst s1;
	(tag) =	ssettag s2;
	_ =	strace s9  }
0x27: {  	s1 =	sld [smem:$0x3F96]  }
0x28: {  	s2 =	sld [smem:$0x3F97]  }
0x29: {  	s4 =	sld [smem:$0x3F99]  }
0x2a: {  	p0 =	seq.s32 s5, $0x0;
	s5 =	sld [smem:$0x3F9A]  }
0x2b: {  	s6 =	sld [smem:$0x3F9B]  }
0x2c: {  	s7 =	sld [smem:$0x3F9C]  }
0x2d: {  	s3 =	simm.s32 $0x108;
	s8 =	sld [smem:$0x3F9D]  }
0x2e: {  	s3 =	simm.s32 @!p0 $0x1082;
	s9 =	sld [smem:$0x3F9E]  }
0x2f: {  	lr =	sadd.s32 s0, s3;
	s0 =	sld [smem:$0x3F95]  }
0x30: {  	s3 =	sld [smem:$0x3F98]  }
0x31: {  	[smem:$0x3FA1] =	sst s10  }
0x32: {  	s10 =	sld [smem:$0x3F9F];
	_ =	sdelay $0x3  }
0x33: {  	p0 =	seq.s32 s10, $0x1;
	s10 =	sld [smem:$0x3FA1];
	_ =	sdelay $0x3  }
0x34: {  	[smem:$0x3FA1] =	sst s10  }
0x35: {  	s10 =	sld [smem:$0x3FA0];
	_ =	sdelay $0x3  }
0x36: {  	p1 =	seq.s32 s10, $0x1;
	s10 =	sld [smem:$0x3FA1];
	_ =	sdelay $0x3  }
0x37: {  	[smem:$0x3FA1] =	sst s10  }
0x38: {  	s10 =	sld [smem:$0x3FA2]  }
0x39: {  	_ = 	snop;
	(pc) =	sbr.ind lr, $3  }
0x3a: {  	_ = 	snop  }
0x3b: {  	_ = 	snop  }
0x3c: {  	p2 =	seq.s32 s10, $0x1;
	s10 =	sld [smem:$0x3FA1]  }
0x3d: {  	_ =	shalt  }
0x3e: {  	_ =	shalt  }
0x3f: {  	_ =	shalt  }
0x40: {  	_ =	shalt  }
0x41: {  	_ =	shalt  }
0x42: {  	_ =	shalt  }
0x43: {  	_ =	shalt  }
0x44: {  	_ =	shalt  }
0x45: {  	_ =	shalt  }
0x46: {  	_ =	shalt  }
0x47: {  	_ =	shalt  }
0x48: {  	_ =	shalt  }
0x49: {  	_ =	shalt  }
0x4a: {  	_ =	shalt  }
0x4b: {  	_ =	shalt  }
0x4c: {  	_ =	shalt  }
0x4d: {  	_ =	shalt  }
0x4e: {  	_ =	shalt  }
0x4f: {  	_ =	shalt  }
0x50: {  	_ =	shalt  }
0x51: {  	_ =	shalt  }
0x52: {  	_ =	shalt  }
0x53: {  	_ =	shalt  }
0x54: {  	_ =	shalt  }
0x55: {  	_ =	shalt  }
0x56: {  	_ =	shalt  }
0x57: {  	_ =	shalt  }
0x58: {  	_ =	shalt  }
0x59: {  	_ =	shalt  }
0x5a: {  	_ =	shalt  }
0x5b: {  	_ =	shalt  }
0x5c: {  	_ =	shalt  }
0x5d: {  	_ =	shalt  }
0x5e: {  	_ =	shalt  }
0x5f: {  	_ =	shalt  }
0x60: {  	_ =	shalt  }
0x61: {  	_ =	shalt  }
0x62: {  	_ =	shalt  }
0x63: {  	_ =	shalt  }
0x64: {  	_ =	shalt  }
0x65: {  	_ =	shalt  }
0x66: {  	_ =	shalt  }
0x67: {  	_ =	shalt  }
0x68: {  	_ =	shalt  }
0x69: {  	_ =	shalt  }
0x6a: {  	_ =	shalt  }
0x6b: {  	_ =	shalt  }
0x6c: {  	_ =	shalt  }
0x6d: {  	_ =	shalt  }
0x6e: {  	_ =	shalt  }
0x6f: {  	_ =	shalt  }
0x70: {  	_ =	shalt  }
0x71: {  	_ =	shalt  }
0x72: {  	_ =	shalt  }
0x73: {  	_ =	shalt  }
0x74: {  	_ =	shalt  }
0x75: {  	_ =	shalt  }
0x76: {  	_ =	shalt  }
0x77: {  	_ =	shalt  }
0x78: {  	_ =	shalt  }
0x79: {  	_ =	shalt  }
0x7a: {  	_ =	shalt  }
0x7b: {  	_ =	shalt  }
0x7c: {  	_ =	shalt  }
0x7d: {  	_ =	shalt  }
0x7e: {  	_ =	shalt  }
0x7f: {  	_ =	shalt  }
0x80: {  	_ =	shalt  }
0x81: {  	_ =	shalt  }
0x82: {  	_ =	shalt  }
0x83: {  	_ =	shalt  }
0x84: {  	_ =	shalt  }
0x85: {  	_ =	shalt  }
0x86: {  	_ =	shalt  }
0x87: {  	_ =	shalt  }
.Lfunc_end0:
.L_simem_size_0:
called_computation.1_lowered:
.L_overlay_start_0:
0x88: {  	s2 =	sld [smem:$0x3FD9]  }
0x89: {  	s3 =	sld [smem:$0x3FFE];
	_ =	sdelay $0x1  }
0x8a: {  	s1 =	srdreg.scid  }
0x8b: {  	s0 =	sand.u32 $0x1, s1  }
0x8c: {  	s16 =	sshll.u32 s0, $0xA;
	s2 =	sadd.s32 s3, s2  }
0x8d: {  	s2 =	sadd.s32 s2, s16  }
0x8e: {  	[smem:$0x3FAD] =	sst s2  }
0x8f: {  	_ = 	snop  }
0x90: {  	(tm) =	ssettm $0x1  }
0x91: {  	s17 =	sld [smem:$0x3FFB];
	_ =	sdelay $0x3  }
0x92: {  	_ =	strace s17  }
0x93: {  	s2 =	sld [smem:$0x3FFC];
	_ =	sdelay $0x3  }
0x94: {  	_ =	strace s2  }
0x95: {  	s2 =	sld [smem:$0x3FFD];
	_ =	sdelay $0x3  }
0x96: {  	_ =	strace s2  }
0x97: {  	_ =	strace $0x8FFFFFFF  }
0x98: {  	s18 =	sld [smem:$0x3FDB];
	_ =	sdelay $0x1  }
0x99: {  	s19 =	simm.s32 $_scs_section_size  }
0x9a: {  	s4 =	simm.s32 $_size__tile_overlayer_lowered;
	s5 =	simm.s32 $_tile_overlayer_lowered  }
0x9b: {  	s22 =	simm.s32 $0x1BFF;
	s21 =	sshll.u32 s5, $0x1;
	s2 =	sadd.s32 s19, s18  }
0x9c: {  	s6 =	simm.s32 $0x0;
	s20 =	sshll.u32 s4, $0x1;
	s4 =	sadd.s32 s21, s2  }
0x9d: {  	[timem:s6], [sflag:s22] =	dma.local [hbm:s4], s20  }
0x9e: {  	_ =	swait.ge [sflag:s22], s20  }
0x9f: {  	s3 =	ssub.s32 $0x0, s20;
	[sflag:s22] =	ssyncset.done $0x0  }
0xa0: {  	[sflag:s22] =	ssyncadd.s32 s3;
	_ =	sdelay $0x1  }
0xa1: {  	s23 =	simm.s32 $0x1B8B  }
0xa2: {  	_ =	swait.ge [sflag:s23], $0x1  }
0xa3: {  	[sflag:s23] =	ssyncset.done $0x0  }
0xa4: {  	s25 =	simm.s32 $0x1B8E;
	s24 =	sld [smem:$0x3FFE];
	[sflag:s23] =	ssyncadd.s32 $0xFFFFFFFF  }
0xa5: {  	s26 =	simm.s32 $execute0_lowered;
	[smem:$0x3FD2] =	sst s25  }
0xa6: {  	s4 =	sshll.u32 s26, $0x1;
	_ =	strace $0x80000049;
	[dreg:$0x1] =	wrdreg $0xFFFFFFFF  }
0xa7: {  	s28 =	simm.s32 $_size_execute0_lowered;
	s2 =	sadd.s32 s2, s4;
	[dreg:$0x0] =	wrdreg $0x0  }
0xa8: {  	s4 =	sshll.u32 s28, $0x1;
	[dreg:$0x2] =	wrdreg s2  }
0xa9: {  	[dreg:$0x3] =	wrdreg s4  }
0xaa: {  	[dreg:$0x4] =	wrdreg $0xC0  }
0xab: {  	_ =	task [dreg:s6], $0x5FFFF  }
0xac: {  	[dreg:$0x1] =	wrdreg $0xFFFFFFFF  }
0xad: {  	[dreg:$0x0] =	wrdreg $0x60  }
0xae: {  	[dreg:$0x2] =	wrdreg s24  }
0xaf: {  	[dreg:$0x3] =	wrdreg $0xA9000  }
0xb0: {  	[dreg:$0x4] =	wrdreg $0x9  }
0xb1: {  	_ =	task.clear_ibuf [dreg:s6], $0x5FFFF;
	_ =	strace $0x90000049  }
0xb2: {  	s29 =	simm.s32 $0x9;
	_ =	strace $0x8000004B  }
0xb3: {  	_ =	swait.ge [sflag:s29], $0x1  }
0xb4: {  	[sflag:s29] =	ssyncadd.s32 $0xFFFFFFFF  }
0xb5: {  	_ =	strace $0x9000004B  }
0xb6: {  	_ =	sfence  }
0xb7: {  	s30 =	sld [smem:$0x0];
	_ =	sdelay $0x2  }
0xb8: {  	s31 =	sshll.u32 s1, $0xD;
	s1 =	sshrl.u32 s1, $0x2  }
0xb9: {  	s3 =	sand.u32 $0x4000, s31;
	s1 =	sadd.s32 s1, s30  }
0xba: {  	s0 =	sor.u32 s3, s0;
	s1 =	sshll.u32 s1, $0x11  }
0xbb: {  	s0 =	sor.u32 s1, s0  }
0xbc: {  	s0 =	sadd.s32 $0x8F2B, s0  }
0xbd: {  	[sflag:s0] =	ssyncadd.remote.s32 $0x1  }
0xbe: {  	_ =	sfence.sel $0xFFFF  }
0xbf: {  	[dreg:$0x0] =	wrdreg $0xFFFFFFFF;
	(pc) =	sbr.abs _section_cstart, $3  }
0xc0: {  	[dreg:$0x1] =	wrdreg $0xFFFFFFFF  }
0xc1: {  	_ =	task.clear_ibuf [dreg:s6], $0x2FFFF;
	_ =	strace $0x9FFFFFFF  }
0xc2: {  	(tm) =	ssettm $0x7FFFFFFF  }
0xc3: {  	_ =	shalt  }
tec
execute0_lowered:
.L_overlay_start_1:
0x0: {  	(tag) =	ssettag $0x1  }
0x1: {  	s0 =	srdreg.scid;
	s1 =	rddreg [dreg:$0x0]  }
0x2: {  	s19 =	stileid.u32;
	s2 =	rddreg [dreg:$0x1];
	s20 =	simm.s32 $0x5  }
0x3: {  	s21 =	simm.s32 $0x80;
	s22 =	simm.s32 $0x7D;
	s23 =	simm.s32 $0x2900  }
0x4: {  	s28 =	simm.s32 $0x2;
	s29 =	simm.s32 $0x4;
	s9 =	smul.u32 $0x1F400, s19  }
0x5: {  	s0 =	sand.u32 $0x1, s0;
	s5 =	sadd.s32 $0x23E00, s1;
	s10 =	smul.u32 $0x3E80, s19  }
0x6: {  	s6 =	sadd.s32 $0x2DE00, s1;
	p1 =	slt.u32 s19, $0xA;
	s14 =	smul.u32 $0x7D000, s19  }
0x7: {  	s3 =	sshll.u32 s0, $0x4;
	s7 =	smul.u32 $0x138800, s0;
	s24 =	ssub.s32 $0x2, s0  }
0x8: {  	p0 =	seq.s32 s0, $0x0;
	p2 =	seq.s32 s0, $0x1;
	s4 =	sor.u32 s19, s3  }
0x9: {  	s3 =	simm.s32 $0x0;
	s12 =	sadd.s32 s10, s1;
	s13 =	sshrl.u32 s24, $0x1  }
0xa: {  	p0 =	por !p0, !p1;
	s25 =	sshrl.u32 s14, $0x2;
	s26 =	sadd.s32 s6, s10  }
0xb: {  	p1 =	por !p1, !p2;
	p2 =	sgt.u32 s19, $0x9;
	s4 =	smul.u32 $0x2800, s4  }
0xc: {  	[smem:$0x7FF] =	sst s3;
	s7 =	sadd.s32 s9, s7;
	s15 =	ssub.s32 s24, s13  }
0xd: {  	p0 =	por !p0, !p0;
	p1 =	por !p1, !p1;
	s30 =	sadd.s32 $0x55000, s12  }
0xe: {  	s24 =	simm.s32 $0x6900;
	_ =	strace $0x8000004A;
	[dreg:$0x3] =	wrdreg s26  }
0xf: {  	s7 =	sshrl.u32 s7, $0x3;
	[dreg:$0x4] =	wrdreg s30;
	s14 =	smax.u32 s15, $0x1  }
0x10: {  	s0 =	sshll.u32 @p0 s19, $0x6;
	s26 =	simm.s32 $0x3;
	s8 =	sshrl.u32 s4, $0x3  }
0x11: {  	s15 =	sor.u32 @p0 $0x1C05, s0;
	s11 =	sadd.s32 s8, s1;
	s1 =	sadd.s32 s7, s1  }
0x12: {  	s7 =	sadd.s32 s25, s2;
	s10 =	sadd.s32 s5, s8;
	s25 =	simm.s32 $0x1  }
0x13: {  	s31 =	sadd.s32 $0x5E00, s11;
	s12 =	sadd.s32 $0x10, s10;
	s13 =	sadd.s32 $0x7C200, s1  }
0x14: {  	s1 =	sshll.u32 @p1 s19, $0x6;
	s16 =	sshrl.u32 @p0 s7, $0x3;
	s18 =	sshrl.u32 @p1 s7, $0x3  }
0x15: {  	[dreg:$0x5] =	wrdreg s31;
	s17 =	sor.u32 @p1 $0x1C05, s1;
	s1 =	simm.s32 $0x0  }
.LBB2_1:
0x16: {  	s0 =	rddreg [dreg:$0x3]  }
0x17: {  	[spmem:s16], [sflag:s15] =	dma.local @p0 [hbm:s0], $0x3E80  }
0x18: {  	s0 =	simm.s32 @p0 $0x5  }
0x19: {  	_ =	swait.ge @p0 [sflag:s0], $0x3E80  }
0x1a: {  	[sflag:s0] =	ssyncset.done @p0 $0x0  }
0x1b: {  	[sflag:s0] =	ssyncadd.s32 @p0 $0xFFFFC180;
	s0 =	rddreg [dreg:$0x4]  }
0x1c: {  	[spmem:s18], [sflag:s17] =	dma.local @p1 [hbm:s0], $0x3E80  }
0x1d: {  	s0 =	simm.s32 @p1 $0x5  }
0x1e: {  	_ =	swait.ge @p1 [sflag:s0], $0x3E80  }
0x1f: {  	[sflag:s0] =	ssyncset.done @p1 $0x0  }
0x20: {  	s8 =	simm.s32 $0x100;
	s9 =	rddreg [dreg:$0x5];
	[sflag:s0] =	ssyncadd.s32 @p1 $0xFFFFC180  }
0x21: {  	[tilespmem:s8], [sflag:$0x5] =	stream.linear.gather [hbm4b:s9+s3], $0x2800, $0x38;
	[tilespmem:$0x1E180] =	vst v63  }
0x22: {  	_ =	swait.ge [sflag:s20], $0x2800  }
0x23: {  	[sflag:s20] =	ssyncset.done $0x0  }
0x24: {  	[sflag:s20] =	ssyncadd.s32 $0xFFFFD800  }
0x25: {  	[bflag:$0x0] =	sbarrier.arrive $0xFFFF  }
0x26: {  	[tilespmem:s3], [sflag:$0x5] =	stream.linear.gather [hbm4b:s10+s3], $0x80, $0x38;
	[tilespmem:$0x1E180] =	vst v63  }
0x27: {  	_ =	swait.ge [sflag:s20], $0x80  }
0x28: {  	[sflag:s20] =	ssyncset.done $0x0  }
0x29: {  	[sflag:s20] =	ssyncadd.s32 $0xFFFFFF80  }
0x2a: {  	[tilespmem:s21], [sflag:$0x5] =	stream.linear.gather [hbm4b:s12+s3], $0x80, $0x38;
	[tilespmem:$0x1E180] =	vst v63  }
0x2b: {  	_ =	swait.ge [sflag:s20], $0x80  }
0x2c: {  	s11 =	simm.s32 $0x100;
	[sflag:s20] =	ssyncset.done $0x0  }
0x2d: {  	s19 =	sand.u32 $0x7C00, s11;
	[sflag:s20] =	ssyncadd.s32 $0xFFFFFF80  }
0x2e: {  	[tilespmem:s23], [sflag:$0x1] =	stream.indirect.gather [hbm4b:s6+s22], $0x80, s3, s22, $0xb8;
	[tilespmem:$0x1E180] =	vst v63  }
0x2f: {  	s0 =	sand.u32 $0x300, s11;
	s8 =	sadd.s32 s4, s19  }
0x30: {  	[tilespmem:s24], [sflag:$0x2] =	stream.indirect.gather [hbm4b:s6+s22], $0x80, s21, s22, $0xb8;
	[tilespmem:$0x1E180] =	vst v63  }
0x31: {  	s0 =	sor.u32 s0, s8;
	_ =	swait.ge [sflag:s25], $0x3E80  }
0x32: {  	s0 =	sshrl.u32 s0, $0x3;
	[sflag:s25] =	ssyncset.done $0x0  }
0x33: {  	s0 =	sadd.s32 s5, s0;
	[sflag:s25] =	ssyncadd.s32 $0xFFFFC180  }
0x34: {  	[tilespmem:s3], [sflag:$0x3] =	stream.linear.gather [hbm4b:s0+s3], $0x80, $0x38;
	[tilespmem:$0x1E180] =	vst v63  }
0x35: {  	s9 =	simm.s32 $0x100  }
0x36: {  	[spmem:s2] =	stream.indirect.scatter.add.f32 [tilespmem:s23], [sflag:$0x5], $0x80, s9, s22, $0xb8;
	[tilespmem:$0x1E180] =	vst v63  }
0x37: {  	_ =	swait.ge [sflag:s20], $0x3E80  }
0x38: {  	[sflag:s20] =	ssyncset.done $0x0  }
0x39: {  	[sflag:s20] =	ssyncadd.s32 $0xFFFFC180  }
0x3a: {  	s11 =	simm.s32 $0x180;
	_ =	swait.ge [sflag:s26], $0x80  }
0x3b: {  	s19 =	sand.u32 $0x7C00, s11;
	[sflag:s26] =	ssyncset.done $0x0  }
0x3c: {  	s8 =	sadd.s32 s4, s19;
	s19 =	sand.u32 $0x380, s11;
	[sflag:s26] =	ssyncadd.s32 $0xFFFFFF80  }
0x3d: {  	[tilespmem:s23], [sflag:$0x1] =	stream.indirect.gather [hbm4b:s6+s22], $0x80, s3, s22, $0xb8;
	[tilespmem:$0x1E180] =	vst v63  }
0x3e: {  	s8 =	sor.u32 s19, s8;
	_ =	swait.ge [sflag:s28], $0x3E80  }
0x3f: {  	s8 =	sshrl.u32 s8, $0x3;
	[sflag:s28] =	ssyncset.done $0x0  }
0x40: {  	s8 =	sadd.s32 s5, s8;
	[sflag:s28] =	ssyncadd.s32 $0xFFFFC180  }
0x41: {  	[tilespmem:s21], [sflag:$0x4] =	stream.linear.gather [hbm4b:s8+s3], $0x80, $0x38;
	[tilespmem:$0x1E180] =	vst v63  }
0x42: {  	_ = 	snop  }
0x43: {  	[spmem:s2] =	stream.indirect.scatter.add.f32 [tilespmem:s24], [sflag:$0x5], $0x80, s11, s22, $0xb8;
	[tilespmem:$0x1E180] =	vst v63  }
0x44: {  	s31 =	simm.s32 $0x380;
	s30 =	simm.s32 $0x280;
	_ =	swait.ge [sflag:s20], $0x3E80  }
0x45: {  	s19 =	simm.s32 $0x280;
	s0 =	simm.s32 $0x200;
	[sflag:s20] =	ssyncset.done $0x0  }
.LBB2_2:
0x46: {  	s9 =	sand.u32 $0x7C00, s0  }
0x47: {  	[sflag:s20] =	ssyncadd.s32 $0xFFFFC180;
	s11 =	smov.u32 s31;
	s8 =	sadd.s32 $0x100, s31  }
0x48: {  	s0 =	sand.u32 $0x300, s0;
	s9 =	sadd.s32 s4, s9;
	_ =	swait.ge [sflag:s29], $0x80  }
0x49: {  	p3 =	sne.s32 s31, $0x2780;
	s0 =	sor.u32 s0, s9;
	[sflag:s29] =	ssyncset.done $0x0  }
0x4a: {  	s0 =	sshrl.u32 s0, $0x3;
	[sflag:s29] =	ssyncadd.s32 $0xFFFFFF80  }
0x4b: {  	[tilespmem:s24], [sflag:$0x2] =	stream.indirect.gather [hbm4b:s6+s22], $0x80, s21, s22, $0xb8;
	[tilespmem:$0x1E180] =	vst v63  }
0x4c: {  	_ =	swait.ge [sflag:s25], $0x3E80  }
0x4d: {  	[sflag:s25] =	ssyncset.done $0x0  }
0x4e: {  	s0 =	sadd.s32 s5, s0;
	[sflag:s25] =	ssyncadd.s32 $0xFFFFC180  }
0x4f: {  	[tilespmem:s3], [sflag:$0x3] =	stream.linear.gather [hbm4b:s0+s3], $0x80, $0x38;
	[tilespmem:$0x1E180] =	vst v63  }
0x50: {  	s0 =	sadd.s32 $0xFFFFFF80, s19  }
0x51: {  	[spmem:s2] =	stream.indirect.scatter.add.f32 [tilespmem:s23], [sflag:$0x5], $0x80, s0, s22, $0xb8;
	[tilespmem:$0x1E180] =	vst v63  }
0x52: {  	_ =	swait.ge [sflag:s20], $0x3E80  }
0x53: {  	[sflag:s20] =	ssyncset.done $0x0  }
0x54: {  	[sflag:s20] =	ssyncadd.s32 $0xFFFFC180  }
0x55: {  	_ =	swait.ge [sflag:s26], $0x80  }
0x56: {  	[sflag:s26] =	ssyncset.done $0x0  }
0x57: {  	s0 =	sand.u32 $0x7C00, s30;
	[sflag:s26] =	ssyncadd.s32 $0xFFFFFF80  }
0x58: {  	[tilespmem:s23], [sflag:$0x1] =	stream.indirect.gather [hbm4b:s6+s22], $0x80, s3, s22, $0xb8;
	[tilespmem:$0x1E180] =	vst v63  }
0x59: {  	s9 =	sand.u32 $0x380, s30;
	s30 =	smov.u32 s11;
	s0 =	sadd.s32 s4, s0  }
0x5a: {  	s0 =	sor.u32 s9, s0;
	_ =	swait.ge [sflag:s28], $0x3E80  }
0x5b: {  	s0 =	sshrl.u32 s0, $0x3;
	[sflag:s28] =	ssyncset.done $0x0  }
0x5c: {  	s0 =	sadd.s32 s5, s0;
	[sflag:s28] =	ssyncadd.s32 $0xFFFFC180  }
0x5d: {  	[tilespmem:s21], [sflag:$0x4] =	stream.linear.gather [hbm4b:s0+s3], $0x80, $0x38;
	[tilespmem:$0x1E180] =	vst v63  }
.Ltmp0:
0x5e: {  	_ = 	snop;
	(pc) =	sbr.rel @p3 .LBB2_2-.Ltmp0, $4  }
0x5f: {  	_ = 	snop  }
0x60: {  	[spmem:s2] =	stream.indirect.scatter.add.f32 [tilespmem:s24], [sflag:$0x5], $0x80, s19, s22, $0xb8;
	[tilespmem:$0x1E180] =	vst v63  }
0x61: {  	s31 =	smov.u32 s8;
	_ =	swait.ge [sflag:s20], $0x3E80  }
0x62: {  	s0 =	sadd.s32 $0xFFFFFF80, s30;
	s19 =	sadd.s32 $0x100, s19;
	[sflag:s20] =	ssyncset.done $0x0  }
0x63: {  	[sflag:s20] =	ssyncadd.s32 $0xFFFFC180  }
0x64: {  	_ =	swait.ge [sflag:s29], $0x80  }
0x65: {  	s8 =	sand.u32 $0x7C00, s0;
	[sflag:s29] =	ssyncset.done $0x0  }
0x66: {  	s31 =	sand.u32 $0x300, s0;
	s8 =	sadd.s32 s4, s8;
	[sflag:s29] =	ssyncadd.s32 $0xFFFFFF80  }
0x67: {  	[tilespmem:s24], [sflag:$0x2] =	stream.indirect.gather [hbm4b:s6+s22], $0x80, s21, s22, $0xb8;
	[tilespmem:$0x1E180] =	vst v63  }
0x68: {  	s0 =	sor.u32 s31, s8;
	_ =	swait.ge [sflag:s25], $0x3E80  }
0x69: {  	s0 =	sshrl.u32 s0, $0x3;
	[sflag:s25] =	ssyncset.done $0x0  }
0x6a: {  	s0 =	sadd.s32 s5, s0;
	[sflag:s25] =	ssyncadd.s32 $0xFFFFC180  }
0x6b: {  	[tilespmem:s3], [sflag:$0x3] =	stream.linear.gather [hbm4b:s0+s3], $0x80, $0x38;
	[tilespmem:$0x1E180] =	vst v63  }
0x6c: {  	s8 =	sadd.s32 $0xFFFFFF80, s19  }
0x6d: {  	[spmem:s2] =	stream.indirect.scatter.add.f32 [tilespmem:s23], [sflag:$0x5], $0x80, s8, s22, $0xb8;
	[tilespmem:$0x1E180] =	vst v63  }
0x6e: {  	_ =	swait.ge [sflag:s20], $0x3E80  }
0x6f: {  	[sflag:s20] =	ssyncset.done $0x0  }
0x70: {  	[sflag:s20] =	ssyncadd.s32 $0xFFFFC180  }
0x71: {  	_ =	swait.ge [sflag:s26], $0x80  }
0x72: {  	s9 =	sand.u32 $0x7C00, s30;
	[sflag:s26] =	ssyncset.done $0x0  }
0x73: {  	s11 =	sand.u32 $0x380, s30;
	s0 =	sadd.s32 s4, s9;
	[sflag:s26] =	ssyncadd.s32 $0xFFFFFF80  }
0x74: {  	[tilespmem:s23], [sflag:$0x1] =	stream.indirect.gather [hbm4b:s6+s22], $0x80, s3, s22, $0xb8;
	[tilespmem:$0x1E180] =	vst v63  }
0x75: {  	s0 =	sor.u32 s11, s0;
	_ =	swait.ge [sflag:s28], $0x3E80  }
0x76: {  	s0 =	sshrl.u32 s0, $0x3;
	[sflag:s28] =	ssyncset.done $0x0  }
0x77: {  	s0 =	sadd.s32 s5, s0;
	[sflag:s28] =	ssyncadd.s32 $0xFFFFC180  }
0x78: {  	[tilespmem:s21], [sflag:$0x4] =	stream.linear.gather [hbm4b:s0+s3], $0x80, $0x38;
	[tilespmem:$0x1E180] =	vst v63  }
0x79: {  	_ = 	snop  }
0x7a: {  	[spmem:s2] =	stream.indirect.scatter.add.f32 [tilespmem:s24], [sflag:$0x5], $0x80, s19, s22, $0xb8;
	[tilespmem:$0x1E180] =	vst v63  }
0x7b: {  	_ =	swait.ge [sflag:s20], $0x3E80  }
0x7c: {  	[sflag:s20] =	ssyncset.done $0x0  }
0x7d: {  	[sflag:s20] =	ssyncadd.s32 $0xFFFFC180  }
0x7e: {  	_ =	swait.ge [sflag:s29], $0x80  }
0x7f: {  	[sflag:s29] =	ssyncset.done $0x0  }
0x80: {  	[sflag:s29] =	ssyncadd.s32 $0xFFFFFF80  }
0x81: {  	[tilespmem:s24], [sflag:$0x2] =	stream.indirect.gather [hbm4b:s6+s22], $0x80, s21, s22, $0xb8;
	[tilespmem:$0x1E180] =	vst v63  }
0x82: {  	_ =	swait.ge [sflag:s25], $0x3E80  }
0x83: {  	[sflag:s25] =	ssyncset.done $0x0  }
0x84: {  	s30 =	simm.s32 $0x2800;
	[sflag:s25] =	ssyncadd.s32 $0xFFFFC180  }
0x85: {  	[spmem:s2] =	stream.indirect.scatter.add.f32 [tilespmem:s23], [sflag:$0x5], $0x80, s30, s22, $0xb8;
	[tilespmem:$0x1E180] =	vst v63  }
0x86: {  	_ =	swait.ge [sflag:s20], $0x3E80  }
0x87: {  	[sflag:s20] =	ssyncset.done $0x0  }
0x88: {  	[sflag:s20] =	ssyncadd.s32 $0xFFFFC180  }
0x89: {  	_ =	swait.ge [sflag:s28], $0x3E80  }
0x8a: {  	[sflag:s28] =	ssyncset.done $0x0  }
0x8b: {  	s31 =	simm.s32 $0x2880;
	[sflag:s28] =	ssyncadd.s32 $0xFFFFC180  }
0x8c: {  	[spmem:s2] =	stream.indirect.scatter.add.f32 [tilespmem:s24], [sflag:$0x5], $0x80, s31, s22, $0xb8;
	[tilespmem:$0x1E180] =	vst v63  }
0x8d: {  	_ =	swait.ge [sflag:s20], $0x3E80  }
0x8e: {  	s1 =	sadd.s32 $0x1, s1;
	s0 =	stileid.u32;
	[sflag:s20] =	ssyncset.done $0x0  }
0x8f: {  	p3 =	sne.s32 s1, s14;
	s0 =	sshll.u32 @!p2 s0, $0x6;
	[sflag:s20] =	ssyncadd.s32 $0xFFFFC180  }
0x90: {  	s8 =	sshrl.u32 @!p2 s7, $0x3;
	s0 =	sor.u32 @!p2 $0x1C05, s0;
	[bflag:$0x0] =	sbarrier.arrive $0xFFFF  }
0x91: {  	[hbm:s13], [sflag:s0] =	dma.local @!p2 [spmem:s8], $0x3E80  }
.Ltmp1:
0x92: {  	_ = 	snop;
	(pc) =	sbr.rel @p3 .LBB2_1-.Ltmp1, $4  }
0x93: {  	s0 =	simm.s32 @!p2 $0x5  }
0x94: {  	_ =	swait.ge @!p2 [sflag:s0], $0x3E80  }
0x95: {  	[sflag:s0] =	ssyncset.done @!p2 $0x0  }
0x96: {  	[sflag:s0] =	ssyncadd.s32 @!p2 $0xFFFFC180  }
0x97: {  	_ =	sfence.sel $0x180000  }
0x98: {  	[bflag:$0x0] =	sbarrier.arrive $0xFFFF  }
0x99: {  	_ =	strace $0x9000004A  }
0x9a: {  	s0 =	stileid.u32;
	[bflag:$0x2] =	sbarrier.arrive $0xFFFF  }
0x9b: {  	p0 =	sne.s32 s0, $0x0;
	s0 =	rddreg [dreg:$0x2]  }
0x9c: {  	s0 =	sadd.s32 @!p0 $0x100000, s0  }
0x9d: {  	[sflag:s0] =	ssyncadd.tile.s32 @!p0 $0x1;
	_ =	shalt  }
.Lfunc_end2:
_tile_overlayer_lowered:
.L_overlay_start_2:
0x9e: {  	(tag) =	ssettag $0x2  }
0x9f: {  	s0 =	rddreg [dreg:$0x0];
	s2 =	stileid.u32  }
0xa0: {  	s1 =	rddreg [dreg:$0x1];
	p0 =	sne.s32 s2, $0x0  }
0xa1: {  	s3 =	rddreg [dreg:$0x2];
	[bflag:$0x3] =	sbarrier.arrive $0xFFFF;
	s2 =	simm.s32 @!p0 $0x1C05  }
0xa2: {  	[timem:s3], [sflag:s2] =	dma.local @!p0 [hbm:s0], s1  }
0xa3: {  	s0 =	simm.s32 @!p0 $0x5  }
0xa4: {  	_ =	swait.ge @!p0 [sflag:s0], s1  }
0xa5: {  	s1 =	ssub.s32 @!p0 $0x0, s1;
	[sflag:s0] =	ssyncset.done @!p0 $0x0  }
0xa6: {  	[sflag:s0] =	ssyncadd.s32 @!p0 s1  }
0xa7: {  	[bflag:$0x3] =	sbarrier.arrive $0xFFFF  }
0xa8: {  	_ =	shalt  }

// kernel: kernel.23.cloned.1.call-start
scs
__scs_entry_jumppad:
0x0: {  	(pc) =	sbr.rel $0x88, $3  }
0x1: {  	(tag) =	ssettag $0x0;
	lr =	simm.s32 $0x1  }
0x2: {  	[smem:$0x3F86] =	sst lr;
	_ =	strace $0xD0000000  }
0x3: {  	_ = 	snop  }
0x4: {  	_ = 	snop  }
0x5: {  	_ = 	snop  }
0x6: {  	_ = 	snop  }
0x7: {  	_ = 	snop  }
__scs_overlays_trampoline_lowered:
0x8: {  	[smem:$0x3F95] =	sst s0  }
0x9: {  	[smem:$0x3F96] =	sst s1  }
0xa: {  	[smem:$0x3F97] =	sst s2  }
0xb: {  	[smem:$0x3F98] =	sst s3  }
0xc: {  	[smem:$0x3F99] =	sst s4  }
0xd: {  	[smem:$0x3F9A] =	sst s5  }
0xe: {  	[smem:$0x3F9B] =	sst s6  }
0xf: {  	[smem:$0x3F9C] =	sst s7  }
0x10: {  	[smem:$0x3F9D] =	sst s8  }
0x11: {  	[smem:$0x3F9E] =	sst s9;
	s0 =	simm.s32 @!p0 $0x0  }
0x12: {  	s1 =	sld [smem:$0x3F84];
	s0 =	simm.s32 @p0 $0x1  }
0x13: {  	[smem:$0x3F9F] =	sst s0;
	s0 =	simm.s32 @!p1 $0x0  }
0x14: {  	s2 =	sld [smem:$0x3F83];
	s0 =	simm.s32 @p1 $0x1  }
0x15: {  	[smem:$0x3FA0] =	sst s0;
	s0 =	simm.s32 @!p2 $0x0  }
0x16: {  	s3 =	sld [smem:$0x3FDB];
	s0 =	simm.s32 @p2 $0x1  }
0x17: {  	s4 =	simm.s32 $0x1BF5;
	[smem:$0x3FA2] =	sst s0  }
0x18: {  	s0 =	sld [smem:$0x3F85];
	_ =	swait.ge [sflag:s4], $0x0  }
0x19: {  	s7 =	sld [smem:$0x3F86]  }
0x1a: {  	s8 =	sadd.s32 $0xFFFFE003, lr  }
0x1b: {  	s9 =	sadd.s32 $0xFFFFFEF7, lr;
	s5 =	simm.s32 $0xFFFFFFFF;
	p2 =	slt.u32 s8, $0xFFFFF086  }
0x1c: {  	p1 =	slt.u32 s9, $0xF7A;
	s5 =	simm.s32 @!p2 $0x0  }
0x1d: {  	s5 =	simm.s32 @p1 $0x1;
	p0 =	seq.s32 s7, s2  }
0x1e: {  	s7 =	smul.u32 @!p0 $0xF7A, s2;
	p2 =	seq.s32 @!p0 s5, $0x0  }
0x1f: {  	s9 =	smul.u32 $0xF7A, s1;
	s8 =	simm.s32 @!p0 $0x1BF5;
	p2 =	por !p2, p0  }
0x20: {  	[sflag:s8] =	ssyncset.s32 @!p0 $0xFFFFF086;
	s6 =	sadd.s32 @!p0 s3, s7;
	s7 =	simm.s32 @!p0 $0x108  }
0x21: {  	s3 =	sadd.s32 s3, s9;
	s6 =	sadd.s32 @!p0 $0x88, s6;
	s7 =	simm.s32 @p2 $0x1082  }
0x22: {  	[simem:s7], [sflag:s8] =	dma.local @!p0 [hbm:s6], $0xF7A  }
0x23: {  	s9 =	sor.u32 $0xD0000000, s2;
	s6 =	simm.s32 $0x108;
	_ =	swait.ge @!p0 [sflag:s8], $0x0  }
0x24: {  	s3 =	sadd.s32 $0x88, s3;
	s6 =	simm.s32 @!p1 $0x1082;
	[sflag:s4] =	ssyncset.s32 $0xFFFFF086  }
0x25: {  	[simem:s6], [sflag:s4] =	dma.local [hbm:s3], $0xF7A  }
0x26: {  	[smem:$0x3F86] =	sst s1;
	(tag) =	ssettag s2;
	_ =	strace s9  }
0x27: {  	s1 =	sld [smem:$0x3F96]  }
0x28: {  	s2 =	sld [smem:$0x3F97]  }
0x29: {  	s4 =	sld [smem:$0x3F99]  }
0x2a: {  	p0 =	seq.s32 s5, $0x0;
	s5 =	sld [smem:$0x3F9A]  }
0x2b: {  	s6 =	sld [smem:$0x3F9B]  }
0x2c: {  	s7 =	sld [smem:$0x3F9C]  }
0x2d: {  	s3 =	simm.s32 $0x108;
	s8 =	sld [smem:$0x3F9D]  }
0x2e: {  	s3 =	simm.s32 @!p0 $0x1082;
	s9 =	sld [smem:$0x3F9E]  }
0x2f: {  	lr =	sadd.s32 s0, s3;
	s0 =	sld [smem:$0x3F95]  }
0x30: {  	s3 =	sld [smem:$0x3F98]  }
0x31: {  	[smem:$0x3FA1] =	sst s10  }
0x32: {  	s10 =	sld [smem:$0x3F9F];
	_ =	sdelay $0x3  }
0x33: {  	p0 =	seq.s32 s10, $0x1;
	s10 =	sld [smem:$0x3FA1];
	_ =	sdelay $0x3  }
0x34: {  	[smem:$0x3FA1] =	sst s10  }
0x35: {  	s10 =	sld [smem:$0x3FA0];
	_ =	sdelay $0x3  }
0x36: {  	p1 =	seq.s32 s10, $0x1;
	s10 =	sld [smem:$0x3FA1];
	_ =	sdelay $0x3  }
0x37: {  	[smem:$0x3FA1] =	sst s10  }
0x38: {  	s10 =	sld [smem:$0x3FA2]  }
0x39: {  	_ = 	snop;
	(pc) =	sbr.ind lr, $3  }
0x3a: {  	_ = 	snop  }
0x3b: {  	_ = 	snop  }
0x3c: {  	p2 =	seq.s32 s10, $0x1;
	s10 =	sld [smem:$0x3FA1]  }
0x3d: {  	_ =	shalt  }
0x3e: {  	_ =	shalt  }
0x3f: {  	_ =	shalt  }
0x40: {  	_ =	shalt  }
0x41: {  	_ =	shalt  }
0x42: {  	_ =	shalt  }
0x43: {  	_ =	shalt  }
0x44: {  	_ =	shalt  }
0x45: {  	_ =	shalt  }
0x46: {  	_ =	shalt  }
0x47: {  	_ =	shalt  }
0x48: {  	_ =	shalt  }
0x49: {  	_ =	shalt  }
0x4a: {  	_ =	shalt  }
0x4b: {  	_ =	shalt  }
0x4c: {  	_ =	shalt  }
0x4d: {  	_ =	shalt  }
0x4e: {  	_ =	shalt  }
0x4f: {  	_ =	shalt  }
0x50: {  	_ =	shalt  }
0x51: {  	_ =	shalt  }
0x52: {  	_ =	shalt  }
0x53: {  	_ =	shalt  }
0x54: {  	_ =	shalt  }
0x55: {  	_ =	shalt  }
0x56: {  	_ =	shalt  }
0x57: {  	_ =	shalt  }
0x58: {  	_ =	shalt  }
0x59: {  	_ =	shalt  }
0x5a: {  	_ =	shalt  }
0x5b: {  	_ =	shalt  }
0x5c: {  	_ =	shalt  }
0x5d: {  	_ =	shalt  }
0x5e: {  	_ =	shalt  }
0x5f: {  	_ =	shalt  }
0x60: {  	_ =	shalt  }
0x61: {  	_ =	shalt  }
0x62: {  	_ =	shalt  }
0x63: {  	_ =	shalt  }
0x64: {  	_ =	shalt  }
0x65: {  	_ =	shalt  }
0x66: {  	_ =	shalt  }
0x67: {  	_ =	shalt  }
0x68: {  	_ =	shalt  }
0x69: {  	_ =	shalt  }
0x6a: {  	_ =	shalt  }
0x6b: {  	_ =	shalt  }
0x6c: {  	_ =	shalt  }
0x6d: {  	_ =	shalt  }
0x6e: {  	_ =	shalt  }
0x6f: {  	_ =	shalt  }
0x70: {  	_ =	shalt  }
0x71: {  	_ =	shalt  }
0x72: {  	_ =	shalt  }
0x73: {  	_ =	shalt  }
0x74: {  	_ =	shalt  }
0x75: {  	_ =	shalt  }
0x76: {  	_ =	shalt  }
0x77: {  	_ =	shalt  }
0x78: {  	_ =	shalt  }
0x79: {  	_ =	shalt  }
0x7a: {  	_ =	shalt  }
0x7b: {  	_ =	shalt  }
0x7c: {  	_ =	shalt  }
0x7d: {  	_ =	shalt  }
0x7e: {  	_ =	shalt  }
0x7f: {  	_ =	shalt  }
0x80: {  	_ =	shalt  }
0x81: {  	_ =	shalt  }
0x82: {  	_ =	shalt  }
0x83: {  	_ =	shalt  }
0x84: {  	_ =	shalt  }
0x85: {  	_ =	shalt  }
0x86: {  	_ =	shalt  }
0x87: {  	_ =	shalt  }
.Lfunc_end0:
.L_simem_size_0:
called_computation.2_lowered:
.L_overlay_start_0:
0x88: {  	s2 =	sld [smem:$0x3FD9]  }
0x89: {  	s3 =	sld [smem:$0x3FFE];
	_ =	sdelay $0x1  }
0x8a: {  	s1 =	srdreg.scid  }
0x8b: {  	s0 =	sand.u32 $0x1, s1  }
0x8c: {  	s16 =	sshll.u32 s0, $0xA;
	s2 =	sadd.s32 s3, s2  }
0x8d: {  	s2 =	sadd.s32 s2, s16  }
0x8e: {  	[smem:$0x3FAD] =	sst s2  }
0x8f: {  	_ = 	snop  }
0x90: {  	(tm) =	ssettm $0x1  }
0x91: {  	s17 =	sld [smem:$0x3FFB];
	_ =	sdelay $0x3  }
0x92: {  	_ =	strace s17  }
0x93: {  	s2 =	sld [smem:$0x3FFC];
	_ =	sdelay $0x3  }
0x94: {  	_ =	strace s2  }
0x95: {  	s2 =	sld [smem:$0x3FFD];
	_ =	sdelay $0x3  }
0x96: {  	_ =	strace s2  }
0x97: {  	_ =	strace $0x8FFFFFFF  }
0x98: {  	s18 =	sld [smem:$0x3FDB];
	_ =	sdelay $0x1  }
0x99: {  	s19 =	simm.s32 $_scs_section_size  }
0x9a: {  	s4 =	simm.s32 $_size__tile_overlayer_lowered;
	s5 =	simm.s32 $_tile_overlayer_lowered  }
0x9b: {  	s22 =	simm.s32 $0x1BFF;
	s21 =	sshll.u32 s5, $0x1;
	s2 =	sadd.s32 s19, s18  }
0x9c: {  	s6 =	simm.s32 $0x0;
	s20 =	sshll.u32 s4, $0x1;
	s4 =	sadd.s32 s21, s2  }
0x9d: {  	[timem:s6], [sflag:s22] =	dma.local [hbm:s4], s20  }
0x9e: {  	_ =	swait.ge [sflag:s22], s20  }
0x9f: {  	s3 =	ssub.s32 $0x0, s20;
	[sflag:s22] =	ssyncset.done $0x0  }
0xa0: {  	[sflag:s22] =	ssyncadd.s32 s3;
	_ =	sdelay $0x1  }
0xa1: {  	s23 =	simm.s32 $0x1B8B  }
0xa2: {  	_ =	swait.ge [sflag:s23], $0x1  }
0xa3: {  	[sflag:s23] =	ssyncset.done $0x0  }
0xa4: {  	s25 =	simm.s32 $0x1B8E;
	s24 =	sld [smem:$0x3FFE];
	[sflag:s23] =	ssyncadd.s32 $0xFFFFFFFF  }
0xa5: {  	s26 =	simm.s32 $execute0_lowered;
	[smem:$0x3FD2] =	sst s25  }
0xa6: {  	s4 =	sshll.u32 s26, $0x1;
	_ =	strace $0x8000004C;
	[dreg:$0x1] =	wrdreg $0xFFFFFFFF  }
0xa7: {  	s28 =	simm.s32 $_size_execute0_lowered;
	s2 =	sadd.s32 s2, s4;
	[dreg:$0x0] =	wrdreg $0x0  }
0xa8: {  	s4 =	sshll.u32 s28, $0x1;
	[dreg:$0x2] =	wrdreg s2  }
0xa9: {  	[dreg:$0x3] =	wrdreg s4  }
0xaa: {  	[dreg:$0x4] =	wrdreg $0xC0  }
0xab: {  	_ =	task [dreg:s6], $0x5FFFF  }
0xac: {  	[dreg:$0x1] =	wrdreg $0xFFFFFFFF  }
0xad: {  	[dreg:$0x0] =	wrdreg $0x60  }
0xae: {  	[dreg:$0x2] =	wrdreg s24  }
0xaf: {  	[dreg:$0x3] =	wrdreg $0xA9000  }
0xb0: {  	[dreg:$0x4] =	wrdreg $0x9  }
0xb1: {  	_ =	task.clear_ibuf [dreg:s6], $0x5FFFF;
	_ =	strace $0x9000004C  }
0xb2: {  	s29 =	simm.s32 $0x9;
	_ =	strace $0x8000004E  }
0xb3: {  	_ =	swait.ge [sflag:s29], $0x1  }
0xb4: {  	[sflag:s29] =	ssyncadd.s32 $0xFFFFFFFF  }
0xb5: {  	_ =	strace $0x9000004E  }
0xb6: {  	_ =	sfence  }
0xb7: {  	s30 =	sld [smem:$0x0];
	_ =	sdelay $0x2  }
0xb8: {  	s31 =	sshll.u32 s1, $0xD;
	s1 =	sshrl.u32 s1, $0x2  }
0xb9: {  	s3 =	sand.u32 $0x4000, s31;
	s1 =	sadd.s32 s1, s30  }
0xba: {  	s0 =	sor.u32 s3, s0;
	s1 =	sshll.u32 s1, $0x11  }
0xbb: {  	s0 =	sor.u32 s1, s0  }
0xbc: {  	s0 =	sadd.s32 $0x8F2B, s0  }
0xbd: {  	[sflag:s0] =	ssyncadd.remote.s32 $0x1  }
0xbe: {  	_ =	sfence.sel $0xFFFF  }
0xbf: {  	[dreg:$0x0] =	wrdreg $0xFFFFFFFF;
	(pc) =	sbr.abs _section_cstart, $3  }
0xc0: {  	[dreg:$0x1] =	wrdreg $0xFFFFFFFF  }
0xc1: {  	_ =	task.clear_ibuf [dreg:s6], $0x2FFFF;
	_ =	strace $0x9FFFFFFF  }
0xc2: {  	(tm) =	ssettm $0x7FFFFFFF  }
0xc3: {  	_ =	shalt  }
tec
execute0_lowered:
.L_overlay_start_1:
0x0: {  	(tag) =	ssettag $0x1  }
0x1: {  	s0 =	srdreg.scid;
	s1 =	rddreg [dreg:$0x0]  }
0x2: {  	s19 =	stileid.u32;
	s2 =	rddreg [dreg:$0x1];
	s20 =	simm.s32 $0x5  }
0x3: {  	s21 =	simm.s32 $0x80;
	s22 =	simm.s32 $0x7D;
	s23 =	simm.s32 $0x2900  }
0x4: {  	s28 =	simm.s32 $0x2;
	s29 =	simm.s32 $0x4;
	s9 =	smul.u32 $0x1F400, s19  }
0x5: {  	s0 =	sand.u32 $0x1, s0;
	s5 =	sadd.s32 $0x23E00, s1;
	s10 =	smul.u32 $0x3E80, s19  }
0x6: {  	s6 =	sadd.s32 $0x2DE00, s1;
	p1 =	slt.u32 s19, $0xA;
	s14 =	smul.u32 $0x7D000, s19  }
0x7: {  	s3 =	sshll.u32 s0, $0x4;
	s7 =	smul.u32 $0x138800, s0;
	s24 =	ssub.s32 $0x2, s0  }
0x8: {  	p0 =	seq.s32 s0, $0x0;
	p2 =	seq.s32 s0, $0x1;
	s4 =	sor.u32 s19, s3  }
0x9: {  	s3 =	simm.s32 $0x0;
	s12 =	sadd.s32 s10, s1;
	s13 =	sshrl.u32 s24, $0x1  }
0xa: {  	p0 =	por !p0, !p1;
	s25 =	sshrl.u32 s14, $0x2;
	s26 =	sadd.s32 s6, s10  }
0xb: {  	p1 =	por !p1, !p2;
	p2 =	sgt.u32 s19, $0x9;
	s4 =	smul.u32 $0x2800, s4  }
0xc: {  	[smem:$0x7FF] =	sst s3;
	s7 =	sadd.s32 s9, s7;
	s15 =	ssub.s32 s24, s13  }
0xd: {  	p0 =	por !p0, !p0;
	p1 =	por !p1, !p1;
	s30 =	sadd.s32 $0x55000, s12  }
0xe: {  	s24 =	simm.s32 $0x6900;
	_ =	strace $0x8000004D;
	[dreg:$0x3] =	wrdreg s26  }
0xf: {  	s7 =	sshrl.u32 s7, $0x3;
	[dreg:$0x4] =	wrdreg s30;
	s14 =	smax.u32 s15, $0x1  }
0x10: {  	s0 =	sshll.u32 @p0 s19, $0x6;
	s26 =	simm.s32 $0x3;
	s8 =	sshrl.u32 s4, $0x3  }
0x11: {  	s15 =	sor.u32 @p0 $0x1C05, s0;
	s11 =	sadd.s32 s8, s1;
	s1 =	sadd.s32 s7, s1  }
0x12: {  	s7 =	sadd.s32 s25, s2;
	s10 =	sadd.s32 s5, s8;
	s25 =	simm.s32 $0x1  }
0x13: {  	s31 =	sadd.s32 $0x5E00, s11;
	s12 =	sadd.s32 $0x10, s10;
	s13 =	sadd.s32 $0x7C200, s1  }
0x14: {  	s1 =	sshll.u32 @p1 s19, $0x6;
	s16 =	sshrl.u32 @p0 s7, $0x3;
	s18 =	sshrl.u32 @p1 s7, $0x3  }
0x15: {  	[dreg:$0x5] =	wrdreg s31;
	s17 =	sor.u32 @p1 $0x1C05, s1;
	s1 =	simm.s32 $0x0  }
.LBB2_1:
0x16: {  	s0 =	rddreg [dreg:$0x3]  }
0x17: {  	[spmem:s16], [sflag:s15] =	dma.local @p0 [hbm:s0], $0x3E80  }
0x18: {  	s0 =	simm.s32 @p0 $0x5  }
0x19: {  	_ =	swait.ge @p0 [sflag:s0], $0x3E80  }
0x1a: {  	[sflag:s0] =	ssyncset.done @p0 $0x0  }
0x1b: {  	[sflag:s0] =	ssyncadd.s32 @p0 $0xFFFFC180;
	s0 =	rddreg [dreg:$0x4]  }
0x1c: {  	[spmem:s18], [sflag:s17] =	dma.local @p1 [hbm:s0], $0x3E80  }
0x1d: {  	s0 =	simm.s32 @p1 $0x5  }
0x1e: {  	_ =	swait.ge @p1 [sflag:s0], $0x3E80  }
0x1f: {  	[sflag:s0] =	ssyncset.done @p1 $0x0  }
0x20: {  	s8 =	simm.s32 $0x100;
	s9 =	rddreg [dreg:$0x5];
	[sflag:s0] =	ssyncadd.s32 @p1 $0xFFFFC180  }
0x21: {  	[tilespmem:s8], [sflag:$0x5] =	stream.linear.gather [hbm4b:s9+s3], $0x2800, $0x38;
	[tilespmem:$0x1E180] =	vst v63  }
0x22: {  	_ =	swait.ge [sflag:s20], $0x2800  }
0x23: {  	[sflag:s20] =	ssyncset.done $0x0  }
0x24: {  	[sflag:s20] =	ssyncadd.s32 $0xFFFFD800  }
0x25: {  	[bflag:$0x0] =	sbarrier.arrive $0xFFFF  }
0x26: {  	[tilespmem:s3], [sflag:$0x5] =	stream.linear.gather [hbm4b:s10+s3], $0x80, $0x38;
	[tilespmem:$0x1E180] =	vst v63  }
0x27: {  	_ =	swait.ge [sflag:s20], $0x80  }
0x28: {  	[sflag:s20] =	ssyncset.done $0x0  }
0x29: {  	[sflag:s20] =	ssyncadd.s32 $0xFFFFFF80  }
0x2a: {  	[tilespmem:s21], [sflag:$0x5] =	stream.linear.gather [hbm4b:s12+s3], $0x80, $0x38;
	[tilespmem:$0x1E180] =	vst v63  }
0x2b: {  	_ =	swait.ge [sflag:s20], $0x80  }
0x2c: {  	s11 =	simm.s32 $0x100;
	[sflag:s20] =	ssyncset.done $0x0  }
0x2d: {  	s19 =	sand.u32 $0x7C00, s11;
	[sflag:s20] =	ssyncadd.s32 $0xFFFFFF80  }
0x2e: {  	[tilespmem:s23], [sflag:$0x1] =	stream.indirect.gather [hbm4b:s6+s22], $0x80, s3, s22, $0xb8;
	[tilespmem:$0x1E180] =	vst v63  }
0x2f: {  	s0 =	sand.u32 $0x300, s11;
	s8 =	sadd.s32 s4, s19  }
0x30: {  	[tilespmem:s24], [sflag:$0x2] =	stream.indirect.gather [hbm4b:s6+s22], $0x80, s21, s22, $0xb8;
	[tilespmem:$0x1E180] =	vst v63  }
0x31: {  	s0 =	sor.u32 s0, s8;
	_ =	swait.ge [sflag:s25], $0x3E80  }
0x32: {  	s0 =	sshrl.u32 s0, $0x3;
	[sflag:s25] =	ssyncset.done $0x0  }
0x33: {  	s0 =	sadd.s32 s5, s0;
	[sflag:s25] =	ssyncadd.s32 $0xFFFFC180  }
0x34: {  	[tilespmem:s3], [sflag:$0x3] =	stream.linear.gather [hbm4b:s0+s3], $0x80, $0x38;
	[tilespmem:$0x1E180] =	vst v63  }
0x35: {  	s9 =	simm.s32 $0x100  }
0x36: {  	[spmem:s2] =	stream.indirect.scatter.add.f32 [tilespmem:s23], [sflag:$0x5], $0x80, s9, s22, $0xb8;
	[tilespmem:$0x1E180] =	vst v63  }
0x37: {  	_ =	swait.ge [sflag:s20], $0x3E80  }
0x38: {  	[sflag:s20] =	ssyncset.done $0x0  }
0x39: {  	[sflag:s20] =	ssyncadd.s32 $0xFFFFC180  }
0x3a: {  	s11 =	simm.s32 $0x180;
	_ =	swait.ge [sflag:s26], $0x80  }
0x3b: {  	s19 =	sand.u32 $0x7C00, s11;
	[sflag:s26] =	ssyncset.done $0x0  }
0x3c: {  	s8 =	sadd.s32 s4, s19;
	s19 =	sand.u32 $0x380, s11;
	[sflag:s26] =	ssyncadd.s32 $0xFFFFFF80  }
0x3d: {  	[tilespmem:s23], [sflag:$0x1] =	stream.indirect.gather [hbm4b:s6+s22], $0x80, s3, s22, $0xb8;
	[tilespmem:$0x1E180] =	vst v63  }
0x3e: {  	s8 =	sor.u32 s19, s8;
	_ =	swait.ge [sflag:s28], $0x3E80  }
0x3f: {  	s8 =	sshrl.u32 s8, $0x3;
	[sflag:s28] =	ssyncset.done $0x0  }
0x40: {  	s8 =	sadd.s32 s5, s8;
	[sflag:s28] =	ssyncadd.s32 $0xFFFFC180  }
0x41: {  	[tilespmem:s21], [sflag:$0x4] =	stream.linear.gather [hbm4b:s8+s3], $0x80, $0x38;
	[tilespmem:$0x1E180] =	vst v63  }
0x42: {  	_ = 	snop  }
0x43: {  	[spmem:s2] =	stream.indirect.scatter.add.f32 [tilespmem:s24], [sflag:$0x5], $0x80, s11, s22, $0xb8;
	[tilespmem:$0x1E180] =	vst v63  }
0x44: {  	s31 =	simm.s32 $0x380;
	s30 =	simm.s32 $0x280;
	_ =	swait.ge [sflag:s20], $0x3E80  }
0x45: {  	s19 =	simm.s32 $0x280;
	s0 =	simm.s32 $0x200;
	[sflag:s20] =	ssyncset.done $0x0  }
.LBB2_2:
0x46: {  	s9 =	sand.u32 $0x7C00, s0  }
0x47: {  	[sflag:s20] =	ssyncadd.s32 $0xFFFFC180;
	s11 =	smov.u32 s31;
	s8 =	sadd.s32 $0x100, s31  }
0x48: {  	s0 =	sand.u32 $0x300, s0;
	s9 =	sadd.s32 s4, s9;
	_ =	swait.ge [sflag:s29], $0x80  }
0x49: {  	p3 =	sne.s32 s31, $0x2780;
	s0 =	sor.u32 s0, s9;
	[sflag:s29] =	ssyncset.done $0x0  }
0x4a: {  	s0 =	sshrl.u32 s0, $0x3;
	[sflag:s29] =	ssyncadd.s32 $0xFFFFFF80  }
0x4b: {  	[tilespmem:s24], [sflag:$0x2] =	stream.indirect.gather [hbm4b:s6+s22], $0x80, s21, s22, $0xb8;
	[tilespmem:$0x1E180] =	vst v63  }
0x4c: {  	_ =	swait.ge [sflag:s25], $0x3E80  }
0x4d: {  	[sflag:s25] =	ssyncset.done $0x0  }
0x4e: {  	s0 =	sadd.s32 s5, s0;
	[sflag:s25] =	ssyncadd.s32 $0xFFFFC180  }
0x4f: {  	[tilespmem:s3], [sflag:$0x3] =	stream.linear.gather [hbm4b:s0+s3], $0x80, $0x38;
	[tilespmem:$0x1E180] =	vst v63  }
0x50: {  	s0 =	sadd.s32 $0xFFFFFF80, s19  }
0x51: {  	[spmem:s2] =	stream.indirect.scatter.add.f32 [tilespmem:s23], [sflag:$0x5], $0x80, s0, s22, $0xb8;
	[tilespmem:$0x1E180] =	vst v63  }
0x52: {  	_ =	swait.ge [sflag:s20], $0x3E80  }
0x53: {  	[sflag:s20] =	ssyncset.done $0x0  }
0x54: {  	[sflag:s20] =	ssyncadd.s32 $0xFFFFC180  }
0x55: {  	_ =	swait.ge [sflag:s26], $0x80  }
0x56: {  	[sflag:s26] =	ssyncset.done $0x0  }
0x57: {  	s0 =	sand.u32 $0x7C00, s30;
	[sflag:s26] =	ssyncadd.s32 $0xFFFFFF80  }
0x58: {  	[tilespmem:s23], [sflag:$0x1] =	stream.indirect.gather [hbm4b:s6+s22], $0x80, s3, s22, $0xb8;
	[tilespmem:$0x1E180] =	vst v63  }
0x59: {  	s9 =	sand.u32 $0x380, s30;
	s30 =	smov.u32 s11;
	s0 =	sadd.s32 s4, s0  }
0x5a: {  	s0 =	sor.u32 s9, s0;
	_ =	swait.ge [sflag:s28], $0x3E80  }
0x5b: {  	s0 =	sshrl.u32 s0, $0x3;
	[sflag:s28] =	ssyncset.done $0x0  }
0x5c: {  	s0 =	sadd.s32 s5, s0;
	[sflag:s28] =	ssyncadd.s32 $0xFFFFC180  }
0x5d: {  	[tilespmem:s21], [sflag:$0x4] =	stream.linear.gather [hbm4b:s0+s3], $0x80, $0x38;
	[tilespmem:$0x1E180] =	vst v63  }
.Ltmp0:
0x5e: {  	_ = 	snop;
	(pc) =	sbr.rel @p3 .LBB2_2-.Ltmp0, $4  }
0x5f: {  	_ = 	snop  }
0x60: {  	[spmem:s2] =	stream.indirect.scatter.add.f32 [tilespmem:s24], [sflag:$0x5], $0x80, s19, s22, $0xb8;
	[tilespmem:$0x1E180] =	vst v63  }
0x61: {  	s31 =	smov.u32 s8;
	_ =	swait.ge [sflag:s20], $0x3E80  }
0x62: {  	s0 =	sadd.s32 $0xFFFFFF80, s30;
	s19 =	sadd.s32 $0x100, s19;
	[sflag:s20] =	ssyncset.done $0x0  }
0x63: {  	[sflag:s20] =	ssyncadd.s32 $0xFFFFC180  }
0x64: {  	_ =	swait.ge [sflag:s29], $0x80  }
0x65: {  	s8 =	sand.u32 $0x7C00, s0;
	[sflag:s29] =	ssyncset.done $0x0  }
0x66: {  	s31 =	sand.u32 $0x300, s0;
	s8 =	sadd.s32 s4, s8;
	[sflag:s29] =	ssyncadd.s32 $0xFFFFFF80  }
0x67: {  	[tilespmem:s24], [sflag:$0x2] =	stream.indirect.gather [hbm4b:s6+s22], $0x80, s21, s22, $0xb8;
	[tilespmem:$0x1E180] =	vst v63  }
0x68: {  	s0 =	sor.u32 s31, s8;
	_ =	swait.ge [sflag:s25], $0x3E80  }
0x69: {  	s0 =	sshrl.u32 s0, $0x3;
	[sflag:s25] =	ssyncset.done $0x0  }
0x6a: {  	s0 =	sadd.s32 s5, s0;
	[sflag:s25] =	ssyncadd.s32 $0xFFFFC180  }
0x6b: {  	[tilespmem:s3], [sflag:$0x3] =	stream.linear.gather [hbm4b:s0+s3], $0x80, $0x38;
	[tilespmem:$0x1E180] =	vst v63  }
0x6c: {  	s8 =	sadd.s32 $0xFFFFFF80, s19  }
0x6d: {  	[spmem:s2] =	stream.indirect.scatter.add.f32 [tilespmem:s23], [sflag:$0x5], $0x80, s8, s22, $0xb8;
	[tilespmem:$0x1E180] =	vst v63  }
0x6e: {  	_ =	swait.ge [sflag:s20], $0x3E80  }
0x6f: {  	[sflag:s20] =	ssyncset.done $0x0  }
0x70: {  	[sflag:s20] =	ssyncadd.s32 $0xFFFFC180  }
0x71: {  	_ =	swait.ge [sflag:s26], $0x80  }
0x72: {  	s9 =	sand.u32 $0x7C00, s30;
	[sflag:s26] =	ssyncset.done $0x0  }
0x73: {  	s11 =	sand.u32 $0x380, s30;
	s0 =	sadd.s32 s4, s9;
	[sflag:s26] =	ssyncadd.s32 $0xFFFFFF80  }
0x74: {  	[tilespmem:s23], [sflag:$0x1] =	stream.indirect.gather [hbm4b:s6+s22], $0x80, s3, s22, $0xb8;
	[tilespmem:$0x1E180] =	vst v63  }
0x75: {  	s0 =	sor.u32 s11, s0;
	_ =	swait.ge [sflag:s28], $0x3E80  }
0x76: {  	s0 =	sshrl.u32 s0, $0x3;
	[sflag:s28] =	ssyncset.done $0x0  }
0x77: {  	s0 =	sadd.s32 s5, s0;
	[sflag:s28] =	ssyncadd.s32 $0xFFFFC180  }
0x78: {  	[tilespmem:s21], [sflag:$0x4] =	stream.linear.gather [hbm4b:s0+s3], $0x80, $0x38;
	[tilespmem:$0x1E180] =	vst v63  }
0x79: {  	_ = 	snop  }
0x7a: {  	[spmem:s2] =	stream.indirect.scatter.add.f32 [tilespmem:s24], [sflag:$0x5], $0x80, s19, s22, $0xb8;
	[tilespmem:$0x1E180] =	vst v63  }
0x7b: {  	_ =	swait.ge [sflag:s20], $0x3E80  }
0x7c: {  	[sflag:s20] =	ssyncset.done $0x0  }
0x7d: {  	[sflag:s20] =	ssyncadd.s32 $0xFFFFC180  }
0x7e: {  	_ =	swait.ge [sflag:s29], $0x80  }
0x7f: {  	[sflag:s29] =	ssyncset.done $0x0  }
0x80: {  	[sflag:s29] =	ssyncadd.s32 $0xFFFFFF80  }
0x81: {  	[tilespmem:s24], [sflag:$0x2] =	stream.indirect.gather [hbm4b:s6+s22], $0x80, s21, s22, $0xb8;
	[tilespmem:$0x1E180] =	vst v63  }
0x82: {  	_ =	swait.ge [sflag:s25], $0x3E80  }
0x83: {  	[sflag:s25] =	ssyncset.done $0x0  }
0x84: {  	s30 =	simm.s32 $0x2800;
	[sflag:s25] =	ssyncadd.s32 $0xFFFFC180  }
0x85: {  	[spmem:s2] =	stream.indirect.scatter.add.f32 [tilespmem:s23], [sflag:$0x5], $0x80, s30, s22, $0xb8;
	[tilespmem:$0x1E180] =	vst v63  }
0x86: {  	_ =	swait.ge [sflag:s20], $0x3E80  }
0x87: {  	[sflag:s20] =	ssyncset.done $0x0  }
0x88: {  	[sflag:s20] =	ssyncadd.s32 $0xFFFFC180  }
0x89: {  	_ =	swait.ge [sflag:s28], $0x3E80  }
0x8a: {  	[sflag:s28] =	ssyncset.done $0x0  }
0x8b: {  	s31 =	simm.s32 $0x2880;
	[sflag:s28] =	ssyncadd.s32 $0xFFFFC180  }
0x8c: {  	[spmem:s2] =	stream.indirect.scatter.add.f32 [tilespmem:s24], [sflag:$0x5], $0x80, s31, s22, $0xb8;
	[tilespmem:$0x1E180] =	vst v63  }
0x8d: {  	_ =	swait.ge [sflag:s20], $0x3E80  }
0x8e: {  	s1 =	sadd.s32 $0x1, s1;
	s0 =	stileid.u32;
	[sflag:s20] =	ssyncset.done $0x0  }
0x8f: {  	p3 =	sne.s32 s1, s14;
	s0 =	sshll.u32 @!p2 s0, $0x6;
	[sflag:s20] =	ssyncadd.s32 $0xFFFFC180  }
0x90: {  	s8 =	sshrl.u32 @!p2 s7, $0x3;
	s0 =	sor.u32 @!p2 $0x1C05, s0;
	[bflag:$0x0] =	sbarrier.arrive $0xFFFF  }
0x91: {  	[hbm:s13], [sflag:s0] =	dma.local @!p2 [spmem:s8], $0x3E80  }
.Ltmp1:
0x92: {  	_ = 	snop;
	(pc) =	sbr.rel @p3 .LBB2_1-.Ltmp1, $4  }
0x93: {  	s0 =	simm.s32 @!p2 $0x5  }
0x94: {  	_ =	swait.ge @!p2 [sflag:s0], $0x3E80  }
0x95: {  	[sflag:s0] =	ssyncset.done @!p2 $0x0  }
0x96: {  	[sflag:s0] =	ssyncadd.s32 @!p2 $0xFFFFC180  }
0x97: {  	_ =	sfence.sel $0x180000  }
0x98: {  	[bflag:$0x0] =	sbarrier.arrive $0xFFFF  }
0x99: {  	_ =	strace $0x9000004D  }
0x9a: {  	s0 =	stileid.u32;
	[bflag:$0x2] =	sbarrier.arrive $0xFFFF  }
0x9b: {  	p0 =	sne.s32 s0, $0x0;
	s0 =	rddreg [dreg:$0x2]  }
0x9c: {  	s0 =	sadd.s32 @!p0 $0x100000, s0  }
0x9d: {  	[sflag:s0] =	ssyncadd.tile.s32 @!p0 $0x1;
	_ =	shalt  }
.Lfunc_end2:
_tile_overlayer_lowered:
.L_overlay_start_2:
0x9e: {  	(tag) =	ssettag $0x2  }
0x9f: {  	s0 =	rddreg [dreg:$0x0];
	s2 =	stileid.u32  }
0xa0: {  	s1 =	rddreg [dreg:$0x1];
	p0 =	sne.s32 s2, $0x0  }
0xa1: {  	s3 =	rddreg [dreg:$0x2];
	[bflag:$0x3] =	sbarrier.arrive $0xFFFF;
	s2 =	simm.s32 @!p0 $0x1C05  }
0xa2: {  	[timem:s3], [sflag:s2] =	dma.local @!p0 [hbm:s0], s1  }
0xa3: {  	s0 =	simm.s32 @!p0 $0x5  }
0xa4: {  	_ =	swait.ge @!p0 [sflag:s0], s1  }
0xa5: {  	s1 =	ssub.s32 @!p0 $0x0, s1;
	[sflag:s0] =	ssyncset.done @!p0 $0x0  }
0xa6: {  	[sflag:s0] =	ssyncadd.s32 @!p0 s1  }
0xa7: {  	[bflag:$0x3] =	sbarrier.arrive $0xFFFF  }
0xa8: {  	_ =	shalt  }

// kernel: kernel.26.cloned.1.call-start
scs
__scs_entry_jumppad:
0x0: {  	(pc) =	sbr.rel $0x88, $3  }
0x1: {  	(tag) =	ssettag $0x0;
	lr =	simm.s32 $0x1  }
0x2: {  	[smem:$0x3F86] =	sst lr;
	_ =	strace $0xD0000000  }
0x3: {  	_ = 	snop  }
0x4: {  	_ = 	snop  }
0x5: {  	_ = 	snop  }
0x6: {  	_ = 	snop  }
0x7: {  	_ = 	snop  }
__scs_overlays_trampoline_lowered:
0x8: {  	[smem:$0x3F95] =	sst s0  }
0x9: {  	[smem:$0x3F96] =	sst s1  }
0xa: {  	[smem:$0x3F97] =	sst s2  }
0xb: {  	[smem:$0x3F98] =	sst s3  }
0xc: {  	[smem:$0x3F99] =	sst s4  }
0xd: {  	[smem:$0x3F9A] =	sst s5  }
0xe: {  	[smem:$0x3F9B] =	sst s6  }
0xf: {  	[smem:$0x3F9C] =	sst s7  }
0x10: {  	[smem:$0x3F9D] =	sst s8  }
0x11: {  	[smem:$0x3F9E] =	sst s9;
	s0 =	simm.s32 @!p0 $0x0  }
0x12: {  	s1 =	sld [smem:$0x3F84];
	s0 =	simm.s32 @p0 $0x1  }
0x13: {  	[smem:$0x3F9F] =	sst s0;
	s0 =	simm.s32 @!p1 $0x0  }
0x14: {  	s2 =	sld [smem:$0x3F83];
	s0 =	simm.s32 @p1 $0x1  }
0x15: {  	[smem:$0x3FA0] =	sst s0;
	s0 =	simm.s32 @!p2 $0x0  }
0x16: {  	s3 =	sld [smem:$0x3FDB];
	s0 =	simm.s32 @p2 $0x1  }
0x17: {  	s4 =	simm.s32 $0x1BF5;
	[smem:$0x3FA2] =	sst s0  }
0x18: {  	s0 =	sld [smem:$0x3F85];
	_ =	swait.ge [sflag:s4], $0x0  }
0x19: {  	s7 =	sld [smem:$0x3F86]  }
0x1a: {  	s8 =	sadd.s32 $0xFFFFE003, lr  }
0x1b: {  	s9 =	sadd.s32 $0xFFFFFEF7, lr;
	s5 =	simm.s32 $0xFFFFFFFF;
	p2 =	slt.u32 s8, $0xFFFFF086  }
0x1c: {  	p1 =	slt.u32 s9, $0xF7A;
	s5 =	simm.s32 @!p2 $0x0  }
0x1d: {  	s5 =	simm.s32 @p1 $0x1;
	p0 =	seq.s32 s7, s2  }
0x1e: {  	s7 =	smul.u32 @!p0 $0xF7A, s2;
	p2 =	seq.s32 @!p0 s5, $0x0  }
0x1f: {  	s9 =	smul.u32 $0xF7A, s1;
	s8 =	simm.s32 @!p0 $0x1BF5;
	p2 =	por !p2, p0  }
0x20: {  	[sflag:s8] =	ssyncset.s32 @!p0 $0xFFFFF086;
	s6 =	sadd.s32 @!p0 s3, s7;
	s7 =	simm.s32 @!p0 $0x108  }
0x21: {  	s3 =	sadd.s32 s3, s9;
	s6 =	sadd.s32 @!p0 $0x88, s6;
	s7 =	simm.s32 @p2 $0x1082  }
0x22: {  	[simem:s7], [sflag:s8] =	dma.local @!p0 [hbm:s6], $0xF7A  }
0x23: {  	s9 =	sor.u32 $0xD0000000, s2;
	s6 =	simm.s32 $0x108;
	_ =	swait.ge @!p0 [sflag:s8], $0x0  }
0x24: {  	s3 =	sadd.s32 $0x88, s3;
	s6 =	simm.s32 @!p1 $0x1082;
	[sflag:s4] =	ssyncset.s32 $0xFFFFF086  }
0x25: {  	[simem:s6], [sflag:s4] =	dma.local [hbm:s3], $0xF7A  }
0x26: {  	[smem:$0x3F86] =	sst s1;
	(tag) =	ssettag s2;
	_ =	strace s9  }
0x27: {  	s1 =	sld [smem:$0x3F96]  }
0x28: {  	s2 =	sld [smem:$0x3F97]  }
0x29: {  	s4 =	sld [smem:$0x3F99]  }
0x2a: {  	p0 =	seq.s32 s5, $0x0;
	s5 =	sld [smem:$0x3F9A]  }
0x2b: {  	s6 =	sld [smem:$0x3F9B]  }
0x2c: {  	s7 =	sld [smem:$0x3F9C]  }
0x2d: {  	s3 =	simm.s32 $0x108;
	s8 =	sld [smem:$0x3F9D]  }
0x2e: {  	s3 =	simm.s32 @!p0 $0x1082;
	s9 =	sld [smem:$0x3F9E]  }
0x2f: {  	lr =	sadd.s32 s0, s3;
	s0 =	sld [smem:$0x3F95]  }
0x30: {  	s3 =	sld [smem:$0x3F98]  }
0x31: {  	[smem:$0x3FA1] =	sst s10  }
0x32: {  	s10 =	sld [smem:$0x3F9F];
	_ =	sdelay $0x3  }
0x33: {  	p0 =	seq.s32 s10, $0x1;
	s10 =	sld [smem:$0x3FA1];
	_ =	sdelay $0x3  }
0x34: {  	[smem:$0x3FA1] =	sst s10  }
0x35: {  	s10 =	sld [smem:$0x3FA0];
	_ =	sdelay $0x3  }
0x36: {  	p1 =	seq.s32 s10, $0x1;
	s10 =	sld [smem:$0x3FA1];
	_ =	sdelay $0x3  }
0x37: {  	[smem:$0x3FA1] =	sst s10  }
0x38: {  	s10 =	sld [smem:$0x3FA2]  }
0x39: {  	_ = 	snop;
	(pc) =	sbr.ind lr, $3  }
0x3a: {  	_ = 	snop  }
0x3b: {  	_ = 	snop  }
0x3c: {  	p2 =	seq.s32 s10, $0x1;
	s10 =	sld [smem:$0x3FA1]  }
0x3d: {  	_ =	shalt  }
0x3e: {  	_ =	shalt  }
0x3f: {  	_ =	shalt  }
0x40: {  	_ =	shalt  }
0x41: {  	_ =	shalt  }
0x42: {  	_ =	shalt  }
0x43: {  	_ =	shalt  }
0x44: {  	_ =	shalt  }
0x45: {  	_ =	shalt  }
0x46: {  	_ =	shalt  }
0x47: {  	_ =	shalt  }
0x48: {  	_ =	shalt  }
0x49: {  	_ =	shalt  }
0x4a: {  	_ =	shalt  }
0x4b: {  	_ =	shalt  }
0x4c: {  	_ =	shalt  }
0x4d: {  	_ =	shalt  }
0x4e: {  	_ =	shalt  }
0x4f: {  	_ =	shalt  }
0x50: {  	_ =	shalt  }
0x51: {  	_ =	shalt  }
0x52: {  	_ =	shalt  }
0x53: {  	_ =	shalt  }
0x54: {  	_ =	shalt  }
0x55: {  	_ =	shalt  }
0x56: {  	_ =	shalt  }
0x57: {  	_ =	shalt  }
0x58: {  	_ =	shalt  }
0x59: {  	_ =	shalt  }
0x5a: {  	_ =	shalt  }
0x5b: {  	_ =	shalt  }
0x5c: {  	_ =	shalt  }
0x5d: {  	_ =	shalt  }
0x5e: {  	_ =	shalt  }
0x5f: {  	_ =	shalt  }
0x60: {  	_ =	shalt  }
0x61: {  	_ =	shalt  }
0x62: {  	_ =	shalt  }
0x63: {  	_ =	shalt  }
0x64: {  	_ =	shalt  }
0x65: {  	_ =	shalt  }
0x66: {  	_ =	shalt  }
0x67: {  	_ =	shalt  }
0x68: {  	_ =	shalt  }
0x69: {  	_ =	shalt  }
0x6a: {  	_ =	shalt  }
0x6b: {  	_ =	shalt  }
0x6c: {  	_ =	shalt  }
0x6d: {  	_ =	shalt  }
0x6e: {  	_ =	shalt  }
0x6f: {  	_ =	shalt  }
0x70: {  	_ =	shalt  }
0x71: {  	_ =	shalt  }
0x72: {  	_ =	shalt  }
0x73: {  	_ =	shalt  }
0x74: {  	_ =	shalt  }
0x75: {  	_ =	shalt  }
0x76: {  	_ =	shalt  }
0x77: {  	_ =	shalt  }
0x78: {  	_ =	shalt  }
0x79: {  	_ =	shalt  }
0x7a: {  	_ =	shalt  }
0x7b: {  	_ =	shalt  }
0x7c: {  	_ =	shalt  }
0x7d: {  	_ =	shalt  }
0x7e: {  	_ =	shalt  }
0x7f: {  	_ =	shalt  }
0x80: {  	_ =	shalt  }
0x81: {  	_ =	shalt  }
0x82: {  	_ =	shalt  }
0x83: {  	_ =	shalt  }
0x84: {  	_ =	shalt  }
0x85: {  	_ =	shalt  }
0x86: {  	_ =	shalt  }
0x87: {  	_ =	shalt  }
.Lfunc_end0:
.L_simem_size_0:
called_computation.3_lowered:
.L_overlay_start_0:
0x88: {  	s2 =	sld [smem:$0x3FD9]  }
0x89: {  	s3 =	sld [smem:$0x3FFE];
	_ =	sdelay $0x1  }
0x8a: {  	s1 =	srdreg.scid  }
0x8b: {  	s0 =	sand.u32 $0x1, s1  }
0x8c: {  	s16 =	sshll.u32 s0, $0xA;
	s2 =	sadd.s32 s3, s2  }
0x8d: {  	s2 =	sadd.s32 s2, s16  }
0x8e: {  	[smem:$0x3FAD] =	sst s2  }
0x8f: {  	_ = 	snop  }
0x90: {  	(tm) =	ssettm $0x1  }
0x91: {  	s17 =	sld [smem:$0x3FFB];
	_ =	sdelay $0x3  }
0x92: {  	_ =	strace s17  }
0x93: {  	s2 =	sld [smem:$0x3FFC];
	_ =	sdelay $0x3  }
0x94: {  	_ =	strace s2  }
0x95: {  	s2 =	sld [smem:$0x3FFD];
	_ =	sdelay $0x3  }
0x96: {  	_ =	strace s2  }
0x97: {  	_ =	strace $0x8FFFFFFF  }
0x98: {  	s18 =	sld [smem:$0x3FDB];
	_ =	sdelay $0x1  }
0x99: {  	s19 =	simm.s32 $_scs_section_size  }
0x9a: {  	s4 =	simm.s32 $_size__tile_overlayer_lowered;
	s5 =	simm.s32 $_tile_overlayer_lowered  }
0x9b: {  	s22 =	simm.s32 $0x1BFF;
	s21 =	sshll.u32 s5, $0x1;
	s2 =	sadd.s32 s19, s18  }
0x9c: {  	s6 =	simm.s32 $0x0;
	s20 =	sshll.u32 s4, $0x1;
	s4 =	sadd.s32 s21, s2  }
0x9d: {  	[timem:s6], [sflag:s22] =	dma.local [hbm:s4], s20  }
0x9e: {  	_ =	swait.ge [sflag:s22], s20  }
0x9f: {  	s3 =	ssub.s32 $0x0, s20;
	[sflag:s22] =	ssyncset.done $0x0  }
0xa0: {  	[sflag:s22] =	ssyncadd.s32 s3;
	_ =	sdelay $0x1  }
0xa1: {  	s23 =	simm.s32 $0x1B8B  }
0xa2: {  	_ =	swait.ge [sflag:s23], $0x1  }
0xa3: {  	[sflag:s23] =	ssyncset.done $0x0  }
0xa4: {  	s25 =	simm.s32 $0x1B8E;
	s24 =	sld [smem:$0x3FFE];
	[sflag:s23] =	ssyncadd.s32 $0xFFFFFFFF  }
0xa5: {  	s26 =	simm.s32 $execute0_lowered;
	[smem:$0x3FD2] =	sst s25  }
0xa6: {  	s4 =	sshll.u32 s26, $0x1;
	_ =	strace $0x8000004F;
	[dreg:$0x1] =	wrdreg $0xFFFFFFFF  }
0xa7: {  	s28 =	simm.s32 $_size_execute0_lowered;
	s2 =	sadd.s32 s2, s4;
	[dreg:$0x0] =	wrdreg $0x0  }
0xa8: {  	s4 =	sshll.u32 s28, $0x1;
	[dreg:$0x2] =	wrdreg s2  }
0xa9: {  	[dreg:$0x3] =	wrdreg s4  }
0xaa: {  	[dreg:$0x4] =	wrdreg $0xC0  }
0xab: {  	_ =	task [dreg:s6], $0x5FFFF  }
0xac: {  	[dreg:$0x1] =	wrdreg $0xFFFFFFFF  }
0xad: {  	[dreg:$0x0] =	wrdreg $0x60  }
0xae: {  	[dreg:$0x2] =	wrdreg s24  }
0xaf: {  	[dreg:$0x3] =	wrdreg $0xA9000  }
0xb0: {  	[dreg:$0x4] =	wrdreg $0x9  }
0xb1: {  	_ =	task.clear_ibuf [dreg:s6], $0x5FFFF;
	_ =	strace $0x9000004F  }
0xb2: {  	s29 =	simm.s32 $0x9;
	_ =	strace $0x80000051  }
0xb3: {  	_ =	swait.ge [sflag:s29], $0x1  }
0xb4: {  	[sflag:s29] =	ssyncadd.s32 $0xFFFFFFFF  }
0xb5: {  	_ =	strace $0x90000051  }
0xb6: {  	_ =	sfence  }
0xb7: {  	s30 =	sld [smem:$0x0];
	_ =	sdelay $0x2  }
0xb8: {  	s31 =	sshll.u32 s1, $0xD;
	s1 =	sshrl.u32 s1, $0x2  }
0xb9: {  	s3 =	sand.u32 $0x4000, s31;
	s1 =	sadd.s32 s1, s30  }
0xba: {  	s0 =	sor.u32 s3, s0;
	s1 =	sshll.u32 s1, $0x11  }
0xbb: {  	s0 =	sor.u32 s1, s0  }
0xbc: {  	s0 =	sadd.s32 $0x8F2B, s0  }
0xbd: {  	[sflag:s0] =	ssyncadd.remote.s32 $0x1  }
0xbe: {  	_ =	sfence.sel $0xFFFF  }
0xbf: {  	[dreg:$0x0] =	wrdreg $0xFFFFFFFF;
	(pc) =	sbr.abs _section_cstart, $3  }
0xc0: {  	[dreg:$0x1] =	wrdreg $0xFFFFFFFF  }
0xc1: {  	_ =	task.clear_ibuf [dreg:s6], $0x2FFFF;
	_ =	strace $0x9FFFFFFF  }
0xc2: {  	(tm) =	ssettm $0x7FFFFFFF  }
0xc3: {  	_ =	shalt  }
tec
execute0_lowered:
.L_overlay_start_1:
0x0: {  	(tag) =	ssettag $0x1  }
0x1: {  	s0 =	srdreg.scid;
	s1 =	rddreg [dreg:$0x0]  }
0x2: {  	s19 =	stileid.u32;
	s2 =	rddreg [dreg:$0x1];
	s20 =	simm.s32 $0x5  }
0x3: {  	s21 =	simm.s32 $0x80;
	s22 =	simm.s32 $0x7D;
	s23 =	simm.s32 $0x2900  }
0x4: {  	s28 =	simm.s32 $0x2;
	s29 =	simm.s32 $0x4;
	s9 =	smul.u32 $0x1F400, s19  }
0x5: {  	s0 =	sand.u32 $0x1, s0;
	s5 =	sadd.s32 $0x23E00, s1;
	s10 =	smul.u32 $0x3E80, s19  }
0x6: {  	s6 =	sadd.s32 $0x2DE00, s1;
	p1 =	slt.u32 s19, $0xA;
	s14 =	smul.u32 $0x7D000, s19  }
0x7: {  	s3 =	sshll.u32 s0, $0x4;
	s7 =	smul.u32 $0x138800, s0;
	s24 =	ssub.s32 $0x2, s0  }
0x8: {  	p0 =	seq.s32 s0, $0x0;
	p2 =	seq.s32 s0, $0x1;
	s4 =	sor.u32 s19, s3  }
0x9: {  	s3 =	simm.s32 $0x0;
	s12 =	sadd.s32 s10, s1;
	s13 =	sshrl.u32 s24, $0x1  }
0xa: {  	p0 =	por !p0, !p1;
	s25 =	sshrl.u32 s14, $0x2;
	s26 =	sadd.s32 s6, s10  }
0xb: {  	p1 =	por !p1, !p2;
	p2 =	sgt.u32 s19, $0x9;
	s4 =	smul.u32 $0x2800, s4  }
0xc: {  	[smem:$0x7FF] =	sst s3;
	s7 =	sadd.s32 s9, s7;
	s15 =	ssub.s32 s24, s13  }
0xd: {  	p0 =	por !p0, !p0;
	p1 =	por !p1, !p1;
	s30 =	sadd.s32 $0x55000, s12  }
0xe: {  	s24 =	simm.s32 $0x6900;
	_ =	strace $0x80000050;
	[dreg:$0x3] =	wrdreg s26  }
0xf: {  	s7 =	sshrl.u32 s7, $0x3;
	[dreg:$0x4] =	wrdreg s30;
	s14 =	smax.u32 s15, $0x1  }
0x10: {  	s0 =	sshll.u32 @p0 s19, $0x6;
	s26 =	simm.s32 $0x3;
	s8 =	sshrl.u32 s4, $0x3  }
0x11: {  	s15 =	sor.u32 @p0 $0x1C05, s0;
	s11 =	sadd.s32 s8, s1;
	s1 =	sadd.s32 s7, s1  }
0x12: {  	s7 =	sadd.s32 s25, s2;
	s10 =	sadd.s32 s5, s8;
	s25 =	simm.s32 $0x1  }
0x13: {  	s31 =	sadd.s32 $0x5E00, s11;
	s12 =	sadd.s32 $0x10, s10;
	s13 =	sadd.s32 $0x7C200, s1  }
0x14: {  	s1 =	sshll.u32 @p1 s19, $0x6;
	s16 =	sshrl.u32 @p0 s7, $0x3;
	s18 =	sshrl.u32 @p1 s7, $0x3  }
0x15: {  	[dreg:$0x5] =	wrdreg s31;
	s17 =	sor.u32 @p1 $0x1C05, s1;
	s1 =	simm.s32 $0x0  }
.LBB2_1:
0x16: {  	s0 =	rddreg [dreg:$0x3]  }
0x17: {  	[spmem:s16], [sflag:s15] =	dma.local @p0 [hbm:s0], $0x3E80  }
0x18: {  	s0 =	simm.s32 @p0 $0x5  }
0x19: {  	_ =	swait.ge @p0 [sflag:s0], $0x3E80  }
0x1a: {  	[sflag:s0] =	ssyncset.done @p0 $0x0  }
0x1b: {  	[sflag:s0] =	ssyncadd.s32 @p0 $0xFFFFC180;
	s0 =	rddreg [dreg:$0x4]  }
0x1c: {  	[spmem:s18], [sflag:s17] =	dma.local @p1 [hbm:s0], $0x3E80  }
0x1d: {  	s0 =	simm.s32 @p1 $0x5  }
0x1e: {  	_ =	swait.ge @p1 [sflag:s0], $0x3E80  }
0x1f: {  	[sflag:s0] =	ssyncset.done @p1 $0x0  }
0x20: {  	s8 =	simm.s32 $0x100;
	s9 =	rddreg [dreg:$0x5];
	[sflag:s0] =	ssyncadd.s32 @p1 $0xFFFFC180  }
0x21: {  	[tilespmem:s8], [sflag:$0x5] =	stream.linear.gather [hbm4b:s9+s3], $0x2800, $0x38;
	[tilespmem:$0x1E180] =	vst v63  }
0x22: {  	_ =	swait.ge [sflag:s20], $0x2800  }
0x23: {  	[sflag:s20] =	ssyncset.done $0x0  }
0x24: {  	[sflag:s20] =	ssyncadd.s32 $0xFFFFD800  }
0x25: {  	[bflag:$0x0] =	sbarrier.arrive $0xFFFF  }
0x26: {  	[tilespmem:s3], [sflag:$0x5] =	stream.linear.gather [hbm4b:s10+s3], $0x80, $0x38;
	[tilespmem:$0x1E180] =	vst v63  }
0x27: {  	_ =	swait.ge [sflag:s20], $0x80  }
0x28: {  	[sflag:s20] =	ssyncset.done $0x0  }
0x29: {  	[sflag:s20] =	ssyncadd.s32 $0xFFFFFF80  }
0x2a: {  	[tilespmem:s21], [sflag:$0x5] =	stream.linear.gather [hbm4b:s12+s3], $0x80, $0x38;
	[tilespmem:$0x1E180] =	vst v63  }
0x2b: {  	_ =	swait.ge [sflag:s20], $0x80  }
0x2c: {  	s11 =	simm.s32 $0x100;
	[sflag:s20] =	ssyncset.done $0x0  }
0x2d: {  	s19 =	sand.u32 $0x7C00, s11;
	[sflag:s20] =	ssyncadd.s32 $0xFFFFFF80  }
0x2e: {  	[tilespmem:s23], [sflag:$0x1] =	stream.indirect.gather [hbm4b:s6+s22], $0x80, s3, s22, $0xb8;
	[tilespmem:$0x1E180] =	vst v63  }
0x2f: {  	s0 =	sand.u32 $0x300, s11;
	s8 =	sadd.s32 s4, s19  }
0x30: {  	[tilespmem:s24], [sflag:$0x2] =	stream.indirect.gather [hbm4b:s6+s22], $0x80, s21, s22, $0xb8;
	[tilespmem:$0x1E180] =	vst v63  }
0x31: {  	s0 =	sor.u32 s0, s8;
	_ =	swait.ge [sflag:s25], $0x3E80  }
0x32: {  	s0 =	sshrl.u32 s0, $0x3;
	[sflag:s25] =	ssyncset.done $0x0  }
0x33: {  	s0 =	sadd.s32 s5, s0;
	[sflag:s25] =	ssyncadd.s32 $0xFFFFC180  }
0x34: {  	[tilespmem:s3], [sflag:$0x3] =	stream.linear.gather [hbm4b:s0+s3], $0x80, $0x38;
	[tilespmem:$0x1E180] =	vst v63  }
0x35: {  	s9 =	simm.s32 $0x100  }
0x36: {  	[spmem:s2] =	stream.indirect.scatter.add.f32 [tilespmem:s23], [sflag:$0x5], $0x80, s9, s22, $0xb8;
	[tilespmem:$0x1E180] =	vst v63  }
0x37: {  	_ =	swait.ge [sflag:s20], $0x3E80  }
0x38: {  	[sflag:s20] =	ssyncset.done $0x0  }
0x39: {  	[sflag:s20] =	ssyncadd.s32 $0xFFFFC180  }
0x3a: {  	s11 =	simm.s32 $0x180;
	_ =	swait.ge [sflag:s26], $0x80  }
0x3b: {  	s19 =	sand.u32 $0x7C00, s11;
	[sflag:s26] =	ssyncset.done $0x0  }
0x3c: {  	s8 =	sadd.s32 s4, s19;
	s19 =	sand.u32 $0x380, s11;
	[sflag:s26] =	ssyncadd.s32 $0xFFFFFF80  }
0x3d: {  	[tilespmem:s23], [sflag:$0x1] =	stream.indirect.gather [hbm4b:s6+s22], $0x80, s3, s22, $0xb8;
	[tilespmem:$0x1E180] =	vst v63  }
0x3e: {  	s8 =	sor.u32 s19, s8;
	_ =	swait.ge [sflag:s28], $0x3E80  }
0x3f: {  	s8 =	sshrl.u32 s8, $0x3;
	[sflag:s28] =	ssyncset.done $0x0  }
0x40: {  	s8 =	sadd.s32 s5, s8;
	[sflag:s28] =	ssyncadd.s32 $0xFFFFC180  }
0x41: {  	[tilespmem:s21], [sflag:$0x4] =	stream.linear.gather [hbm4b:s8+s3], $0x80, $0x38;
	[tilespmem:$0x1E180] =	vst v63  }
0x42: {  	_ = 	snop  }
0x43: {  	[spmem:s2] =	stream.indirect.scatter.add.f32 [tilespmem:s24], [sflag:$0x5], $0x80, s11, s22, $0xb8;
	[tilespmem:$0x1E180] =	vst v63  }
0x44: {  	s31 =	simm.s32 $0x380;
	s30 =	simm.s32 $0x280;
	_ =	swait.ge [sflag:s20], $0x3E80  }
0x45: {  	s19 =	simm.s32 $0x280;
	s0 =	simm.s32 $0x200;
	[sflag:s20] =	ssyncset.done $0x0  }
.LBB2_2:
0x46: {  	s9 =	sand.u32 $0x7C00, s0  }
0x47: {  	[sflag:s20] =	ssyncadd.s32 $0xFFFFC180;
	s11 =	smov.u32 s31;
	s8 =	sadd.s32 $0x100, s31  }
0x48: {  	s0 =	sand.u32 $0x300, s0;
	s9 =	sadd.s32 s4, s9;
	_ =	swait.ge [sflag:s29], $0x80  }
0x49: {  	p3 =	sne.s32 s31, $0x2780;
	s0 =	sor.u32 s0, s9;
	[sflag:s29] =	ssyncset.done $0x0  }
0x4a: {  	s0 =	sshrl.u32 s0, $0x3;
	[sflag:s29] =	ssyncadd.s32 $0xFFFFFF80  }
0x4b: {  	[tilespmem:s24], [sflag:$0x2] =	stream.indirect.gather [hbm4b:s6+s22], $0x80, s21, s22, $0xb8;
	[tilespmem:$0x1E180] =	vst v63  }
0x4c: {  	_ =	swait.ge [sflag:s25], $0x3E80  }
0x4d: {  	[sflag:s25] =	ssyncset.done $0x0  }
0x4e: {  	s0 =	sadd.s32 s5, s0;
	[sflag:s25] =	ssyncadd.s32 $0xFFFFC180  }
0x4f: {  	[tilespmem:s3], [sflag:$0x3] =	stream.linear.gather [hbm4b:s0+s3], $0x80, $0x38;
	[tilespmem:$0x1E180] =	vst v63  }
0x50: {  	s0 =	sadd.s32 $0xFFFFFF80, s19  }
0x51: {  	[spmem:s2] =	stream.indirect.scatter.add.f32 [tilespmem:s23], [sflag:$0x5], $0x80, s0, s22, $0xb8;
	[tilespmem:$0x1E180] =	vst v63  }
0x52: {  	_ =	swait.ge [sflag:s20], $0x3E80  }
0x53: {  	[sflag:s20] =	ssyncset.done $0x0  }
0x54: {  	[sflag:s20] =	ssyncadd.s32 $0xFFFFC180  }
0x55: {  	_ =	swait.ge [sflag:s26], $0x80  }
0x56: {  	[sflag:s26] =	ssyncset.done $0x0  }
0x57: {  	s0 =	sand.u32 $0x7C00, s30;
	[sflag:s26] =	ssyncadd.s32 $0xFFFFFF80  }
0x58: {  	[tilespmem:s23], [sflag:$0x1] =	stream.indirect.gather [hbm4b:s6+s22], $0x80, s3, s22, $0xb8;
	[tilespmem:$0x1E180] =	vst v63  }
0x59: {  	s9 =	sand.u32 $0x380, s30;
	s30 =	smov.u32 s11;
	s0 =	sadd.s32 s4, s0  }
0x5a: {  	s0 =	sor.u32 s9, s0;
	_ =	swait.ge [sflag:s28], $0x3E80  }
0x5b: {  	s0 =	sshrl.u32 s0, $0x3;
	[sflag:s28] =	ssyncset.done $0x0  }
0x5c: {  	s0 =	sadd.s32 s5, s0;
	[sflag:s28] =	ssyncadd.s32 $0xFFFFC180  }
0x5d: {  	[tilespmem:s21], [sflag:$0x4] =	stream.linear.gather [hbm4b:s0+s3], $0x80, $0x38;
	[tilespmem:$0x1E180] =	vst v63  }
.Ltmp0:
0x5e: {  	_ = 	snop;
	(pc) =	sbr.rel @p3 .LBB2_2-.Ltmp0, $4  }
0x5f: {  	_ = 	snop  }
0x60: {  	[spmem:s2] =	stream.indirect.scatter.add.f32 [tilespmem:s24], [sflag:$0x5], $0x80, s19, s22, $0xb8;
	[tilespmem:$0x1E180] =	vst v63  }
0x61: {  	s31 =	smov.u32 s8;
	_ =	swait.ge [sflag:s20], $0x3E80  }
0x62: {  	s0 =	sadd.s32 $0xFFFFFF80, s30;
	s19 =	sadd.s32 $0x100, s19;
	[sflag:s20] =	ssyncset.done $0x0  }
0x63: {  	[sflag:s20] =	ssyncadd.s32 $0xFFFFC180  }
0x64: {  	_ =	swait.ge [sflag:s29], $0x80  }
0x65: {  	s8 =	sand.u32 $0x7C00, s0;
	[sflag:s29] =	ssyncset.done $0x0  }
0x66: {  	s31 =	sand.u32 $0x300, s0;
	s8 =	sadd.s32 s4, s8;
	[sflag:s29] =	ssyncadd.s32 $0xFFFFFF80  }
0x67: {  	[tilespmem:s24], [sflag:$0x2] =	stream.indirect.gather [hbm4b:s6+s22], $0x80, s21, s22, $0xb8;
	[tilespmem:$0x1E180] =	vst v63  }
0x68: {  	s0 =	sor.u32 s31, s8;
	_ =	swait.ge [sflag:s25], $0x3E80  }
0x69: {  	s0 =	sshrl.u32 s0, $0x3;
	[sflag:s25] =	ssyncset.done $0x0  }
0x6a: {  	s0 =	sadd.s32 s5, s0;
	[sflag:s25] =	ssyncadd.s32 $0xFFFFC180  }
0x6b: {  	[tilespmem:s3], [sflag:$0x3] =	stream.linear.gather [hbm4b:s0+s3], $0x80, $0x38;
	[tilespmem:$0x1E180] =	vst v63  }
0x6c: {  	s8 =	sadd.s32 $0xFFFFFF80, s19  }
0x6d: {  	[spmem:s2] =	stream.indirect.scatter.add.f32 [tilespmem:s23], [sflag:$0x5], $0x80, s8, s22, $0xb8;
	[tilespmem:$0x1E180] =	vst v63  }
0x6e: {  	_ =	swait.ge [sflag:s20], $0x3E80  }
0x6f: {  	[sflag:s20] =	ssyncset.done $0x0  }
0x70: {  	[sflag:s20] =	ssyncadd.s32 $0xFFFFC180  }
0x71: {  	_ =	swait.ge [sflag:s26], $0x80  }
0x72: {  	s9 =	sand.u32 $0x7C00, s30;
	[sflag:s26] =	ssyncset.done $0x0  }
0x73: {  	s11 =	sand.u32 $0x380, s30;
	s0 =	sadd.s32 s4, s9;
	[sflag:s26] =	ssyncadd.s32 $0xFFFFFF80  }
0x74: {  	[tilespmem:s23], [sflag:$0x1] =	stream.indirect.gather [hbm4b:s6+s22], $0x80, s3, s22, $0xb8;
	[tilespmem:$0x1E180] =	vst v63  }
0x75: {  	s0 =	sor.u32 s11, s0;
	_ =	swait.ge [sflag:s28], $0x3E80  }
0x76: {  	s0 =	sshrl.u32 s0, $0x3;
	[sflag:s28] =	ssyncset.done $0x0  }
0x77: {  	s0 =	sadd.s32 s5, s0;
	[sflag:s28] =	ssyncadd.s32 $0xFFFFC180  }
0x78: {  	[tilespmem:s21], [sflag:$0x4] =	stream.linear.gather [hbm4b:s0+s3], $0x80, $0x38;
	[tilespmem:$0x1E180] =	vst v63  }
0x79: {  	_ = 	snop  }
0x7a: {  	[spmem:s2] =	stream.indirect.scatter.add.f32 [tilespmem:s24], [sflag:$0x5], $0x80, s19, s22, $0xb8;
	[tilespmem:$0x1E180] =	vst v63  }
0x7b: {  	_ =	swait.ge [sflag:s20], $0x3E80  }
0x7c: {  	[sflag:s20] =	ssyncset.done $0x0  }
0x7d: {  	[sflag:s20] =	ssyncadd.s32 $0xFFFFC180  }
0x7e: {  	_ =	swait.ge [sflag:s29], $0x80  }
0x7f: {  	[sflag:s29] =	ssyncset.done $0x0  }
0x80: {  	[sflag:s29] =	ssyncadd.s32 $0xFFFFFF80  }
0x81: {  	[tilespmem:s24], [sflag:$0x2] =	stream.indirect.gather [hbm4b:s6+s22], $0x80, s21, s22, $0xb8;
	[tilespmem:$0x1E180] =	vst v63  }
0x82: {  	_ =	swait.ge [sflag:s25], $0x3E80  }
0x83: {  	[sflag:s25] =	ssyncset.done $0x0  }
0x84: {  	s30 =	simm.s32 $0x2800;
	[sflag:s25] =	ssyncadd.s32 $0xFFFFC180  }
0x85: {  	[spmem:s2] =	stream.indirect.scatter.add.f32 [tilespmem:s23], [sflag:$0x5], $0x80, s30, s22, $0xb8;
	[tilespmem:$0x1E180] =	vst v63  }
0x86: {  	_ =	swait.ge [sflag:s20], $0x3E80  }
0x87: {  	[sflag:s20] =	ssyncset.done $0x0  }
0x88: {  	[sflag:s20] =	ssyncadd.s32 $0xFFFFC180  }
0x89: {  	_ =	swait.ge [sflag:s28], $0x3E80  }
0x8a: {  	[sflag:s28] =	ssyncset.done $0x0  }
0x8b: {  	s31 =	simm.s32 $0x2880;
	[sflag:s28] =	ssyncadd.s32 $0xFFFFC180  }
0x8c: {  	[spmem:s2] =	stream.indirect.scatter.add.f32 [tilespmem:s24], [sflag:$0x5], $0x80, s31, s22, $0xb8;
	[tilespmem:$0x1E180] =	vst v63  }
0x8d: {  	_ =	swait.ge [sflag:s20], $0x3E80  }
0x8e: {  	s1 =	sadd.s32 $0x1, s1;
	s0 =	stileid.u32;
	[sflag:s20] =	ssyncset.done $0x0  }
0x8f: {  	p3 =	sne.s32 s1, s14;
	s0 =	sshll.u32 @!p2 s0, $0x6;
	[sflag:s20] =	ssyncadd.s32 $0xFFFFC180  }
0x90: {  	s8 =	sshrl.u32 @!p2 s7, $0x3;
	s0 =	sor.u32 @!p2 $0x1C05, s0;
	[bflag:$0x0] =	sbarrier.arrive $0xFFFF  }
0x91: {  	[hbm:s13], [sflag:s0] =	dma.local @!p2 [spmem:s8], $0x3E80  }
.Ltmp1:
0x92: {  	_ = 	snop;
	(pc) =	sbr.rel @p3 .LBB2_1-.Ltmp1, $4  }
0x93: {  	s0 =	simm.s32 @!p2 $0x5  }
0x94: {  	_ =	swait.ge @!p2 [sflag:s0], $0x3E80  }
0x95: {  	[sflag:s0] =	ssyncset.done @!p2 $0x0  }
0x96: {  	[sflag:s0] =	ssyncadd.s32 @!p2 $0xFFFFC180  }
0x97: {  	_ =	sfence.sel $0x180000  }
0x98: {  	[bflag:$0x0] =	sbarrier.arrive $0xFFFF  }
0x99: {  	_ =	strace $0x90000050  }
0x9a: {  	s0 =	stileid.u32;
	[bflag:$0x2] =	sbarrier.arrive $0xFFFF  }
0x9b: {  	p0 =	sne.s32 s0, $0x0;
	s0 =	rddreg [dreg:$0x2]  }
0x9c: {  	s0 =	sadd.s32 @!p0 $0x100000, s0  }
0x9d: {  	[sflag:s0] =	ssyncadd.tile.s32 @!p0 $0x1;
	_ =	shalt  }
.Lfunc_end2:
_tile_overlayer_lowered:
.L_overlay_start_2:
0x9e: {  	(tag) =	ssettag $0x2  }
0x9f: {  	s0 =	rddreg [dreg:$0x0];
	s2 =	stileid.u32  }
0xa0: {  	s1 =	rddreg [dreg:$0x1];
	p0 =	sne.s32 s2, $0x0  }
0xa1: {  	s3 =	rddreg [dreg:$0x2];
	[bflag:$0x3] =	sbarrier.arrive $0xFFFF;
	s2 =	simm.s32 @!p0 $0x1C05  }
0xa2: {  	[timem:s3], [sflag:s2] =	dma.local @!p0 [hbm:s0], s1  }
0xa3: {  	s0 =	simm.s32 @!p0 $0x5  }
0xa4: {  	_ =	swait.ge @!p0 [sflag:s0], s1  }
0xa5: {  	s1 =	ssub.s32 @!p0 $0x0, s1;
	[sflag:s0] =	ssyncset.done @!p0 $0x0  }
0xa6: {  	[sflag:s0] =	ssyncadd.s32 @!p0 s1  }
0xa7: {  	[bflag:$0x3] =	sbarrier.arrive $0xFFFF  }
0xa8: {  	_ =	shalt  }

// kernel: kernel.29.cloned.1.call-start
scs
__scs_entry_jumppad:
0x0: {  	(pc) =	sbr.rel $0x88, $3  }
0x1: {  	(tag) =	ssettag $0x0;
	lr =	simm.s32 $0x1  }
0x2: {  	[smem:$0x3F86] =	sst lr;
	_ =	strace $0xD0000000  }
0x3: {  	_ = 	snop  }
0x4: {  	_ = 	snop  }
0x5: {  	_ = 	snop  }
0x6: {  	_ = 	snop  }
0x7: {  	_ = 	snop  }
__scs_overlays_trampoline_lowered:
0x8: {  	[smem:$0x3F95] =	sst s0  }
0x9: {  	[smem:$0x3F96] =	sst s1  }
0xa: {  	[smem:$0x3F97] =	sst s2  }
0xb: {  	[smem:$0x3F98] =	sst s3  }
0xc: {  	[smem:$0x3F99] =	sst s4  }
0xd: {  	[smem:$0x3F9A] =	sst s5  }
0xe: {  	[smem:$0x3F9B] =	sst s6  }
0xf: {  	[smem:$0x3F9C] =	sst s7  }
0x10: {  	[smem:$0x3F9D] =	sst s8  }
0x11: {  	[smem:$0x3F9E] =	sst s9;
	s0 =	simm.s32 @!p0 $0x0  }
0x12: {  	s1 =	sld [smem:$0x3F84];
	s0 =	simm.s32 @p0 $0x1  }
0x13: {  	[smem:$0x3F9F] =	sst s0;
	s0 =	simm.s32 @!p1 $0x0  }
0x14: {  	s2 =	sld [smem:$0x3F83];
	s0 =	simm.s32 @p1 $0x1  }
0x15: {  	[smem:$0x3FA0] =	sst s0;
	s0 =	simm.s32 @!p2 $0x0  }
0x16: {  	s3 =	sld [smem:$0x3FDB];
	s0 =	simm.s32 @p2 $0x1  }
0x17: {  	s4 =	simm.s32 $0x1BF5;
	[smem:$0x3FA2] =	sst s0  }
0x18: {  	s0 =	sld [smem:$0x3F85];
	_ =	swait.ge [sflag:s4], $0x0  }
0x19: {  	s7 =	sld [smem:$0x3F86]  }
0x1a: {  	s8 =	sadd.s32 $0xFFFFE003, lr  }
0x1b: {  	s9 =	sadd.s32 $0xFFFFFEF7, lr;
	s5 =	simm.s32 $0xFFFFFFFF;
	p2 =	slt.u32 s8, $0xFFFFF086  }
0x1c: {  	p1 =	slt.u32 s9, $0xF7A;
	s5 =	simm.s32 @!p2 $0x0  }
0x1d: {  	s5 =	simm.s32 @p1 $0x1;
	p0 =	seq.s32 s7, s2  }
0x1e: {  	s7 =	smul.u32 @!p0 $0xF7A, s2;
	p2 =	seq.s32 @!p0 s5, $0x0  }
0x1f: {  	s9 =	smul.u32 $0xF7A, s1;
	s8 =	simm.s32 @!p0 $0x1BF5;
	p2 =	por !p2, p0  }
0x20: {  	[sflag:s8] =	ssyncset.s32 @!p0 $0xFFFFF086;
	s6 =	sadd.s32 @!p0 s3, s7;
	s7 =	simm.s32 @!p0 $0x108  }
0x21: {  	s3 =	sadd.s32 s3, s9;
	s6 =	sadd.s32 @!p0 $0x88, s6;
	s7 =	simm.s32 @p2 $0x1082  }
0x22: {  	[simem:s7], [sflag:s8] =	dma.local @!p0 [hbm:s6], $0xF7A  }
0x23: {  	s9 =	sor.u32 $0xD0000000, s2;
	s6 =	simm.s32 $0x108;
	_ =	swait.ge @!p0 [sflag:s8], $0x0  }
0x24: {  	s3 =	sadd.s32 $0x88, s3;
	s6 =	simm.s32 @!p1 $0x1082;
	[sflag:s4] =	ssyncset.s32 $0xFFFFF086  }
0x25: {  	[simem:s6], [sflag:s4] =	dma.local [hbm:s3], $0xF7A  }
0x26: {  	[smem:$0x3F86] =	sst s1;
	(tag) =	ssettag s2;
	_ =	strace s9  }
0x27: {  	s1 =	sld [smem:$0x3F96]  }
0x28: {  	s2 =	sld [smem:$0x3F97]  }
0x29: {  	s4 =	sld [smem:$0x3F99]  }
0x2a: {  	p0 =	seq.s32 s5, $0x0;
	s5 =	sld [smem:$0x3F9A]  }
0x2b: {  	s6 =	sld [smem:$0x3F9B]  }
0x2c: {  	s7 =	sld [smem:$0x3F9C]  }
0x2d: {  	s3 =	simm.s32 $0x108;
	s8 =	sld [smem:$0x3F9D]  }
0x2e: {  	s3 =	simm.s32 @!p0 $0x1082;
	s9 =	sld [smem:$0x3F9E]  }
0x2f: {  	lr =	sadd.s32 s0, s3;
	s0 =	sld [smem:$0x3F95]  }
0x30: {  	s3 =	sld [smem:$0x3F98]  }
0x31: {  	[smem:$0x3FA1] =	sst s10  }
0x32: {  	s10 =	sld [smem:$0x3F9F];
	_ =	sdelay $0x3  }
0x33: {  	p0 =	seq.s32 s10, $0x1;
	s10 =	sld [smem:$0x3FA1];
	_ =	sdelay $0x3  }
0x34: {  	[smem:$0x3FA1] =	sst s10  }
0x35: {  	s10 =	sld [smem:$0x3FA0];
	_ =	sdelay $0x3  }
0x36: {  	p1 =	seq.s32 s10, $0x1;
	s10 =	sld [smem:$0x3FA1];
	_ =	sdelay $0x3  }
0x37: {  	[smem:$0x3FA1] =	sst s10  }
0x38: {  	s10 =	sld [smem:$0x3FA2]  }
0x39: {  	_ = 	snop;
	(pc) =	sbr.ind lr, $3  }
0x3a: {  	_ = 	snop  }
0x3b: {  	_ = 	snop  }
0x3c: {  	p2 =	seq.s32 s10, $0x1;
	s10 =	sld [smem:$0x3FA1]  }
0x3d: {  	_ =	shalt  }
0x3e: {  	_ =	shalt  }
0x3f: {  	_ =	shalt  }
0x40: {  	_ =	shalt  }
0x41: {  	_ =	shalt  }
0x42: {  	_ =	shalt  }
0x43: {  	_ =	shalt  }
0x44: {  	_ =	shalt  }
0x45: {  	_ =	shalt  }
0x46: {  	_ =	shalt  }
0x47: {  	_ =	shalt  }
0x48: {  	_ =	shalt  }
0x49: {  	_ =	shalt  }
0x4a: {  	_ =	shalt  }
0x4b: {  	_ =	shalt  }
0x4c: {  	_ =	shalt  }
0x4d: {  	_ =	shalt  }
0x4e: {  	_ =	shalt  }
0x4f: {  	_ =	shalt  }
0x50: {  	_ =	shalt  }
0x51: {  	_ =	shalt  }
0x52: {  	_ =	shalt  }
0x53: {  	_ =	shalt  }
0x54: {  	_ =	shalt  }
0x55: {  	_ =	shalt  }
0x56: {  	_ =	shalt  }
0x57: {  	_ =	shalt  }
0x58: {  	_ =	shalt  }
0x59: {  	_ =	shalt  }
0x5a: {  	_ =	shalt  }
0x5b: {  	_ =	shalt  }
0x5c: {  	_ =	shalt  }
0x5d: {  	_ =	shalt  }
0x5e: {  	_ =	shalt  }
0x5f: {  	_ =	shalt  }
0x60: {  	_ =	shalt  }
0x61: {  	_ =	shalt  }
0x62: {  	_ =	shalt  }
0x63: {  	_ =	shalt  }
0x64: {  	_ =	shalt  }
0x65: {  	_ =	shalt  }
0x66: {  	_ =	shalt  }
0x67: {  	_ =	shalt  }
0x68: {  	_ =	shalt  }
0x69: {  	_ =	shalt  }
0x6a: {  	_ =	shalt  }
0x6b: {  	_ =	shalt  }
0x6c: {  	_ =	shalt  }
0x6d: {  	_ =	shalt  }
0x6e: {  	_ =	shalt  }
0x6f: {  	_ =	shalt  }
0x70: {  	_ =	shalt  }
0x71: {  	_ =	shalt  }
0x72: {  	_ =	shalt  }
0x73: {  	_ =	shalt  }
0x74: {  	_ =	shalt  }
0x75: {  	_ =	shalt  }
0x76: {  	_ =	shalt  }
0x77: {  	_ =	shalt  }
0x78: {  	_ =	shalt  }
0x79: {  	_ =	shalt  }
0x7a: {  	_ =	shalt  }
0x7b: {  	_ =	shalt  }
0x7c: {  	_ =	shalt  }
0x7d: {  	_ =	shalt  }
0x7e: {  	_ =	shalt  }
0x7f: {  	_ =	shalt  }
0x80: {  	_ =	shalt  }
0x81: {  	_ =	shalt  }
0x82: {  	_ =	shalt  }
0x83: {  	_ =	shalt  }
0x84: {  	_ =	shalt  }
0x85: {  	_ =	shalt  }
0x86: {  	_ =	shalt  }
0x87: {  	_ =	shalt  }
.Lfunc_end0:
.L_simem_size_0:
called_computation.4_lowered:
.L_overlay_start_0:
0x88: {  	s2 =	sld [smem:$0x3FD9]  }
0x89: {  	s3 =	sld [smem:$0x3FFE];
	_ =	sdelay $0x1  }
0x8a: {  	s1 =	srdreg.scid  }
0x8b: {  	s0 =	sand.u32 $0x1, s1  }
0x8c: {  	s16 =	sshll.u32 s0, $0xA;
	s2 =	sadd.s32 s3, s2  }
0x8d: {  	s2 =	sadd.s32 s2, s16  }
0x8e: {  	[smem:$0x3FAD] =	sst s2  }
0x8f: {  	_ = 	snop  }
0x90: {  	(tm) =	ssettm $0x1  }
0x91: {  	s17 =	sld [smem:$0x3FFB];
	_ =	sdelay $0x3  }
0x92: {  	_ =	strace s17  }
0x93: {  	s2 =	sld [smem:$0x3FFC];
	_ =	sdelay $0x3  }
0x94: {  	_ =	strace s2  }
0x95: {  	s2 =	sld [smem:$0x3FFD];
	_ =	sdelay $0x3  }
0x96: {  	_ =	strace s2  }
0x97: {  	_ =	strace $0x8FFFFFFF  }
0x98: {  	s18 =	sld [smem:$0x3FDB];
	_ =	sdelay $0x1  }
0x99: {  	s19 =	simm.s32 $_scs_section_size  }
0x9a: {  	s4 =	simm.s32 $_size__tile_overlayer_lowered;
	s5 =	simm.s32 $_tile_overlayer_lowered  }
0x9b: {  	s22 =	simm.s32 $0x1BFF;
	s21 =	sshll.u32 s5, $0x1;
	s2 =	sadd.s32 s19, s18  }
0x9c: {  	s6 =	simm.s32 $0x0;
	s20 =	sshll.u32 s4, $0x1;
	s4 =	sadd.s32 s21, s2  }
0x9d: {  	[timem:s6], [sflag:s22] =	dma.local [hbm:s4], s20  }
0x9e: {  	_ =	swait.ge [sflag:s22], s20  }
0x9f: {  	s3 =	ssub.s32 $0x0, s20;
	[sflag:s22] =	ssyncset.done $0x0  }
0xa0: {  	[sflag:s22] =	ssyncadd.s32 s3;
	_ =	sdelay $0x1  }
0xa1: {  	s23 =	simm.s32 $0x1B8B  }
0xa2: {  	_ =	swait.ge [sflag:s23], $0x1  }
0xa3: {  	[sflag:s23] =	ssyncset.done $0x0  }
0xa4: {  	s25 =	simm.s32 $0x1B8E;
	s24 =	sld [smem:$0x3FFE];
	[sflag:s23] =	ssyncadd.s32 $0xFFFFFFFF  }
0xa5: {  	s26 =	simm.s32 $execute0_lowered;
	[smem:$0x3FD2] =	sst s25  }
0xa6: {  	s4 =	sshll.u32 s26, $0x1;
	_ =	strace $0x80000052;
	[dreg:$0x1] =	wrdreg $0xFFFFFFFF  }
0xa7: {  	s28 =	simm.s32 $_size_execute0_lowered;
	s2 =	sadd.s32 s2, s4;
	[dreg:$0x0] =	wrdreg $0x0  }
0xa8: {  	s4 =	sshll.u32 s28, $0x1;
	[dreg:$0x2] =	wrdreg s2  }
0xa9: {  	[dreg:$0x3] =	wrdreg s4  }
0xaa: {  	[dreg:$0x4] =	wrdreg $0xC0  }
0xab: {  	_ =	task [dreg:s6], $0x5FFFF  }
0xac: {  	[dreg:$0x1] =	wrdreg $0xFFFFFFFF  }
0xad: {  	[dreg:$0x0] =	wrdreg $0x60  }
0xae: {  	[dreg:$0x2] =	wrdreg s24  }
0xaf: {  	[dreg:$0x3] =	wrdreg $0xA9000  }
0xb0: {  	[dreg:$0x4] =	wrdreg $0x9  }
0xb1: {  	_ =	task.clear_ibuf [dreg:s6], $0x5FFFF;
	_ =	strace $0x90000052  }
0xb2: {  	s29 =	simm.s32 $0x9;
	_ =	strace $0x80000054  }
0xb3: {  	_ =	swait.ge [sflag:s29], $0x1  }
0xb4: {  	[sflag:s29] =	ssyncadd.s32 $0xFFFFFFFF  }
0xb5: {  	_ =	strace $0x90000054  }
0xb6: {  	_ =	sfence  }
0xb7: {  	s30 =	sld [smem:$0x0];
	_ =	sdelay $0x2  }
0xb8: {  	s31 =	sshll.u32 s1, $0xD;
	s1 =	sshrl.u32 s1, $0x2  }
0xb9: {  	s3 =	sand.u32 $0x4000, s31;
	s1 =	sadd.s32 s1, s30  }
0xba: {  	s0 =	sor.u32 s3, s0;
	s1 =	sshll.u32 s1, $0x11  }
0xbb: {  	s0 =	sor.u32 s1, s0  }
0xbc: {  	s0 =	sadd.s32 $0x8F2B, s0  }
0xbd: {  	[sflag:s0] =	ssyncadd.remote.s32 $0x1  }
0xbe: {  	_ =	sfence.sel $0xFFFF  }
0xbf: {  	[dreg:$0x0] =	wrdreg $0xFFFFFFFF;
	(pc) =	sbr.abs _section_cstart, $3  }
0xc0: {  	[dreg:$0x1] =	wrdreg $0xFFFFFFFF  }
0xc1: {  	_ =	task.clear_ibuf [dreg:s6], $0x2FFFF;
	_ =	strace $0x9FFFFFFF  }
0xc2: {  	(tm) =	ssettm $0x7FFFFFFF  }
0xc3: {  	_ =	shalt  }
tec
execute0_lowered:
.L_overlay_start_1:
0x0: {  	(tag) =	ssettag $0x1  }
0x1: {  	s0 =	srdreg.scid;
	s1 =	rddreg [dreg:$0x0]  }
0x2: {  	s19 =	stileid.u32;
	s2 =	rddreg [dreg:$0x1];
	s20 =	simm.s32 $0x5  }
0x3: {  	s21 =	simm.s32 $0x80;
	s22 =	simm.s32 $0x7D;
	s23 =	simm.s32 $0x2900  }
0x4: {  	s28 =	simm.s32 $0x2;
	s29 =	simm.s32 $0x4;
	s9 =	smul.u32 $0x1F400, s19  }
0x5: {  	s0 =	sand.u32 $0x1, s0;
	s5 =	sadd.s32 $0x23E00, s1;
	s10 =	smul.u32 $0x3E80, s19  }
0x6: {  	s6 =	sadd.s32 $0x2DE00, s1;
	p1 =	slt.u32 s19, $0xA;
	s14 =	smul.u32 $0x7D000, s19  }
0x7: {  	s3 =	sshll.u32 s0, $0x4;
	s7 =	smul.u32 $0x138800, s0;
	s24 =	ssub.s32 $0x2, s0  }
0x8: {  	p0 =	seq.s32 s0, $0x0;
	p2 =	seq.s32 s0, $0x1;
	s4 =	sor.u32 s19, s3  }
0x9: {  	s3 =	simm.s32 $0x0;
	s12 =	sadd.s32 s10, s1;
	s13 =	sshrl.u32 s24, $0x1  }
0xa: {  	p0 =	por !p0, !p1;
	s25 =	sshrl.u32 s14, $0x2;
	s26 =	sadd.s32 s6, s10  }
0xb: {  	p1 =	por !p1, !p2;
	p2 =	sgt.u32 s19, $0x9;
	s4 =	smul.u32 $0x2800, s4  }
0xc: {  	[smem:$0x7FF] =	sst s3;
	s7 =	sadd.s32 s9, s7;
	s15 =	ssub.s32 s24, s13  }
0xd: {  	p0 =	por !p0, !p0;
	p1 =	por !p1, !p1;
	s30 =	sadd.s32 $0x55000, s12  }
0xe: {  	s24 =	simm.s32 $0x6900;
	_ =	strace $0x80000053;
	[dreg:$0x3] =	wrdreg s26  }
0xf: {  	s7 =	sshrl.u32 s7, $0x3;
	[dreg:$0x4] =	wrdreg s30;
	s14 =	smax.u32 s15, $0x1  }
0x10: {  	s0 =	sshll.u32 @p0 s19, $0x6;
	s26 =	simm.s32 $0x3;
	s8 =	sshrl.u32 s4, $0x3  }
0x11: {  	s15 =	sor.u32 @p0 $0x1C05, s0;
	s11 =	sadd.s32 s8, s1;
	s1 =	sadd.s32 s7, s1  }
0x12: {  	s7 =	sadd.s32 s25, s2;
	s10 =	sadd.s32 s5, s8;
	s25 =	simm.s32 $0x1  }
0x13: {  	s31 =	sadd.s32 $0x5E00, s11;
	s12 =	sadd.s32 $0x10, s10;
	s13 =	sadd.s32 $0x7C200, s1  }
0x14: {  	s1 =	sshll.u32 @p1 s19, $0x6;
	s16 =	sshrl.u32 @p0 s7, $0x3;
	s18 =	sshrl.u32 @p1 s7, $0x3  }
0x15: {  	[dreg:$0x5] =	wrdreg s31;
	s17 =	sor.u32 @p1 $0x1C05, s1;
	s1 =	simm.s32 $0x0  }
.LBB2_1:
0x16: {  	s0 =	rddreg [dreg:$0x3]  }
0x17: {  	[spmem:s16], [sflag:s15] =	dma.local @p0 [hbm:s0], $0x3E80  }
0x18: {  	s0 =	simm.s32 @p0 $0x5  }
0x19: {  	_ =	swait.ge @p0 [sflag:s0], $0x3E80  }
0x1a: {  	[sflag:s0] =	ssyncset.done @p0 $0x0  }
0x1b: {  	[sflag:s0] =	ssyncadd.s32 @p0 $0xFFFFC180;
	s0 =	rddreg [dreg:$0x4]  }
0x1c: {  	[spmem:s18], [sflag:s17] =	dma.local @p1 [hbm:s0], $0x3E80  }
0x1d: {  	s0 =	simm.s32 @p1 $0x5  }
0x1e: {  	_ =	swait.ge @p1 [sflag:s0], $0x3E80  }
0x1f: {  	[sflag:s0] =	ssyncset.done @p1 $0x0  }
0x20: {  	s8 =	simm.s32 $0x100;
	s9 =	rddreg [dreg:$0x5];
	[sflag:s0] =	ssyncadd.s32 @p1 $0xFFFFC180  }
0x21: {  	[tilespmem:s8], [sflag:$0x5] =	stream.linear.gather [hbm4b:s9+s3], $0x2800, $0x38;
	[tilespmem:$0x1E180] =	vst v63  }
0x22: {  	_ =	swait.ge [sflag:s20], $0x2800  }
0x23: {  	[sflag:s20] =	ssyncset.done $0x0  }
0x24: {  	[sflag:s20] =	ssyncadd.s32 $0xFFFFD800  }
0x25: {  	[bflag:$0x0] =	sbarrier.arrive $0xFFFF  }
0x26: {  	[tilespmem:s3], [sflag:$0x5] =	stream.linear.gather [hbm4b:s10+s3], $0x80, $0x38;
	[tilespmem:$0x1E180] =	vst v63  }
0x27: {  	_ =	swait.ge [sflag:s20], $0x80  }
0x28: {  	[sflag:s20] =	ssyncset.done $0x0  }
0x29: {  	[sflag:s20] =	ssyncadd.s32 $0xFFFFFF80  }
0x2a: {  	[tilespmem:s21], [sflag:$0x5] =	stream.linear.gather [hbm4b:s12+s3], $0x80, $0x38;
	[tilespmem:$0x1E180] =	vst v63  }
0x2b: {  	_ =	swait.ge [sflag:s20], $0x80  }
0x2c: {  	s11 =	simm.s32 $0x100;
	[sflag:s20] =	ssyncset.done $0x0  }
0x2d: {  	s19 =	sand.u32 $0x7C00, s11;
	[sflag:s20] =	ssyncadd.s32 $0xFFFFFF80  }
0x2e: {  	[tilespmem:s23], [sflag:$0x1] =	stream.indirect.gather [hbm4b:s6+s22], $0x80, s3, s22, $0xb8;
	[tilespmem:$0x1E180] =	vst v63  }
0x2f: {  	s0 =	sand.u32 $0x300, s11;
	s8 =	sadd.s32 s4, s19  }
0x30: {  	[tilespmem:s24], [sflag:$0x2] =	stream.indirect.gather [hbm4b:s6+s22], $0x80, s21, s22, $0xb8;
	[tilespmem:$0x1E180] =	vst v63  }
0x31: {  	s0 =	sor.u32 s0, s8;
	_ =	swait.ge [sflag:s25], $0x3E80  }
0x32: {  	s0 =	sshrl.u32 s0, $0x3;
	[sflag:s25] =	ssyncset.done $0x0  }
0x33: {  	s0 =	sadd.s32 s5, s0;
	[sflag:s25] =	ssyncadd.s32 $0xFFFFC180  }
0x34: {  	[tilespmem:s3], [sflag:$0x3] =	stream.linear.gather [hbm4b:s0+s3], $0x80, $0x38;
	[tilespmem:$0x1E180] =	vst v63  }
0x35: {  	s9 =	simm.s32 $0x100  }
0x36: {  	[spmem:s2] =	stream.indirect.scatter.add.f32 [tilespmem:s23], [sflag:$0x5], $0x80, s9, s22, $0xb8;
	[tilespmem:$0x1E180] =	vst v63  }
0x37: {  	_ =	swait.ge [sflag:s20], $0x3E80  }
0x38: {  	[sflag:s20] =	ssyncset.done $0x0  }
0x39: {  	[sflag:s20] =	ssyncadd.s32 $0xFFFFC180  }
0x3a: {  	s11 =	simm.s32 $0x180;
	_ =	swait.ge [sflag:s26], $0x80  }
0x3b: {  	s19 =	sand.u32 $0x7C00, s11;
	[sflag:s26] =	ssyncset.done $0x0  }
0x3c: {  	s8 =	sadd.s32 s4, s19;
	s19 =	sand.u32 $0x380, s11;
	[sflag:s26] =	ssyncadd.s32 $0xFFFFFF80  }
0x3d: {  	[tilespmem:s23], [sflag:$0x1] =	stream.indirect.gather [hbm4b:s6+s22], $0x80, s3, s22, $0xb8;
	[tilespmem:$0x1E180] =	vst v63  }
0x3e: {  	s8 =	sor.u32 s19, s8;
	_ =	swait.ge [sflag:s28], $0x3E80  }
0x3f: {  	s8 =	sshrl.u32 s8, $0x3;
	[sflag:s28] =	ssyncset.done $0x0  }
0x40: {  	s8 =	sadd.s32 s5, s8;
	[sflag:s28] =	ssyncadd.s32 $0xFFFFC180  }
0x41: {  	[tilespmem:s21], [sflag:$0x4] =	stream.linear.gather [hbm4b:s8+s3], $0x80, $0x38;
	[tilespmem:$0x1E180] =	vst v63  }
0x42: {  	_ = 	snop  }
0x43: {  	[spmem:s2] =	stream.indirect.scatter.add.f32 [tilespmem:s24], [sflag:$0x5], $0x80, s11, s22, $0xb8;
	[tilespmem:$0x1E180] =	vst v63  }
0x44: {  	s31 =	simm.s32 $0x380;
	s30 =	simm.s32 $0x280;
	_ =	swait.ge [sflag:s20], $0x3E80  }
0x45: {  	s19 =	simm.s32 $0x280;
	s0 =	simm.s32 $0x200;
	[sflag:s20] =	ssyncset.done $0x0  }
.LBB2_2:
0x46: {  	s9 =	sand.u32 $0x7C00, s0  }
0x47: {  	[sflag:s20] =	ssyncadd.s32 $0xFFFFC180;
	s11 =	smov.u32 s31;
	s8 =	sadd.s32 $0x100, s31  }
0x48: {  	s0 =	sand.u32 $0x300, s0;
	s9 =	sadd.s32 s4, s9;
	_ =	swait.ge [sflag:s29], $0x80  }
0x49: {  	p3 =	sne.s32 s31, $0x2780;
	s0 =	sor.u32 s0, s9;
	[sflag:s29] =	ssyncset.done $0x0  }
0x4a: {  	s0 =	sshrl.u32 s0, $0x3;
	[sflag:s29] =	ssyncadd.s32 $0xFFFFFF80  }
0x4b: {  	[tilespmem:s24], [sflag:$0x2] =	stream.indirect.gather [hbm4b:s6+s22], $0x80, s21, s22, $0xb8;
	[tilespmem:$0x1E180] =	vst v63  }
0x4c: {  	_ =	swait.ge [sflag:s25], $0x3E80  }
0x4d: {  	[sflag:s25] =	ssyncset.done $0x0  }
0x4e: {  	s0 =	sadd.s32 s5, s0;
	[sflag:s25] =	ssyncadd.s32 $0xFFFFC180  }
0x4f: {  	[tilespmem:s3], [sflag:$0x3] =	stream.linear.gather [hbm4b:s0+s3], $0x80, $0x38;
	[tilespmem:$0x1E180] =	vst v63  }
0x50: {  	s0 =	sadd.s32 $0xFFFFFF80, s19  }
0x51: {  	[spmem:s2] =	stream.indirect.scatter.add.f32 [tilespmem:s23], [sflag:$0x5], $0x80, s0, s22, $0xb8;
	[tilespmem:$0x1E180] =	vst v63  }
0x52: {  	_ =	swait.ge [sflag:s20], $0x3E80  }
0x53: {  	[sflag:s20] =	ssyncset.done $0x0  }
0x54: {  	[sflag:s20] =	ssyncadd.s32 $0xFFFFC180  }
0x55: {  	_ =	swait.ge [sflag:s26], $0x80  }
0x56: {  	[sflag:s26] =	ssyncset.done $0x0  }
0x57: {  	s0 =	sand.u32 $0x7C00, s30;
	[sflag:s26] =	ssyncadd.s32 $0xFFFFFF80  }
0x58: {  	[tilespmem:s23], [sflag:$0x1] =	stream.indirect.gather [hbm4b:s6+s22], $0x80, s3, s22, $0xb8;
	[tilespmem:$0x1E180] =	vst v63  }
0x59: {  	s9 =	sand.u32 $0x380, s30;
	s30 =	smov.u32 s11;
	s0 =	sadd.s32 s4, s0  }
0x5a: {  	s0 =	sor.u32 s9, s0;
	_ =	swait.ge [sflag:s28], $0x3E80  }
0x5b: {  	s0 =	sshrl.u32 s0, $0x3;
	[sflag:s28] =	ssyncset.done $0x0  }
0x5c: {  	s0 =	sadd.s32 s5, s0;
	[sflag:s28] =	ssyncadd.s32 $0xFFFFC180  }
0x5d: {  	[tilespmem:s21], [sflag:$0x4] =	stream.linear.gather [hbm4b:s0+s3], $0x80, $0x38;
	[tilespmem:$0x1E180] =	vst v63  }
.Ltmp0:
0x5e: {  	_ = 	snop;
	(pc) =	sbr.rel @p3 .LBB2_2-.Ltmp0, $4  }
0x5f: {  	_ = 	snop  }
0x60: {  	[spmem:s2] =	stream.indirect.scatter.add.f32 [tilespmem:s24], [sflag:$0x5], $0x80, s19, s22, $0xb8;
	[tilespmem:$0x1E180] =	vst v63  }
0x61: {  	s31 =	smov.u32 s8;
	_ =	swait.ge [sflag:s20], $0x3E80  }
0x62: {  	s0 =	sadd.s32 $0xFFFFFF80, s30;
	s19 =	sadd.s32 $0x100, s19;
	[sflag:s20] =	ssyncset.done $0x0  }
0x63: {  	[sflag:s20] =	ssyncadd.s32 $0xFFFFC180  }
0x64: {  	_ =	swait.ge [sflag:s29], $0x80  }
0x65: {  	s8 =	sand.u32 $0x7C00, s0;
	[sflag:s29] =	ssyncset.done $0x0  }
0x66: {  	s31 =	sand.u32 $0x300, s0;
	s8 =	sadd.s32 s4, s8;
	[sflag:s29] =	ssyncadd.s32 $0xFFFFFF80  }
0x67: {  	[tilespmem:s24], [sflag:$0x2] =	stream.indirect.gather [hbm4b:s6+s22], $0x80, s21, s22, $0xb8;
	[tilespmem:$0x1E180] =	vst v63  }
0x68: {  	s0 =	sor.u32 s31, s8;
	_ =	swait.ge [sflag:s25], $0x3E80  }
0x69: {  	s0 =	sshrl.u32 s0, $0x3;
	[sflag:s25] =	ssyncset.done $0x0  }
0x6a: {  	s0 =	sadd.s32 s5, s0;
	[sflag:s25] =	ssyncadd.s32 $0xFFFFC180  }
0x6b: {  	[tilespmem:s3], [sflag:$0x3] =	stream.linear.gather [hbm4b:s0+s3], $0x80, $0x38;
	[tilespmem:$0x1E180] =	vst v63  }
0x6c: {  	s8 =	sadd.s32 $0xFFFFFF80, s19  }
0x6d: {  	[spmem:s2] =	stream.indirect.scatter.add.f32 [tilespmem:s23], [sflag:$0x5], $0x80, s8, s22, $0xb8;
	[tilespmem:$0x1E180] =	vst v63  }
0x6e: {  	_ =	swait.ge [sflag:s20], $0x3E80  }
0x6f: {  	[sflag:s20] =	ssyncset.done $0x0  }
0x70: {  	[sflag:s20] =	ssyncadd.s32 $0xFFFFC180  }
0x71: {  	_ =	swait.ge [sflag:s26], $0x80  }
0x72: {  	s9 =	sand.u32 $0x7C00, s30;
	[sflag:s26] =	ssyncset.done $0x0  }
0x73: {  	s11 =	sand.u32 $0x380, s30;
	s0 =	sadd.s32 s4, s9;
	[sflag:s26] =	ssyncadd.s32 $0xFFFFFF80  }
0x74: {  	[tilespmem:s23], [sflag:$0x1] =	stream.indirect.gather [hbm4b:s6+s22], $0x80, s3, s22, $0xb8;
	[tilespmem:$0x1E180] =	vst v63  }
0x75: {  	s0 =	sor.u32 s11, s0;
	_ =	swait.ge [sflag:s28], $0x3E80  }
0x76: {  	s0 =	sshrl.u32 s0, $0x3;
	[sflag:s28] =	ssyncset.done $0x0  }
0x77: {  	s0 =	sadd.s32 s5, s0;
	[sflag:s28] =	ssyncadd.s32 $0xFFFFC180  }
0x78: {  	[tilespmem:s21], [sflag:$0x4] =	stream.linear.gather [hbm4b:s0+s3], $0x80, $0x38;
	[tilespmem:$0x1E180] =	vst v63  }
0x79: {  	_ = 	snop  }
0x7a: {  	[spmem:s2] =	stream.indirect.scatter.add.f32 [tilespmem:s24], [sflag:$0x5], $0x80, s19, s22, $0xb8;
	[tilespmem:$0x1E180] =	vst v63  }
0x7b: {  	_ =	swait.ge [sflag:s20], $0x3E80  }
0x7c: {  	[sflag:s20] =	ssyncset.done $0x0  }
0x7d: {  	[sflag:s20] =	ssyncadd.s32 $0xFFFFC180  }
0x7e: {  	_ =	swait.ge [sflag:s29], $0x80  }
0x7f: {  	[sflag:s29] =	ssyncset.done $0x0  }
0x80: {  	[sflag:s29] =	ssyncadd.s32 $0xFFFFFF80  }
0x81: {  	[tilespmem:s24], [sflag:$0x2] =	stream.indirect.gather [hbm4b:s6+s22], $0x80, s21, s22, $0xb8;
	[tilespmem:$0x1E180] =	vst v63  }
0x82: {  	_ =	swait.ge [sflag:s25], $0x3E80  }
0x83: {  	[sflag:s25] =	ssyncset.done $0x0  }
0x84: {  	s30 =	simm.s32 $0x2800;
	[sflag:s25] =	ssyncadd.s32 $0xFFFFC180  }
0x85: {  	[spmem:s2] =	stream.indirect.scatter.add.f32 [tilespmem:s23], [sflag:$0x5], $0x80, s30, s22, $0xb8;
	[tilespmem:$0x1E180] =	vst v63  }
0x86: {  	_ =	swait.ge [sflag:s20], $0x3E80  }
0x87: {  	[sflag:s20] =	ssyncset.done $0x0  }
0x88: {  	[sflag:s20] =	ssyncadd.s32 $0xFFFFC180  }
0x89: {  	_ =	swait.ge [sflag:s28], $0x3E80  }
0x8a: {  	[sflag:s28] =	ssyncset.done $0x0  }
0x8b: {  	s31 =	simm.s32 $0x2880;
	[sflag:s28] =	ssyncadd.s32 $0xFFFFC180  }
0x8c: {  	[spmem:s2] =	stream.indirect.scatter.add.f32 [tilespmem:s24], [sflag:$0x5], $0x80, s31, s22, $0xb8;
	[tilespmem:$0x1E180] =	vst v63  }
0x8d: {  	_ =	swait.ge [sflag:s20], $0x3E80  }
0x8e: {  	s1 =	sadd.s32 $0x1, s1;
	s0 =	stileid.u32;
	[sflag:s20] =	ssyncset.done $0x0  }
0x8f: {  	p3 =	sne.s32 s1, s14;
	s0 =	sshll.u32 @!p2 s0, $0x6;
	[sflag:s20] =	ssyncadd.s32 $0xFFFFC180  }
0x90: {  	s8 =	sshrl.u32 @!p2 s7, $0x3;
	s0 =	sor.u32 @!p2 $0x1C05, s0;
	[bflag:$0x0] =	sbarrier.arrive $0xFFFF  }
0x91: {  	[hbm:s13], [sflag:s0] =	dma.local @!p2 [spmem:s8], $0x3E80  }
.Ltmp1:
0x92: {  	_ = 	snop;
	(pc) =	sbr.rel @p3 .LBB2_1-.Ltmp1, $4  }
0x93: {  	s0 =	simm.s32 @!p2 $0x5  }
0x94: {  	_ =	swait.ge @!p2 [sflag:s0], $0x3E80  }
0x95: {  	[sflag:s0] =	ssyncset.done @!p2 $0x0  }
0x96: {  	[sflag:s0] =	ssyncadd.s32 @!p2 $0xFFFFC180  }
0x97: {  	_ =	sfence.sel $0x180000  }
0x98: {  	[bflag:$0x0] =	sbarrier.arrive $0xFFFF  }
0x99: {  	_ =	strace $0x90000053  }
0x9a: {  	s0 =	stileid.u32;
	[bflag:$0x2] =	sbarrier.arrive $0xFFFF  }
0x9b: {  	p0 =	sne.s32 s0, $0x0;
	s0 =	rddreg [dreg:$0x2]  }
0x9c: {  	s0 =	sadd.s32 @!p0 $0x100000, s0  }
0x9d: {  	[sflag:s0] =	ssyncadd.tile.s32 @!p0 $0x1;
	_ =	shalt  }
.Lfunc_end2:
_tile_overlayer_lowered:
.L_overlay_start_2:
0x9e: {  	(tag) =	ssettag $0x2  }
0x9f: {  	s0 =	rddreg [dreg:$0x0];
	s2 =	stileid.u32  }
0xa0: {  	s1 =	rddreg [dreg:$0x1];
	p0 =	sne.s32 s2, $0x0  }
0xa1: {  	s3 =	rddreg [dreg:$0x2];
	[bflag:$0x3] =	sbarrier.arrive $0xFFFF;
	s2 =	simm.s32 @!p0 $0x1C05  }
0xa2: {  	[timem:s3], [sflag:s2] =	dma.local @!p0 [hbm:s0], s1  }
0xa3: {  	s0 =	simm.s32 @!p0 $0x5  }
0xa4: {  	_ =	swait.ge @!p0 [sflag:s0], s1  }
0xa5: {  	s1 =	ssub.s32 @!p0 $0x0, s1;
	[sflag:s0] =	ssyncset.done @!p0 $0x0  }
0xa6: {  	[sflag:s0] =	ssyncadd.s32 @!p0 s1  }
0xa7: {  	[bflag:$0x3] =	sbarrier.arrive $0xFFFF  }
0xa8: {  	_ =	shalt  }

</sc_bundles>
